<compile_context>
chip_gen: v7x
topology: tpu7x:2x2x1
jax: 0.10.2.dev20260603
libtpu: 0.0.44.dev20260713+nightly
codegen_flags: <defaults>
</compile_context>

<pallas_src>
import jax
import jax.numpy as jnp
from jax import lax
from jax.experimental import pallas as pl
from jax.experimental.pallas import tpu as pltpu
from jax.experimental.pallas import tpu_sc as plsc

N_BATCHES = 64
LANES = 16
BLK = 112


def _sc_embed(batch_index, pe, *, n, v, d, nw, nc, ns):
    span = -(-n // nw)
    span = -(-span // BLK) * BLK
    nblk = span // BLK
    assert (n - span) % 8 == 0 and span <= n
    cslice = -(-n // ns)
    cbuf = -(-cslice // 8) * 8 + 8
    pe_rows = v // ns

    mesh = plsc.VectorSubcoreMesh(core_axis_name="c", subcore_axis_name="s")

    def body(bi_hbm, pe_hbm, out_hbm, bi_v, cnt_v, cnt_tmp, cnt_all,
             starts_v, idx_v, rows_v, pe_sp, counts_sp, psem, gsem, wsem,
             ssem, csem):
        cid = lax.axis_index("c")
        sid = lax.axis_index("s")
        wid = sid * nc + cid
        base = jnp.minimum(wid * span, n - span)
        iota = lax.iota(jnp.int32, LANES)

        pe_cp = pltpu.make_async_copy(
            pe_hbm.at[pl.ds(sid * pe_rows, pe_rows)],
            pe_sp.at[pl.ds(sid * pe_rows, pe_rows)], psem)
        pe_cp.start()

        span_cp = pltpu.make_async_copy(
            bi_hbm.at[pl.ds(base, span)], bi_v, ssem)
        span_cp.start()
        cstart = sid * cslice
        cal = jnp.minimum(cstart // 8 * 8, n - cbuf)
        clen = jnp.minimum(cstart + cslice, n) - cal
        cnt_cp = pltpu.make_async_copy(
            bi_hbm.at[pl.ds(cal, cbuf)], cnt_v, csem)
        cnt_cp.start()
        cnt_cp.wait()

        s_lo = jnp.full((LANES,), cstart - cal, jnp.int32)
        s_hi = jnp.full((LANES,), clen, jnp.int32)
        for g in range(N_BATCHES // LANES):
            tgt = iota + (g * LANES)
            lo = s_lo
            hi = s_hi
            for _ in range(14):
                mid = (lo + hi) // 2
                val = plsc.load_gather(cnt_v, [jnp.minimum(mid, cbuf - 1)])
                lt = lo < hi
                go = jnp.logical_and(val < tgt, lt)
                shrink = jnp.logical_and(jnp.logical_not(val < tgt), lt)
                lo = jnp.where(go, mid + 1, lo)
                hi = jnp.where(shrink, mid, hi)
            cnt_tmp[pl.ds(g * LANES, LANES)] = lo - s_lo

        pltpu.sync_copy(cnt_tmp, counts_sp.at[pl.ds(sid * N_BATCHES,
                                                    N_BATCHES)])
        span_cp.wait()
        pe_cp.wait()
        plsc.subcore_barrier()
        pltpu.sync_copy(counts_sp, cnt_all)
        for g in range(N_BATCHES // LANES):
            acc = jnp.zeros((LANES,), jnp.int32)
            for t in range(ns):
                acc = acc + cnt_all[pl.ds(t * N_BATCHES + g * LANES, LANES)]
            starts_v[pl.ds(g * LANES, LANES)] = acc

        def one_block(b, nfast):
            gblk = base + b * BLK
            head = bi_v[pl.ds(b * BLK, LANES)]
            tail = bi_v[pl.ds(b * BLK + BLK - LANES, LANES)]
            bmin = jnp.min(head)
            bmax = jnp.max(tail)
            s0v = plsc.load_gather(starts_v, [jnp.full((LANES,), bmin)])
            l0 = gblk - jnp.max(s0v)
            fast = jnp.logical_and(bmin == bmax, l0 + BLK <= v)

            @pl.when(fast)
            def _():
                pltpu.make_async_copy(
                    pe_sp.at[pl.ds(l0, BLK)],
                    out_hbm.at[pl.ds(gblk, BLK)], wsem).start()

            @pl.when(jnp.logical_not(fast))
            def _():
                for j in range(BLK // LANES):
                    off = gblk + j * LANES
                    bvec = bi_v[pl.ds(b * BLK + j * LANES, LANES)]
                    svec = plsc.load_gather(starts_v, [bvec])
                    li = jnp.clip(off + iota - svec, 0, v - 1)
                    idx_v[pl.ds(j * LANES, LANES)] = li
                pltpu.async_copy(pe_hbm.at[idx_v], rows_v, gsem).wait()
                pltpu.sync_copy(rows_v, out_hbm.at[pl.ds(gblk, BLK)])

            return nfast + fast.astype(jnp.int32)

        nfast = lax.fori_loop(0, nblk, one_block, jnp.int32(0), unroll=False)

        def drain(_, carry):
            pltpu.make_async_copy(
                pe_hbm.at[pl.ds(0, BLK)],
                out_hbm.at[pl.ds(base, BLK)], wsem).wait()
            return carry

        lax.fori_loop(0, nfast, drain, 0, unroll=False)

    run = pl.kernel(
        body,
        out_type=jax.ShapeDtypeStruct((n, d), jnp.float32),
        mesh=mesh,
        scratch_types=[
            pltpu.VMEM((span,), jnp.int32),
            pltpu.VMEM((cbuf,), jnp.int32),
            pltpu.VMEM((N_BATCHES,), jnp.int32),
            pltpu.VMEM((ns * N_BATCHES,), jnp.int32),
            pltpu.VMEM((N_BATCHES,), jnp.int32),
            pltpu.VMEM((BLK,), jnp.int32),
            pltpu.VMEM((BLK, d), jnp.float32),
            pltpu.VMEM_SHARED((v, d), jnp.float32),
            pltpu.VMEM_SHARED((ns * N_BATCHES,), jnp.int32),
            pltpu.SemaphoreType.DMA,
            pltpu.SemaphoreType.DMA,
            pltpu.SemaphoreType.DMA,
            pltpu.SemaphoreType.DMA,
            pltpu.SemaphoreType.DMA,
        ],
        compiler_params=pltpu.CompilerParams(needs_layout_passes=False),
    )
    return run(batch_index, pe)


def kernel(n_nodes, batch_index, pe):
    n = batch_index.shape[0]
    v, d = pe.shape
    info = plsc.get_sparse_core_info()
    return _sc_embed(batch_index, pe, n=n, v=v, d=d,
                     nw=info.num_cores * info.num_subcores,
                     nc=info.num_cores, ns=info.num_subcores)

# --- scband reference (transcript-rebuilt; emitter-appended) ---
"""Pipeline reference for scband-sinusoidal-positional-embedding-19567871001002 (READ-ONLY COPY).

The authoritative reference and input builder live on the scoring server;
editing this copy changes nothing except your own understanding.
"""

import jax, jax.numpy as jnp
import numpy as np
import math

MAX_POSITIONS = 4096
EMBED_DIM = 128
N_NODES = 100000
N_BATCHES = 64

def _build_pe():
    pe = np.zeros((MAX_POSITIONS, EMBED_DIM), dtype=np.float32)
    position = np.arange(0, MAX_POSITIONS, dtype=np.float32)[:, None]
    div_term = np.exp(np.arange(0, EMBED_DIM, 2, dtype=np.float32) * (-math.log(10000.0) / EMBED_DIM))
    pe[:, 0::2] = np.sin(position * div_term)
    pe[:, 1::2] = np.cos(position * div_term[: EMBED_DIM // 2])
    return jnp.asarray(pe)

def setup_inputs(seed: int = 0) -> dict:
    key = jax.random.key(seed)
    batch_index = jnp.sort(jax.random.randint(key, (N_NODES,), 0, N_BATCHES, dtype=jnp.int32))
    pe = _build_pe()
    return {"n_nodes": N_NODES, "batch_index": batch_index, "pe": pe}

def reference(n_nodes, batch_index, pe):
    # Faithful translation of the torch forward with batch_index provided:
    # for each batch b, nodes of batch b get local positions arange(count_b)
    # in order of appearance. Computed vectorized via per-value cumulative counts.
    one_hot = (batch_index[:, None] == jnp.arange(N_BATCHES, dtype=batch_index.dtype)[None, :]).astype(jnp.int32)
    cum = jnp.cumsum(one_hot, axis=0) - 1  # cumcount of each batch id, 0-based
    local_positions = jnp.take_along_axis(cum, batch_index[:, None].astype(jnp.int32), axis=1)[:, 0]
    local_positions = jnp.clip(local_positions, 0, pe.shape[0] - 1)
    return jnp.take(pe, local_positions, axis=0)

if __name__ == "__main__":
    import jax
    _d = setup_inputs()
    print(jax.jit(kernel)(*tuple(_d.values())))

</pallas_src>

<mosaic_0001>
#map = affine_map<(d0, d1) -> (0)>
#map1 = affine_map<(d0, d1) -> (0, 0)>
module attributes {stable_mosaic.version = 14 : i64} {
  func.func @body(%arg0: i32, %arg1: i32, %arg2: memref<100000xi32, #tpu.memory_space<hbm>>, %arg3: memref<4096x128xf32, #tpu.memory_space<hbm>>, %arg4: memref<100000x128xf32, #tpu.memory_space<hbm>>, %arg5: memref<3136xi32, #tpu.memory_space<vmem>>, %arg6: memref<6264xi32, #tpu.memory_space<vmem>>, %arg7: memref<64xi32, #tpu.memory_space<vmem>>, %arg8: memref<1024xi32, #tpu.memory_space<vmem>>, %arg9: memref<64xi32, #tpu.memory_space<vmem>>, %arg10: memref<112xi32, #tpu.memory_space<vmem>>, %arg11: memref<112x128xf32, #tpu.memory_space<vmem>>, %arg12: memref<4096x128xf32, #tpu.memory_space<vmem_shared>>, %arg13: memref<1024xi32, #tpu.memory_space<vmem_shared>>, %arg14: memref<!tpu.dma_semaphore, #tpu.memory_space<semaphore_mem>>, %arg15: memref<!tpu.dma_semaphore, #tpu.memory_space<semaphore_mem>>, %arg16: memref<!tpu.dma_semaphore, #tpu.memory_space<semaphore_mem>>, %arg17: memref<!tpu.dma_semaphore, #tpu.memory_space<semaphore_mem>>, %arg18: memref<!tpu.dma_semaphore, #tpu.memory_space<semaphore_mem>>) attributes {dimension_semantics = [#tpu.dimension_semantics<core_parallel>, #tpu.dimension_semantics<subcore_parallel>], iteration_bounds = array<i64: 2, 16>, scalar_prefetch = 0 : i64, scratch_operands = 14 : i64, tpu.core_type = #tpu.core_type<sc_vector_subcore>, window_params = [{transform_indices = #map}, {transform_indices = #map1}, {transform_indices = #map1}]} {
    %mul3A = arith.constant 2 : i32
    %mul3A_0 = arith.muli %arg1, %mul3A : i32
    %add3A = arith.addi %mul3A_0, %arg0 : i32
    %mul3A_1 = arith.constant 3136 : i32
    %mul3A_2 = arith.muli %add3A, %mul3A_1 : i32
    %min3A = arith.constant 96864 : i32
    %min3A_3 = arith.minsi %mul3A_2, %min3A : i32
    %iota3A = tpu.iota {dimensions = array<i32: 0>} : vector<16xi32>
    %mul3A_4 = arith.constant 256 : i32
    %mul3A_5 = arith.muli %arg1, %mul3A_4 : i32
    %mul3A_6 = arith.constant 256 : i32
    %mul3A_7 = arith.muli %arg1, %mul3A_6 : i32
    %dma_start3A = arith.constant 0 : i32
    %dma_start3A_8 = tpu.memref_slice %arg12[%mul3A_7, %dma_start3A] : memref<4096x128xf32, #tpu.memory_space<vmem_shared>> -> memref<256x128xf32, #tpu.memory_space<vmem_shared>>
    %dma_start3A_9 = arith.constant 0 : i32
    %dma_start3A_10 = tpu.memref_slice %arg3[%mul3A_5, %dma_start3A_9] : memref<4096x128xf32, #tpu.memory_space<hbm>> -> memref<256x128xf32, #tpu.memory_space<hbm>>
    tpu.enqueue_dma source(%dma_start3A_10 : memref<256x128xf32, #tpu.memory_space<hbm>>) target(%dma_start3A_8 : memref<256x128xf32, #tpu.memory_space<vmem_shared>>) target_semaphore(%arg14 : memref<!tpu.dma_semaphore, #tpu.memory_space<semaphore_mem>>)
    %dma_start3A_11 = tpu.memref_slice %arg2[%min3A_3] : memref<100000xi32, #tpu.memory_space<hbm>> -> memref<3136xi32, #tpu.memory_space<hbm>>
    %dma_start3A_12 = tpu.memref_slice %arg2[%min3A_3] : memref<100000xi32, #tpu.memory_space<hbm>> -> memref<3136xi32, #tpu.memory_space<hbm>>
    tpu.enqueue_dma source(%dma_start3A_12 : memref<3136xi32, #tpu.memory_space<hbm>>) target(%arg5 : memref<3136xi32, #tpu.memory_space<vmem>>) target_semaphore(%arg17 : memref<!tpu.dma_semaphore, #tpu.memory_space<semaphore_mem>>)
    %mul3A_13 = arith.constant 6250 : i32
    %mul3A_14 = arith.muli %arg1, %mul3A_13 : i32
    %jit3A = arith.constant 8 : i32
    %div3A = arith.divsi %mul3A_14, %jit3A : i32
    %sign3A = arith.constant 0 : i32
    %sign3A_15 = arith.cmpi sgt, %mul3A_14, %sign3A : i32
    %sign3A_16 = arith.extui %sign3A_15 : i1 to i32
    %sign3A_17 = arith.constant 0 : i32
    %sign3A_18 = arith.cmpi slt, %mul3A_14, %sign3A_17 : i32
    %sign3A_19 = arith.extui %sign3A_18 : i1 to i32
    %sign3A_20 = arith.subi %sign3A_16, %sign3A_19 : i32
    %sign3A_21 = arith.constant 0 : i32
    %sign3A_22 = arith.cmpi sgt, %jit3A, %sign3A_21 : i32
    %sign3A_23 = arith.extui %sign3A_22 : i1 to i32
    %sign3A_24 = arith.constant 0 : i32
    %sign3A_25 = arith.cmpi slt, %jit3A, %sign3A_24 : i32
    %sign3A_26 = arith.extui %sign3A_25 : i1 to i32
    %sign3A_27 = arith.subi %sign3A_23, %sign3A_26 : i32
    %ne3A = arith.cmpi ne, %sign3A_20, %sign3A_27 : i32
    %rem3A = arith.remsi %mul3A_14, %jit3A : i32
    %ne3A_28 = arith.constant 0 : i32
    %ne3A_29 = arith.cmpi ne, %rem3A, %ne3A_28 : i32
    %and3A = arith.andi %ne3A, %ne3A_29 : i1
    %sub3A = arith.constant 1 : i32
    %sub3A_30 = arith.subi %div3A, %sub3A : i32
    %select_n3A = arith.select %and3A, %sub3A_30, %div3A : i32
    %mul3A_31 = arith.constant 8 : i32
    %mul3A_32 = arith.muli %select_n3A, %mul3A_31 : i32
    %min3A_33 = arith.constant 93736 : i32
    %min3A_34 = arith.minsi %mul3A_32, %min3A_33 : i32
    %add3A_35 = arith.constant 6250 : i32
    %add3A_36 = arith.addi %mul3A_14, %add3A_35 : i32
    %min3A_37 = arith.constant 100000 : i32
    %min3A_38 = arith.minsi %add3A_36, %min3A_37 : i32
    %sub3A_39 = arith.subi %min3A_38, %min3A_34 : i32
    %dma_start3A_40 = tpu.memref_slice %arg2[%min3A_34] : memref<100000xi32, #tpu.memory_space<hbm>> -> memref<6264xi32, #tpu.memory_space<hbm>>
    %dma_start3A_41 = tpu.memref_slice %arg2[%min3A_34] : memref<100000xi32, #tpu.memory_space<hbm>> -> memref<6264xi32, #tpu.memory_space<hbm>>
    tpu.enqueue_dma source(%dma_start3A_41 : memref<6264xi32, #tpu.memory_space<hbm>>) target(%arg6 : memref<6264xi32, #tpu.memory_space<vmem>>) target_semaphore(%arg18 : memref<!tpu.dma_semaphore, #tpu.memory_space<semaphore_mem>>)
    %dma_wait3A = tpu.memref_slice %arg2[%min3A_34] : memref<100000xi32, #tpu.memory_space<hbm>> -> memref<6264xi32, #tpu.memory_space<hbm>>
    %dma_wait3A_42 = tpu.memref_slice %arg2[%min3A_34] : memref<100000xi32, #tpu.memory_space<hbm>> -> memref<6264xi32, #tpu.memory_space<hbm>>
    tpu.wait_dma2 semaphore(%arg18 : memref<!tpu.dma_semaphore, #tpu.memory_space<semaphore_mem>>) src(%dma_wait3A_42 : memref<6264xi32, #tpu.memory_space<hbm>>) dst(%arg6 : memref<6264xi32, #tpu.memory_space<vmem>>)
    %sub3A_43 = arith.subi %mul3A_14, %min3A_34 : i32
    %broadcast_in_dim3A = vector.broadcast %sub3A_43 : i32 to vector<16xi32>
    %broadcast_in_dim3A_44 = vector.broadcast %sub3A_39 : i32 to vector<16xi32>
    %add3A_45 = arith.constant 0 : i32
    %add3A_46 = vector.broadcast %add3A_45 : i32 to vector<16xi32>
    %add3A_47 = arith.addi %iota3A, %add3A_46 : vector<16xi32>
    %add3A_48 = arith.addi %broadcast_in_dim3A, %broadcast_in_dim3A_44 : vector<16xi32>
    %jit3A_49 = arith.constant 2 : i32
    %div3A_50 = vector.broadcast %jit3A_49 : i32 to vector<16xi32>
    %div3A_51 = arith.divsi %add3A_48, %div3A_50 : vector<16xi32>
    %sign3A_52 = arith.constant 0 : i32
    %sign3A_53 = vector.broadcast %sign3A_52 : i32 to vector<16xi32>
    %sign3A_54 = arith.cmpi sgt, %add3A_48, %sign3A_53 : vector<16xi32>
    %sign3A_55 = arith.extui %sign3A_54 : vector<16xi1> to vector<16xi32>
    %sign3A_56 = arith.constant 0 : i32
    %sign3A_57 = vector.broadcast %sign3A_56 : i32 to vector<16xi32>
    %sign3A_58 = arith.cmpi slt, %add3A_48, %sign3A_57 : vector<16xi32>
    %sign3A_59 = arith.extui %sign3A_58 : vector<16xi1> to vector<16xi32>
    %sign3A_60 = arith.subi %sign3A_55, %sign3A_59 : vector<16xi32>
    %sign3A_61 = arith.constant 0 : i32
    %sign3A_62 = arith.cmpi sgt, %jit3A_49, %sign3A_61 : i32
    %sign3A_63 = arith.extui %sign3A_62 : i1 to i32
    %sign3A_64 = arith.constant 0 : i32
    %sign3A_65 = arith.cmpi slt, %jit3A_49, %sign3A_64 : i32
    %sign3A_66 = arith.extui %sign3A_65 : i1 to i32
    %sign3A_67 = arith.subi %sign3A_63, %sign3A_66 : i32
    %ne3A_68 = vector.broadcast %sign3A_67 : i32 to vector<16xi32>
    %ne3A_69 = arith.cmpi ne, %sign3A_60, %ne3A_68 : vector<16xi32>
    %rem3A_70 = vector.broadcast %jit3A_49 : i32 to vector<16xi32>
    %rem3A_71 = arith.remsi %add3A_48, %rem3A_70 : vector<16xi32>
    %ne3A_72 = arith.constant 0 : i32
    %ne3A_73 = vector.broadcast %ne3A_72 : i32 to vector<16xi32>
    %ne3A_74 = arith.cmpi ne, %rem3A_71, %ne3A_73 : vector<16xi32>
    %and3A_75 = arith.andi %ne3A_69, %ne3A_74 : vector<16xi1>
    %sub3A_76 = arith.constant 1 : i32
    %sub3A_77 = vector.broadcast %sub3A_76 : i32 to vector<16xi32>
    %sub3A_78 = arith.subi %div3A_51, %sub3A_77 : vector<16xi32>
    %select_n3A_79 = arith.select %and3A_75, %sub3A_78, %div3A_51 : vector<16xi1>, vector<16xi32>
    %min3A_80 = arith.constant 6263 : i32
    %min3A_81 = vector.broadcast %min3A_80 : i32 to vector<16xi32>
    %min3A_82 = arith.minsi %select_n3A_79, %min3A_81 : vector<16xi32>
    %gather3A = tpu.vector_load_idx %arg6[%min3A_82] : memref<6264xi32, #tpu.memory_space<vmem>>[vector<16xi32>], vector<16xi32>,
    %lt3A = arith.cmpi slt, %broadcast_in_dim3A, %broadcast_in_dim3A_44 : vector<16xi32>
    %lt3A_83 = arith.cmpi slt, %gather3A, %add3A_47 : vector<16xi32>
    %and3A_84 = arith.andi %lt3A_83, %lt3A : vector<16xi1>
    %lt3A_85 = arith.cmpi slt, %gather3A, %add3A_47 : vector<16xi32>
    %not3A = arith.constant dense<true> : vector<16xi1>
    %not3A_86 = arith.xori %lt3A_85, %not3A : vector<16xi1>
    %and3A_87 = arith.andi %not3A_86, %lt3A : vector<16xi1>
    %add3A_88 = arith.constant 1 : i32
    %add3A_89 = vector.broadcast %add3A_88 : i32 to vector<16xi32>
    %add3A_90 = arith.addi %select_n3A_79, %add3A_89 : vector<16xi32>
    %select_n3A_91 = arith.select %and3A_84, %add3A_90, %broadcast_in_dim3A : vector<16xi1>, vector<16xi32>
    %select_n3A_92 = arith.select %and3A_87, %select_n3A_79, %broadcast_in_dim3A_44 : vector<16xi1>, vector<16xi32>
    %add3A_93 = arith.addi %select_n3A_91, %select_n3A_92 : vector<16xi32>
    %jit3A_94 = arith.constant 2 : i32
    %div3A_95 = vector.broadcast %jit3A_94 : i32 to vector<16xi32>
    %div3A_96 = arith.divsi %add3A_93, %div3A_95 : vector<16xi32>
    %sign3A_97 = arith.constant 0 : i32
    %sign3A_98 = vector.broadcast %sign3A_97 : i32 to vector<16xi32>
    %sign3A_99 = arith.cmpi sgt, %add3A_93, %sign3A_98 : vector<16xi32>
    %sign3A_100 = arith.extui %sign3A_99 : vector<16xi1> to vector<16xi32>
    %sign3A_101 = arith.constant 0 : i32
    %sign3A_102 = vector.broadcast %sign3A_101 : i32 to vector<16xi32>
    %sign3A_103 = arith.cmpi slt, %add3A_93, %sign3A_102 : vector<16xi32>
    %sign3A_104 = arith.extui %sign3A_103 : vector<16xi1> to vector<16xi32>
    %sign3A_105 = arith.subi %sign3A_100, %sign3A_104 : vector<16xi32>
    %sign3A_106 = arith.constant 0 : i32
    %sign3A_107 = arith.cmpi sgt, %jit3A_94, %sign3A_106 : i32
    %sign3A_108 = arith.extui %sign3A_107 : i1 to i32
    %sign3A_109 = arith.constant 0 : i32
    %sign3A_110 = arith.cmpi slt, %jit3A_94, %sign3A_109 : i32
    %sign3A_111 = arith.extui %sign3A_110 : i1 to i32
    %sign3A_112 = arith.subi %sign3A_108, %sign3A_111 : i32
    %ne3A_113 = vector.broadcast %sign3A_112 : i32 to vector<16xi32>
    %ne3A_114 = arith.cmpi ne, %sign3A_105, %ne3A_113 : vector<16xi32>
    %rem3A_115 = vector.broadcast %jit3A_94 : i32 to vector<16xi32>
    %rem3A_116 = arith.remsi %add3A_93, %rem3A_115 : vector<16xi32>
    %ne3A_117 = arith.constant 0 : i32
    %ne3A_118 = vector.broadcast %ne3A_117 : i32 to vector<16xi32>
    %ne3A_119 = arith.cmpi ne, %rem3A_116, %ne3A_118 : vector<16xi32>
    %and3A_120 = arith.andi %ne3A_114, %ne3A_119 : vector<16xi1>
    %sub3A_121 = arith.constant 1 : i32
    %sub3A_122 = vector.broadcast %sub3A_121 : i32 to vector<16xi32>
    %sub3A_123 = arith.subi %div3A_96, %sub3A_122 : vector<16xi32>
    %select_n3A_124 = arith.select %and3A_120, %sub3A_123, %div3A_96 : vector<16xi1>, vector<16xi32>
    %min3A_125 = arith.constant 6263 : i32
    %min3A_126 = vector.broadcast %min3A_125 : i32 to vector<16xi32>
    %min3A_127 = arith.minsi %select_n3A_124, %min3A_126 : vector<16xi32>
    %gather3A_128 = tpu.vector_load_idx %arg6[%min3A_127] : memref<6264xi32, #tpu.memory_space<vmem>>[vector<16xi32>], vector<16xi32>,
    %lt3A_129 = arith.cmpi slt, %select_n3A_91, %select_n3A_92 : vector<16xi32>
    %lt3A_130 = arith.cmpi slt, %gather3A_128, %add3A_47 : vector<16xi32>
    %and3A_131 = arith.andi %lt3A_130, %lt3A_129 : vector<16xi1>
    %lt3A_132 = arith.cmpi slt, %gather3A_128, %add3A_47 : vector<16xi32>
    %not3A_133 = arith.constant dense<true> : vector<16xi1>
    %not3A_134 = arith.xori %lt3A_132, %not3A_133 : vector<16xi1>
    %and3A_135 = arith.andi %not3A_134, %lt3A_129 : vector<16xi1>
    %add3A_136 = arith.constant 1 : i32
    %add3A_137 = vector.broadcast %add3A_136 : i32 to vector<16xi32>
    %add3A_138 = arith.addi %select_n3A_124, %add3A_137 : vector<16xi32>
    %select_n3A_139 = arith.select %and3A_131, %add3A_138, %select_n3A_91 : vector<16xi1>, vector<16xi32>
    %select_n3A_140 = arith.select %and3A_135, %select_n3A_124, %select_n3A_92 : vector<16xi1>, vector<16xi32>
    %add3A_141 = arith.addi %select_n3A_139, %select_n3A_140 : vector<16xi32>
    %jit3A_142 = arith.constant 2 : i32
    %div3A_143 = vector.broadcast %jit3A_142 : i32 to vector<16xi32>
    %div3A_144 = arith.divsi %add3A_141, %div3A_143 : vector<16xi32>
    %sign3A_145 = arith.constant 0 : i32
    %sign3A_146 = vector.broadcast %sign3A_145 : i32 to vector<16xi32>
    %sign3A_147 = arith.cmpi sgt, %add3A_141, %sign3A_146 : vector<16xi32>
    %sign3A_148 = arith.extui %sign3A_147 : vector<16xi1> to vector<16xi32>
    %sign3A_149 = arith.constant 0 : i32
    %sign3A_150 = vector.broadcast %sign3A_149 : i32 to vector<16xi32>
    %sign3A_151 = arith.cmpi slt, %add3A_141, %sign3A_150 : vector<16xi32>
    %sign3A_152 = arith.extui %sign3A_151 : vector<16xi1> to vector<16xi32>
    %sign3A_153 = arith.subi %sign3A_148, %sign3A_152 : vector<16xi32>
    %sign3A_154 = arith.constant 0 : i32
    %sign3A_155 = arith.cmpi sgt, %jit3A_142, %sign3A_154 : i32
    %sign3A_156 = arith.extui %sign3A_155 : i1 to i32
    %sign3A_157 = arith.constant 0 : i32
    %sign3A_158 = arith.cmpi slt, %jit3A_142, %sign3A_157 : i32
    %sign3A_159 = arith.extui %sign3A_158 : i1 to i32
    %sign3A_160 = arith.subi %sign3A_156, %sign3A_159 : i32
    %ne3A_161 = vector.broadcast %sign3A_160 : i32 to vector<16xi32>
    %ne3A_162 = arith.cmpi ne, %sign3A_153, %ne3A_161 : vector<16xi32>
    %rem3A_163 = vector.broadcast %jit3A_142 : i32 to vector<16xi32>
    %rem3A_164 = arith.remsi %add3A_141, %rem3A_163 : vector<16xi32>
    %ne3A_165 = arith.constant 0 : i32
    %ne3A_166 = vector.broadcast %ne3A_165 : i32 to vector<16xi32>
    %ne3A_167 = arith.cmpi ne, %rem3A_164, %ne3A_166 : vector<16xi32>
    %and3A_168 = arith.andi %ne3A_162, %ne3A_167 : vector<16xi1>
    %sub3A_169 = arith.constant 1 : i32
    %sub3A_170 = vector.broadcast %sub3A_169 : i32 to vector<16xi32>
    %sub3A_171 = arith.subi %div3A_144, %sub3A_170 : vector<16xi32>
    %select_n3A_172 = arith.select %and3A_168, %sub3A_171, %div3A_144 : vector<16xi1>, vector<16xi32>
    %min3A_173 = arith.constant 6263 : i32
    %min3A_174 = vector.broadcast %min3A_173 : i32 to vector<16xi32>
    %min3A_175 = arith.minsi %select_n3A_172, %min3A_174 : vector<16xi32>
    %gather3A_176 = tpu.vector_load_idx %arg6[%min3A_175] : memref<6264xi32, #tpu.memory_space<vmem>>[vector<16xi32>], vector<16xi32>,
    %lt3A_177 = arith.cmpi slt, %select_n3A_139, %select_n3A_140 : vector<16xi32>
    %lt3A_178 = arith.cmpi slt, %gather3A_176, %add3A_47 : vector<16xi32>
    %and3A_179 = arith.andi %lt3A_178, %lt3A_177 : vector<16xi1>
    %lt3A_180 = arith.cmpi slt, %gather3A_176, %add3A_47 : vector<16xi32>
    %not3A_181 = arith.constant dense<true> : vector<16xi1>
    %not3A_182 = arith.xori %lt3A_180, %not3A_181 : vector<16xi1>
    %and3A_183 = arith.andi %not3A_182, %lt3A_177 : vector<16xi1>
    %add3A_184 = arith.constant 1 : i32
    %add3A_185 = vector.broadcast %add3A_184 : i32 to vector<16xi32>
    %add3A_186 = arith.addi %select_n3A_172, %add3A_185 : vector<16xi32>
    %select_n3A_187 = arith.select %and3A_179, %add3A_186, %select_n3A_139 : vector<16xi1>, vector<16xi32>
    %select_n3A_188 = arith.select %and3A_183, %select_n3A_172, %select_n3A_140 : vector<16xi1>, vector<16xi32>
    %add3A_189 = arith.addi %select_n3A_187, %select_n3A_188 : vector<16xi32>
    %jit3A_190 = arith.constant 2 : i32
    %div3A_191 = vector.broadcast %jit3A_190 : i32 to vector<16xi32>
    %div3A_192 = arith.divsi %add3A_189, %div3A_191 : vector<16xi32>
    %sign3A_193 = arith.constant 0 : i32
    %sign3A_194 = vector.broadcast %sign3A_193 : i32 to vector<16xi32>
    %sign3A_195 = arith.cmpi sgt, %add3A_189, %sign3A_194 : vector<16xi32>
    %sign3A_196 = arith.extui %sign3A_195 : vector<16xi1> to vector<16xi32>
    %sign3A_197 = arith.constant 0 : i32
    %sign3A_198 = vector.broadcast %sign3A_197 : i32 to vector<16xi32>
    %sign3A_199 = arith.cmpi slt, %add3A_189, %sign3A_198 : vector<16xi32>
    %sign3A_200 = arith.extui %sign3A_199 : vector<16xi1> to vector<16xi32>
    %sign3A_201 = arith.subi %sign3A_196, %sign3A_200 : vector<16xi32>
    %sign3A_202 = arith.constant 0 : i32
    %sign3A_203 = arith.cmpi sgt, %jit3A_190, %sign3A_202 : i32
    %sign3A_204 = arith.extui %sign3A_203 : i1 to i32
    %sign3A_205 = arith.constant 0 : i32
    %sign3A_206 = arith.cmpi slt, %jit3A_190, %sign3A_205 : i32
    %sign3A_207 = arith.extui %sign3A_206 : i1 to i32
    %sign3A_208 = arith.subi %sign3A_204, %sign3A_207 : i32
    %ne3A_209 = vector.broadcast %sign3A_208 : i32 to vector<16xi32>
    %ne3A_210 = arith.cmpi ne, %sign3A_201, %ne3A_209 : vector<16xi32>
    %rem3A_211 = vector.broadcast %jit3A_190 : i32 to vector<16xi32>
    %rem3A_212 = arith.remsi %add3A_189, %rem3A_211 : vector<16xi32>
    %ne3A_213 = arith.constant 0 : i32
    %ne3A_214 = vector.broadcast %ne3A_213 : i32 to vector<16xi32>
    %ne3A_215 = arith.cmpi ne, %rem3A_212, %ne3A_214 : vector<16xi32>
    %and3A_216 = arith.andi %ne3A_210, %ne3A_215 : vector<16xi1>
    %sub3A_217 = arith.constant 1 : i32
    %sub3A_218 = vector.broadcast %sub3A_217 : i32 to vector<16xi32>
    %sub3A_219 = arith.subi %div3A_192, %sub3A_218 : vector<16xi32>
    %select_n3A_220 = arith.select %and3A_216, %sub3A_219, %div3A_192 : vector<16xi1>, vector<16xi32>
    %min3A_221 = arith.constant 6263 : i32
    %min3A_222 = vector.broadcast %min3A_221 : i32 to vector<16xi32>
    %min3A_223 = arith.minsi %select_n3A_220, %min3A_222 : vector<16xi32>
    %gather3A_224 = tpu.vector_load_idx %arg6[%min3A_223] : memref<6264xi32, #tpu.memory_space<vmem>>[vector<16xi32>], vector<16xi32>,
    %lt3A_225 = arith.cmpi slt, %select_n3A_187, %select_n3A_188 : vector<16xi32>
    %lt3A_226 = arith.cmpi slt, %gather3A_224, %add3A_47 : vector<16xi32>
    %and3A_227 = arith.andi %lt3A_226, %lt3A_225 : vector<16xi1>
    %lt3A_228 = arith.cmpi slt, %gather3A_224, %add3A_47 : vector<16xi32>
    %not3A_229 = arith.constant dense<true> : vector<16xi1>
    %not3A_230 = arith.xori %lt3A_228, %not3A_229 : vector<16xi1>
    %and3A_231 = arith.andi %not3A_230, %lt3A_225 : vector<16xi1>
    %add3A_232 = arith.constant 1 : i32
    %add3A_233 = vector.broadcast %add3A_232 : i32 to vector<16xi32>
    %add3A_234 = arith.addi %select_n3A_220, %add3A_233 : vector<16xi32>
    %select_n3A_235 = arith.select %and3A_227, %add3A_234, %select_n3A_187 : vector<16xi1>, vector<16xi32>
    %select_n3A_236 = arith.select %and3A_231, %select_n3A_220, %select_n3A_188 : vector<16xi1>, vector<16xi32>
    %add3A_237 = arith.addi %select_n3A_235, %select_n3A_236 : vector<16xi32>
    %jit3A_238 = arith.constant 2 : i32
    %div3A_239 = vector.broadcast %jit3A_238 : i32 to vector<16xi32>
    %div3A_240 = arith.divsi %add3A_237, %div3A_239 : vector<16xi32>
    %sign3A_241 = arith.constant 0 : i32
    %sign3A_242 = vector.broadcast %sign3A_241 : i32 to vector<16xi32>
    %sign3A_243 = arith.cmpi sgt, %add3A_237, %sign3A_242 : vector<16xi32>
    %sign3A_244 = arith.extui %sign3A_243 : vector<16xi1> to vector<16xi32>
    %sign3A_245 = arith.constant 0 : i32
    %sign3A_246 = vector.broadcast %sign3A_245 : i32 to vector<16xi32>
    %sign3A_247 = arith.cmpi slt, %add3A_237, %sign3A_246 : vector<16xi32>
    %sign3A_248 = arith.extui %sign3A_247 : vector<16xi1> to vector<16xi32>
    %sign3A_249 = arith.subi %sign3A_244, %sign3A_248 : vector<16xi32>
    %sign3A_250 = arith.constant 0 : i32
    %sign3A_251 = arith.cmpi sgt, %jit3A_238, %sign3A_250 : i32
    %sign3A_252 = arith.extui %sign3A_251 : i1 to i32
    %sign3A_253 = arith.constant 0 : i32
    %sign3A_254 = arith.cmpi slt, %jit3A_238, %sign3A_253 : i32
    %sign3A_255 = arith.extui %sign3A_254 : i1 to i32
    %sign3A_256 = arith.subi %sign3A_252, %sign3A_255 : i32
    %ne3A_257 = vector.broadcast %sign3A_256 : i32 to vector<16xi32>
    %ne3A_258 = arith.cmpi ne, %sign3A_249, %ne3A_257 : vector<16xi32>
    %rem3A_259 = vector.broadcast %jit3A_238 : i32 to vector<16xi32>
    %rem3A_260 = arith.remsi %add3A_237, %rem3A_259 : vector<16xi32>
    %ne3A_261 = arith.constant 0 : i32
    %ne3A_262 = vector.broadcast %ne3A_261 : i32 to vector<16xi32>
    %ne3A_263 = arith.cmpi ne, %rem3A_260, %ne3A_262 : vector<16xi32>
    %and3A_264 = arith.andi %ne3A_258, %ne3A_263 : vector<16xi1>
    %sub3A_265 = arith.constant 1 : i32
    %sub3A_266 = vector.broadcast %sub3A_265 : i32 to vector<16xi32>
    %sub3A_267 = arith.subi %div3A_240, %sub3A_266 : vector<16xi32>
    %select_n3A_268 = arith.select %and3A_264, %sub3A_267, %div3A_240 : vector<16xi1>, vector<16xi32>
    %min3A_269 = arith.constant 6263 : i32
    %min3A_270 = vector.broadcast %min3A_269 : i32 to vector<16xi32>
    %min3A_271 = arith.minsi %select_n3A_268, %min3A_270 : vector<16xi32>
    %gather3A_272 = tpu.vector_load_idx %arg6[%min3A_271] : memref<6264xi32, #tpu.memory_space<vmem>>[vector<16xi32>], vector<16xi32>,
    %lt3A_273 = arith.cmpi slt, %select_n3A_235, %select_n3A_236 : vector<16xi32>
    %lt3A_274 = arith.cmpi slt, %gather3A_272, %add3A_47 : vector<16xi32>
    %and3A_275 = arith.andi %lt3A_274, %lt3A_273 : vector<16xi1>
    %lt3A_276 = arith.cmpi slt, %gather3A_272, %add3A_47 : vector<16xi32>
    %not3A_277 = arith.constant dense<true> : vector<16xi1>
    %not3A_278 = arith.xori %lt3A_276, %not3A_277 : vector<16xi1>
    %and3A_279 = arith.andi %not3A_278, %lt3A_273 : vector<16xi1>
    %add3A_280 = arith.constant 1 : i32
    %add3A_281 = vector.broadcast %add3A_280 : i32 to vector<16xi32>
    %add3A_282 = arith.addi %select_n3A_268, %add3A_281 : vector<16xi32>
    %select_n3A_283 = arith.select %and3A_275, %add3A_282, %select_n3A_235 : vector<16xi1>, vector<16xi32>
    %select_n3A_284 = arith.select %and3A_279, %select_n3A_268, %select_n3A_236 : vector<16xi1>, vector<16xi32>
    %add3A_285 = arith.addi %select_n3A_283, %select_n3A_284 : vector<16xi32>
    %jit3A_286 = arith.constant 2 : i32
    %div3A_287 = vector.broadcast %jit3A_286 : i32 to vector<16xi32>
    %div3A_288 = arith.divsi %add3A_285, %div3A_287 : vector<16xi32>
    %sign3A_289 = arith.constant 0 : i32
    %sign3A_290 = vector.broadcast %sign3A_289 : i32 to vector<16xi32>
    %sign3A_291 = arith.cmpi sgt, %add3A_285, %sign3A_290 : vector<16xi32>
    %sign3A_292 = arith.extui %sign3A_291 : vector<16xi1> to vector<16xi32>
    %sign3A_293 = arith.constant 0 : i32
    %sign3A_294 = vector.broadcast %sign3A_293 : i32 to vector<16xi32>
    %sign3A_295 = arith.cmpi slt, %add3A_285, %sign3A_294 : vector<16xi32>
    %sign3A_296 = arith.extui %sign3A_295 : vector<16xi1> to vector<16xi32>
    %sign3A_297 = arith.subi %sign3A_292, %sign3A_296 : vector<16xi32>
    %sign3A_298 = arith.constant 0 : i32
    %sign3A_299 = arith.cmpi sgt, %jit3A_286, %sign3A_298 : i32
    %sign3A_300 = arith.extui %sign3A_299 : i1 to i32
    %sign3A_301 = arith.constant 0 : i32
    %sign3A_302 = arith.cmpi slt, %jit3A_286, %sign3A_301 : i32
    %sign3A_303 = arith.extui %sign3A_302 : i1 to i32
    %sign3A_304 = arith.subi %sign3A_300, %sign3A_303 : i32
    %ne3A_305 = vector.broadcast %sign3A_304 : i32 to vector<16xi32>
    %ne3A_306 = arith.cmpi ne, %sign3A_297, %ne3A_305 : vector<16xi32>
    %rem3A_307 = vector.broadcast %jit3A_286 : i32 to vector<16xi32>
    %rem3A_308 = arith.remsi %add3A_285, %rem3A_307 : vector<16xi32>
    %ne3A_309 = arith.constant 0 : i32
    %ne3A_310 = vector.broadcast %ne3A_309 : i32 to vector<16xi32>
    %ne3A_311 = arith.cmpi ne, %rem3A_308, %ne3A_310 : vector<16xi32>
    %and3A_312 = arith.andi %ne3A_306, %ne3A_311 : vector<16xi1>
    %sub3A_313 = arith.constant 1 : i32
    %sub3A_314 = vector.broadcast %sub3A_313 : i32 to vector<16xi32>
    %sub3A_315 = arith.subi %div3A_288, %sub3A_314 : vector<16xi32>
    %select_n3A_316 = arith.select %and3A_312, %sub3A_315, %div3A_288 : vector<16xi1>, vector<16xi32>
    %min3A_317 = arith.constant 6263 : i32
    %min3A_318 = vector.broadcast %min3A_317 : i32 to vector<16xi32>
    %min3A_319 = arith.minsi %select_n3A_316, %min3A_318 : vector<16xi32>
    %gather3A_320 = tpu.vector_load_idx %arg6[%min3A_319] : memref<6264xi32, #tpu.memory_space<vmem>>[vector<16xi32>], vector<16xi32>,
    %lt3A_321 = arith.cmpi slt, %select_n3A_283, %select_n3A_284 : vector<16xi32>
    %lt3A_322 = arith.cmpi slt, %gather3A_320, %add3A_47 : vector<16xi32>
    %and3A_323 = arith.andi %lt3A_322, %lt3A_321 : vector<16xi1>
    %lt3A_324 = arith.cmpi slt, %gather3A_320, %add3A_47 : vector<16xi32>
    %not3A_325 = arith.constant dense<true> : vector<16xi1>
    %not3A_326 = arith.xori %lt3A_324, %not3A_325 : vector<16xi1>
    %and3A_327 = arith.andi %not3A_326, %lt3A_321 : vector<16xi1>
    %add3A_328 = arith.constant 1 : i32
    %add3A_329 = vector.broadcast %add3A_328 : i32 to vector<16xi32>
    %add3A_330 = arith.addi %select_n3A_316, %add3A_329 : vector<16xi32>
    %select_n3A_331 = arith.select %and3A_323, %add3A_330, %select_n3A_283 : vector<16xi1>, vector<16xi32>
    %select_n3A_332 = arith.select %and3A_327, %select_n3A_316, %select_n3A_284 : vector<16xi1>, vector<16xi32>
    %add3A_333 = arith.addi %select_n3A_331, %select_n3A_332 : vector<16xi32>
    %jit3A_334 = arith.constant 2 : i32
    %div3A_335 = vector.broadcast %jit3A_334 : i32 to vector<16xi32>
    %div3A_336 = arith.divsi %add3A_333, %div3A_335 : vector<16xi32>
    %sign3A_337 = arith.constant 0 : i32
    %sign3A_338 = vector.broadcast %sign3A_337 : i32 to vector<16xi32>
    %sign3A_339 = arith.cmpi sgt, %add3A_333, %sign3A_338 : vector<16xi32>
    %sign3A_340 = arith.extui %sign3A_339 : vector<16xi1> to vector<16xi32>
    %sign3A_341 = arith.constant 0 : i32
    %sign3A_342 = vector.broadcast %sign3A_341 : i32 to vector<16xi32>
    %sign3A_343 = arith.cmpi slt, %add3A_333, %sign3A_342 : vector<16xi32>
    %sign3A_344 = arith.extui %sign3A_343 : vector<16xi1> to vector<16xi32>
    %sign3A_345 = arith.subi %sign3A_340, %sign3A_344 : vector<16xi32>
    %sign3A_346 = arith.constant 0 : i32
    %sign3A_347 = arith.cmpi sgt, %jit3A_334, %sign3A_346 : i32
    %sign3A_348 = arith.extui %sign3A_347 : i1 to i32
    %sign3A_349 = arith.constant 0 : i32
    %sign3A_350 = arith.cmpi slt, %jit3A_334, %sign3A_349 : i32
    %sign3A_351 = arith.extui %sign3A_350 : i1 to i32
    %sign3A_352 = arith.subi %sign3A_348, %sign3A_351 : i32
    %ne3A_353 = vector.broadcast %sign3A_352 : i32 to vector<16xi32>
    %ne3A_354 = arith.cmpi ne, %sign3A_345, %ne3A_353 : vector<16xi32>
    %rem3A_355 = vector.broadcast %jit3A_334 : i32 to vector<16xi32>
    %rem3A_356 = arith.remsi %add3A_333, %rem3A_355 : vector<16xi32>
    %ne3A_357 = arith.constant 0 : i32
    %ne3A_358 = vector.broadcast %ne3A_357 : i32 to vector<16xi32>
    %ne3A_359 = arith.cmpi ne, %rem3A_356, %ne3A_358 : vector<16xi32>
    %and3A_360 = arith.andi %ne3A_354, %ne3A_359 : vector<16xi1>
    %sub3A_361 = arith.constant 1 : i32
    %sub3A_362 = vector.broadcast %sub3A_361 : i32 to vector<16xi32>
    %sub3A_363 = arith.subi %div3A_336, %sub3A_362 : vector<16xi32>
    %select_n3A_364 = arith.select %and3A_360, %sub3A_363, %div3A_336 : vector<16xi1>, vector<16xi32>
    %min3A_365 = arith.constant 6263 : i32
    %min3A_366 = vector.broadcast %min3A_365 : i32 to vector<16xi32>
    %min3A_367 = arith.minsi %select_n3A_364, %min3A_366 : vector<16xi32>
    %gather3A_368 = tpu.vector_load_idx %arg6[%min3A_367] : memref<6264xi32, #tpu.memory_space<vmem>>[vector<16xi32>], vector<16xi32>,
    %lt3A_369 = arith.cmpi slt, %select_n3A_331, %select_n3A_332 : vector<16xi32>
    %lt3A_370 = arith.cmpi slt, %gather3A_368, %add3A_47 : vector<16xi32>
    %and3A_371 = arith.andi %lt3A_370, %lt3A_369 : vector<16xi1>
    %lt3A_372 = arith.cmpi slt, %gather3A_368, %add3A_47 : vector<16xi32>
    %not3A_373 = arith.constant dense<true> : vector<16xi1>
    %not3A_374 = arith.xori %lt3A_372, %not3A_373 : vector<16xi1>
    %and3A_375 = arith.andi %not3A_374, %lt3A_369 : vector<16xi1>
    %add3A_376 = arith.constant 1 : i32
    %add3A_377 = vector.broadcast %add3A_376 : i32 to vector<16xi32>
    %add3A_378 = arith.addi %select_n3A_364, %add3A_377 : vector<16xi32>
    %select_n3A_379 = arith.select %and3A_371, %add3A_378, %select_n3A_331 : vector<16xi1>, vector<16xi32>
    %select_n3A_380 = arith.select %and3A_375, %select_n3A_364, %select_n3A_332 : vector<16xi1>, vector<16xi32>
    %add3A_381 = arith.addi %select_n3A_379, %select_n3A_380 : vector<16xi32>
    %jit3A_382 = arith.constant 2 : i32
    %div3A_383 = vector.broadcast %jit3A_382 : i32 to vector<16xi32>
    %div3A_384 = arith.divsi %add3A_381, %div3A_383 : vector<16xi32>
    %sign3A_385 = arith.constant 0 : i32
    %sign3A_386 = vector.broadcast %sign3A_385 : i32 to vector<16xi32>
    %sign3A_387 = arith.cmpi sgt, %add3A_381, %sign3A_386 : vector<16xi32>
    %sign3A_388 = arith.extui %sign3A_387 : vector<16xi1> to vector<16xi32>
    %sign3A_389 = arith.constant 0 : i32
    %sign3A_390 = vector.broadcast %sign3A_389 : i32 to vector<16xi32>
    %sign3A_391 = arith.cmpi slt, %add3A_381, %sign3A_390 : vector<16xi32>
    %sign3A_392 = arith.extui %sign3A_391 : vector<16xi1> to vector<16xi32>
    %sign3A_393 = arith.subi %sign3A_388, %sign3A_392 : vector<16xi32>
    %sign3A_394 = arith.constant 0 : i32
    %sign3A_395 = arith.cmpi sgt, %jit3A_382, %sign3A_394 : i32
    %sign3A_396 = arith.extui %sign3A_395 : i1 to i32
    %sign3A_397 = arith.constant 0 : i32
    %sign3A_398 = arith.cmpi slt, %jit3A_382, %sign3A_397 : i32
    %sign3A_399 = arith.extui %sign3A_398 : i1 to i32
    %sign3A_400 = arith.subi %sign3A_396, %sign3A_399 : i32
    %ne3A_401 = vector.broadcast %sign3A_400 : i32 to vector<16xi32>
    %ne3A_402 = arith.cmpi ne, %sign3A_393, %ne3A_401 : vector<16xi32>
    %rem3A_403 = vector.broadcast %jit3A_382 : i32 to vector<16xi32>
    %rem3A_404 = arith.remsi %add3A_381, %rem3A_403 : vector<16xi32>
    %ne3A_405 = arith.constant 0 : i32
    %ne3A_406 = vector.broadcast %ne3A_405 : i32 to vector<16xi32>
    %ne3A_407 = arith.cmpi ne, %rem3A_404, %ne3A_406 : vector<16xi32>
    %and3A_408 = arith.andi %ne3A_402, %ne3A_407 : vector<16xi1>
    %sub3A_409 = arith.constant 1 : i32
    %sub3A_410 = vector.broadcast %sub3A_409 : i32 to vector<16xi32>
    %sub3A_411 = arith.subi %div3A_384, %sub3A_410 : vector<16xi32>
    %select_n3A_412 = arith.select %and3A_408, %sub3A_411, %div3A_384 : vector<16xi1>, vector<16xi32>
    %min3A_413 = arith.constant 6263 : i32
    %min3A_414 = vector.broadcast %min3A_413 : i32 to vector<16xi32>
    %min3A_415 = arith.minsi %select_n3A_412, %min3A_414 : vector<16xi32>
    %gather3A_416 = tpu.vector_load_idx %arg6[%min3A_415] : memref<6264xi32, #tpu.memory_space<vmem>>[vector<16xi32>], vector<16xi32>,
    %lt3A_417 = arith.cmpi slt, %select_n3A_379, %select_n3A_380 : vector<16xi32>
    %lt3A_418 = arith.cmpi slt, %gather3A_416, %add3A_47 : vector<16xi32>
    %and3A_419 = arith.andi %lt3A_418, %lt3A_417 : vector<16xi1>
    %lt3A_420 = arith.cmpi slt, %gather3A_416, %add3A_47 : vector<16xi32>
    %not3A_421 = arith.constant dense<true> : vector<16xi1>
    %not3A_422 = arith.xori %lt3A_420, %not3A_421 : vector<16xi1>
    %and3A_423 = arith.andi %not3A_422, %lt3A_417 : vector<16xi1>
    %add3A_424 = arith.constant 1 : i32
    %add3A_425 = vector.broadcast %add3A_424 : i32 to vector<16xi32>
    %add3A_426 = arith.addi %select_n3A_412, %add3A_425 : vector<16xi32>
    %select_n3A_427 = arith.select %and3A_419, %add3A_426, %select_n3A_379 : vector<16xi1>, vector<16xi32>
    %select_n3A_428 = arith.select %and3A_423, %select_n3A_412, %select_n3A_380 : vector<16xi1>, vector<16xi32>
    %add3A_429 = arith.addi %select_n3A_427, %select_n3A_428 : vector<16xi32>
    %jit3A_430 = arith.constant 2 : i32
    %div3A_431 = vector.broadcast %jit3A_430 : i32 to vector<16xi32>
    %div3A_432 = arith.divsi %add3A_429, %div3A_431 : vector<16xi32>
    %sign3A_433 = arith.constant 0 : i32
    %sign3A_434 = vector.broadcast %sign3A_433 : i32 to vector<16xi32>
    %sign3A_435 = arith.cmpi sgt, %add3A_429, %sign3A_434 : vector<16xi32>
    %sign3A_436 = arith.extui %sign3A_435 : vector<16xi1> to vector<16xi32>
    %sign3A_437 = arith.constant 0 : i32
    %sign3A_438 = vector.broadcast %sign3A_437 : i32 to vector<16xi32>
    %sign3A_439 = arith.cmpi slt, %add3A_429, %sign3A_438 : vector<16xi32>
    %sign3A_440 = arith.extui %sign3A_439 : vector<16xi1> to vector<16xi32>
    %sign3A_441 = arith.subi %sign3A_436, %sign3A_440 : vector<16xi32>
    %sign3A_442 = arith.constant 0 : i32
    %sign3A_443 = arith.cmpi sgt, %jit3A_430, %sign3A_442 : i32
    %sign3A_444 = arith.extui %sign3A_443 : i1 to i32
    %sign3A_445 = arith.constant 0 : i32
    %sign3A_446 = arith.cmpi slt, %jit3A_430, %sign3A_445 : i32
    %sign3A_447 = arith.extui %sign3A_446 : i1 to i32
    %sign3A_448 = arith.subi %sign3A_444, %sign3A_447 : i32
    %ne3A_449 = vector.broadcast %sign3A_448 : i32 to vector<16xi32>
    %ne3A_450 = arith.cmpi ne, %sign3A_441, %ne3A_449 : vector<16xi32>
    %rem3A_451 = vector.broadcast %jit3A_430 : i32 to vector<16xi32>
    %rem3A_452 = arith.remsi %add3A_429, %rem3A_451 : vector<16xi32>
    %ne3A_453 = arith.constant 0 : i32
    %ne3A_454 = vector.broadcast %ne3A_453 : i32 to vector<16xi32>
    %ne3A_455 = arith.cmpi ne, %rem3A_452, %ne3A_454 : vector<16xi32>
    %and3A_456 = arith.andi %ne3A_450, %ne3A_455 : vector<16xi1>
    %sub3A_457 = arith.constant 1 : i32
    %sub3A_458 = vector.broadcast %sub3A_457 : i32 to vector<16xi32>
    %sub3A_459 = arith.subi %div3A_432, %sub3A_458 : vector<16xi32>
    %select_n3A_460 = arith.select %and3A_456, %sub3A_459, %div3A_432 : vector<16xi1>, vector<16xi32>
    %min3A_461 = arith.constant 6263 : i32
    %min3A_462 = vector.broadcast %min3A_461 : i32 to vector<16xi32>
    %min3A_463 = arith.minsi %select_n3A_460, %min3A_462 : vector<16xi32>
    %gather3A_464 = tpu.vector_load_idx %arg6[%min3A_463] : memref<6264xi32, #tpu.memory_space<vmem>>[vector<16xi32>], vector<16xi32>,
    %lt3A_465 = arith.cmpi slt, %select_n3A_427, %select_n3A_428 : vector<16xi32>
    %lt3A_466 = arith.cmpi slt, %gather3A_464, %add3A_47 : vector<16xi32>
    %and3A_467 = arith.andi %lt3A_466, %lt3A_465 : vector<16xi1>
    %lt3A_468 = arith.cmpi slt, %gather3A_464, %add3A_47 : vector<16xi32>
    %not3A_469 = arith.constant dense<true> : vector<16xi1>
    %not3A_470 = arith.xori %lt3A_468, %not3A_469 : vector<16xi1>
    %and3A_471 = arith.andi %not3A_470, %lt3A_465 : vector<16xi1>
    %add3A_472 = arith.constant 1 : i32
    %add3A_473 = vector.broadcast %add3A_472 : i32 to vector<16xi32>
    %add3A_474 = arith.addi %select_n3A_460, %add3A_473 : vector<16xi32>
    %select_n3A_475 = arith.select %and3A_467, %add3A_474, %select_n3A_427 : vector<16xi1>, vector<16xi32>
    %select_n3A_476 = arith.select %and3A_471, %select_n3A_460, %select_n3A_428 : vector<16xi1>, vector<16xi32>
    %add3A_477 = arith.addi %select_n3A_475, %select_n3A_476 : vector<16xi32>
    %jit3A_478 = arith.constant 2 : i32
    %div3A_479 = vector.broadcast %jit3A_478 : i32 to vector<16xi32>
    %div3A_480 = arith.divsi %add3A_477, %div3A_479 : vector<16xi32>
    %sign3A_481 = arith.constant 0 : i32
    %sign3A_482 = vector.broadcast %sign3A_481 : i32 to vector<16xi32>
    %sign3A_483 = arith.cmpi sgt, %add3A_477, %sign3A_482 : vector<16xi32>
    %sign3A_484 = arith.extui %sign3A_483 : vector<16xi1> to vector<16xi32>
    %sign3A_485 = arith.constant 0 : i32
    %sign3A_486 = vector.broadcast %sign3A_485 : i32 to vector<16xi32>
    %sign3A_487 = arith.cmpi slt, %add3A_477, %sign3A_486 : vector<16xi32>
    %sign3A_488 = arith.extui %sign3A_487 : vector<16xi1> to vector<16xi32>
    %sign3A_489 = arith.subi %sign3A_484, %sign3A_488 : vector<16xi32>
    %sign3A_490 = arith.constant 0 : i32
    %sign3A_491 = arith.cmpi sgt, %jit3A_478, %sign3A_490 : i32
    %sign3A_492 = arith.extui %sign3A_491 : i1 to i32
    %sign3A_493 = arith.constant 0 : i32
    %sign3A_494 = arith.cmpi slt, %jit3A_478, %sign3A_493 : i32
    %sign3A_495 = arith.extui %sign3A_494 : i1 to i32
    %sign3A_496 = arith.subi %sign3A_492, %sign3A_495 : i32
    %ne3A_497 = vector.broadcast %sign3A_496 : i32 to vector<16xi32>
    %ne3A_498 = arith.cmpi ne, %sign3A_489, %ne3A_497 : vector<16xi32>
    %rem3A_499 = vector.broadcast %jit3A_478 : i32 to vector<16xi32>
    %rem3A_500 = arith.remsi %add3A_477, %rem3A_499 : vector<16xi32>
    %ne3A_501 = arith.constant 0 : i32
    %ne3A_502 = vector.broadcast %ne3A_501 : i32 to vector<16xi32>
    %ne3A_503 = arith.cmpi ne, %rem3A_500, %ne3A_502 : vector<16xi32>
    %and3A_504 = arith.andi %ne3A_498, %ne3A_503 : vector<16xi1>
    %sub3A_505 = arith.constant 1 : i32
    %sub3A_506 = vector.broadcast %sub3A_505 : i32 to vector<16xi32>
    %sub3A_507 = arith.subi %div3A_480, %sub3A_506 : vector<16xi32>
    %select_n3A_508 = arith.select %and3A_504, %sub3A_507, %div3A_480 : vector<16xi1>, vector<16xi32>
    %min3A_509 = arith.constant 6263 : i32
    %min3A_510 = vector.broadcast %min3A_509 : i32 to vector<16xi32>
    %min3A_511 = arith.minsi %select_n3A_508, %min3A_510 : vector<16xi32>
    %gather3A_512 = tpu.vector_load_idx %arg6[%min3A_511] : memref<6264xi32, #tpu.memory_space<vmem>>[vector<16xi32>], vector<16xi32>,
    %lt3A_513 = arith.cmpi slt, %select_n3A_475, %select_n3A_476 : vector<16xi32>
    %lt3A_514 = arith.cmpi slt, %gather3A_512, %add3A_47 : vector<16xi32>
    %and3A_515 = arith.andi %lt3A_514, %lt3A_513 : vector<16xi1>
    %lt3A_516 = arith.cmpi slt, %gather3A_512, %add3A_47 : vector<16xi32>
    %not3A_517 = arith.constant dense<true> : vector<16xi1>
    %not3A_518 = arith.xori %lt3A_516, %not3A_517 : vector<16xi1>
    %and3A_519 = arith.andi %not3A_518, %lt3A_513 : vector<16xi1>
    %add3A_520 = arith.constant 1 : i32
    %add3A_521 = vector.broadcast %add3A_520 : i32 to vector<16xi32>
    %add3A_522 = arith.addi %select_n3A_508, %add3A_521 : vector<16xi32>
    %select_n3A_523 = arith.select %and3A_515, %add3A_522, %select_n3A_475 : vector<16xi1>, vector<16xi32>
    %select_n3A_524 = arith.select %and3A_519, %select_n3A_508, %select_n3A_476 : vector<16xi1>, vector<16xi32>
    %add3A_525 = arith.addi %select_n3A_523, %select_n3A_524 : vector<16xi32>
    %jit3A_526 = arith.constant 2 : i32
    %div3A_527 = vector.broadcast %jit3A_526 : i32 to vector<16xi32>
    %div3A_528 = arith.divsi %add3A_525, %div3A_527 : vector<16xi32>
    %sign3A_529 = arith.constant 0 : i32
    %sign3A_530 = vector.broadcast %sign3A_529 : i32 to vector<16xi32>
    %sign3A_531 = arith.cmpi sgt, %add3A_525, %sign3A_530 : vector<16xi32>
    %sign3A_532 = arith.extui %sign3A_531 : vector<16xi1> to vector<16xi32>
    %sign3A_533 = arith.constant 0 : i32
    %sign3A_534 = vector.broadcast %sign3A_533 : i32 to vector<16xi32>
    %sign3A_535 = arith.cmpi slt, %add3A_525, %sign3A_534 : vector<16xi32>
    %sign3A_536 = arith.extui %sign3A_535 : vector<16xi1> to vector<16xi32>
    %sign3A_537 = arith.subi %sign3A_532, %sign3A_536 : vector<16xi32>
    %sign3A_538 = arith.constant 0 : i32
    %sign3A_539 = arith.cmpi sgt, %jit3A_526, %sign3A_538 : i32
    %sign3A_540 = arith.extui %sign3A_539 : i1 to i32
    %sign3A_541 = arith.constant 0 : i32
    %sign3A_542 = arith.cmpi slt, %jit3A_526, %sign3A_541 : i32
    %sign3A_543 = arith.extui %sign3A_542 : i1 to i32
    %sign3A_544 = arith.subi %sign3A_540, %sign3A_543 : i32
    %ne3A_545 = vector.broadcast %sign3A_544 : i32 to vector<16xi32>
    %ne3A_546 = arith.cmpi ne, %sign3A_537, %ne3A_545 : vector<16xi32>
    %rem3A_547 = vector.broadcast %jit3A_526 : i32 to vector<16xi32>
    %rem3A_548 = arith.remsi %add3A_525, %rem3A_547 : vector<16xi32>
    %ne3A_549 = arith.constant 0 : i32
    %ne3A_550 = vector.broadcast %ne3A_549 : i32 to vector<16xi32>
    %ne3A_551 = arith.cmpi ne, %rem3A_548, %ne3A_550 : vector<16xi32>
    %and3A_552 = arith.andi %ne3A_546, %ne3A_551 : vector<16xi1>
    %sub3A_553 = arith.constant 1 : i32
    %sub3A_554 = vector.broadcast %sub3A_553 : i32 to vector<16xi32>
    %sub3A_555 = arith.subi %div3A_528, %sub3A_554 : vector<16xi32>
    %select_n3A_556 = arith.select %and3A_552, %sub3A_555, %div3A_528 : vector<16xi1>, vector<16xi32>
    %min3A_557 = arith.constant 6263 : i32
    %min3A_558 = vector.broadcast %min3A_557 : i32 to vector<16xi32>
    %min3A_559 = arith.minsi %select_n3A_556, %min3A_558 : vector<16xi32>
    %gather3A_560 = tpu.vector_load_idx %arg6[%min3A_559] : memref<6264xi32, #tpu.memory_space<vmem>>[vector<16xi32>], vector<16xi32>,
    %lt3A_561 = arith.cmpi slt, %select_n3A_523, %select_n3A_524 : vector<16xi32>
    %lt3A_562 = arith.cmpi slt, %gather3A_560, %add3A_47 : vector<16xi32>
    %and3A_563 = arith.andi %lt3A_562, %lt3A_561 : vector<16xi1>
    %lt3A_564 = arith.cmpi slt, %gather3A_560, %add3A_47 : vector<16xi32>
    %not3A_565 = arith.constant dense<true> : vector<16xi1>
    %not3A_566 = arith.xori %lt3A_564, %not3A_565 : vector<16xi1>
    %and3A_567 = arith.andi %not3A_566, %lt3A_561 : vector<16xi1>
    %add3A_568 = arith.constant 1 : i32
    %add3A_569 = vector.broadcast %add3A_568 : i32 to vector<16xi32>
    %add3A_570 = arith.addi %select_n3A_556, %add3A_569 : vector<16xi32>
    %select_n3A_571 = arith.select %and3A_563, %add3A_570, %select_n3A_523 : vector<16xi1>, vector<16xi32>
    %select_n3A_572 = arith.select %and3A_567, %select_n3A_556, %select_n3A_524 : vector<16xi1>, vector<16xi32>
    %add3A_573 = arith.addi %select_n3A_571, %select_n3A_572 : vector<16xi32>
    %jit3A_574 = arith.constant 2 : i32
    %div3A_575 = vector.broadcast %jit3A_574 : i32 to vector<16xi32>
    %div3A_576 = arith.divsi %add3A_573, %div3A_575 : vector<16xi32>
    %sign3A_577 = arith.constant 0 : i32
    %sign3A_578 = vector.broadcast %sign3A_577 : i32 to vector<16xi32>
    %sign3A_579 = arith.cmpi sgt, %add3A_573, %sign3A_578 : vector<16xi32>
    %sign3A_580 = arith.extui %sign3A_579 : vector<16xi1> to vector<16xi32>
    %sign3A_581 = arith.constant 0 : i32
    %sign3A_582 = vector.broadcast %sign3A_581 : i32 to vector<16xi32>
    %sign3A_583 = arith.cmpi slt, %add3A_573, %sign3A_582 : vector<16xi32>
    %sign3A_584 = arith.extui %sign3A_583 : vector<16xi1> to vector<16xi32>
    %sign3A_585 = arith.subi %sign3A_580, %sign3A_584 : vector<16xi32>
    %sign3A_586 = arith.constant 0 : i32
    %sign3A_587 = arith.cmpi sgt, %jit3A_574, %sign3A_586 : i32
    %sign3A_588 = arith.extui %sign3A_587 : i1 to i32
    %sign3A_589 = arith.constant 0 : i32
    %sign3A_590 = arith.cmpi slt, %jit3A_574, %sign3A_589 : i32
    %sign3A_591 = arith.extui %sign3A_590 : i1 to i32
    %sign3A_592 = arith.subi %sign3A_588, %sign3A_591 : i32
    %ne3A_593 = vector.broadcast %sign3A_592 : i32 to vector<16xi32>
    %ne3A_594 = arith.cmpi ne, %sign3A_585, %ne3A_593 : vector<16xi32>
    %rem3A_595 = vector.broadcast %jit3A_574 : i32 to vector<16xi32>
    %rem3A_596 = arith.remsi %add3A_573, %rem3A_595 : vector<16xi32>
    %ne3A_597 = arith.constant 0 : i32
    %ne3A_598 = vector.broadcast %ne3A_597 : i32 to vector<16xi32>
    %ne3A_599 = arith.cmpi ne, %rem3A_596, %ne3A_598 : vector<16xi32>
    %and3A_600 = arith.andi %ne3A_594, %ne3A_599 : vector<16xi1>
    %sub3A_601 = arith.constant 1 : i32
    %sub3A_602 = vector.broadcast %sub3A_601 : i32 to vector<16xi32>
    %sub3A_603 = arith.subi %div3A_576, %sub3A_602 : vector<16xi32>
    %select_n3A_604 = arith.select %and3A_600, %sub3A_603, %div3A_576 : vector<16xi1>, vector<16xi32>
    %min3A_605 = arith.constant 6263 : i32
    %min3A_606 = vector.broadcast %min3A_605 : i32 to vector<16xi32>
    %min3A_607 = arith.minsi %select_n3A_604, %min3A_606 : vector<16xi32>
    %gather3A_608 = tpu.vector_load_idx %arg6[%min3A_607] : memref<6264xi32, #tpu.memory_space<vmem>>[vector<16xi32>], vector<16xi32>,
    %lt3A_609 = arith.cmpi slt, %select_n3A_571, %select_n3A_572 : vector<16xi32>
    %lt3A_610 = arith.cmpi slt, %gather3A_608, %add3A_47 : vector<16xi32>
    %and3A_611 = arith.andi %lt3A_610, %lt3A_609 : vector<16xi1>
    %lt3A_612 = arith.cmpi slt, %gather3A_608, %add3A_47 : vector<16xi32>
    %not3A_613 = arith.constant dense<true> : vector<16xi1>
    %not3A_614 = arith.xori %lt3A_612, %not3A_613 : vector<16xi1>
    %and3A_615 = arith.andi %not3A_614, %lt3A_609 : vector<16xi1>
    %add3A_616 = arith.constant 1 : i32
    %add3A_617 = vector.broadcast %add3A_616 : i32 to vector<16xi32>
    %add3A_618 = arith.addi %select_n3A_604, %add3A_617 : vector<16xi32>
    %select_n3A_619 = arith.select %and3A_611, %add3A_618, %select_n3A_571 : vector<16xi1>, vector<16xi32>
    %select_n3A_620 = arith.select %and3A_615, %select_n3A_604, %select_n3A_572 : vector<16xi1>, vector<16xi32>
    %add3A_621 = arith.addi %select_n3A_619, %select_n3A_620 : vector<16xi32>
    %jit3A_622 = arith.constant 2 : i32
    %div3A_623 = vector.broadcast %jit3A_622 : i32 to vector<16xi32>
    %div3A_624 = arith.divsi %add3A_621, %div3A_623 : vector<16xi32>
    %sign3A_625 = arith.constant 0 : i32
    %sign3A_626 = vector.broadcast %sign3A_625 : i32 to vector<16xi32>
    %sign3A_627 = arith.cmpi sgt, %add3A_621, %sign3A_626 : vector<16xi32>
    %sign3A_628 = arith.extui %sign3A_627 : vector<16xi1> to vector<16xi32>
    %sign3A_629 = arith.constant 0 : i32
    %sign3A_630 = vector.broadcast %sign3A_629 : i32 to vector<16xi32>
    %sign3A_631 = arith.cmpi slt, %add3A_621, %sign3A_630 : vector<16xi32>
    %sign3A_632 = arith.extui %sign3A_631 : vector<16xi1> to vector<16xi32>
    %sign3A_633 = arith.subi %sign3A_628, %sign3A_632 : vector<16xi32>
    %sign3A_634 = arith.constant 0 : i32
    %sign3A_635 = arith.cmpi sgt, %jit3A_622, %sign3A_634 : i32
    %sign3A_636 = arith.extui %sign3A_635 : i1 to i32
    %sign3A_637 = arith.constant 0 : i32
    %sign3A_638 = arith.cmpi slt, %jit3A_622, %sign3A_637 : i32
    %sign3A_639 = arith.extui %sign3A_638 : i1 to i32
    %sign3A_640 = arith.subi %sign3A_636, %sign3A_639 : i32
    %ne3A_641 = vector.broadcast %sign3A_640 : i32 to vector<16xi32>
    %ne3A_642 = arith.cmpi ne, %sign3A_633, %ne3A_641 : vector<16xi32>
    %rem3A_643 = vector.broadcast %jit3A_622 : i32 to vector<16xi32>
    %rem3A_644 = arith.remsi %add3A_621, %rem3A_643 : vector<16xi32>
    %ne3A_645 = arith.constant 0 : i32
    %ne3A_646 = vector.broadcast %ne3A_645 : i32 to vector<16xi32>
    %ne3A_647 = arith.cmpi ne, %rem3A_644, %ne3A_646 : vector<16xi32>
    %and3A_648 = arith.andi %ne3A_642, %ne3A_647 : vector<16xi1>
    %sub3A_649 = arith.constant 1 : i32
    %sub3A_650 = vector.broadcast %sub3A_649 : i32 to vector<16xi32>
    %sub3A_651 = arith.subi %div3A_624, %sub3A_650 : vector<16xi32>
    %select_n3A_652 = arith.select %and3A_648, %sub3A_651, %div3A_624 : vector<16xi1>, vector<16xi32>
    %min3A_653 = arith.constant 6263 : i32
    %min3A_654 = vector.broadcast %min3A_653 : i32 to vector<16xi32>
    %min3A_655 = arith.minsi %select_n3A_652, %min3A_654 : vector<16xi32>
    %gather3A_656 = tpu.vector_load_idx %arg6[%min3A_655] : memref<6264xi32, #tpu.memory_space<vmem>>[vector<16xi32>], vector<16xi32>,
    %lt3A_657 = arith.cmpi slt, %select_n3A_619, %select_n3A_620 : vector<16xi32>
    %lt3A_658 = arith.cmpi slt, %gather3A_656, %add3A_47 : vector<16xi32>
    %and3A_659 = arith.andi %lt3A_658, %lt3A_657 : vector<16xi1>
    %lt3A_660 = arith.cmpi slt, %gather3A_656, %add3A_47 : vector<16xi32>
    %not3A_661 = arith.constant dense<true> : vector<16xi1>
    %not3A_662 = arith.xori %lt3A_660, %not3A_661 : vector<16xi1>
    %and3A_663 = arith.andi %not3A_662, %lt3A_657 : vector<16xi1>
    %add3A_664 = arith.constant 1 : i32
    %add3A_665 = vector.broadcast %add3A_664 : i32 to vector<16xi32>
    %add3A_666 = arith.addi %select_n3A_652, %add3A_665 : vector<16xi32>
    %select_n3A_667 = arith.select %and3A_659, %add3A_666, %select_n3A_619 : vector<16xi1>, vector<16xi32>
    %select_n3A_668 = arith.select %and3A_663, %select_n3A_652, %select_n3A_620 : vector<16xi1>, vector<16xi32>
    %add3A_669 = arith.addi %select_n3A_667, %select_n3A_668 : vector<16xi32>
    %jit3A_670 = arith.constant 2 : i32
    %div3A_671 = vector.broadcast %jit3A_670 : i32 to vector<16xi32>
    %div3A_672 = arith.divsi %add3A_669, %div3A_671 : vector<16xi32>
    %sign3A_673 = arith.constant 0 : i32
    %sign3A_674 = vector.broadcast %sign3A_673 : i32 to vector<16xi32>
    %sign3A_675 = arith.cmpi sgt, %add3A_669, %sign3A_674 : vector<16xi32>
    %sign3A_676 = arith.extui %sign3A_675 : vector<16xi1> to vector<16xi32>
    %sign3A_677 = arith.constant 0 : i32
    %sign3A_678 = vector.broadcast %sign3A_677 : i32 to vector<16xi32>
    %sign3A_679 = arith.cmpi slt, %add3A_669, %sign3A_678 : vector<16xi32>
    %sign3A_680 = arith.extui %sign3A_679 : vector<16xi1> to vector<16xi32>
    %sign3A_681 = arith.subi %sign3A_676, %sign3A_680 : vector<16xi32>
    %sign3A_682 = arith.constant 0 : i32
    %sign3A_683 = arith.cmpi sgt, %jit3A_670, %sign3A_682 : i32
    %sign3A_684 = arith.extui %sign3A_683 : i1 to i32
    %sign3A_685 = arith.constant 0 : i32
    %sign3A_686 = arith.cmpi slt, %jit3A_670, %sign3A_685 : i32
    %sign3A_687 = arith.extui %sign3A_686 : i1 to i32
    %sign3A_688 = arith.subi %sign3A_684, %sign3A_687 : i32
    %ne3A_689 = vector.broadcast %sign3A_688 : i32 to vector<16xi32>
    %ne3A_690 = arith.cmpi ne, %sign3A_681, %ne3A_689 : vector<16xi32>
    %rem3A_691 = vector.broadcast %jit3A_670 : i32 to vector<16xi32>
    %rem3A_692 = arith.remsi %add3A_669, %rem3A_691 : vector<16xi32>
    %ne3A_693 = arith.constant 0 : i32
    %ne3A_694 = vector.broadcast %ne3A_693 : i32 to vector<16xi32>
    %ne3A_695 = arith.cmpi ne, %rem3A_692, %ne3A_694 : vector<16xi32>
    %and3A_696 = arith.andi %ne3A_690, %ne3A_695 : vector<16xi1>
    %sub3A_697 = arith.constant 1 : i32
    %sub3A_698 = vector.broadcast %sub3A_697 : i32 to vector<16xi32>
    %sub3A_699 = arith.subi %div3A_672, %sub3A_698 : vector<16xi32>
    %select_n3A_700 = arith.select %and3A_696, %sub3A_699, %div3A_672 : vector<16xi1>, vector<16xi32>
    %min3A_701 = arith.constant 6263 : i32
    %min3A_702 = vector.broadcast %min3A_701 : i32 to vector<16xi32>
    %min3A_703 = arith.minsi %select_n3A_700, %min3A_702 : vector<16xi32>
    %gather3A_704 = tpu.vector_load_idx %arg6[%min3A_703] : memref<6264xi32, #tpu.memory_space<vmem>>[vector<16xi32>], vector<16xi32>,
    %lt3A_705 = arith.cmpi slt, %select_n3A_667, %select_n3A_668 : vector<16xi32>
    %lt3A_706 = arith.cmpi slt, %gather3A_704, %add3A_47 : vector<16xi32>
    %and3A_707 = arith.andi %lt3A_706, %lt3A_705 : vector<16xi1>
    %lt3A_708 = arith.cmpi slt, %gather3A_704, %add3A_47 : vector<16xi32>
    %not3A_709 = arith.constant dense<true> : vector<16xi1>
    %not3A_710 = arith.xori %lt3A_708, %not3A_709 : vector<16xi1>
    %and3A_711 = arith.andi %not3A_710, %lt3A_705 : vector<16xi1>
    %add3A_712 = arith.constant 1 : i32
    %add3A_713 = vector.broadcast %add3A_712 : i32 to vector<16xi32>
    %add3A_714 = arith.addi %select_n3A_700, %add3A_713 : vector<16xi32>
    %select_n3A_715 = arith.select %and3A_707, %add3A_714, %select_n3A_667 : vector<16xi1>, vector<16xi32>
    %select_n3A_716 = arith.select %and3A_711, %select_n3A_700, %select_n3A_668 : vector<16xi1>, vector<16xi32>
    %sub3A_717 = arith.subi %select_n3A_715, %broadcast_in_dim3A : vector<16xi32>
    %swap3A = arith.constant 0 : index
    %swap3A_718 = tpu.vector_load %arg7[%swap3A] {strides = array<i32>} : memref<64xi32, #tpu.memory_space<vmem>>, vector<16xi32>,
    tpu.vector_store %arg7[%swap3A], %sub3A_717 {strides = array<i32>} : memref<64xi32, #tpu.memory_space<vmem>>, vector<16xi32>,
    %add3A_719 = arith.constant 16 : i32
    %add3A_720 = vector.broadcast %add3A_719 : i32 to vector<16xi32>
    %add3A_721 = arith.addi %iota3A, %add3A_720 : vector<16xi32>
    %add3A_722 = arith.addi %broadcast_in_dim3A, %broadcast_in_dim3A_44 : vector<16xi32>
    %jit3A_723 = arith.constant 2 : i32
    %div3A_724 = vector.broadcast %jit3A_723 : i32 to vector<16xi32>
    %div3A_725 = arith.divsi %add3A_722, %div3A_724 : vector<16xi32>
    %sign3A_726 = arith.constant 0 : i32
    %sign3A_727 = vector.broadcast %sign3A_726 : i32 to vector<16xi32>
    %sign3A_728 = arith.cmpi sgt, %add3A_722, %sign3A_727 : vector<16xi32>
    %sign3A_729 = arith.extui %sign3A_728 : vector<16xi1> to vector<16xi32>
    %sign3A_730 = arith.constant 0 : i32
    %sign3A_731 = vector.broadcast %sign3A_730 : i32 to vector<16xi32>
    %sign3A_732 = arith.cmpi slt, %add3A_722, %sign3A_731 : vector<16xi32>
    %sign3A_733 = arith.extui %sign3A_732 : vector<16xi1> to vector<16xi32>
    %sign3A_734 = arith.subi %sign3A_729, %sign3A_733 : vector<16xi32>
    %sign3A_735 = arith.constant 0 : i32
    %sign3A_736 = arith.cmpi sgt, %jit3A_723, %sign3A_735 : i32
    %sign3A_737 = arith.extui %sign3A_736 : i1 to i32
    %sign3A_738 = arith.constant 0 : i32
    %sign3A_739 = arith.cmpi slt, %jit3A_723, %sign3A_738 : i32
    %sign3A_740 = arith.extui %sign3A_739 : i1 to i32
    %sign3A_741 = arith.subi %sign3A_737, %sign3A_740 : i32
    %ne3A_742 = vector.broadcast %sign3A_741 : i32 to vector<16xi32>
    %ne3A_743 = arith.cmpi ne, %sign3A_734, %ne3A_742 : vector<16xi32>
    %rem3A_744 = vector.broadcast %jit3A_723 : i32 to vector<16xi32>
    %rem3A_745 = arith.remsi %add3A_722, %rem3A_744 : vector<16xi32>
    %ne3A_746 = arith.constant 0 : i32
    %ne3A_747 = vector.broadcast %ne3A_746 : i32 to vector<16xi32>
    %ne3A_748 = arith.cmpi ne, %rem3A_745, %ne3A_747 : vector<16xi32>
    %and3A_749 = arith.andi %ne3A_743, %ne3A_748 : vector<16xi1>
    %sub3A_750 = arith.constant 1 : i32
    %sub3A_751 = vector.broadcast %sub3A_750 : i32 to vector<16xi32>
    %sub3A_752 = arith.subi %div3A_725, %sub3A_751 : vector<16xi32>
    %select_n3A_753 = arith.select %and3A_749, %sub3A_752, %div3A_725 : vector<16xi1>, vector<16xi32>
    %min3A_754 = arith.constant 6263 : i32
    %min3A_755 = vector.broadcast %min3A_754 : i32 to vector<16xi32>
    %min3A_756 = arith.minsi %select_n3A_753, %min3A_755 : vector<16xi32>
    %gather3A_757 = tpu.vector_load_idx %arg6[%min3A_756] : memref<6264xi32, #tpu.memory_space<vmem>>[vector<16xi32>], vector<16xi32>,
    %lt3A_758 = arith.cmpi slt, %broadcast_in_dim3A, %broadcast_in_dim3A_44 : vector<16xi32>
    %lt3A_759 = arith.cmpi slt, %gather3A_757, %add3A_721 : vector<16xi32>
    %and3A_760 = arith.andi %lt3A_759, %lt3A_758 : vector<16xi1>
    %lt3A_761 = arith.cmpi slt, %gather3A_757, %add3A_721 : vector<16xi32>
    %not3A_762 = arith.constant dense<true> : vector<16xi1>
    %not3A_763 = arith.xori %lt3A_761, %not3A_762 : vector<16xi1>
    %and3A_764 = arith.andi %not3A_763, %lt3A_758 : vector<16xi1>
    %add3A_765 = arith.constant 1 : i32
    %add3A_766 = vector.broadcast %add3A_765 : i32 to vector<16xi32>
    %add3A_767 = arith.addi %select_n3A_753, %add3A_766 : vector<16xi32>
    %select_n3A_768 = arith.select %and3A_760, %add3A_767, %broadcast_in_dim3A : vector<16xi1>, vector<16xi32>
    %select_n3A_769 = arith.select %and3A_764, %select_n3A_753, %broadcast_in_dim3A_44 : vector<16xi1>, vector<16xi32>
    %add3A_770 = arith.addi %select_n3A_768, %select_n3A_769 : vector<16xi32>
    %jit3A_771 = arith.constant 2 : i32
    %div3A_772 = vector.broadcast %jit3A_771 : i32 to vector<16xi32>
    %div3A_773 = arith.divsi %add3A_770, %div3A_772 : vector<16xi32>
    %sign3A_774 = arith.constant 0 : i32
    %sign3A_775 = vector.broadcast %sign3A_774 : i32 to vector<16xi32>
    %sign3A_776 = arith.cmpi sgt, %add3A_770, %sign3A_775 : vector<16xi32>
    %sign3A_777 = arith.extui %sign3A_776 : vector<16xi1> to vector<16xi32>
    %sign3A_778 = arith.constant 0 : i32
    %sign3A_779 = vector.broadcast %sign3A_778 : i32 to vector<16xi32>
    %sign3A_780 = arith.cmpi slt, %add3A_770, %sign3A_779 : vector<16xi32>
    %sign3A_781 = arith.extui %sign3A_780 : vector<16xi1> to vector<16xi32>
    %sign3A_782 = arith.subi %sign3A_777, %sign3A_781 : vector<16xi32>
    %sign3A_783 = arith.constant 0 : i32
    %sign3A_784 = arith.cmpi sgt, %jit3A_771, %sign3A_783 : i32
    %sign3A_785 = arith.extui %sign3A_784 : i1 to i32
    %sign3A_786 = arith.constant 0 : i32
    %sign3A_787 = arith.cmpi slt, %jit3A_771, %sign3A_786 : i32
    %sign3A_788 = arith.extui %sign3A_787 : i1 to i32
    %sign3A_789 = arith.subi %sign3A_785, %sign3A_788 : i32
    %ne3A_790 = vector.broadcast %sign3A_789 : i32 to vector<16xi32>
    %ne3A_791 = arith.cmpi ne, %sign3A_782, %ne3A_790 : vector<16xi32>
    %rem3A_792 = vector.broadcast %jit3A_771 : i32 to vector<16xi32>
    %rem3A_793 = arith.remsi %add3A_770, %rem3A_792 : vector<16xi32>
    %ne3A_794 = arith.constant 0 : i32
    %ne3A_795 = vector.broadcast %ne3A_794 : i32 to vector<16xi32>
    %ne3A_796 = arith.cmpi ne, %rem3A_793, %ne3A_795 : vector<16xi32>
    %and3A_797 = arith.andi %ne3A_791, %ne3A_796 : vector<16xi1>
    %sub3A_798 = arith.constant 1 : i32
    %sub3A_799 = vector.broadcast %sub3A_798 : i32 to vector<16xi32>
    %sub3A_800 = arith.subi %div3A_773, %sub3A_799 : vector<16xi32>
    %select_n3A_801 = arith.select %and3A_797, %sub3A_800, %div3A_773 : vector<16xi1>, vector<16xi32>
    %min3A_802 = arith.constant 6263 : i32
    %min3A_803 = vector.broadcast %min3A_802 : i32 to vector<16xi32>
    %min3A_804 = arith.minsi %select_n3A_801, %min3A_803 : vector<16xi32>
    %gather3A_805 = tpu.vector_load_idx %arg6[%min3A_804] : memref<6264xi32, #tpu.memory_space<vmem>>[vector<16xi32>], vector<16xi32>,
    %lt3A_806 = arith.cmpi slt, %select_n3A_768, %select_n3A_769 : vector<16xi32>
    %lt3A_807 = arith.cmpi slt, %gather3A_805, %add3A_721 : vector<16xi32>
    %and3A_808 = arith.andi %lt3A_807, %lt3A_806 : vector<16xi1>
    %lt3A_809 = arith.cmpi slt, %gather3A_805, %add3A_721 : vector<16xi32>
    %not3A_810 = arith.constant dense<true> : vector<16xi1>
    %not3A_811 = arith.xori %lt3A_809, %not3A_810 : vector<16xi1>
    %and3A_812 = arith.andi %not3A_811, %lt3A_806 : vector<16xi1>
    %add3A_813 = arith.constant 1 : i32
    %add3A_814 = vector.broadcast %add3A_813 : i32 to vector<16xi32>
    %add3A_815 = arith.addi %select_n3A_801, %add3A_814 : vector<16xi32>
    %select_n3A_816 = arith.select %and3A_808, %add3A_815, %select_n3A_768 : vector<16xi1>, vector<16xi32>
    %select_n3A_817 = arith.select %and3A_812, %select_n3A_801, %select_n3A_769 : vector<16xi1>, vector<16xi32>
    %add3A_818 = arith.addi %select_n3A_816, %select_n3A_817 : vector<16xi32>
    %jit3A_819 = arith.constant 2 : i32
    %div3A_820 = vector.broadcast %jit3A_819 : i32 to vector<16xi32>
    %div3A_821 = arith.divsi %add3A_818, %div3A_820 : vector<16xi32>
    %sign3A_822 = arith.constant 0 : i32
    %sign3A_823 = vector.broadcast %sign3A_822 : i32 to vector<16xi32>
    %sign3A_824 = arith.cmpi sgt, %add3A_818, %sign3A_823 : vector<16xi32>
    %sign3A_825 = arith.extui %sign3A_824 : vector<16xi1> to vector<16xi32>
    %sign3A_826 = arith.constant 0 : i32
    %sign3A_827 = vector.broadcast %sign3A_826 : i32 to vector<16xi32>
    %sign3A_828 = arith.cmpi slt, %add3A_818, %sign3A_827 : vector<16xi32>
    %sign3A_829 = arith.extui %sign3A_828 : vector<16xi1> to vector<16xi32>
    %sign3A_830 = arith.subi %sign3A_825, %sign3A_829 : vector<16xi32>
    %sign3A_831 = arith.constant 0 : i32
    %sign3A_832 = arith.cmpi sgt, %jit3A_819, %sign3A_831 : i32
    %sign3A_833 = arith.extui %sign3A_832 : i1 to i32
    %sign3A_834 = arith.constant 0 : i32
    %sign3A_835 = arith.cmpi slt, %jit3A_819, %sign3A_834 : i32
    %sign3A_836 = arith.extui %sign3A_835 : i1 to i32
    %sign3A_837 = arith.subi %sign3A_833, %sign3A_836 : i32
    %ne3A_838 = vector.broadcast %sign3A_837 : i32 to vector<16xi32>
    %ne3A_839 = arith.cmpi ne, %sign3A_830, %ne3A_838 : vector<16xi32>
    %rem3A_840 = vector.broadcast %jit3A_819 : i32 to vector<16xi32>
    %rem3A_841 = arith.remsi %add3A_818, %rem3A_840 : vector<16xi32>
    %ne3A_842 = arith.constant 0 : i32
    %ne3A_843 = vector.broadcast %ne3A_842 : i32 to vector<16xi32>
    %ne3A_844 = arith.cmpi ne, %rem3A_841, %ne3A_843 : vector<16xi32>
    %and3A_845 = arith.andi %ne3A_839, %ne3A_844 : vector<16xi1>
    %sub3A_846 = arith.constant 1 : i32
    %sub3A_847 = vector.broadcast %sub3A_846 : i32 to vector<16xi32>
    %sub3A_848 = arith.subi %div3A_821, %sub3A_847 : vector<16xi32>
    %select_n3A_849 = arith.select %and3A_845, %sub3A_848, %div3A_821 : vector<16xi1>, vector<16xi32>
    %min3A_850 = arith.constant 6263 : i32
    %min3A_851 = vector.broadcast %min3A_850 : i32 to vector<16xi32>
    %min3A_852 = arith.minsi %select_n3A_849, %min3A_851 : vector<16xi32>
    %gather3A_853 = tpu.vector_load_idx %arg6[%min3A_852] : memref<6264xi32, #tpu.memory_space<vmem>>[vector<16xi32>], vector<16xi32>,
    %lt3A_854 = arith.cmpi slt, %select_n3A_816, %select_n3A_817 : vector<16xi32>
    %lt3A_855 = arith.cmpi slt, %gather3A_853, %add3A_721 : vector<16xi32>
    %and3A_856 = arith.andi %lt3A_855, %lt3A_854 : vector<16xi1>
    %lt3A_857 = arith.cmpi slt, %gather3A_853, %add3A_721 : vector<16xi32>
    %not3A_858 = arith.constant dense<true> : vector<16xi1>
    %not3A_859 = arith.xori %lt3A_857, %not3A_858 : vector<16xi1>
    %and3A_860 = arith.andi %not3A_859, %lt3A_854 : vector<16xi1>
    %add3A_861 = arith.constant 1 : i32
    %add3A_862 = vector.broadcast %add3A_861 : i32 to vector<16xi32>
    %add3A_863 = arith.addi %select_n3A_849, %add3A_862 : vector<16xi32>
    %select_n3A_864 = arith.select %and3A_856, %add3A_863, %select_n3A_816 : vector<16xi1>, vector<16xi32>
    %select_n3A_865 = arith.select %and3A_860, %select_n3A_849, %select_n3A_817 : vector<16xi1>, vector<16xi32>
    %add3A_866 = arith.addi %select_n3A_864, %select_n3A_865 : vector<16xi32>
    %jit3A_867 = arith.constant 2 : i32
    %div3A_868 = vector.broadcast %jit3A_867 : i32 to vector<16xi32>
    %div3A_869 = arith.divsi %add3A_866, %div3A_868 : vector<16xi32>
    %sign3A_870 = arith.constant 0 : i32
    %sign3A_871 = vector.broadcast %sign3A_870 : i32 to vector<16xi32>
    %sign3A_872 = arith.cmpi sgt, %add3A_866, %sign3A_871 : vector<16xi32>
    %sign3A_873 = arith.extui %sign3A_872 : vector<16xi1> to vector<16xi32>
    %sign3A_874 = arith.constant 0 : i32
    %sign3A_875 = vector.broadcast %sign3A_874 : i32 to vector<16xi32>
    %sign3A_876 = arith.cmpi slt, %add3A_866, %sign3A_875 : vector<16xi32>
    %sign3A_877 = arith.extui %sign3A_876 : vector<16xi1> to vector<16xi32>
    %sign3A_878 = arith.subi %sign3A_873, %sign3A_877 : vector<16xi32>
    %sign3A_879 = arith.constant 0 : i32
    %sign3A_880 = arith.cmpi sgt, %jit3A_867, %sign3A_879 : i32
    %sign3A_881 = arith.extui %sign3A_880 : i1 to i32
    %sign3A_882 = arith.constant 0 : i32
    %sign3A_883 = arith.cmpi slt, %jit3A_867, %sign3A_882 : i32
    %sign3A_884 = arith.extui %sign3A_883 : i1 to i32
    %sign3A_885 = arith.subi %sign3A_881, %sign3A_884 : i32
    %ne3A_886 = vector.broadcast %sign3A_885 : i32 to vector<16xi32>
    %ne3A_887 = arith.cmpi ne, %sign3A_878, %ne3A_886 : vector<16xi32>
    %rem3A_888 = vector.broadcast %jit3A_867 : i32 to vector<16xi32>
    %rem3A_889 = arith.remsi %add3A_866, %rem3A_888 : vector<16xi32>
    %ne3A_890 = arith.constant 0 : i32
    %ne3A_891 = vector.broadcast %ne3A_890 : i32 to vector<16xi32>
    %ne3A_892 = arith.cmpi ne, %rem3A_889, %ne3A_891 : vector<16xi32>
    %and3A_893 = arith.andi %ne3A_887, %ne3A_892 : vector<16xi1>
    %sub3A_894 = arith.constant 1 : i32
    %sub3A_895 = vector.broadcast %sub3A_894 : i32 to vector<16xi32>
    %sub3A_896 = arith.subi %div3A_869, %sub3A_895 : vector<16xi32>
    %select_n3A_897 = arith.select %and3A_893, %sub3A_896, %div3A_869 : vector<16xi1>, vector<16xi32>
    %min3A_898 = arith.constant 6263 : i32
    %min3A_899 = vector.broadcast %min3A_898 : i32 to vector<16xi32>
    %min3A_900 = arith.minsi %select_n3A_897, %min3A_899 : vector<16xi32>
    %gather3A_901 = tpu.vector_load_idx %arg6[%min3A_900] : memref<6264xi32, #tpu.memory_space<vmem>>[vector<16xi32>], vector<16xi32>,
    %lt3A_902 = arith.cmpi slt, %select_n3A_864, %select_n3A_865 : vector<16xi32>
    %lt3A_903 = arith.cmpi slt, %gather3A_901, %add3A_721 : vector<16xi32>
    %and3A_904 = arith.andi %lt3A_903, %lt3A_902 : vector<16xi1>
    %lt3A_905 = arith.cmpi slt, %gather3A_901, %add3A_721 : vector<16xi32>
    %not3A_906 = arith.constant dense<true> : vector<16xi1>
    %not3A_907 = arith.xori %lt3A_905, %not3A_906 : vector<16xi1>
    %and3A_908 = arith.andi %not3A_907, %lt3A_902 : vector<16xi1>
    %add3A_909 = arith.constant 1 : i32
    %add3A_910 = vector.broadcast %add3A_909 : i32 to vector<16xi32>
    %add3A_911 = arith.addi %select_n3A_897, %add3A_910 : vector<16xi32>
    %select_n3A_912 = arith.select %and3A_904, %add3A_911, %select_n3A_864 : vector<16xi1>, vector<16xi32>
    %select_n3A_913 = arith.select %and3A_908, %select_n3A_897, %select_n3A_865 : vector<16xi1>, vector<16xi32>
    %add3A_914 = arith.addi %select_n3A_912, %select_n3A_913 : vector<16xi32>
    %jit3A_915 = arith.constant 2 : i32
    %div3A_916 = vector.broadcast %jit3A_915 : i32 to vector<16xi32>
    %div3A_917 = arith.divsi %add3A_914, %div3A_916 : vector<16xi32>
    %sign3A_918 = arith.constant 0 : i32
    %sign3A_919 = vector.broadcast %sign3A_918 : i32 to vector<16xi32>
    %sign3A_920 = arith.cmpi sgt, %add3A_914, %sign3A_919 : vector<16xi32>
    %sign3A_921 = arith.extui %sign3A_920 : vector<16xi1> to vector<16xi32>
    %sign3A_922 = arith.constant 0 : i32
    %sign3A_923 = vector.broadcast %sign3A_922 : i32 to vector<16xi32>
    %sign3A_924 = arith.cmpi slt, %add3A_914, %sign3A_923 : vector<16xi32>
    %sign3A_925 = arith.extui %sign3A_924 : vector<16xi1> to vector<16xi32>
    %sign3A_926 = arith.subi %sign3A_921, %sign3A_925 : vector<16xi32>
    %sign3A_927 = arith.constant 0 : i32
    %sign3A_928 = arith.cmpi sgt, %jit3A_915, %sign3A_927 : i32
    %sign3A_929 = arith.extui %sign3A_928 : i1 to i32
    %sign3A_930 = arith.constant 0 : i32
    %sign3A_931 = arith.cmpi slt, %jit3A_915, %sign3A_930 : i32
    %sign3A_932 = arith.extui %sign3A_931 : i1 to i32
    %sign3A_933 = arith.subi %sign3A_929, %sign3A_932 : i32
    %ne3A_934 = vector.broadcast %sign3A_933 : i32 to vector<16xi32>
    %ne3A_935 = arith.cmpi ne, %sign3A_926, %ne3A_934 : vector<16xi32>
    %rem3A_936 = vector.broadcast %jit3A_915 : i32 to vector<16xi32>
    %rem3A_937 = arith.remsi %add3A_914, %rem3A_936 : vector<16xi32>
    %ne3A_938 = arith.constant 0 : i32
    %ne3A_939 = vector.broadcast %ne3A_938 : i32 to vector<16xi32>
    %ne3A_940 = arith.cmpi ne, %rem3A_937, %ne3A_939 : vector<16xi32>
    %and3A_941 = arith.andi %ne3A_935, %ne3A_940 : vector<16xi1>
    %sub3A_942 = arith.constant 1 : i32
    %sub3A_943 = vector.broadcast %sub3A_942 : i32 to vector<16xi32>
    %sub3A_944 = arith.subi %div3A_917, %sub3A_943 : vector<16xi32>
    %select_n3A_945 = arith.select %and3A_941, %sub3A_944, %div3A_917 : vector<16xi1>, vector<16xi32>
    %min3A_946 = arith.constant 6263 : i32
    %min3A_947 = vector.broadcast %min3A_946 : i32 to vector<16xi32>
    %min3A_948 = arith.minsi %select_n3A_945, %min3A_947 : vector<16xi32>
    %gather3A_949 = tpu.vector_load_idx %arg6[%min3A_948] : memref<6264xi32, #tpu.memory_space<vmem>>[vector<16xi32>], vector<16xi32>,
    %lt3A_950 = arith.cmpi slt, %select_n3A_912, %select_n3A_913 : vector<16xi32>
    %lt3A_951 = arith.cmpi slt, %gather3A_949, %add3A_721 : vector<16xi32>
    %and3A_952 = arith.andi %lt3A_951, %lt3A_950 : vector<16xi1>
    %lt3A_953 = arith.cmpi slt, %gather3A_949, %add3A_721 : vector<16xi32>
    %not3A_954 = arith.constant dense<true> : vector<16xi1>
    %not3A_955 = arith.xori %lt3A_953, %not3A_954 : vector<16xi1>
    %and3A_956 = arith.andi %not3A_955, %lt3A_950 : vector<16xi1>
    %add3A_957 = arith.constant 1 : i32
    %add3A_958 = vector.broadcast %add3A_957 : i32 to vector<16xi32>
    %add3A_959 = arith.addi %select_n3A_945, %add3A_958 : vector<16xi32>
    %select_n3A_960 = arith.select %and3A_952, %add3A_959, %select_n3A_912 : vector<16xi1>, vector<16xi32>
    %select_n3A_961 = arith.select %and3A_956, %select_n3A_945, %select_n3A_913 : vector<16xi1>, vector<16xi32>
    %add3A_962 = arith.addi %select_n3A_960, %select_n3A_961 : vector<16xi32>
    %jit3A_963 = arith.constant 2 : i32
    %div3A_964 = vector.broadcast %jit3A_963 : i32 to vector<16xi32>
    %div3A_965 = arith.divsi %add3A_962, %div3A_964 : vector<16xi32>
    %sign3A_966 = arith.constant 0 : i32
    %sign3A_967 = vector.broadcast %sign3A_966 : i32 to vector<16xi32>
    %sign3A_968 = arith.cmpi sgt, %add3A_962, %sign3A_967 : vector<16xi32>
    %sign3A_969 = arith.extui %sign3A_968 : vector<16xi1> to vector<16xi32>
    %sign3A_970 = arith.constant 0 : i32
    %sign3A_971 = vector.broadcast %sign3A_970 : i32 to vector<16xi32>
    %sign3A_972 = arith.cmpi slt, %add3A_962, %sign3A_971 : vector<16xi32>
    %sign3A_973 = arith.extui %sign3A_972 : vector<16xi1> to vector<16xi32>
    %sign3A_974 = arith.subi %sign3A_969, %sign3A_973 : vector<16xi32>
    %sign3A_975 = arith.constant 0 : i32
    %sign3A_976 = arith.cmpi sgt, %jit3A_963, %sign3A_975 : i32
    %sign3A_977 = arith.extui %sign3A_976 : i1 to i32
    %sign3A_978 = arith.constant 0 : i32
    %sign3A_979 = arith.cmpi slt, %jit3A_963, %sign3A_978 : i32
    %sign3A_980 = arith.extui %sign3A_979 : i1 to i32
    %sign3A_981 = arith.subi %sign3A_977, %sign3A_980 : i32
    %ne3A_982 = vector.broadcast %sign3A_981 : i32 to vector<16xi32>
    %ne3A_983 = arith.cmpi ne, %sign3A_974, %ne3A_982 : vector<16xi32>
    %rem3A_984 = vector.broadcast %jit3A_963 : i32 to vector<16xi32>
    %rem3A_985 = arith.remsi %add3A_962, %rem3A_984 : vector<16xi32>
    %ne3A_986 = arith.constant 0 : i32
    %ne3A_987 = vector.broadcast %ne3A_986 : i32 to vector<16xi32>
    %ne3A_988 = arith.cmpi ne, %rem3A_985, %ne3A_987 : vector<16xi32>
    %and3A_989 = arith.andi %ne3A_983, %ne3A_988 : vector<16xi1>
    %sub3A_990 = arith.constant 1 : i32
    %sub3A_991 = vector.broadcast %sub3A_990 : i32 to vector<16xi32>
    %sub3A_992 = arith.subi %div3A_965, %sub3A_991 : vector<16xi32>
    %select_n3A_993 = arith.select %and3A_989, %sub3A_992, %div3A_965 : vector<16xi1>, vector<16xi32>
    %min3A_994 = arith.constant 6263 : i32
    %min3A_995 = vector.broadcast %min3A_994 : i32 to vector<16xi32>
    %min3A_996 = arith.minsi %select_n3A_993, %min3A_995 : vector<16xi32>
    %gather3A_997 = tpu.vector_load_idx %arg6[%min3A_996] : memref<6264xi32, #tpu.memory_space<vmem>>[vector<16xi32>], vector<16xi32>,
    %lt3A_998 = arith.cmpi slt, %select_n3A_960, %select_n3A_961 : vector<16xi32>
    %lt3A_999 = arith.cmpi slt, %gather3A_997, %add3A_721 : vector<16xi32>
    %and3A_1000 = arith.andi %lt3A_999, %lt3A_998 : vector<16xi1>
    %lt3A_1001 = arith.cmpi slt, %gather3A_997, %add3A_721 : vector<16xi32>
    %not3A_1002 = arith.constant dense<true> : vector<16xi1>
    %not3A_1003 = arith.xori %lt3A_1001, %not3A_1002 : vector<16xi1>
    %and3A_1004 = arith.andi %not3A_1003, %lt3A_998 : vector<16xi1>
    %add3A_1005 = arith.constant 1 : i32
    %add3A_1006 = vector.broadcast %add3A_1005 : i32 to vector<16xi32>
    %add3A_1007 = arith.addi %select_n3A_993, %add3A_1006 : vector<16xi32>
    %select_n3A_1008 = arith.select %and3A_1000, %add3A_1007, %select_n3A_960 : vector<16xi1>, vector<16xi32>
    %select_n3A_1009 = arith.select %and3A_1004, %select_n3A_993, %select_n3A_961 : vector<16xi1>, vector<16xi32>
    %add3A_1010 = arith.addi %select_n3A_1008, %select_n3A_1009 : vector<16xi32>
    %jit3A_1011 = arith.constant 2 : i32
    %div3A_1012 = vector.broadcast %jit3A_1011 : i32 to vector<16xi32>
    %div3A_1013 = arith.divsi %add3A_1010, %div3A_1012 : vector<16xi32>
    %sign3A_1014 = arith.constant 0 : i32
    %sign3A_1015 = vector.broadcast %sign3A_1014 : i32 to vector<16xi32>
    %sign3A_1016 = arith.cmpi sgt, %add3A_1010, %sign3A_1015 : vector<16xi32>
    %sign3A_1017 = arith.extui %sign3A_1016 : vector<16xi1> to vector<16xi32>
    %sign3A_1018 = arith.constant 0 : i32
    %sign3A_1019 = vector.broadcast %sign3A_1018 : i32 to vector<16xi32>
    %sign3A_1020 = arith.cmpi slt, %add3A_1010, %sign3A_1019 : vector<16xi32>
    %sign3A_1021 = arith.extui %sign3A_1020 : vector<16xi1> to vector<16xi32>
    %sign3A_1022 = arith.subi %sign3A_1017, %sign3A_1021 : vector<16xi32>
    %sign3A_1023 = arith.constant 0 : i32
    %sign3A_1024 = arith.cmpi sgt, %jit3A_1011, %sign3A_1023 : i32
    %sign3A_1025 = arith.extui %sign3A_1024 : i1 to i32
    %sign3A_1026 = arith.constant 0 : i32
    %sign3A_1027 = arith.cmpi slt, %jit3A_1011, %sign3A_1026 : i32
    %sign3A_1028 = arith.extui %sign3A_1027 : i1 to i32
    %sign3A_1029 = arith.subi %sign3A_1025, %sign3A_1028 : i32
    %ne3A_1030 = vector.broadcast %sign3A_1029 : i32 to vector<16xi32>
    %ne3A_1031 = arith.cmpi ne, %sign3A_1022, %ne3A_1030 : vector<16xi32>
    %rem3A_1032 = vector.broadcast %jit3A_1011 : i32 to vector<16xi32>
    %rem3A_1033 = arith.remsi %add3A_1010, %rem3A_1032 : vector<16xi32>
    %ne3A_1034 = arith.constant 0 : i32
    %ne3A_1035 = vector.broadcast %ne3A_1034 : i32 to vector<16xi32>
    %ne3A_1036 = arith.cmpi ne, %rem3A_1033, %ne3A_1035 : vector<16xi32>
    %and3A_1037 = arith.andi %ne3A_1031, %ne3A_1036 : vector<16xi1>
    %sub3A_1038 = arith.constant 1 : i32
    %sub3A_1039 = vector.broadcast %sub3A_1038 : i32 to vector<16xi32>
    %sub3A_1040 = arith.subi %div3A_1013, %sub3A_1039 : vector<16xi32>
    %select_n3A_1041 = arith.select %and3A_1037, %sub3A_1040, %div3A_1013 : vector<16xi1>, vector<16xi32>
    %min3A_1042 = arith.constant 6263 : i32
    %min3A_1043 = vector.broadcast %min3A_1042 : i32 to vector<16xi32>
    %min3A_1044 = arith.minsi %select_n3A_1041, %min3A_1043 : vector<16xi32>
    %gather3A_1045 = tpu.vector_load_idx %arg6[%min3A_1044] : memref<6264xi32, #tpu.memory_space<vmem>>[vector<16xi32>], vector<16xi32>,
    %lt3A_1046 = arith.cmpi slt, %select_n3A_1008, %select_n3A_1009 : vector<16xi32>
    %lt3A_1047 = arith.cmpi slt, %gather3A_1045, %add3A_721 : vector<16xi32>
    %and3A_1048 = arith.andi %lt3A_1047, %lt3A_1046 : vector<16xi1>
    %lt3A_1049 = arith.cmpi slt, %gather3A_1045, %add3A_721 : vector<16xi32>
    %not3A_1050 = arith.constant dense<true> : vector<16xi1>
    %not3A_1051 = arith.xori %lt3A_1049, %not3A_1050 : vector<16xi1>
    %and3A_1052 = arith.andi %not3A_1051, %lt3A_1046 : vector<16xi1>
    %add3A_1053 = arith.constant 1 : i32
    %add3A_1054 = vector.broadcast %add3A_1053 : i32 to vector<16xi32>
    %add3A_1055 = arith.addi %select_n3A_1041, %add3A_1054 : vector<16xi32>
    %select_n3A_1056 = arith.select %and3A_1048, %add3A_1055, %select_n3A_1008 : vector<16xi1>, vector<16xi32>
    %select_n3A_1057 = arith.select %and3A_1052, %select_n3A_1041, %select_n3A_1009 : vector<16xi1>, vector<16xi32>
    %add3A_1058 = arith.addi %select_n3A_1056, %select_n3A_1057 : vector<16xi32>
    %jit3A_1059 = arith.constant 2 : i32
    %div3A_1060 = vector.broadcast %jit3A_1059 : i32 to vector<16xi32>
    %div3A_1061 = arith.divsi %add3A_1058, %div3A_1060 : vector<16xi32>
    %sign3A_1062 = arith.constant 0 : i32
    %sign3A_1063 = vector.broadcast %sign3A_1062 : i32 to vector<16xi32>
    %sign3A_1064 = arith.cmpi sgt, %add3A_1058, %sign3A_1063 : vector<16xi32>
    %sign3A_1065 = arith.extui %sign3A_1064 : vector<16xi1> to vector<16xi32>
    %sign3A_1066 = arith.constant 0 : i32
    %sign3A_1067 = vector.broadcast %sign3A_1066 : i32 to vector<16xi32>
    %sign3A_1068 = arith.cmpi slt, %add3A_1058, %sign3A_1067 : vector<16xi32>
    %sign3A_1069 = arith.extui %sign3A_1068 : vector<16xi1> to vector<16xi32>
    %sign3A_1070 = arith.subi %sign3A_1065, %sign3A_1069 : vector<16xi32>
    %sign3A_1071 = arith.constant 0 : i32
    %sign3A_1072 = arith.cmpi sgt, %jit3A_1059, %sign3A_1071 : i32
    %sign3A_1073 = arith.extui %sign3A_1072 : i1 to i32
    %sign3A_1074 = arith.constant 0 : i32
    %sign3A_1075 = arith.cmpi slt, %jit3A_1059, %sign3A_1074 : i32
    %sign3A_1076 = arith.extui %sign3A_1075 : i1 to i32
    %sign3A_1077 = arith.subi %sign3A_1073, %sign3A_1076 : i32
    %ne3A_1078 = vector.broadcast %sign3A_1077 : i32 to vector<16xi32>
    %ne3A_1079 = arith.cmpi ne, %sign3A_1070, %ne3A_1078 : vector<16xi32>
    %rem3A_1080 = vector.broadcast %jit3A_1059 : i32 to vector<16xi32>
    %rem3A_1081 = arith.remsi %add3A_1058, %rem3A_1080 : vector<16xi32>
    %ne3A_1082 = arith.constant 0 : i32
    %ne3A_1083 = vector.broadcast %ne3A_1082 : i32 to vector<16xi32>
    %ne3A_1084 = arith.cmpi ne, %rem3A_1081, %ne3A_1083 : vector<16xi32>
    %and3A_1085 = arith.andi %ne3A_1079, %ne3A_1084 : vector<16xi1>
    %sub3A_1086 = arith.constant 1 : i32
    %sub3A_1087 = vector.broadcast %sub3A_1086 : i32 to vector<16xi32>
    %sub3A_1088 = arith.subi %div3A_1061, %sub3A_1087 : vector<16xi32>
    %select_n3A_1089 = arith.select %and3A_1085, %sub3A_1088, %div3A_1061 : vector<16xi1>, vector<16xi32>
    %min3A_1090 = arith.constant 6263 : i32
    %min3A_1091 = vector.broadcast %min3A_1090 : i32 to vector<16xi32>
    %min3A_1092 = arith.minsi %select_n3A_1089, %min3A_1091 : vector<16xi32>
    %gather3A_1093 = tpu.vector_load_idx %arg6[%min3A_1092] : memref<6264xi32, #tpu.memory_space<vmem>>[vector<16xi32>], vector<16xi32>,
    %lt3A_1094 = arith.cmpi slt, %select_n3A_1056, %select_n3A_1057 : vector<16xi32>
    %lt3A_1095 = arith.cmpi slt, %gather3A_1093, %add3A_721 : vector<16xi32>
    %and3A_1096 = arith.andi %lt3A_1095, %lt3A_1094 : vector<16xi1>
    %lt3A_1097 = arith.cmpi slt, %gather3A_1093, %add3A_721 : vector<16xi32>
    %not3A_1098 = arith.constant dense<true> : vector<16xi1>
    %not3A_1099 = arith.xori %lt3A_1097, %not3A_1098 : vector<16xi1>
    %and3A_1100 = arith.andi %not3A_1099, %lt3A_1094 : vector<16xi1>
    %add3A_1101 = arith.constant 1 : i32
    %add3A_1102 = vector.broadcast %add3A_1101 : i32 to vector<16xi32>
    %add3A_1103 = arith.addi %select_n3A_1089, %add3A_1102 : vector<16xi32>
    %select_n3A_1104 = arith.select %and3A_1096, %add3A_1103, %select_n3A_1056 : vector<16xi1>, vector<16xi32>
    %select_n3A_1105 = arith.select %and3A_1100, %select_n3A_1089, %select_n3A_1057 : vector<16xi1>, vector<16xi32>
    %add3A_1106 = arith.addi %select_n3A_1104, %select_n3A_1105 : vector<16xi32>
    %jit3A_1107 = arith.constant 2 : i32
    %div3A_1108 = vector.broadcast %jit3A_1107 : i32 to vector<16xi32>
    %div3A_1109 = arith.divsi %add3A_1106, %div3A_1108 : vector<16xi32>
    %sign3A_1110 = arith.constant 0 : i32
    %sign3A_1111 = vector.broadcast %sign3A_1110 : i32 to vector<16xi32>
    %sign3A_1112 = arith.cmpi sgt, %add3A_1106, %sign3A_1111 : vector<16xi32>
    %sign3A_1113 = arith.extui %sign3A_1112 : vector<16xi1> to vector<16xi32>
    %sign3A_1114 = arith.constant 0 : i32
    %sign3A_1115 = vector.broadcast %sign3A_1114 : i32 to vector<16xi32>
    %sign3A_1116 = arith.cmpi slt, %add3A_1106, %sign3A_1115 : vector<16xi32>
    %sign3A_1117 = arith.extui %sign3A_1116 : vector<16xi1> to vector<16xi32>
    %sign3A_1118 = arith.subi %sign3A_1113, %sign3A_1117 : vector<16xi32>
    %sign3A_1119 = arith.constant 0 : i32
    %sign3A_1120 = arith.cmpi sgt, %jit3A_1107, %sign3A_1119 : i32
    %sign3A_1121 = arith.extui %sign3A_1120 : i1 to i32
    %sign3A_1122 = arith.constant 0 : i32
    %sign3A_1123 = arith.cmpi slt, %jit3A_1107, %sign3A_1122 : i32
    %sign3A_1124 = arith.extui %sign3A_1123 : i1 to i32
    %sign3A_1125 = arith.subi %sign3A_1121, %sign3A_1124 : i32
    %ne3A_1126 = vector.broadcast %sign3A_1125 : i32 to vector<16xi32>
    %ne3A_1127 = arith.cmpi ne, %sign3A_1118, %ne3A_1126 : vector<16xi32>
    %rem3A_1128 = vector.broadcast %jit3A_1107 : i32 to vector<16xi32>
    %rem3A_1129 = arith.remsi %add3A_1106, %rem3A_1128 : vector<16xi32>
    %ne3A_1130 = arith.constant 0 : i32
    %ne3A_1131 = vector.broadcast %ne3A_1130 : i32 to vector<16xi32>
    %ne3A_1132 = arith.cmpi ne, %rem3A_1129, %ne3A_1131 : vector<16xi32>
    %and3A_1133 = arith.andi %ne3A_1127, %ne3A_1132 : vector<16xi1>
    %sub3A_1134 = arith.constant 1 : i32
    %sub3A_1135 = vector.broadcast %sub3A_1134 : i32 to vector<16xi32>
    %sub3A_1136 = arith.subi %div3A_1109, %sub3A_1135 : vector<16xi32>
    %select_n3A_1137 = arith.select %and3A_1133, %sub3A_1136, %div3A_1109 : vector<16xi1>, vector<16xi32>
    %min3A_1138 = arith.constant 6263 : i32
    %min3A_1139 = vector.broadcast %min3A_1138 : i32 to vector<16xi32>
    %min3A_1140 = arith.minsi %select_n3A_1137, %min3A_1139 : vector<16xi32>
    %gather3A_1141 = tpu.vector_load_idx %arg6[%min3A_1140] : memref<6264xi32, #tpu.memory_space<vmem>>[vector<16xi32>], vector<16xi32>,
    %lt3A_1142 = arith.cmpi slt, %select_n3A_1104, %select_n3A_1105 : vector<16xi32>
    %lt3A_1143 = arith.cmpi slt, %gather3A_1141, %add3A_721 : vector<16xi32>
    %and3A_1144 = arith.andi %lt3A_1143, %lt3A_1142 : vector<16xi1>
    %lt3A_1145 = arith.cmpi slt, %gather3A_1141, %add3A_721 : vector<16xi32>
    %not3A_1146 = arith.constant dense<true> : vector<16xi1>
    %not3A_1147 = arith.xori %lt3A_1145, %not3A_1146 : vector<16xi1>
    %and3A_1148 = arith.andi %not3A_1147, %lt3A_1142 : vector<16xi1>
    %add3A_1149 = arith.constant 1 : i32
    %add3A_1150 = vector.broadcast %add3A_1149 : i32 to vector<16xi32>
    %add3A_1151 = arith.addi %select_n3A_1137, %add3A_1150 : vector<16xi32>
    %select_n3A_1152 = arith.select %and3A_1144, %add3A_1151, %select_n3A_1104 : vector<16xi1>, vector<16xi32>
    %select_n3A_1153 = arith.select %and3A_1148, %select_n3A_1137, %select_n3A_1105 : vector<16xi1>, vector<16xi32>
    %add3A_1154 = arith.addi %select_n3A_1152, %select_n3A_1153 : vector<16xi32>
    %jit3A_1155 = arith.constant 2 : i32
    %div3A_1156 = vector.broadcast %jit3A_1155 : i32 to vector<16xi32>
    %div3A_1157 = arith.divsi %add3A_1154, %div3A_1156 : vector<16xi32>
    %sign3A_1158 = arith.constant 0 : i32
    %sign3A_1159 = vector.broadcast %sign3A_1158 : i32 to vector<16xi32>
    %sign3A_1160 = arith.cmpi sgt, %add3A_1154, %sign3A_1159 : vector<16xi32>
    %sign3A_1161 = arith.extui %sign3A_1160 : vector<16xi1> to vector<16xi32>
    %sign3A_1162 = arith.constant 0 : i32
    %sign3A_1163 = vector.broadcast %sign3A_1162 : i32 to vector<16xi32>
    %sign3A_1164 = arith.cmpi slt, %add3A_1154, %sign3A_1163 : vector<16xi32>
    %sign3A_1165 = arith.extui %sign3A_1164 : vector<16xi1> to vector<16xi32>
    %sign3A_1166 = arith.subi %sign3A_1161, %sign3A_1165 : vector<16xi32>
    %sign3A_1167 = arith.constant 0 : i32
    %sign3A_1168 = arith.cmpi sgt, %jit3A_1155, %sign3A_1167 : i32
    %sign3A_1169 = arith.extui %sign3A_1168 : i1 to i32
    %sign3A_1170 = arith.constant 0 : i32
    %sign3A_1171 = arith.cmpi slt, %jit3A_1155, %sign3A_1170 : i32
    %sign3A_1172 = arith.extui %sign3A_1171 : i1 to i32
    %sign3A_1173 = arith.subi %sign3A_1169, %sign3A_1172 : i32
    %ne3A_1174 = vector.broadcast %sign3A_1173 : i32 to vector<16xi32>
    %ne3A_1175 = arith.cmpi ne, %sign3A_1166, %ne3A_1174 : vector<16xi32>
    %rem3A_1176 = vector.broadcast %jit3A_1155 : i32 to vector<16xi32>
    %rem3A_1177 = arith.remsi %add3A_1154, %rem3A_1176 : vector<16xi32>
    %ne3A_1178 = arith.constant 0 : i32
    %ne3A_1179 = vector.broadcast %ne3A_1178 : i32 to vector<16xi32>
    %ne3A_1180 = arith.cmpi ne, %rem3A_1177, %ne3A_1179 : vector<16xi32>
    %and3A_1181 = arith.andi %ne3A_1175, %ne3A_1180 : vector<16xi1>
    %sub3A_1182 = arith.constant 1 : i32
    %sub3A_1183 = vector.broadcast %sub3A_1182 : i32 to vector<16xi32>
    %sub3A_1184 = arith.subi %div3A_1157, %sub3A_1183 : vector<16xi32>
    %select_n3A_1185 = arith.select %and3A_1181, %sub3A_1184, %div3A_1157 : vector<16xi1>, vector<16xi32>
    %min3A_1186 = arith.constant 6263 : i32
    %min3A_1187 = vector.broadcast %min3A_1186 : i32 to vector<16xi32>
    %min3A_1188 = arith.minsi %select_n3A_1185, %min3A_1187 : vector<16xi32>
    %gather3A_1189 = tpu.vector_load_idx %arg6[%min3A_1188] : memref<6264xi32, #tpu.memory_space<vmem>>[vector<16xi32>], vector<16xi32>,
    %lt3A_1190 = arith.cmpi slt, %select_n3A_1152, %select_n3A_1153 : vector<16xi32>
    %lt3A_1191 = arith.cmpi slt, %gather3A_1189, %add3A_721 : vector<16xi32>
    %and3A_1192 = arith.andi %lt3A_1191, %lt3A_1190 : vector<16xi1>
    %lt3A_1193 = arith.cmpi slt, %gather3A_1189, %add3A_721 : vector<16xi32>
    %not3A_1194 = arith.constant dense<true> : vector<16xi1>
    %not3A_1195 = arith.xori %lt3A_1193, %not3A_1194 : vector<16xi1>
    %and3A_1196 = arith.andi %not3A_1195, %lt3A_1190 : vector<16xi1>
    %add3A_1197 = arith.constant 1 : i32
    %add3A_1198 = vector.broadcast %add3A_1197 : i32 to vector<16xi32>
    %add3A_1199 = arith.addi %select_n3A_1185, %add3A_1198 : vector<16xi32>
    %select_n3A_1200 = arith.select %and3A_1192, %add3A_1199, %select_n3A_1152 : vector<16xi1>, vector<16xi32>
    %select_n3A_1201 = arith.select %and3A_1196, %select_n3A_1185, %select_n3A_1153 : vector<16xi1>, vector<16xi32>
    %add3A_1202 = arith.addi %select_n3A_1200, %select_n3A_1201 : vector<16xi32>
    %jit3A_1203 = arith.constant 2 : i32
    %div3A_1204 = vector.broadcast %jit3A_1203 : i32 to vector<16xi32>
    %div3A_1205 = arith.divsi %add3A_1202, %div3A_1204 : vector<16xi32>
    %sign3A_1206 = arith.constant 0 : i32
    %sign3A_1207 = vector.broadcast %sign3A_1206 : i32 to vector<16xi32>
    %sign3A_1208 = arith.cmpi sgt, %add3A_1202, %sign3A_1207 : vector<16xi32>
    %sign3A_1209 = arith.extui %sign3A_1208 : vector<16xi1> to vector<16xi32>
    %sign3A_1210 = arith.constant 0 : i32
    %sign3A_1211 = vector.broadcast %sign3A_1210 : i32 to vector<16xi32>
    %sign3A_1212 = arith.cmpi slt, %add3A_1202, %sign3A_1211 : vector<16xi32>
    %sign3A_1213 = arith.extui %sign3A_1212 : vector<16xi1> to vector<16xi32>
    %sign3A_1214 = arith.subi %sign3A_1209, %sign3A_1213 : vector<16xi32>
    %sign3A_1215 = arith.constant 0 : i32
    %sign3A_1216 = arith.cmpi sgt, %jit3A_1203, %sign3A_1215 : i32
    %sign3A_1217 = arith.extui %sign3A_1216 : i1 to i32
    %sign3A_1218 = arith.constant 0 : i32
    %sign3A_1219 = arith.cmpi slt, %jit3A_1203, %sign3A_1218 : i32
    %sign3A_1220 = arith.extui %sign3A_1219 : i1 to i32
    %sign3A_1221 = arith.subi %sign3A_1217, %sign3A_1220 : i32
    %ne3A_1222 = vector.broadcast %sign3A_1221 : i32 to vector<16xi32>
    %ne3A_1223 = arith.cmpi ne, %sign3A_1214, %ne3A_1222 : vector<16xi32>
    %rem3A_1224 = vector.broadcast %jit3A_1203 : i32 to vector<16xi32>
    %rem3A_1225 = arith.remsi %add3A_1202, %rem3A_1224 : vector<16xi32>
    %ne3A_1226 = arith.constant 0 : i32
    %ne3A_1227 = vector.broadcast %ne3A_1226 : i32 to vector<16xi32>
    %ne3A_1228 = arith.cmpi ne, %rem3A_1225, %ne3A_1227 : vector<16xi32>
    %and3A_1229 = arith.andi %ne3A_1223, %ne3A_1228 : vector<16xi1>
    %sub3A_1230 = arith.constant 1 : i32
    %sub3A_1231 = vector.broadcast %sub3A_1230 : i32 to vector<16xi32>
    %sub3A_1232 = arith.subi %div3A_1205, %sub3A_1231 : vector<16xi32>
    %select_n3A_1233 = arith.select %and3A_1229, %sub3A_1232, %div3A_1205 : vector<16xi1>, vector<16xi32>
    %min3A_1234 = arith.constant 6263 : i32
    %min3A_1235 = vector.broadcast %min3A_1234 : i32 to vector<16xi32>
    %min3A_1236 = arith.minsi %select_n3A_1233, %min3A_1235 : vector<16xi32>
    %gather3A_1237 = tpu.vector_load_idx %arg6[%min3A_1236] : memref<6264xi32, #tpu.memory_space<vmem>>[vector<16xi32>], vector<16xi32>,
    %lt3A_1238 = arith.cmpi slt, %select_n3A_1200, %select_n3A_1201 : vector<16xi32>
    %lt3A_1239 = arith.cmpi slt, %gather3A_1237, %add3A_721 : vector<16xi32>
    %and3A_1240 = arith.andi %lt3A_1239, %lt3A_1238 : vector<16xi1>
    %lt3A_1241 = arith.cmpi slt, %gather3A_1237, %add3A_721 : vector<16xi32>
    %not3A_1242 = arith.constant dense<true> : vector<16xi1>
    %not3A_1243 = arith.xori %lt3A_1241, %not3A_1242 : vector<16xi1>
    %and3A_1244 = arith.andi %not3A_1243, %lt3A_1238 : vector<16xi1>
    %add3A_1245 = arith.constant 1 : i32
    %add3A_1246 = vector.broadcast %add3A_1245 : i32 to vector<16xi32>
    %add3A_1247 = arith.addi %select_n3A_1233, %add3A_1246 : vector<16xi32>
    %select_n3A_1248 = arith.select %and3A_1240, %add3A_1247, %select_n3A_1200 : vector<16xi1>, vector<16xi32>
    %select_n3A_1249 = arith.select %and3A_1244, %select_n3A_1233, %select_n3A_1201 : vector<16xi1>, vector<16xi32>
    %add3A_1250 = arith.addi %select_n3A_1248, %select_n3A_1249 : vector<16xi32>
    %jit3A_1251 = arith.constant 2 : i32
    %div3A_1252 = vector.broadcast %jit3A_1251 : i32 to vector<16xi32>
    %div3A_1253 = arith.divsi %add3A_1250, %div3A_1252 : vector<16xi32>
    %sign3A_1254 = arith.constant 0 : i32
    %sign3A_1255 = vector.broadcast %sign3A_1254 : i32 to vector<16xi32>
    %sign3A_1256 = arith.cmpi sgt, %add3A_1250, %sign3A_1255 : vector<16xi32>
    %sign3A_1257 = arith.extui %sign3A_1256 : vector<16xi1> to vector<16xi32>
    %sign3A_1258 = arith.constant 0 : i32
    %sign3A_1259 = vector.broadcast %sign3A_1258 : i32 to vector<16xi32>
    %sign3A_1260 = arith.cmpi slt, %add3A_1250, %sign3A_1259 : vector<16xi32>
    %sign3A_1261 = arith.extui %sign3A_1260 : vector<16xi1> to vector<16xi32>
    %sign3A_1262 = arith.subi %sign3A_1257, %sign3A_1261 : vector<16xi32>
    %sign3A_1263 = arith.constant 0 : i32
    %sign3A_1264 = arith.cmpi sgt, %jit3A_1251, %sign3A_1263 : i32
    %sign3A_1265 = arith.extui %sign3A_1264 : i1 to i32
    %sign3A_1266 = arith.constant 0 : i32
    %sign3A_1267 = arith.cmpi slt, %jit3A_1251, %sign3A_1266 : i32
    %sign3A_1268 = arith.extui %sign3A_1267 : i1 to i32
    %sign3A_1269 = arith.subi %sign3A_1265, %sign3A_1268 : i32
    %ne3A_1270 = vector.broadcast %sign3A_1269 : i32 to vector<16xi32>
    %ne3A_1271 = arith.cmpi ne, %sign3A_1262, %ne3A_1270 : vector<16xi32>
    %rem3A_1272 = vector.broadcast %jit3A_1251 : i32 to vector<16xi32>
    %rem3A_1273 = arith.remsi %add3A_1250, %rem3A_1272 : vector<16xi32>
    %ne3A_1274 = arith.constant 0 : i32
    %ne3A_1275 = vector.broadcast %ne3A_1274 : i32 to vector<16xi32>
    %ne3A_1276 = arith.cmpi ne, %rem3A_1273, %ne3A_1275 : vector<16xi32>
    %and3A_1277 = arith.andi %ne3A_1271, %ne3A_1276 : vector<16xi1>
    %sub3A_1278 = arith.constant 1 : i32
    %sub3A_1279 = vector.broadcast %sub3A_1278 : i32 to vector<16xi32>
    %sub3A_1280 = arith.subi %div3A_1253, %sub3A_1279 : vector<16xi32>
    %select_n3A_1281 = arith.select %and3A_1277, %sub3A_1280, %div3A_1253 : vector<16xi1>, vector<16xi32>
    %min3A_1282 = arith.constant 6263 : i32
    %min3A_1283 = vector.broadcast %min3A_1282 : i32 to vector<16xi32>
    %min3A_1284 = arith.minsi %select_n3A_1281, %min3A_1283 : vector<16xi32>
    %gather3A_1285 = tpu.vector_load_idx %arg6[%min3A_1284] : memref<6264xi32, #tpu.memory_space<vmem>>[vector<16xi32>], vector<16xi32>,
    %lt3A_1286 = arith.cmpi slt, %select_n3A_1248, %select_n3A_1249 : vector<16xi32>
    %lt3A_1287 = arith.cmpi slt, %gather3A_1285, %add3A_721 : vector<16xi32>
    %and3A_1288 = arith.andi %lt3A_1287, %lt3A_1286 : vector<16xi1>
    %lt3A_1289 = arith.cmpi slt, %gather3A_1285, %add3A_721 : vector<16xi32>
    %not3A_1290 = arith.constant dense<true> : vector<16xi1>
    %not3A_1291 = arith.xori %lt3A_1289, %not3A_1290 : vector<16xi1>
    %and3A_1292 = arith.andi %not3A_1291, %lt3A_1286 : vector<16xi1>
    %add3A_1293 = arith.constant 1 : i32
    %add3A_1294 = vector.broadcast %add3A_1293 : i32 to vector<16xi32>
    %add3A_1295 = arith.addi %select_n3A_1281, %add3A_1294 : vector<16xi32>
    %select_n3A_1296 = arith.select %and3A_1288, %add3A_1295, %select_n3A_1248 : vector<16xi1>, vector<16xi32>
    %select_n3A_1297 = arith.select %and3A_1292, %select_n3A_1281, %select_n3A_1249 : vector<16xi1>, vector<16xi32>
    %add3A_1298 = arith.addi %select_n3A_1296, %select_n3A_1297 : vector<16xi32>
    %jit3A_1299 = arith.constant 2 : i32
    %div3A_1300 = vector.broadcast %jit3A_1299 : i32 to vector<16xi32>
    %div3A_1301 = arith.divsi %add3A_1298, %div3A_1300 : vector<16xi32>
    %sign3A_1302 = arith.constant 0 : i32
    %sign3A_1303 = vector.broadcast %sign3A_1302 : i32 to vector<16xi32>
    %sign3A_1304 = arith.cmpi sgt, %add3A_1298, %sign3A_1303 : vector<16xi32>
    %sign3A_1305 = arith.extui %sign3A_1304 : vector<16xi1> to vector<16xi32>
    %sign3A_1306 = arith.constant 0 : i32
    %sign3A_1307 = vector.broadcast %sign3A_1306 : i32 to vector<16xi32>
    %sign3A_1308 = arith.cmpi slt, %add3A_1298, %sign3A_1307 : vector<16xi32>
    %sign3A_1309 = arith.extui %sign3A_1308 : vector<16xi1> to vector<16xi32>
    %sign3A_1310 = arith.subi %sign3A_1305, %sign3A_1309 : vector<16xi32>
    %sign3A_1311 = arith.constant 0 : i32
    %sign3A_1312 = arith.cmpi sgt, %jit3A_1299, %sign3A_1311 : i32
    %sign3A_1313 = arith.extui %sign3A_1312 : i1 to i32
    %sign3A_1314 = arith.constant 0 : i32
    %sign3A_1315 = arith.cmpi slt, %jit3A_1299, %sign3A_1314 : i32
    %sign3A_1316 = arith.extui %sign3A_1315 : i1 to i32
    %sign3A_1317 = arith.subi %sign3A_1313, %sign3A_1316 : i32
    %ne3A_1318 = vector.broadcast %sign3A_1317 : i32 to vector<16xi32>
    %ne3A_1319 = arith.cmpi ne, %sign3A_1310, %ne3A_1318 : vector<16xi32>
    %rem3A_1320 = vector.broadcast %jit3A_1299 : i32 to vector<16xi32>
    %rem3A_1321 = arith.remsi %add3A_1298, %rem3A_1320 : vector<16xi32>
    %ne3A_1322 = arith.constant 0 : i32
    %ne3A_1323 = vector.broadcast %ne3A_1322 : i32 to vector<16xi32>
    %ne3A_1324 = arith.cmpi ne, %rem3A_1321, %ne3A_1323 : vector<16xi32>
    %and3A_1325 = arith.andi %ne3A_1319, %ne3A_1324 : vector<16xi1>
    %sub3A_1326 = arith.constant 1 : i32
    %sub3A_1327 = vector.broadcast %sub3A_1326 : i32 to vector<16xi32>
    %sub3A_1328 = arith.subi %div3A_1301, %sub3A_1327 : vector<16xi32>
    %select_n3A_1329 = arith.select %and3A_1325, %sub3A_1328, %div3A_1301 : vector<16xi1>, vector<16xi32>
    %min3A_1330 = arith.constant 6263 : i32
    %min3A_1331 = vector.broadcast %min3A_1330 : i32 to vector<16xi32>
    %min3A_1332 = arith.minsi %select_n3A_1329, %min3A_1331 : vector<16xi32>
    %gather3A_1333 = tpu.vector_load_idx %arg6[%min3A_1332] : memref<6264xi32, #tpu.memory_space<vmem>>[vector<16xi32>], vector<16xi32>,
    %lt3A_1334 = arith.cmpi slt, %select_n3A_1296, %select_n3A_1297 : vector<16xi32>
    %lt3A_1335 = arith.cmpi slt, %gather3A_1333, %add3A_721 : vector<16xi32>
    %and3A_1336 = arith.andi %lt3A_1335, %lt3A_1334 : vector<16xi1>
    %lt3A_1337 = arith.cmpi slt, %gather3A_1333, %add3A_721 : vector<16xi32>
    %not3A_1338 = arith.constant dense<true> : vector<16xi1>
    %not3A_1339 = arith.xori %lt3A_1337, %not3A_1338 : vector<16xi1>
    %and3A_1340 = arith.andi %not3A_1339, %lt3A_1334 : vector<16xi1>
    %add3A_1341 = arith.constant 1 : i32
    %add3A_1342 = vector.broadcast %add3A_1341 : i32 to vector<16xi32>
    %add3A_1343 = arith.addi %select_n3A_1329, %add3A_1342 : vector<16xi32>
    %select_n3A_1344 = arith.select %and3A_1336, %add3A_1343, %select_n3A_1296 : vector<16xi1>, vector<16xi32>
    %select_n3A_1345 = arith.select %and3A_1340, %select_n3A_1329, %select_n3A_1297 : vector<16xi1>, vector<16xi32>
    %add3A_1346 = arith.addi %select_n3A_1344, %select_n3A_1345 : vector<16xi32>
    %jit3A_1347 = arith.constant 2 : i32
    %div3A_1348 = vector.broadcast %jit3A_1347 : i32 to vector<16xi32>
    %div3A_1349 = arith.divsi %add3A_1346, %div3A_1348 : vector<16xi32>
    %sign3A_1350 = arith.constant 0 : i32
    %sign3A_1351 = vector.broadcast %sign3A_1350 : i32 to vector<16xi32>
    %sign3A_1352 = arith.cmpi sgt, %add3A_1346, %sign3A_1351 : vector<16xi32>
    %sign3A_1353 = arith.extui %sign3A_1352 : vector<16xi1> to vector<16xi32>
    %sign3A_1354 = arith.constant 0 : i32
    %sign3A_1355 = vector.broadcast %sign3A_1354 : i32 to vector<16xi32>
    %sign3A_1356 = arith.cmpi slt, %add3A_1346, %sign3A_1355 : vector<16xi32>
    %sign3A_1357 = arith.extui %sign3A_1356 : vector<16xi1> to vector<16xi32>
    %sign3A_1358 = arith.subi %sign3A_1353, %sign3A_1357 : vector<16xi32>
    %sign3A_1359 = arith.constant 0 : i32
    %sign3A_1360 = arith.cmpi sgt, %jit3A_1347, %sign3A_1359 : i32
    %sign3A_1361 = arith.extui %sign3A_1360 : i1 to i32
    %sign3A_1362 = arith.constant 0 : i32
    %sign3A_1363 = arith.cmpi slt, %jit3A_1347, %sign3A_1362 : i32
    %sign3A_1364 = arith.extui %sign3A_1363 : i1 to i32
    %sign3A_1365 = arith.subi %sign3A_1361, %sign3A_1364 : i32
    %ne3A_1366 = vector.broadcast %sign3A_1365 : i32 to vector<16xi32>
    %ne3A_1367 = arith.cmpi ne, %sign3A_1358, %ne3A_1366 : vector<16xi32>
    %rem3A_1368 = vector.broadcast %jit3A_1347 : i32 to vector<16xi32>
    %rem3A_1369 = arith.remsi %add3A_1346, %rem3A_1368 : vector<16xi32>
    %ne3A_1370 = arith.constant 0 : i32
    %ne3A_1371 = vector.broadcast %ne3A_1370 : i32 to vector<16xi32>
    %ne3A_1372 = arith.cmpi ne, %rem3A_1369, %ne3A_1371 : vector<16xi32>
    %and3A_1373 = arith.andi %ne3A_1367, %ne3A_1372 : vector<16xi1>
    %sub3A_1374 = arith.constant 1 : i32
    %sub3A_1375 = vector.broadcast %sub3A_1374 : i32 to vector<16xi32>
    %sub3A_1376 = arith.subi %div3A_1349, %sub3A_1375 : vector<16xi32>
    %select_n3A_1377 = arith.select %and3A_1373, %sub3A_1376, %div3A_1349 : vector<16xi1>, vector<16xi32>
    %min3A_1378 = arith.constant 6263 : i32
    %min3A_1379 = vector.broadcast %min3A_1378 : i32 to vector<16xi32>
    %min3A_1380 = arith.minsi %select_n3A_1377, %min3A_1379 : vector<16xi32>
    %gather3A_1381 = tpu.vector_load_idx %arg6[%min3A_1380] : memref<6264xi32, #tpu.memory_space<vmem>>[vector<16xi32>], vector<16xi32>,
    %lt3A_1382 = arith.cmpi slt, %select_n3A_1344, %select_n3A_1345 : vector<16xi32>
    %lt3A_1383 = arith.cmpi slt, %gather3A_1381, %add3A_721 : vector<16xi32>
    %and3A_1384 = arith.andi %lt3A_1383, %lt3A_1382 : vector<16xi1>
    %lt3A_1385 = arith.cmpi slt, %gather3A_1381, %add3A_721 : vector<16xi32>
    %not3A_1386 = arith.constant dense<true> : vector<16xi1>
    %not3A_1387 = arith.xori %lt3A_1385, %not3A_1386 : vector<16xi1>
    %and3A_1388 = arith.andi %not3A_1387, %lt3A_1382 : vector<16xi1>
    %add3A_1389 = arith.constant 1 : i32
    %add3A_1390 = vector.broadcast %add3A_1389 : i32 to vector<16xi32>
    %add3A_1391 = arith.addi %select_n3A_1377, %add3A_1390 : vector<16xi32>
    %select_n3A_1392 = arith.select %and3A_1384, %add3A_1391, %select_n3A_1344 : vector<16xi1>, vector<16xi32>
    %select_n3A_1393 = arith.select %and3A_1388, %select_n3A_1377, %select_n3A_1345 : vector<16xi1>, vector<16xi32>
    %sub3A_1394 = arith.subi %select_n3A_1392, %broadcast_in_dim3A : vector<16xi32>
    %swap3A_1395 = arith.constant 16 : index
    %swap3A_1396 = tpu.vector_load %arg7[%swap3A_1395] {strides = array<i32>} : memref<64xi32, #tpu.memory_space<vmem>>, vector<16xi32>,
    tpu.vector_store %arg7[%swap3A_1395], %sub3A_1394 {strides = array<i32>} : memref<64xi32, #tpu.memory_space<vmem>>, vector<16xi32>,
    %add3A_1397 = arith.constant 32 : i32
    %add3A_1398 = vector.broadcast %add3A_1397 : i32 to vector<16xi32>
    %add3A_1399 = arith.addi %iota3A, %add3A_1398 : vector<16xi32>
    %add3A_1400 = arith.addi %broadcast_in_dim3A, %broadcast_in_dim3A_44 : vector<16xi32>
    %jit3A_1401 = arith.constant 2 : i32
    %div3A_1402 = vector.broadcast %jit3A_1401 : i32 to vector<16xi32>
    %div3A_1403 = arith.divsi %add3A_1400, %div3A_1402 : vector<16xi32>
    %sign3A_1404 = arith.constant 0 : i32
    %sign3A_1405 = vector.broadcast %sign3A_1404 : i32 to vector<16xi32>
    %sign3A_1406 = arith.cmpi sgt, %add3A_1400, %sign3A_1405 : vector<16xi32>
    %sign3A_1407 = arith.extui %sign3A_1406 : vector<16xi1> to vector<16xi32>
    %sign3A_1408 = arith.constant 0 : i32
    %sign3A_1409 = vector.broadcast %sign3A_1408 : i32 to vector<16xi32>
    %sign3A_1410 = arith.cmpi slt, %add3A_1400, %sign3A_1409 : vector<16xi32>
    %sign3A_1411 = arith.extui %sign3A_1410 : vector<16xi1> to vector<16xi32>
    %sign3A_1412 = arith.subi %sign3A_1407, %sign3A_1411 : vector<16xi32>
    %sign3A_1413 = arith.constant 0 : i32
    %sign3A_1414 = arith.cmpi sgt, %jit3A_1401, %sign3A_1413 : i32
    %sign3A_1415 = arith.extui %sign3A_1414 : i1 to i32
    %sign3A_1416 = arith.constant 0 : i32
    %sign3A_1417 = arith.cmpi slt, %jit3A_1401, %sign3A_1416 : i32
    %sign3A_1418 = arith.extui %sign3A_1417 : i1 to i32
    %sign3A_1419 = arith.subi %sign3A_1415, %sign3A_1418 : i32
    %ne3A_1420 = vector.broadcast %sign3A_1419 : i32 to vector<16xi32>
    %ne3A_1421 = arith.cmpi ne, %sign3A_1412, %ne3A_1420 : vector<16xi32>
    %rem3A_1422 = vector.broadcast %jit3A_1401 : i32 to vector<16xi32>
    %rem3A_1423 = arith.remsi %add3A_1400, %rem3A_1422 : vector<16xi32>
    %ne3A_1424 = arith.constant 0 : i32
    %ne3A_1425 = vector.broadcast %ne3A_1424 : i32 to vector<16xi32>
    %ne3A_1426 = arith.cmpi ne, %rem3A_1423, %ne3A_1425 : vector<16xi32>
    %and3A_1427 = arith.andi %ne3A_1421, %ne3A_1426 : vector<16xi1>
    %sub3A_1428 = arith.constant 1 : i32
    %sub3A_1429 = vector.broadcast %sub3A_1428 : i32 to vector<16xi32>
    %sub3A_1430 = arith.subi %div3A_1403, %sub3A_1429 : vector<16xi32>
    %select_n3A_1431 = arith.select %and3A_1427, %sub3A_1430, %div3A_1403 : vector<16xi1>, vector<16xi32>
    %min3A_1432 = arith.constant 6263 : i32
    %min3A_1433 = vector.broadcast %min3A_1432 : i32 to vector<16xi32>
    %min3A_1434 = arith.minsi %select_n3A_1431, %min3A_1433 : vector<16xi32>
    %gather3A_1435 = tpu.vector_load_idx %arg6[%min3A_1434] : memref<6264xi32, #tpu.memory_space<vmem>>[vector<16xi32>], vector<16xi32>,
    %lt3A_1436 = arith.cmpi slt, %broadcast_in_dim3A, %broadcast_in_dim3A_44 : vector<16xi32>
    %lt3A_1437 = arith.cmpi slt, %gather3A_1435, %add3A_1399 : vector<16xi32>
    %and3A_1438 = arith.andi %lt3A_1437, %lt3A_1436 : vector<16xi1>
    %lt3A_1439 = arith.cmpi slt, %gather3A_1435, %add3A_1399 : vector<16xi32>
    %not3A_1440 = arith.constant dense<true> : vector<16xi1>
    %not3A_1441 = arith.xori %lt3A_1439, %not3A_1440 : vector<16xi1>
    %and3A_1442 = arith.andi %not3A_1441, %lt3A_1436 : vector<16xi1>
    %add3A_1443 = arith.constant 1 : i32
    %add3A_1444 = vector.broadcast %add3A_1443 : i32 to vector<16xi32>
    %add3A_1445 = arith.addi %select_n3A_1431, %add3A_1444 : vector<16xi32>
    %select_n3A_1446 = arith.select %and3A_1438, %add3A_1445, %broadcast_in_dim3A : vector<16xi1>, vector<16xi32>
    %select_n3A_1447 = arith.select %and3A_1442, %select_n3A_1431, %broadcast_in_dim3A_44 : vector<16xi1>, vector<16xi32>
    %add3A_1448 = arith.addi %select_n3A_1446, %select_n3A_1447 : vector<16xi32>
    %jit3A_1449 = arith.constant 2 : i32
    %div3A_1450 = vector.broadcast %jit3A_1449 : i32 to vector<16xi32>
    %div3A_1451 = arith.divsi %add3A_1448, %div3A_1450 : vector<16xi32>
    %sign3A_1452 = arith.constant 0 : i32
    %sign3A_1453 = vector.broadcast %sign3A_1452 : i32 to vector<16xi32>
    %sign3A_1454 = arith.cmpi sgt, %add3A_1448, %sign3A_1453 : vector<16xi32>
    %sign3A_1455 = arith.extui %sign3A_1454 : vector<16xi1> to vector<16xi32>
    %sign3A_1456 = arith.constant 0 : i32
    %sign3A_1457 = vector.broadcast %sign3A_1456 : i32 to vector<16xi32>
    %sign3A_1458 = arith.cmpi slt, %add3A_1448, %sign3A_1457 : vector<16xi32>
    %sign3A_1459 = arith.extui %sign3A_1458 : vector<16xi1> to vector<16xi32>
    %sign3A_1460 = arith.subi %sign3A_1455, %sign3A_1459 : vector<16xi32>
    %sign3A_1461 = arith.constant 0 : i32
    %sign3A_1462 = arith.cmpi sgt, %jit3A_1449, %sign3A_1461 : i32
    %sign3A_1463 = arith.extui %sign3A_1462 : i1 to i32
    %sign3A_1464 = arith.constant 0 : i32
    %sign3A_1465 = arith.cmpi slt, %jit3A_1449, %sign3A_1464 : i32
    %sign3A_1466 = arith.extui %sign3A_1465 : i1 to i32
    %sign3A_1467 = arith.subi %sign3A_1463, %sign3A_1466 : i32
    %ne3A_1468 = vector.broadcast %sign3A_1467 : i32 to vector<16xi32>
    %ne3A_1469 = arith.cmpi ne, %sign3A_1460, %ne3A_1468 : vector<16xi32>
    %rem3A_1470 = vector.broadcast %jit3A_1449 : i32 to vector<16xi32>
    %rem3A_1471 = arith.remsi %add3A_1448, %rem3A_1470 : vector<16xi32>
    %ne3A_1472 = arith.constant 0 : i32
    %ne3A_1473 = vector.broadcast %ne3A_1472 : i32 to vector<16xi32>
    %ne3A_1474 = arith.cmpi ne, %rem3A_1471, %ne3A_1473 : vector<16xi32>
    %and3A_1475 = arith.andi %ne3A_1469, %ne3A_1474 : vector<16xi1>
    %sub3A_1476 = arith.constant 1 : i32
    %sub3A_1477 = vector.broadcast %sub3A_1476 : i32 to vector<16xi32>
    %sub3A_1478 = arith.subi %div3A_1451, %sub3A_1477 : vector<16xi32>
    %select_n3A_1479 = arith.select %and3A_1475, %sub3A_1478, %div3A_1451 : vector<16xi1>, vector<16xi32>
    %min3A_1480 = arith.constant 6263 : i32
    %min3A_1481 = vector.broadcast %min3A_1480 : i32 to vector<16xi32>
    %min3A_1482 = arith.minsi %select_n3A_1479, %min3A_1481 : vector<16xi32>
    %gather3A_1483 = tpu.vector_load_idx %arg6[%min3A_1482] : memref<6264xi32, #tpu.memory_space<vmem>>[vector<16xi32>], vector<16xi32>,
    %lt3A_1484 = arith.cmpi slt, %select_n3A_1446, %select_n3A_1447 : vector<16xi32>
    %lt3A_1485 = arith.cmpi slt, %gather3A_1483, %add3A_1399 : vector<16xi32>
    %and3A_1486 = arith.andi %lt3A_1485, %lt3A_1484 : vector<16xi1>
    %lt3A_1487 = arith.cmpi slt, %gather3A_1483, %add3A_1399 : vector<16xi32>
    %not3A_1488 = arith.constant dense<true> : vector<16xi1>
    %not3A_1489 = arith.xori %lt3A_1487, %not3A_1488 : vector<16xi1>
    %and3A_1490 = arith.andi %not3A_1489, %lt3A_1484 : vector<16xi1>
    %add3A_1491 = arith.constant 1 : i32
    %add3A_1492 = vector.broadcast %add3A_1491 : i32 to vector<16xi32>
    %add3A_1493 = arith.addi %select_n3A_1479, %add3A_1492 : vector<16xi32>
    %select_n3A_1494 = arith.select %and3A_1486, %add3A_1493, %select_n3A_1446 : vector<16xi1>, vector<16xi32>
    %select_n3A_1495 = arith.select %and3A_1490, %select_n3A_1479, %select_n3A_1447 : vector<16xi1>, vector<16xi32>
    %add3A_1496 = arith.addi %select_n3A_1494, %select_n3A_1495 : vector<16xi32>
    %jit3A_1497 = arith.constant 2 : i32
    %div3A_1498 = vector.broadcast %jit3A_1497 : i32 to vector<16xi32>
    %div3A_1499 = arith.divsi %add3A_1496, %div3A_1498 : vector<16xi32>
    %sign3A_1500 = arith.constant 0 : i32
    %sign3A_1501 = vector.broadcast %sign3A_1500 : i32 to vector<16xi32>
    %sign3A_1502 = arith.cmpi sgt, %add3A_1496, %sign3A_1501 : vector<16xi32>
    %sign3A_1503 = arith.extui %sign3A_1502 : vector<16xi1> to vector<16xi32>
    %sign3A_1504 = arith.constant 0 : i32
    %sign3A_1505 = vector.broadcast %sign3A_1504 : i32 to vector<16xi32>
    %sign3A_1506 = arith.cmpi slt, %add3A_1496, %sign3A_1505 : vector<16xi32>
    %sign3A_1507 = arith.extui %sign3A_1506 : vector<16xi1> to vector<16xi32>
    %sign3A_1508 = arith.subi %sign3A_1503, %sign3A_1507 : vector<16xi32>
    %sign3A_1509 = arith.constant 0 : i32
    %sign3A_1510 = arith.cmpi sgt, %jit3A_1497, %sign3A_1509 : i32
    %sign3A_1511 = arith.extui %sign3A_1510 : i1 to i32
    %sign3A_1512 = arith.constant 0 : i32
    %sign3A_1513 = arith.cmpi slt, %jit3A_1497, %sign3A_1512 : i32
    %sign3A_1514 = arith.extui %sign3A_1513 : i1 to i32
    %sign3A_1515 = arith.subi %sign3A_1511, %sign3A_1514 : i32
    %ne3A_1516 = vector.broadcast %sign3A_1515 : i32 to vector<16xi32>
    %ne3A_1517 = arith.cmpi ne, %sign3A_1508, %ne3A_1516 : vector<16xi32>
    %rem3A_1518 = vector.broadcast %jit3A_1497 : i32 to vector<16xi32>
    %rem3A_1519 = arith.remsi %add3A_1496, %rem3A_1518 : vector<16xi32>
    %ne3A_1520 = arith.constant 0 : i32
    %ne3A_1521 = vector.broadcast %ne3A_1520 : i32 to vector<16xi32>
    %ne3A_1522 = arith.cmpi ne, %rem3A_1519, %ne3A_1521 : vector<16xi32>
    %and3A_1523 = arith.andi %ne3A_1517, %ne3A_1522 : vector<16xi1>
    %sub3A_1524 = arith.constant 1 : i32
    %sub3A_1525 = vector.broadcast %sub3A_1524 : i32 to vector<16xi32>
    %sub3A_1526 = arith.subi %div3A_1499, %sub3A_1525 : vector<16xi32>
    %select_n3A_1527 = arith.select %and3A_1523, %sub3A_1526, %div3A_1499 : vector<16xi1>, vector<16xi32>
    %min3A_1528 = arith.constant 6263 : i32
    %min3A_1529 = vector.broadcast %min3A_1528 : i32 to vector<16xi32>
    %min3A_1530 = arith.minsi %select_n3A_1527, %min3A_1529 : vector<16xi32>
    %gather3A_1531 = tpu.vector_load_idx %arg6[%min3A_1530] : memref<6264xi32, #tpu.memory_space<vmem>>[vector<16xi32>], vector<16xi32>,
    %lt3A_1532 = arith.cmpi slt, %select_n3A_1494, %select_n3A_1495 : vector<16xi32>
    %lt3A_1533 = arith.cmpi slt, %gather3A_1531, %add3A_1399 : vector<16xi32>
    %and3A_1534 = arith.andi %lt3A_1533, %lt3A_1532 : vector<16xi1>
    %lt3A_1535 = arith.cmpi slt, %gather3A_1531, %add3A_1399 : vector<16xi32>
    %not3A_1536 = arith.constant dense<true> : vector<16xi1>
    %not3A_1537 = arith.xori %lt3A_1535, %not3A_1536 : vector<16xi1>
    %and3A_1538 = arith.andi %not3A_1537, %lt3A_1532 : vector<16xi1>
    %add3A_1539 = arith.constant 1 : i32
    %add3A_1540 = vector.broadcast %add3A_1539 : i32 to vector<16xi32>
    %add3A_1541 = arith.addi %select_n3A_1527, %add3A_1540 : vector<16xi32>
    %select_n3A_1542 = arith.select %and3A_1534, %add3A_1541, %select_n3A_1494 : vector<16xi1>, vector<16xi32>
    %select_n3A_1543 = arith.select %and3A_1538, %select_n3A_1527, %select_n3A_1495 : vector<16xi1>, vector<16xi32>
    %add3A_1544 = arith.addi %select_n3A_1542, %select_n3A_1543 : vector<16xi32>
    %jit3A_1545 = arith.constant 2 : i32
    %div3A_1546 = vector.broadcast %jit3A_1545 : i32 to vector<16xi32>
    %div3A_1547 = arith.divsi %add3A_1544, %div3A_1546 : vector<16xi32>
    %sign3A_1548 = arith.constant 0 : i32
    %sign3A_1549 = vector.broadcast %sign3A_1548 : i32 to vector<16xi32>
    %sign3A_1550 = arith.cmpi sgt, %add3A_1544, %sign3A_1549 : vector<16xi32>
    %sign3A_1551 = arith.extui %sign3A_1550 : vector<16xi1> to vector<16xi32>
    %sign3A_1552 = arith.constant 0 : i32
    %sign3A_1553 = vector.broadcast %sign3A_1552 : i32 to vector<16xi32>
    %sign3A_1554 = arith.cmpi slt, %add3A_1544, %sign3A_1553 : vector<16xi32>
    %sign3A_1555 = arith.extui %sign3A_1554 : vector<16xi1> to vector<16xi32>
    %sign3A_1556 = arith.subi %sign3A_1551, %sign3A_1555 : vector<16xi32>
    %sign3A_1557 = arith.constant 0 : i32
    %sign3A_1558 = arith.cmpi sgt, %jit3A_1545, %sign3A_1557 : i32
    %sign3A_1559 = arith.extui %sign3A_1558 : i1 to i32
    %sign3A_1560 = arith.constant 0 : i32
    %sign3A_1561 = arith.cmpi slt, %jit3A_1545, %sign3A_1560 : i32
    %sign3A_1562 = arith.extui %sign3A_1561 : i1 to i32
    %sign3A_1563 = arith.subi %sign3A_1559, %sign3A_1562 : i32
    %ne3A_1564 = vector.broadcast %sign3A_1563 : i32 to vector<16xi32>
    %ne3A_1565 = arith.cmpi ne, %sign3A_1556, %ne3A_1564 : vector<16xi32>
    %rem3A_1566 = vector.broadcast %jit3A_1545 : i32 to vector<16xi32>
    %rem3A_1567 = arith.remsi %add3A_1544, %rem3A_1566 : vector<16xi32>
    %ne3A_1568 = arith.constant 0 : i32
    %ne3A_1569 = vector.broadcast %ne3A_1568 : i32 to vector<16xi32>
    %ne3A_1570 = arith.cmpi ne, %rem3A_1567, %ne3A_1569 : vector<16xi32>
    %and3A_1571 = arith.andi %ne3A_1565, %ne3A_1570 : vector<16xi1>
    %sub3A_1572 = arith.constant 1 : i32
    %sub3A_1573 = vector.broadcast %sub3A_1572 : i32 to vector<16xi32>
    %sub3A_1574 = arith.subi %div3A_1547, %sub3A_1573 : vector<16xi32>
    %select_n3A_1575 = arith.select %and3A_1571, %sub3A_1574, %div3A_1547 : vector<16xi1>, vector<16xi32>
    %min3A_1576 = arith.constant 6263 : i32
    %min3A_1577 = vector.broadcast %min3A_1576 : i32 to vector<16xi32>
    %min3A_1578 = arith.minsi %select_n3A_1575, %min3A_1577 : vector<16xi32>
    %gather3A_1579 = tpu.vector_load_idx %arg6[%min3A_1578] : memref<6264xi32, #tpu.memory_space<vmem>>[vector<16xi32>], vector<16xi32>,
    %lt3A_1580 = arith.cmpi slt, %select_n3A_1542, %select_n3A_1543 : vector<16xi32>
    %lt3A_1581 = arith.cmpi slt, %gather3A_1579, %add3A_1399 : vector<16xi32>
    %and3A_1582 = arith.andi %lt3A_1581, %lt3A_1580 : vector<16xi1>
    %lt3A_1583 = arith.cmpi slt, %gather3A_1579, %add3A_1399 : vector<16xi32>
    %not3A_1584 = arith.constant dense<true> : vector<16xi1>
    %not3A_1585 = arith.xori %lt3A_1583, %not3A_1584 : vector<16xi1>
    %and3A_1586 = arith.andi %not3A_1585, %lt3A_1580 : vector<16xi1>
    %add3A_1587 = arith.constant 1 : i32
    %add3A_1588 = vector.broadcast %add3A_1587 : i32 to vector<16xi32>
    %add3A_1589 = arith.addi %select_n3A_1575, %add3A_1588 : vector<16xi32>
    %select_n3A_1590 = arith.select %and3A_1582, %add3A_1589, %select_n3A_1542 : vector<16xi1>, vector<16xi32>
    %select_n3A_1591 = arith.select %and3A_1586, %select_n3A_1575, %select_n3A_1543 : vector<16xi1>, vector<16xi32>
    %add3A_1592 = arith.addi %select_n3A_1590, %select_n3A_1591 : vector<16xi32>
    %jit3A_1593 = arith.constant 2 : i32
    %div3A_1594 = vector.broadcast %jit3A_1593 : i32 to vector<16xi32>
    %div3A_1595 = arith.divsi %add3A_1592, %div3A_1594 : vector<16xi32>
    %sign3A_1596 = arith.constant 0 : i32
    %sign3A_1597 = vector.broadcast %sign3A_1596 : i32 to vector<16xi32>
    %sign3A_1598 = arith.cmpi sgt, %add3A_1592, %sign3A_1597 : vector<16xi32>
    %sign3A_1599 = arith.extui %sign3A_1598 : vector<16xi1> to vector<16xi32>
    %sign3A_1600 = arith.constant 0 : i32
    %sign3A_1601 = vector.broadcast %sign3A_1600 : i32 to vector<16xi32>
    %sign3A_1602 = arith.cmpi slt, %add3A_1592, %sign3A_1601 : vector<16xi32>
    %sign3A_1603 = arith.extui %sign3A_1602 : vector<16xi1> to vector<16xi32>
    %sign3A_1604 = arith.subi %sign3A_1599, %sign3A_1603 : vector<16xi32>
    %sign3A_1605 = arith.constant 0 : i32
    %sign3A_1606 = arith.cmpi sgt, %jit3A_1593, %sign3A_1605 : i32
    %sign3A_1607 = arith.extui %sign3A_1606 : i1 to i32
    %sign3A_1608 = arith.constant 0 : i32
    %sign3A_1609 = arith.cmpi slt, %jit3A_1593, %sign3A_1608 : i32
    %sign3A_1610 = arith.extui %sign3A_1609 : i1 to i32
    %sign3A_1611 = arith.subi %sign3A_1607, %sign3A_1610 : i32
    %ne3A_1612 = vector.broadcast %sign3A_1611 : i32 to vector<16xi32>
    %ne3A_1613 = arith.cmpi ne, %sign3A_1604, %ne3A_1612 : vector<16xi32>
    %rem3A_1614 = vector.broadcast %jit3A_1593 : i32 to vector<16xi32>
    %rem3A_1615 = arith.remsi %add3A_1592, %rem3A_1614 : vector<16xi32>
    %ne3A_1616 = arith.constant 0 : i32
    %ne3A_1617 = vector.broadcast %ne3A_1616 : i32 to vector<16xi32>
    %ne3A_1618 = arith.cmpi ne, %rem3A_1615, %ne3A_1617 : vector<16xi32>
    %and3A_1619 = arith.andi %ne3A_1613, %ne3A_1618 : vector<16xi1>
    %sub3A_1620 = arith.constant 1 : i32
    %sub3A_1621 = vector.broadcast %sub3A_1620 : i32 to vector<16xi32>
    %sub3A_1622 = arith.subi %div3A_1595, %sub3A_1621 : vector<16xi32>
    %select_n3A_1623 = arith.select %and3A_1619, %sub3A_1622, %div3A_1595 : vector<16xi1>, vector<16xi32>
    %min3A_1624 = arith.constant 6263 : i32
    %min3A_1625 = vector.broadcast %min3A_1624 : i32 to vector<16xi32>
    %min3A_1626 = arith.minsi %select_n3A_1623, %min3A_1625 : vector<16xi32>
    %gather3A_1627 = tpu.vector_load_idx %arg6[%min3A_1626] : memref<6264xi32, #tpu.memory_space<vmem>>[vector<16xi32>], vector<16xi32>,
    %lt3A_1628 = arith.cmpi slt, %select_n3A_1590, %select_n3A_1591 : vector<16xi32>
    %lt3A_1629 = arith.cmpi slt, %gather3A_1627, %add3A_1399 : vector<16xi32>
    %and3A_1630 = arith.andi %lt3A_1629, %lt3A_1628 : vector<16xi1>
    %lt3A_1631 = arith.cmpi slt, %gather3A_1627, %add3A_1399 : vector<16xi32>
    %not3A_1632 = arith.constant dense<true> : vector<16xi1>
    %not3A_1633 = arith.xori %lt3A_1631, %not3A_1632 : vector<16xi1>
    %and3A_1634 = arith.andi %not3A_1633, %lt3A_1628 : vector<16xi1>
    %add3A_1635 = arith.constant 1 : i32
    %add3A_1636 = vector.broadcast %add3A_1635 : i32 to vector<16xi32>
    %add3A_1637 = arith.addi %select_n3A_1623, %add3A_1636 : vector<16xi32>
    %select_n3A_1638 = arith.select %and3A_1630, %add3A_1637, %select_n3A_1590 : vector<16xi1>, vector<16xi32>
    %select_n3A_1639 = arith.select %and3A_1634, %select_n3A_1623, %select_n3A_1591 : vector<16xi1>, vector<16xi32>
    %add3A_1640 = arith.addi %select_n3A_1638, %select_n3A_1639 : vector<16xi32>
    %jit3A_1641 = arith.constant 2 : i32
    %div3A_1642 = vector.broadcast %jit3A_1641 : i32 to vector<16xi32>
    %div3A_1643 = arith.divsi %add3A_1640, %div3A_1642 : vector<16xi32>
    %sign3A_1644 = arith.constant 0 : i32
    %sign3A_1645 = vector.broadcast %sign3A_1644 : i32 to vector<16xi32>
    %sign3A_1646 = arith.cmpi sgt, %add3A_1640, %sign3A_1645 : vector<16xi32>
    %sign3A_1647 = arith.extui %sign3A_1646 : vector<16xi1> to vector<16xi32>
    %sign3A_1648 = arith.constant 0 : i32
    %sign3A_1649 = vector.broadcast %sign3A_1648 : i32 to vector<16xi32>
    %sign3A_1650 = arith.cmpi slt, %add3A_1640, %sign3A_1649 : vector<16xi32>
    %sign3A_1651 = arith.extui %sign3A_1650 : vector<16xi1> to vector<16xi32>
    %sign3A_1652 = arith.subi %sign3A_1647, %sign3A_1651 : vector<16xi32>
    %sign3A_1653 = arith.constant 0 : i32
    %sign3A_1654 = arith.cmpi sgt, %jit3A_1641, %sign3A_1653 : i32
    %sign3A_1655 = arith.extui %sign3A_1654 : i1 to i32
    %sign3A_1656 = arith.constant 0 : i32
    %sign3A_1657 = arith.cmpi slt, %jit3A_1641, %sign3A_1656 : i32
    %sign3A_1658 = arith.extui %sign3A_1657 : i1 to i32
    %sign3A_1659 = arith.subi %sign3A_1655, %sign3A_1658 : i32
    %ne3A_1660 = vector.broadcast %sign3A_1659 : i32 to vector<16xi32>
    %ne3A_1661 = arith.cmpi ne, %sign3A_1652, %ne3A_1660 : vector<16xi32>
    %rem3A_1662 = vector.broadcast %jit3A_1641 : i32 to vector<16xi32>
    %rem3A_1663 = arith.remsi %add3A_1640, %rem3A_1662 : vector<16xi32>
    %ne3A_1664 = arith.constant 0 : i32
    %ne3A_1665 = vector.broadcast %ne3A_1664 : i32 to vector<16xi32>
    %ne3A_1666 = arith.cmpi ne, %rem3A_1663, %ne3A_1665 : vector<16xi32>
    %and3A_1667 = arith.andi %ne3A_1661, %ne3A_1666 : vector<16xi1>
    %sub3A_1668 = arith.constant 1 : i32
    %sub3A_1669 = vector.broadcast %sub3A_1668 : i32 to vector<16xi32>
    %sub3A_1670 = arith.subi %div3A_1643, %sub3A_1669 : vector<16xi32>
    %select_n3A_1671 = arith.select %and3A_1667, %sub3A_1670, %div3A_1643 : vector<16xi1>, vector<16xi32>
    %min3A_1672 = arith.constant 6263 : i32
    %min3A_1673 = vector.broadcast %min3A_1672 : i32 to vector<16xi32>
    %min3A_1674 = arith.minsi %select_n3A_1671, %min3A_1673 : vector<16xi32>
    %gather3A_1675 = tpu.vector_load_idx %arg6[%min3A_1674] : memref<6264xi32, #tpu.memory_space<vmem>>[vector<16xi32>], vector<16xi32>,
    %lt3A_1676 = arith.cmpi slt, %select_n3A_1638, %select_n3A_1639 : vector<16xi32>
    %lt3A_1677 = arith.cmpi slt, %gather3A_1675, %add3A_1399 : vector<16xi32>
    %and3A_1678 = arith.andi %lt3A_1677, %lt3A_1676 : vector<16xi1>
    %lt3A_1679 = arith.cmpi slt, %gather3A_1675, %add3A_1399 : vector<16xi32>
    %not3A_1680 = arith.constant dense<true> : vector<16xi1>
    %not3A_1681 = arith.xori %lt3A_1679, %not3A_1680 : vector<16xi1>
    %and3A_1682 = arith.andi %not3A_1681, %lt3A_1676 : vector<16xi1>
    %add3A_1683 = arith.constant 1 : i32
    %add3A_1684 = vector.broadcast %add3A_1683 : i32 to vector<16xi32>
    %add3A_1685 = arith.addi %select_n3A_1671, %add3A_1684 : vector<16xi32>
    %select_n3A_1686 = arith.select %and3A_1678, %add3A_1685, %select_n3A_1638 : vector<16xi1>, vector<16xi32>
    %select_n3A_1687 = arith.select %and3A_1682, %select_n3A_1671, %select_n3A_1639 : vector<16xi1>, vector<16xi32>
    %add3A_1688 = arith.addi %select_n3A_1686, %select_n3A_1687 : vector<16xi32>
    %jit3A_1689 = arith.constant 2 : i32
    %div3A_1690 = vector.broadcast %jit3A_1689 : i32 to vector<16xi32>
    %div3A_1691 = arith.divsi %add3A_1688, %div3A_1690 : vector<16xi32>
    %sign3A_1692 = arith.constant 0 : i32
    %sign3A_1693 = vector.broadcast %sign3A_1692 : i32 to vector<16xi32>
    %sign3A_1694 = arith.cmpi sgt, %add3A_1688, %sign3A_1693 : vector<16xi32>
    %sign3A_1695 = arith.extui %sign3A_1694 : vector<16xi1> to vector<16xi32>
    %sign3A_1696 = arith.constant 0 : i32
    %sign3A_1697 = vector.broadcast %sign3A_1696 : i32 to vector<16xi32>
    %sign3A_1698 = arith.cmpi slt, %add3A_1688, %sign3A_1697 : vector<16xi32>
    %sign3A_1699 = arith.extui %sign3A_1698 : vector<16xi1> to vector<16xi32>
    %sign3A_1700 = arith.subi %sign3A_1695, %sign3A_1699 : vector<16xi32>
    %sign3A_1701 = arith.constant 0 : i32
    %sign3A_1702 = arith.cmpi sgt, %jit3A_1689, %sign3A_1701 : i32
    %sign3A_1703 = arith.extui %sign3A_1702 : i1 to i32
    %sign3A_1704 = arith.constant 0 : i32
    %sign3A_1705 = arith.cmpi slt, %jit3A_1689, %sign3A_1704 : i32
    %sign3A_1706 = arith.extui %sign3A_1705 : i1 to i32
    %sign3A_1707 = arith.subi %sign3A_1703, %sign3A_1706 : i32
    %ne3A_1708 = vector.broadcast %sign3A_1707 : i32 to vector<16xi32>
    %ne3A_1709 = arith.cmpi ne, %sign3A_1700, %ne3A_1708 : vector<16xi32>
    %rem3A_1710 = vector.broadcast %jit3A_1689 : i32 to vector<16xi32>
    %rem3A_1711 = arith.remsi %add3A_1688, %rem3A_1710 : vector<16xi32>
    %ne3A_1712 = arith.constant 0 : i32
    %ne3A_1713 = vector.broadcast %ne3A_1712 : i32 to vector<16xi32>
    %ne3A_1714 = arith.cmpi ne, %rem3A_1711, %ne3A_1713 : vector<16xi32>
    %and3A_1715 = arith.andi %ne3A_1709, %ne3A_1714 : vector<16xi1>
    %sub3A_1716 = arith.constant 1 : i32
    %sub3A_1717 = vector.broadcast %sub3A_1716 : i32 to vector<16xi32>
    %sub3A_1718 = arith.subi %div3A_1691, %sub3A_1717 : vector<16xi32>
    %select_n3A_1719 = arith.select %and3A_1715, %sub3A_1718, %div3A_1691 : vector<16xi1>, vector<16xi32>
    %min3A_1720 = arith.constant 6263 : i32
    %min3A_1721 = vector.broadcast %min3A_1720 : i32 to vector<16xi32>
    %min3A_1722 = arith.minsi %select_n3A_1719, %min3A_1721 : vector<16xi32>
    %gather3A_1723 = tpu.vector_load_idx %arg6[%min3A_1722] : memref<6264xi32, #tpu.memory_space<vmem>>[vector<16xi32>], vector<16xi32>,
    %lt3A_1724 = arith.cmpi slt, %select_n3A_1686, %select_n3A_1687 : vector<16xi32>
    %lt3A_1725 = arith.cmpi slt, %gather3A_1723, %add3A_1399 : vector<16xi32>
    %and3A_1726 = arith.andi %lt3A_1725, %lt3A_1724 : vector<16xi1>
    %lt3A_1727 = arith.cmpi slt, %gather3A_1723, %add3A_1399 : vector<16xi32>
    %not3A_1728 = arith.constant dense<true> : vector<16xi1>
    %not3A_1729 = arith.xori %lt3A_1727, %not3A_1728 : vector<16xi1>
    %and3A_1730 = arith.andi %not3A_1729, %lt3A_1724 : vector<16xi1>
    %add3A_1731 = arith.constant 1 : i32
    %add3A_1732 = vector.broadcast %add3A_1731 : i32 to vector<16xi32>
    %add3A_1733 = arith.addi %select_n3A_1719, %add3A_1732 : vector<16xi32>
    %select_n3A_1734 = arith.select %and3A_1726, %add3A_1733, %select_n3A_1686 : vector<16xi1>, vector<16xi32>
    %select_n3A_1735 = arith.select %and3A_1730, %select_n3A_1719, %select_n3A_1687 : vector<16xi1>, vector<16xi32>
    %add3A_1736 = arith.addi %select_n3A_1734, %select_n3A_1735 : vector<16xi32>
    %jit3A_1737 = arith.constant 2 : i32
    %div3A_1738 = vector.broadcast %jit3A_1737 : i32 to vector<16xi32>
    %div3A_1739 = arith.divsi %add3A_1736, %div3A_1738 : vector<16xi32>
    %sign3A_1740 = arith.constant 0 : i32
    %sign3A_1741 = vector.broadcast %sign3A_1740 : i32 to vector<16xi32>
    %sign3A_1742 = arith.cmpi sgt, %add3A_1736, %sign3A_1741 : vector<16xi32>
    %sign3A_1743 = arith.extui %sign3A_1742 : vector<16xi1> to vector<16xi32>
    %sign3A_1744 = arith.constant 0 : i32
    %sign3A_1745 = vector.broadcast %sign3A_1744 : i32 to vector<16xi32>
    %sign3A_1746 = arith.cmpi slt, %add3A_1736, %sign3A_1745 : vector<16xi32>
    %sign3A_1747 = arith.extui %sign3A_1746 : vector<16xi1> to vector<16xi32>
    %sign3A_1748 = arith.subi %sign3A_1743, %sign3A_1747 : vector<16xi32>
    %sign3A_1749 = arith.constant 0 : i32
    %sign3A_1750 = arith.cmpi sgt, %jit3A_1737, %sign3A_1749 : i32
    %sign3A_1751 = arith.extui %sign3A_1750 : i1 to i32
    %sign3A_1752 = arith.constant 0 : i32
    %sign3A_1753 = arith.cmpi slt, %jit3A_1737, %sign3A_1752 : i32
    %sign3A_1754 = arith.extui %sign3A_1753 : i1 to i32
    %sign3A_1755 = arith.subi %sign3A_1751, %sign3A_1754 : i32
    %ne3A_1756 = vector.broadcast %sign3A_1755 : i32 to vector<16xi32>
    %ne3A_1757 = arith.cmpi ne, %sign3A_1748, %ne3A_1756 : vector<16xi32>
    %rem3A_1758 = vector.broadcast %jit3A_1737 : i32 to vector<16xi32>
    %rem3A_1759 = arith.remsi %add3A_1736, %rem3A_1758 : vector<16xi32>
    %ne3A_1760 = arith.constant 0 : i32
    %ne3A_1761 = vector.broadcast %ne3A_1760 : i32 to vector<16xi32>
    %ne3A_1762 = arith.cmpi ne, %rem3A_1759, %ne3A_1761 : vector<16xi32>
    %and3A_1763 = arith.andi %ne3A_1757, %ne3A_1762 : vector<16xi1>
    %sub3A_1764 = arith.constant 1 : i32
    %sub3A_1765 = vector.broadcast %sub3A_1764 : i32 to vector<16xi32>
    %sub3A_1766 = arith.subi %div3A_1739, %sub3A_1765 : vector<16xi32>
    %select_n3A_1767 = arith.select %and3A_1763, %sub3A_1766, %div3A_1739 : vector<16xi1>, vector<16xi32>
    %min3A_1768 = arith.constant 6263 : i32
    %min3A_1769 = vector.broadcast %min3A_1768 : i32 to vector<16xi32>
    %min3A_1770 = arith.minsi %select_n3A_1767, %min3A_1769 : vector<16xi32>
    %gather3A_1771 = tpu.vector_load_idx %arg6[%min3A_1770] : memref<6264xi32, #tpu.memory_space<vmem>>[vector<16xi32>], vector<16xi32>,
    %lt3A_1772 = arith.cmpi slt, %select_n3A_1734, %select_n3A_1735 : vector<16xi32>
    %lt3A_1773 = arith.cmpi slt, %gather3A_1771, %add3A_1399 : vector<16xi32>
    %and3A_1774 = arith.andi %lt3A_1773, %lt3A_1772 : vector<16xi1>
    %lt3A_1775 = arith.cmpi slt, %gather3A_1771, %add3A_1399 : vector<16xi32>
    %not3A_1776 = arith.constant dense<true> : vector<16xi1>
    %not3A_1777 = arith.xori %lt3A_1775, %not3A_1776 : vector<16xi1>
    %and3A_1778 = arith.andi %not3A_1777, %lt3A_1772 : vector<16xi1>
    %add3A_1779 = arith.constant 1 : i32
    %add3A_1780 = vector.broadcast %add3A_1779 : i32 to vector<16xi32>
    %add3A_1781 = arith.addi %select_n3A_1767, %add3A_1780 : vector<16xi32>
    %select_n3A_1782 = arith.select %and3A_1774, %add3A_1781, %select_n3A_1734 : vector<16xi1>, vector<16xi32>
    %select_n3A_1783 = arith.select %and3A_1778, %select_n3A_1767, %select_n3A_1735 : vector<16xi1>, vector<16xi32>
    %add3A_1784 = arith.addi %select_n3A_1782, %select_n3A_1783 : vector<16xi32>
    %jit3A_1785 = arith.constant 2 : i32
    %div3A_1786 = vector.broadcast %jit3A_1785 : i32 to vector<16xi32>
    %div3A_1787 = arith.divsi %add3A_1784, %div3A_1786 : vector<16xi32>
    %sign3A_1788 = arith.constant 0 : i32
    %sign3A_1789 = vector.broadcast %sign3A_1788 : i32 to vector<16xi32>
    %sign3A_1790 = arith.cmpi sgt, %add3A_1784, %sign3A_1789 : vector<16xi32>
    %sign3A_1791 = arith.extui %sign3A_1790 : vector<16xi1> to vector<16xi32>
    %sign3A_1792 = arith.constant 0 : i32
    %sign3A_1793 = vector.broadcast %sign3A_1792 : i32 to vector<16xi32>
    %sign3A_1794 = arith.cmpi slt, %add3A_1784, %sign3A_1793 : vector<16xi32>
    %sign3A_1795 = arith.extui %sign3A_1794 : vector<16xi1> to vector<16xi32>
    %sign3A_1796 = arith.subi %sign3A_1791, %sign3A_1795 : vector<16xi32>
    %sign3A_1797 = arith.constant 0 : i32
    %sign3A_1798 = arith.cmpi sgt, %jit3A_1785, %sign3A_1797 : i32
    %sign3A_1799 = arith.extui %sign3A_1798 : i1 to i32
    %sign3A_1800 = arith.constant 0 : i32
    %sign3A_1801 = arith.cmpi slt, %jit3A_1785, %sign3A_1800 : i32
    %sign3A_1802 = arith.extui %sign3A_1801 : i1 to i32
    %sign3A_1803 = arith.subi %sign3A_1799, %sign3A_1802 : i32
    %ne3A_1804 = vector.broadcast %sign3A_1803 : i32 to vector<16xi32>
    %ne3A_1805 = arith.cmpi ne, %sign3A_1796, %ne3A_1804 : vector<16xi32>
    %rem3A_1806 = vector.broadcast %jit3A_1785 : i32 to vector<16xi32>
    %rem3A_1807 = arith.remsi %add3A_1784, %rem3A_1806 : vector<16xi32>
    %ne3A_1808 = arith.constant 0 : i32
    %ne3A_1809 = vector.broadcast %ne3A_1808 : i32 to vector<16xi32>
    %ne3A_1810 = arith.cmpi ne, %rem3A_1807, %ne3A_1809 : vector<16xi32>
    %and3A_1811 = arith.andi %ne3A_1805, %ne3A_1810 : vector<16xi1>
    %sub3A_1812 = arith.constant 1 : i32
    %sub3A_1813 = vector.broadcast %sub3A_1812 : i32 to vector<16xi32>
    %sub3A_1814 = arith.subi %div3A_1787, %sub3A_1813 : vector<16xi32>
    %select_n3A_1815 = arith.select %and3A_1811, %sub3A_1814, %div3A_1787 : vector<16xi1>, vector<16xi32>
    %min3A_1816 = arith.constant 6263 : i32
    %min3A_1817 = vector.broadcast %min3A_1816 : i32 to vector<16xi32>
    %min3A_1818 = arith.minsi %select_n3A_1815, %min3A_1817 : vector<16xi32>
    %gather3A_1819 = tpu.vector_load_idx %arg6[%min3A_1818] : memref<6264xi32, #tpu.memory_space<vmem>>[vector<16xi32>], vector<16xi32>,
    %lt3A_1820 = arith.cmpi slt, %select_n3A_1782, %select_n3A_1783 : vector<16xi32>
    %lt3A_1821 = arith.cmpi slt, %gather3A_1819, %add3A_1399 : vector<16xi32>
    %and3A_1822 = arith.andi %lt3A_1821, %lt3A_1820 : vector<16xi1>
    %lt3A_1823 = arith.cmpi slt, %gather3A_1819, %add3A_1399 : vector<16xi32>
    %not3A_1824 = arith.constant dense<true> : vector<16xi1>
    %not3A_1825 = arith.xori %lt3A_1823, %not3A_1824 : vector<16xi1>
    %and3A_1826 = arith.andi %not3A_1825, %lt3A_1820 : vector<16xi1>
    %add3A_1827 = arith.constant 1 : i32
    %add3A_1828 = vector.broadcast %add3A_1827 : i32 to vector<16xi32>
    %add3A_1829 = arith.addi %select_n3A_1815, %add3A_1828 : vector<16xi32>
    %select_n3A_1830 = arith.select %and3A_1822, %add3A_1829, %select_n3A_1782 : vector<16xi1>, vector<16xi32>
    %select_n3A_1831 = arith.select %and3A_1826, %select_n3A_1815, %select_n3A_1783 : vector<16xi1>, vector<16xi32>
    %add3A_1832 = arith.addi %select_n3A_1830, %select_n3A_1831 : vector<16xi32>
    %jit3A_1833 = arith.constant 2 : i32
    %div3A_1834 = vector.broadcast %jit3A_1833 : i32 to vector<16xi32>
    %div3A_1835 = arith.divsi %add3A_1832, %div3A_1834 : vector<16xi32>
    %sign3A_1836 = arith.constant 0 : i32
    %sign3A_1837 = vector.broadcast %sign3A_1836 : i32 to vector<16xi32>
    %sign3A_1838 = arith.cmpi sgt, %add3A_1832, %sign3A_1837 : vector<16xi32>
    %sign3A_1839 = arith.extui %sign3A_1838 : vector<16xi1> to vector<16xi32>
    %sign3A_1840 = arith.constant 0 : i32
    %sign3A_1841 = vector.broadcast %sign3A_1840 : i32 to vector<16xi32>
    %sign3A_1842 = arith.cmpi slt, %add3A_1832, %sign3A_1841 : vector<16xi32>
    %sign3A_1843 = arith.extui %sign3A_1842 : vector<16xi1> to vector<16xi32>
    %sign3A_1844 = arith.subi %sign3A_1839, %sign3A_1843 : vector<16xi32>
    %sign3A_1845 = arith.constant 0 : i32
    %sign3A_1846 = arith.cmpi sgt, %jit3A_1833, %sign3A_1845 : i32
    %sign3A_1847 = arith.extui %sign3A_1846 : i1 to i32
    %sign3A_1848 = arith.constant 0 : i32
    %sign3A_1849 = arith.cmpi slt, %jit3A_1833, %sign3A_1848 : i32
    %sign3A_1850 = arith.extui %sign3A_1849 : i1 to i32
    %sign3A_1851 = arith.subi %sign3A_1847, %sign3A_1850 : i32
    %ne3A_1852 = vector.broadcast %sign3A_1851 : i32 to vector<16xi32>
    %ne3A_1853 = arith.cmpi ne, %sign3A_1844, %ne3A_1852 : vector<16xi32>
    %rem3A_1854 = vector.broadcast %jit3A_1833 : i32 to vector<16xi32>
    %rem3A_1855 = arith.remsi %add3A_1832, %rem3A_1854 : vector<16xi32>
    %ne3A_1856 = arith.constant 0 : i32
    %ne3A_1857 = vector.broadcast %ne3A_1856 : i32 to vector<16xi32>
    %ne3A_1858 = arith.cmpi ne, %rem3A_1855, %ne3A_1857 : vector<16xi32>
    %and3A_1859 = arith.andi %ne3A_1853, %ne3A_1858 : vector<16xi1>
    %sub3A_1860 = arith.constant 1 : i32
    %sub3A_1861 = vector.broadcast %sub3A_1860 : i32 to vector<16xi32>
    %sub3A_1862 = arith.subi %div3A_1835, %sub3A_1861 : vector<16xi32>
    %select_n3A_1863 = arith.select %and3A_1859, %sub3A_1862, %div3A_1835 : vector<16xi1>, vector<16xi32>
    %min3A_1864 = arith.constant 6263 : i32
    %min3A_1865 = vector.broadcast %min3A_1864 : i32 to vector<16xi32>
    %min3A_1866 = arith.minsi %select_n3A_1863, %min3A_1865 : vector<16xi32>
    %gather3A_1867 = tpu.vector_load_idx %arg6[%min3A_1866] : memref<6264xi32, #tpu.memory_space<vmem>>[vector<16xi32>], vector<16xi32>,
    %lt3A_1868 = arith.cmpi slt, %select_n3A_1830, %select_n3A_1831 : vector<16xi32>
    %lt3A_1869 = arith.cmpi slt, %gather3A_1867, %add3A_1399 : vector<16xi32>
    %and3A_1870 = arith.andi %lt3A_1869, %lt3A_1868 : vector<16xi1>
    %lt3A_1871 = arith.cmpi slt, %gather3A_1867, %add3A_1399 : vector<16xi32>
    %not3A_1872 = arith.constant dense<true> : vector<16xi1>
    %not3A_1873 = arith.xori %lt3A_1871, %not3A_1872 : vector<16xi1>
    %and3A_1874 = arith.andi %not3A_1873, %lt3A_1868 : vector<16xi1>
    %add3A_1875 = arith.constant 1 : i32
    %add3A_1876 = vector.broadcast %add3A_1875 : i32 to vector<16xi32>
    %add3A_1877 = arith.addi %select_n3A_1863, %add3A_1876 : vector<16xi32>
    %select_n3A_1878 = arith.select %and3A_1870, %add3A_1877, %select_n3A_1830 : vector<16xi1>, vector<16xi32>
    %select_n3A_1879 = arith.select %and3A_1874, %select_n3A_1863, %select_n3A_1831 : vector<16xi1>, vector<16xi32>
    %add3A_1880 = arith.addi %select_n3A_1878, %select_n3A_1879 : vector<16xi32>
    %jit3A_1881 = arith.constant 2 : i32
    %div3A_1882 = vector.broadcast %jit3A_1881 : i32 to vector<16xi32>
    %div3A_1883 = arith.divsi %add3A_1880, %div3A_1882 : vector<16xi32>
    %sign3A_1884 = arith.constant 0 : i32
    %sign3A_1885 = vector.broadcast %sign3A_1884 : i32 to vector<16xi32>
    %sign3A_1886 = arith.cmpi sgt, %add3A_1880, %sign3A_1885 : vector<16xi32>
    %sign3A_1887 = arith.extui %sign3A_1886 : vector<16xi1> to vector<16xi32>
    %sign3A_1888 = arith.constant 0 : i32
    %sign3A_1889 = vector.broadcast %sign3A_1888 : i32 to vector<16xi32>
    %sign3A_1890 = arith.cmpi slt, %add3A_1880, %sign3A_1889 : vector<16xi32>
    %sign3A_1891 = arith.extui %sign3A_1890 : vector<16xi1> to vector<16xi32>
    %sign3A_1892 = arith.subi %sign3A_1887, %sign3A_1891 : vector<16xi32>
    %sign3A_1893 = arith.constant 0 : i32
    %sign3A_1894 = arith.cmpi sgt, %jit3A_1881, %sign3A_1893 : i32
    %sign3A_1895 = arith.extui %sign3A_1894 : i1 to i32
    %sign3A_1896 = arith.constant 0 : i32
    %sign3A_1897 = arith.cmpi slt, %jit3A_1881, %sign3A_1896 : i32
    %sign3A_1898 = arith.extui %sign3A_1897 : i1 to i32
    %sign3A_1899 = arith.subi %sign3A_1895, %sign3A_1898 : i32
    %ne3A_1900 = vector.broadcast %sign3A_1899 : i32 to vector<16xi32>
    %ne3A_1901 = arith.cmpi ne, %sign3A_1892, %ne3A_1900 : vector<16xi32>
    %rem3A_1902 = vector.broadcast %jit3A_1881 : i32 to vector<16xi32>
    %rem3A_1903 = arith.remsi %add3A_1880, %rem3A_1902 : vector<16xi32>
    %ne3A_1904 = arith.constant 0 : i32
    %ne3A_1905 = vector.broadcast %ne3A_1904 : i32 to vector<16xi32>
    %ne3A_1906 = arith.cmpi ne, %rem3A_1903, %ne3A_1905 : vector<16xi32>
    %and3A_1907 = arith.andi %ne3A_1901, %ne3A_1906 : vector<16xi1>
    %sub3A_1908 = arith.constant 1 : i32
    %sub3A_1909 = vector.broadcast %sub3A_1908 : i32 to vector<16xi32>
    %sub3A_1910 = arith.subi %div3A_1883, %sub3A_1909 : vector<16xi32>
    %select_n3A_1911 = arith.select %and3A_1907, %sub3A_1910, %div3A_1883 : vector<16xi1>, vector<16xi32>
    %min3A_1912 = arith.constant 6263 : i32
    %min3A_1913 = vector.broadcast %min3A_1912 : i32 to vector<16xi32>
    %min3A_1914 = arith.minsi %select_n3A_1911, %min3A_1913 : vector<16xi32>
    %gather3A_1915 = tpu.vector_load_idx %arg6[%min3A_1914] : memref<6264xi32, #tpu.memory_space<vmem>>[vector<16xi32>], vector<16xi32>,
    %lt3A_1916 = arith.cmpi slt, %select_n3A_1878, %select_n3A_1879 : vector<16xi32>
    %lt3A_1917 = arith.cmpi slt, %gather3A_1915, %add3A_1399 : vector<16xi32>
    %and3A_1918 = arith.andi %lt3A_1917, %lt3A_1916 : vector<16xi1>
    %lt3A_1919 = arith.cmpi slt, %gather3A_1915, %add3A_1399 : vector<16xi32>
    %not3A_1920 = arith.constant dense<true> : vector<16xi1>
    %not3A_1921 = arith.xori %lt3A_1919, %not3A_1920 : vector<16xi1>
    %and3A_1922 = arith.andi %not3A_1921, %lt3A_1916 : vector<16xi1>
    %add3A_1923 = arith.constant 1 : i32
    %add3A_1924 = vector.broadcast %add3A_1923 : i32 to vector<16xi32>
    %add3A_1925 = arith.addi %select_n3A_1911, %add3A_1924 : vector<16xi32>
    %select_n3A_1926 = arith.select %and3A_1918, %add3A_1925, %select_n3A_1878 : vector<16xi1>, vector<16xi32>
    %select_n3A_1927 = arith.select %and3A_1922, %select_n3A_1911, %select_n3A_1879 : vector<16xi1>, vector<16xi32>
    %add3A_1928 = arith.addi %select_n3A_1926, %select_n3A_1927 : vector<16xi32>
    %jit3A_1929 = arith.constant 2 : i32
    %div3A_1930 = vector.broadcast %jit3A_1929 : i32 to vector<16xi32>
    %div3A_1931 = arith.divsi %add3A_1928, %div3A_1930 : vector<16xi32>
    %sign3A_1932 = arith.constant 0 : i32
    %sign3A_1933 = vector.broadcast %sign3A_1932 : i32 to vector<16xi32>
    %sign3A_1934 = arith.cmpi sgt, %add3A_1928, %sign3A_1933 : vector<16xi32>
    %sign3A_1935 = arith.extui %sign3A_1934 : vector<16xi1> to vector<16xi32>
    %sign3A_1936 = arith.constant 0 : i32
    %sign3A_1937 = vector.broadcast %sign3A_1936 : i32 to vector<16xi32>
    %sign3A_1938 = arith.cmpi slt, %add3A_1928, %sign3A_1937 : vector<16xi32>
    %sign3A_1939 = arith.extui %sign3A_1938 : vector<16xi1> to vector<16xi32>
    %sign3A_1940 = arith.subi %sign3A_1935, %sign3A_1939 : vector<16xi32>
    %sign3A_1941 = arith.constant 0 : i32
    %sign3A_1942 = arith.cmpi sgt, %jit3A_1929, %sign3A_1941 : i32
    %sign3A_1943 = arith.extui %sign3A_1942 : i1 to i32
    %sign3A_1944 = arith.constant 0 : i32
    %sign3A_1945 = arith.cmpi slt, %jit3A_1929, %sign3A_1944 : i32
    %sign3A_1946 = arith.extui %sign3A_1945 : i1 to i32
    %sign3A_1947 = arith.subi %sign3A_1943, %sign3A_1946 : i32
    %ne3A_1948 = vector.broadcast %sign3A_1947 : i32 to vector<16xi32>
    %ne3A_1949 = arith.cmpi ne, %sign3A_1940, %ne3A_1948 : vector<16xi32>
    %rem3A_1950 = vector.broadcast %jit3A_1929 : i32 to vector<16xi32>
    %rem3A_1951 = arith.remsi %add3A_1928, %rem3A_1950 : vector<16xi32>
    %ne3A_1952 = arith.constant 0 : i32
    %ne3A_1953 = vector.broadcast %ne3A_1952 : i32 to vector<16xi32>
    %ne3A_1954 = arith.cmpi ne, %rem3A_1951, %ne3A_1953 : vector<16xi32>
    %and3A_1955 = arith.andi %ne3A_1949, %ne3A_1954 : vector<16xi1>
    %sub3A_1956 = arith.constant 1 : i32
    %sub3A_1957 = vector.broadcast %sub3A_1956 : i32 to vector<16xi32>
    %sub3A_1958 = arith.subi %div3A_1931, %sub3A_1957 : vector<16xi32>
    %select_n3A_1959 = arith.select %and3A_1955, %sub3A_1958, %div3A_1931 : vector<16xi1>, vector<16xi32>
    %min3A_1960 = arith.constant 6263 : i32
    %min3A_1961 = vector.broadcast %min3A_1960 : i32 to vector<16xi32>
    %min3A_1962 = arith.minsi %select_n3A_1959, %min3A_1961 : vector<16xi32>
    %gather3A_1963 = tpu.vector_load_idx %arg6[%min3A_1962] : memref<6264xi32, #tpu.memory_space<vmem>>[vector<16xi32>], vector<16xi32>,
    %lt3A_1964 = arith.cmpi slt, %select_n3A_1926, %select_n3A_1927 : vector<16xi32>
    %lt3A_1965 = arith.cmpi slt, %gather3A_1963, %add3A_1399 : vector<16xi32>
    %and3A_1966 = arith.andi %lt3A_1965, %lt3A_1964 : vector<16xi1>
    %lt3A_1967 = arith.cmpi slt, %gather3A_1963, %add3A_1399 : vector<16xi32>
    %not3A_1968 = arith.constant dense<true> : vector<16xi1>
    %not3A_1969 = arith.xori %lt3A_1967, %not3A_1968 : vector<16xi1>
    %and3A_1970 = arith.andi %not3A_1969, %lt3A_1964 : vector<16xi1>
    %add3A_1971 = arith.constant 1 : i32
    %add3A_1972 = vector.broadcast %add3A_1971 : i32 to vector<16xi32>
    %add3A_1973 = arith.addi %select_n3A_1959, %add3A_1972 : vector<16xi32>
    %select_n3A_1974 = arith.select %and3A_1966, %add3A_1973, %select_n3A_1926 : vector<16xi1>, vector<16xi32>
    %select_n3A_1975 = arith.select %and3A_1970, %select_n3A_1959, %select_n3A_1927 : vector<16xi1>, vector<16xi32>
    %add3A_1976 = arith.addi %select_n3A_1974, %select_n3A_1975 : vector<16xi32>
    %jit3A_1977 = arith.constant 2 : i32
    %div3A_1978 = vector.broadcast %jit3A_1977 : i32 to vector<16xi32>
    %div3A_1979 = arith.divsi %add3A_1976, %div3A_1978 : vector<16xi32>
    %sign3A_1980 = arith.constant 0 : i32
    %sign3A_1981 = vector.broadcast %sign3A_1980 : i32 to vector<16xi32>
    %sign3A_1982 = arith.cmpi sgt, %add3A_1976, %sign3A_1981 : vector<16xi32>
    %sign3A_1983 = arith.extui %sign3A_1982 : vector<16xi1> to vector<16xi32>
    %sign3A_1984 = arith.constant 0 : i32
    %sign3A_1985 = vector.broadcast %sign3A_1984 : i32 to vector<16xi32>
    %sign3A_1986 = arith.cmpi slt, %add3A_1976, %sign3A_1985 : vector<16xi32>
    %sign3A_1987 = arith.extui %sign3A_1986 : vector<16xi1> to vector<16xi32>
    %sign3A_1988 = arith.subi %sign3A_1983, %sign3A_1987 : vector<16xi32>
    %sign3A_1989 = arith.constant 0 : i32
    %sign3A_1990 = arith.cmpi sgt, %jit3A_1977, %sign3A_1989 : i32
    %sign3A_1991 = arith.extui %sign3A_1990 : i1 to i32
    %sign3A_1992 = arith.constant 0 : i32
    %sign3A_1993 = arith.cmpi slt, %jit3A_1977, %sign3A_1992 : i32
    %sign3A_1994 = arith.extui %sign3A_1993 : i1 to i32
    %sign3A_1995 = arith.subi %sign3A_1991, %sign3A_1994 : i32
    %ne3A_1996 = vector.broadcast %sign3A_1995 : i32 to vector<16xi32>
    %ne3A_1997 = arith.cmpi ne, %sign3A_1988, %ne3A_1996 : vector<16xi32>
    %rem3A_1998 = vector.broadcast %jit3A_1977 : i32 to vector<16xi32>
    %rem3A_1999 = arith.remsi %add3A_1976, %rem3A_1998 : vector<16xi32>
    %ne3A_2000 = arith.constant 0 : i32
    %ne3A_2001 = vector.broadcast %ne3A_2000 : i32 to vector<16xi32>
    %ne3A_2002 = arith.cmpi ne, %rem3A_1999, %ne3A_2001 : vector<16xi32>
    %and3A_2003 = arith.andi %ne3A_1997, %ne3A_2002 : vector<16xi1>
    %sub3A_2004 = arith.constant 1 : i32
    %sub3A_2005 = vector.broadcast %sub3A_2004 : i32 to vector<16xi32>
    %sub3A_2006 = arith.subi %div3A_1979, %sub3A_2005 : vector<16xi32>
    %select_n3A_2007 = arith.select %and3A_2003, %sub3A_2006, %div3A_1979 : vector<16xi1>, vector<16xi32>
    %min3A_2008 = arith.constant 6263 : i32
    %min3A_2009 = vector.broadcast %min3A_2008 : i32 to vector<16xi32>
    %min3A_2010 = arith.minsi %select_n3A_2007, %min3A_2009 : vector<16xi32>
    %gather3A_2011 = tpu.vector_load_idx %arg6[%min3A_2010] : memref<6264xi32, #tpu.memory_space<vmem>>[vector<16xi32>], vector<16xi32>,
    %lt3A_2012 = arith.cmpi slt, %select_n3A_1974, %select_n3A_1975 : vector<16xi32>
    %lt3A_2013 = arith.cmpi slt, %gather3A_2011, %add3A_1399 : vector<16xi32>
    %and3A_2014 = arith.andi %lt3A_2013, %lt3A_2012 : vector<16xi1>
    %lt3A_2015 = arith.cmpi slt, %gather3A_2011, %add3A_1399 : vector<16xi32>
    %not3A_2016 = arith.constant dense<true> : vector<16xi1>
    %not3A_2017 = arith.xori %lt3A_2015, %not3A_2016 : vector<16xi1>
    %and3A_2018 = arith.andi %not3A_2017, %lt3A_2012 : vector<16xi1>
    %add3A_2019 = arith.constant 1 : i32
    %add3A_2020 = vector.broadcast %add3A_2019 : i32 to vector<16xi32>
    %add3A_2021 = arith.addi %select_n3A_2007, %add3A_2020 : vector<16xi32>
    %select_n3A_2022 = arith.select %and3A_2014, %add3A_2021, %select_n3A_1974 : vector<16xi1>, vector<16xi32>
    %select_n3A_2023 = arith.select %and3A_2018, %select_n3A_2007, %select_n3A_1975 : vector<16xi1>, vector<16xi32>
    %add3A_2024 = arith.addi %select_n3A_2022, %select_n3A_2023 : vector<16xi32>
    %jit3A_2025 = arith.constant 2 : i32
    %div3A_2026 = vector.broadcast %jit3A_2025 : i32 to vector<16xi32>
    %div3A_2027 = arith.divsi %add3A_2024, %div3A_2026 : vector<16xi32>
    %sign3A_2028 = arith.constant 0 : i32
    %sign3A_2029 = vector.broadcast %sign3A_2028 : i32 to vector<16xi32>
    %sign3A_2030 = arith.cmpi sgt, %add3A_2024, %sign3A_2029 : vector<16xi32>
    %sign3A_2031 = arith.extui %sign3A_2030 : vector<16xi1> to vector<16xi32>
    %sign3A_2032 = arith.constant 0 : i32
    %sign3A_2033 = vector.broadcast %sign3A_2032 : i32 to vector<16xi32>
    %sign3A_2034 = arith.cmpi slt, %add3A_2024, %sign3A_2033 : vector<16xi32>
    %sign3A_2035 = arith.extui %sign3A_2034 : vector<16xi1> to vector<16xi32>
    %sign3A_2036 = arith.subi %sign3A_2031, %sign3A_2035 : vector<16xi32>
    %sign3A_2037 = arith.constant 0 : i32
    %sign3A_2038 = arith.cmpi sgt, %jit3A_2025, %sign3A_2037 : i32
    %sign3A_2039 = arith.extui %sign3A_2038 : i1 to i32
    %sign3A_2040 = arith.constant 0 : i32
    %sign3A_2041 = arith.cmpi slt, %jit3A_2025, %sign3A_2040 : i32
    %sign3A_2042 = arith.extui %sign3A_2041 : i1 to i32
    %sign3A_2043 = arith.subi %sign3A_2039, %sign3A_2042 : i32
    %ne3A_2044 = vector.broadcast %sign3A_2043 : i32 to vector<16xi32>
    %ne3A_2045 = arith.cmpi ne, %sign3A_2036, %ne3A_2044 : vector<16xi32>
    %rem3A_2046 = vector.broadcast %jit3A_2025 : i32 to vector<16xi32>
    %rem3A_2047 = arith.remsi %add3A_2024, %rem3A_2046 : vector<16xi32>
    %ne3A_2048 = arith.constant 0 : i32
    %ne3A_2049 = vector.broadcast %ne3A_2048 : i32 to vector<16xi32>
    %ne3A_2050 = arith.cmpi ne, %rem3A_2047, %ne3A_2049 : vector<16xi32>
    %and3A_2051 = arith.andi %ne3A_2045, %ne3A_2050 : vector<16xi1>
    %sub3A_2052 = arith.constant 1 : i32
    %sub3A_2053 = vector.broadcast %sub3A_2052 : i32 to vector<16xi32>
    %sub3A_2054 = arith.subi %div3A_2027, %sub3A_2053 : vector<16xi32>
    %select_n3A_2055 = arith.select %and3A_2051, %sub3A_2054, %div3A_2027 : vector<16xi1>, vector<16xi32>
    %min3A_2056 = arith.constant 6263 : i32
    %min3A_2057 = vector.broadcast %min3A_2056 : i32 to vector<16xi32>
    %min3A_2058 = arith.minsi %select_n3A_2055, %min3A_2057 : vector<16xi32>
    %gather3A_2059 = tpu.vector_load_idx %arg6[%min3A_2058] : memref<6264xi32, #tpu.memory_space<vmem>>[vector<16xi32>], vector<16xi32>,
    %lt3A_2060 = arith.cmpi slt, %select_n3A_2022, %select_n3A_2023 : vector<16xi32>
    %lt3A_2061 = arith.cmpi slt, %gather3A_2059, %add3A_1399 : vector<16xi32>
    %and3A_2062 = arith.andi %lt3A_2061, %lt3A_2060 : vector<16xi1>
    %lt3A_2063 = arith.cmpi slt, %gather3A_2059, %add3A_1399 : vector<16xi32>
    %not3A_2064 = arith.constant dense<true> : vector<16xi1>
    %not3A_2065 = arith.xori %lt3A_2063, %not3A_2064 : vector<16xi1>
    %and3A_2066 = arith.andi %not3A_2065, %lt3A_2060 : vector<16xi1>
    %add3A_2067 = arith.constant 1 : i32
    %add3A_2068 = vector.broadcast %add3A_2067 : i32 to vector<16xi32>
    %add3A_2069 = arith.addi %select_n3A_2055, %add3A_2068 : vector<16xi32>
    %select_n3A_2070 = arith.select %and3A_2062, %add3A_2069, %select_n3A_2022 : vector<16xi1>, vector<16xi32>
    %select_n3A_2071 = arith.select %and3A_2066, %select_n3A_2055, %select_n3A_2023 : vector<16xi1>, vector<16xi32>
    %sub3A_2072 = arith.subi %select_n3A_2070, %broadcast_in_dim3A : vector<16xi32>
    %swap3A_2073 = arith.constant 32 : index
    %swap3A_2074 = tpu.vector_load %arg7[%swap3A_2073] {strides = array<i32>} : memref<64xi32, #tpu.memory_space<vmem>>, vector<16xi32>,
    tpu.vector_store %arg7[%swap3A_2073], %sub3A_2072 {strides = array<i32>} : memref<64xi32, #tpu.memory_space<vmem>>, vector<16xi32>,
    %add3A_2075 = arith.constant 48 : i32
    %add3A_2076 = vector.broadcast %add3A_2075 : i32 to vector<16xi32>
    %add3A_2077 = arith.addi %iota3A, %add3A_2076 : vector<16xi32>
    %add3A_2078 = arith.addi %broadcast_in_dim3A, %broadcast_in_dim3A_44 : vector<16xi32>
    %jit3A_2079 = arith.constant 2 : i32
    %div3A_2080 = vector.broadcast %jit3A_2079 : i32 to vector<16xi32>
    %div3A_2081 = arith.divsi %add3A_2078, %div3A_2080 : vector<16xi32>
    %sign3A_2082 = arith.constant 0 : i32
    %sign3A_2083 = vector.broadcast %sign3A_2082 : i32 to vector<16xi32>
    %sign3A_2084 = arith.cmpi sgt, %add3A_2078, %sign3A_2083 : vector<16xi32>
    %sign3A_2085 = arith.extui %sign3A_2084 : vector<16xi1> to vector<16xi32>
    %sign3A_2086 = arith.constant 0 : i32
    %sign3A_2087 = vector.broadcast %sign3A_2086 : i32 to vector<16xi32>
    %sign3A_2088 = arith.cmpi slt, %add3A_2078, %sign3A_2087 : vector<16xi32>
    %sign3A_2089 = arith.extui %sign3A_2088 : vector<16xi1> to vector<16xi32>
    %sign3A_2090 = arith.subi %sign3A_2085, %sign3A_2089 : vector<16xi32>
    %sign3A_2091 = arith.constant 0 : i32
    %sign3A_2092 = arith.cmpi sgt, %jit3A_2079, %sign3A_2091 : i32
    %sign3A_2093 = arith.extui %sign3A_2092 : i1 to i32
    %sign3A_2094 = arith.constant 0 : i32
    %sign3A_2095 = arith.cmpi slt, %jit3A_2079, %sign3A_2094 : i32
    %sign3A_2096 = arith.extui %sign3A_2095 : i1 to i32
    %sign3A_2097 = arith.subi %sign3A_2093, %sign3A_2096 : i32
    %ne3A_2098 = vector.broadcast %sign3A_2097 : i32 to vector<16xi32>
    %ne3A_2099 = arith.cmpi ne, %sign3A_2090, %ne3A_2098 : vector<16xi32>
    %rem3A_2100 = vector.broadcast %jit3A_2079 : i32 to vector<16xi32>
    %rem3A_2101 = arith.remsi %add3A_2078, %rem3A_2100 : vector<16xi32>
    %ne3A_2102 = arith.constant 0 : i32
    %ne3A_2103 = vector.broadcast %ne3A_2102 : i32 to vector<16xi32>
    %ne3A_2104 = arith.cmpi ne, %rem3A_2101, %ne3A_2103 : vector<16xi32>
    %and3A_2105 = arith.andi %ne3A_2099, %ne3A_2104 : vector<16xi1>
    %sub3A_2106 = arith.constant 1 : i32
    %sub3A_2107 = vector.broadcast %sub3A_2106 : i32 to vector<16xi32>
    %sub3A_2108 = arith.subi %div3A_2081, %sub3A_2107 : vector<16xi32>
    %select_n3A_2109 = arith.select %and3A_2105, %sub3A_2108, %div3A_2081 : vector<16xi1>, vector<16xi32>
    %min3A_2110 = arith.constant 6263 : i32
    %min3A_2111 = vector.broadcast %min3A_2110 : i32 to vector<16xi32>
    %min3A_2112 = arith.minsi %select_n3A_2109, %min3A_2111 : vector<16xi32>
    %gather3A_2113 = tpu.vector_load_idx %arg6[%min3A_2112] : memref<6264xi32, #tpu.memory_space<vmem>>[vector<16xi32>], vector<16xi32>,
    %lt3A_2114 = arith.cmpi slt, %broadcast_in_dim3A, %broadcast_in_dim3A_44 : vector<16xi32>
    %lt3A_2115 = arith.cmpi slt, %gather3A_2113, %add3A_2077 : vector<16xi32>
    %and3A_2116 = arith.andi %lt3A_2115, %lt3A_2114 : vector<16xi1>
    %lt3A_2117 = arith.cmpi slt, %gather3A_2113, %add3A_2077 : vector<16xi32>
    %not3A_2118 = arith.constant dense<true> : vector<16xi1>
    %not3A_2119 = arith.xori %lt3A_2117, %not3A_2118 : vector<16xi1>
    %and3A_2120 = arith.andi %not3A_2119, %lt3A_2114 : vector<16xi1>
    %add3A_2121 = arith.constant 1 : i32
    %add3A_2122 = vector.broadcast %add3A_2121 : i32 to vector<16xi32>
    %add3A_2123 = arith.addi %select_n3A_2109, %add3A_2122 : vector<16xi32>
    %select_n3A_2124 = arith.select %and3A_2116, %add3A_2123, %broadcast_in_dim3A : vector<16xi1>, vector<16xi32>
    %select_n3A_2125 = arith.select %and3A_2120, %select_n3A_2109, %broadcast_in_dim3A_44 : vector<16xi1>, vector<16xi32>
    %add3A_2126 = arith.addi %select_n3A_2124, %select_n3A_2125 : vector<16xi32>
    %jit3A_2127 = arith.constant 2 : i32
    %div3A_2128 = vector.broadcast %jit3A_2127 : i32 to vector<16xi32>
    %div3A_2129 = arith.divsi %add3A_2126, %div3A_2128 : vector<16xi32>
    %sign3A_2130 = arith.constant 0 : i32
    %sign3A_2131 = vector.broadcast %sign3A_2130 : i32 to vector<16xi32>
    %sign3A_2132 = arith.cmpi sgt, %add3A_2126, %sign3A_2131 : vector<16xi32>
    %sign3A_2133 = arith.extui %sign3A_2132 : vector<16xi1> to vector<16xi32>
    %sign3A_2134 = arith.constant 0 : i32
    %sign3A_2135 = vector.broadcast %sign3A_2134 : i32 to vector<16xi32>
    %sign3A_2136 = arith.cmpi slt, %add3A_2126, %sign3A_2135 : vector<16xi32>
    %sign3A_2137 = arith.extui %sign3A_2136 : vector<16xi1> to vector<16xi32>
    %sign3A_2138 = arith.subi %sign3A_2133, %sign3A_2137 : vector<16xi32>
    %sign3A_2139 = arith.constant 0 : i32
    %sign3A_2140 = arith.cmpi sgt, %jit3A_2127, %sign3A_2139 : i32
    %sign3A_2141 = arith.extui %sign3A_2140 : i1 to i32
    %sign3A_2142 = arith.constant 0 : i32
    %sign3A_2143 = arith.cmpi slt, %jit3A_2127, %sign3A_2142 : i32
    %sign3A_2144 = arith.extui %sign3A_2143 : i1 to i32
    %sign3A_2145 = arith.subi %sign3A_2141, %sign3A_2144 : i32
    %ne3A_2146 = vector.broadcast %sign3A_2145 : i32 to vector<16xi32>
    %ne3A_2147 = arith.cmpi ne, %sign3A_2138, %ne3A_2146 : vector<16xi32>
    %rem3A_2148 = vector.broadcast %jit3A_2127 : i32 to vector<16xi32>
    %rem3A_2149 = arith.remsi %add3A_2126, %rem3A_2148 : vector<16xi32>
    %ne3A_2150 = arith.constant 0 : i32
    %ne3A_2151 = vector.broadcast %ne3A_2150 : i32 to vector<16xi32>
    %ne3A_2152 = arith.cmpi ne, %rem3A_2149, %ne3A_2151 : vector<16xi32>
    %and3A_2153 = arith.andi %ne3A_2147, %ne3A_2152 : vector<16xi1>
    %sub3A_2154 = arith.constant 1 : i32
    %sub3A_2155 = vector.broadcast %sub3A_2154 : i32 to vector<16xi32>
    %sub3A_2156 = arith.subi %div3A_2129, %sub3A_2155 : vector<16xi32>
    %select_n3A_2157 = arith.select %and3A_2153, %sub3A_2156, %div3A_2129 : vector<16xi1>, vector<16xi32>
    %min3A_2158 = arith.constant 6263 : i32
    %min3A_2159 = vector.broadcast %min3A_2158 : i32 to vector<16xi32>
    %min3A_2160 = arith.minsi %select_n3A_2157, %min3A_2159 : vector<16xi32>
    %gather3A_2161 = tpu.vector_load_idx %arg6[%min3A_2160] : memref<6264xi32, #tpu.memory_space<vmem>>[vector<16xi32>], vector<16xi32>,
    %lt3A_2162 = arith.cmpi slt, %select_n3A_2124, %select_n3A_2125 : vector<16xi32>
    %lt3A_2163 = arith.cmpi slt, %gather3A_2161, %add3A_2077 : vector<16xi32>
    %and3A_2164 = arith.andi %lt3A_2163, %lt3A_2162 : vector<16xi1>
    %lt3A_2165 = arith.cmpi slt, %gather3A_2161, %add3A_2077 : vector<16xi32>
    %not3A_2166 = arith.constant dense<true> : vector<16xi1>
    %not3A_2167 = arith.xori %lt3A_2165, %not3A_2166 : vector<16xi1>
    %and3A_2168 = arith.andi %not3A_2167, %lt3A_2162 : vector<16xi1>
    %add3A_2169 = arith.constant 1 : i32
    %add3A_2170 = vector.broadcast %add3A_2169 : i32 to vector<16xi32>
    %add3A_2171 = arith.addi %select_n3A_2157, %add3A_2170 : vector<16xi32>
    %select_n3A_2172 = arith.select %and3A_2164, %add3A_2171, %select_n3A_2124 : vector<16xi1>, vector<16xi32>
    %select_n3A_2173 = arith.select %and3A_2168, %select_n3A_2157, %select_n3A_2125 : vector<16xi1>, vector<16xi32>
    %add3A_2174 = arith.addi %select_n3A_2172, %select_n3A_2173 : vector<16xi32>
    %jit3A_2175 = arith.constant 2 : i32
    %div3A_2176 = vector.broadcast %jit3A_2175 : i32 to vector<16xi32>
    %div3A_2177 = arith.divsi %add3A_2174, %div3A_2176 : vector<16xi32>
    %sign3A_2178 = arith.constant 0 : i32
    %sign3A_2179 = vector.broadcast %sign3A_2178 : i32 to vector<16xi32>
    %sign3A_2180 = arith.cmpi sgt, %add3A_2174, %sign3A_2179 : vector<16xi32>
    %sign3A_2181 = arith.extui %sign3A_2180 : vector<16xi1> to vector<16xi32>
    %sign3A_2182 = arith.constant 0 : i32
    %sign3A_2183 = vector.broadcast %sign3A_2182 : i32 to vector<16xi32>
    %sign3A_2184 = arith.cmpi slt, %add3A_2174, %sign3A_2183 : vector<16xi32>
    %sign3A_2185 = arith.extui %sign3A_2184 : vector<16xi1> to vector<16xi32>
    %sign3A_2186 = arith.subi %sign3A_2181, %sign3A_2185 : vector<16xi32>
    %sign3A_2187 = arith.constant 0 : i32
    %sign3A_2188 = arith.cmpi sgt, %jit3A_2175, %sign3A_2187 : i32
    %sign3A_2189 = arith.extui %sign3A_2188 : i1 to i32
    %sign3A_2190 = arith.constant 0 : i32
    %sign3A_2191 = arith.cmpi slt, %jit3A_2175, %sign3A_2190 : i32
    %sign3A_2192 = arith.extui %sign3A_2191 : i1 to i32
    %sign3A_2193 = arith.subi %sign3A_2189, %sign3A_2192 : i32
    %ne3A_2194 = vector.broadcast %sign3A_2193 : i32 to vector<16xi32>
    %ne3A_2195 = arith.cmpi ne, %sign3A_2186, %ne3A_2194 : vector<16xi32>
    %rem3A_2196 = vector.broadcast %jit3A_2175 : i32 to vector<16xi32>
    %rem3A_2197 = arith.remsi %add3A_2174, %rem3A_2196 : vector<16xi32>
    %ne3A_2198 = arith.constant 0 : i32
    %ne3A_2199 = vector.broadcast %ne3A_2198 : i32 to vector<16xi32>
    %ne3A_2200 = arith.cmpi ne, %rem3A_2197, %ne3A_2199 : vector<16xi32>
    %and3A_2201 = arith.andi %ne3A_2195, %ne3A_2200 : vector<16xi1>
    %sub3A_2202 = arith.constant 1 : i32
    %sub3A_2203 = vector.broadcast %sub3A_2202 : i32 to vector<16xi32>
    %sub3A_2204 = arith.subi %div3A_2177, %sub3A_2203 : vector<16xi32>
    %select_n3A_2205 = arith.select %and3A_2201, %sub3A_2204, %div3A_2177 : vector<16xi1>, vector<16xi32>
    %min3A_2206 = arith.constant 6263 : i32
    %min3A_2207 = vector.broadcast %min3A_2206 : i32 to vector<16xi32>
    %min3A_2208 = arith.minsi %select_n3A_2205, %min3A_2207 : vector<16xi32>
    %gather3A_2209 = tpu.vector_load_idx %arg6[%min3A_2208] : memref<6264xi32, #tpu.memory_space<vmem>>[vector<16xi32>], vector<16xi32>,
    %lt3A_2210 = arith.cmpi slt, %select_n3A_2172, %select_n3A_2173 : vector<16xi32>
    %lt3A_2211 = arith.cmpi slt, %gather3A_2209, %add3A_2077 : vector<16xi32>
    %and3A_2212 = arith.andi %lt3A_2211, %lt3A_2210 : vector<16xi1>
    %lt3A_2213 = arith.cmpi slt, %gather3A_2209, %add3A_2077 : vector<16xi32>
    %not3A_2214 = arith.constant dense<true> : vector<16xi1>
    %not3A_2215 = arith.xori %lt3A_2213, %not3A_2214 : vector<16xi1>
    %and3A_2216 = arith.andi %not3A_2215, %lt3A_2210 : vector<16xi1>
    %add3A_2217 = arith.constant 1 : i32
    %add3A_2218 = vector.broadcast %add3A_2217 : i32 to vector<16xi32>
    %add3A_2219 = arith.addi %select_n3A_2205, %add3A_2218 : vector<16xi32>
    %select_n3A_2220 = arith.select %and3A_2212, %add3A_2219, %select_n3A_2172 : vector<16xi1>, vector<16xi32>
    %select_n3A_2221 = arith.select %and3A_2216, %select_n3A_2205, %select_n3A_2173 : vector<16xi1>, vector<16xi32>
    %add3A_2222 = arith.addi %select_n3A_2220, %select_n3A_2221 : vector<16xi32>
    %jit3A_2223 = arith.constant 2 : i32
    %div3A_2224 = vector.broadcast %jit3A_2223 : i32 to vector<16xi32>
    %div3A_2225 = arith.divsi %add3A_2222, %div3A_2224 : vector<16xi32>
    %sign3A_2226 = arith.constant 0 : i32
    %sign3A_2227 = vector.broadcast %sign3A_2226 : i32 to vector<16xi32>
    %sign3A_2228 = arith.cmpi sgt, %add3A_2222, %sign3A_2227 : vector<16xi32>
    %sign3A_2229 = arith.extui %sign3A_2228 : vector<16xi1> to vector<16xi32>
    %sign3A_2230 = arith.constant 0 : i32
    %sign3A_2231 = vector.broadcast %sign3A_2230 : i32 to vector<16xi32>
    %sign3A_2232 = arith.cmpi slt, %add3A_2222, %sign3A_2231 : vector<16xi32>
    %sign3A_2233 = arith.extui %sign3A_2232 : vector<16xi1> to vector<16xi32>
    %sign3A_2234 = arith.subi %sign3A_2229, %sign3A_2233 : vector<16xi32>
    %sign3A_2235 = arith.constant 0 : i32
    %sign3A_2236 = arith.cmpi sgt, %jit3A_2223, %sign3A_2235 : i32
    %sign3A_2237 = arith.extui %sign3A_2236 : i1 to i32
    %sign3A_2238 = arith.constant 0 : i32
    %sign3A_2239 = arith.cmpi slt, %jit3A_2223, %sign3A_2238 : i32
    %sign3A_2240 = arith.extui %sign3A_2239 : i1 to i32
    %sign3A_2241 = arith.subi %sign3A_2237, %sign3A_2240 : i32
    %ne3A_2242 = vector.broadcast %sign3A_2241 : i32 to vector<16xi32>
    %ne3A_2243 = arith.cmpi ne, %sign3A_2234, %ne3A_2242 : vector<16xi32>
    %rem3A_2244 = vector.broadcast %jit3A_2223 : i32 to vector<16xi32>
    %rem3A_2245 = arith.remsi %add3A_2222, %rem3A_2244 : vector<16xi32>
    %ne3A_2246 = arith.constant 0 : i32
    %ne3A_2247 = vector.broadcast %ne3A_2246 : i32 to vector<16xi32>
    %ne3A_2248 = arith.cmpi ne, %rem3A_2245, %ne3A_2247 : vector<16xi32>
    %and3A_2249 = arith.andi %ne3A_2243, %ne3A_2248 : vector<16xi1>
    %sub3A_2250 = arith.constant 1 : i32
    %sub3A_2251 = vector.broadcast %sub3A_2250 : i32 to vector<16xi32>
    %sub3A_2252 = arith.subi %div3A_2225, %sub3A_2251 : vector<16xi32>
    %select_n3A_2253 = arith.select %and3A_2249, %sub3A_2252, %div3A_2225 : vector<16xi1>, vector<16xi32>
    %min3A_2254 = arith.constant 6263 : i32
    %min3A_2255 = vector.broadcast %min3A_2254 : i32 to vector<16xi32>
    %min3A_2256 = arith.minsi %select_n3A_2253, %min3A_2255 : vector<16xi32>
    %gather3A_2257 = tpu.vector_load_idx %arg6[%min3A_2256] : memref<6264xi32, #tpu.memory_space<vmem>>[vector<16xi32>], vector<16xi32>,
    %lt3A_2258 = arith.cmpi slt, %select_n3A_2220, %select_n3A_2221 : vector<16xi32>
    %lt3A_2259 = arith.cmpi slt, %gather3A_2257, %add3A_2077 : vector<16xi32>
    %and3A_2260 = arith.andi %lt3A_2259, %lt3A_2258 : vector<16xi1>
    %lt3A_2261 = arith.cmpi slt, %gather3A_2257, %add3A_2077 : vector<16xi32>
    %not3A_2262 = arith.constant dense<true> : vector<16xi1>
    %not3A_2263 = arith.xori %lt3A_2261, %not3A_2262 : vector<16xi1>
    %and3A_2264 = arith.andi %not3A_2263, %lt3A_2258 : vector<16xi1>
    %add3A_2265 = arith.constant 1 : i32
    %add3A_2266 = vector.broadcast %add3A_2265 : i32 to vector<16xi32>
    %add3A_2267 = arith.addi %select_n3A_2253, %add3A_2266 : vector<16xi32>
    %select_n3A_2268 = arith.select %and3A_2260, %add3A_2267, %select_n3A_2220 : vector<16xi1>, vector<16xi32>
    %select_n3A_2269 = arith.select %and3A_2264, %select_n3A_2253, %select_n3A_2221 : vector<16xi1>, vector<16xi32>
    %add3A_2270 = arith.addi %select_n3A_2268, %select_n3A_2269 : vector<16xi32>
    %jit3A_2271 = arith.constant 2 : i32
    %div3A_2272 = vector.broadcast %jit3A_2271 : i32 to vector<16xi32>
    %div3A_2273 = arith.divsi %add3A_2270, %div3A_2272 : vector<16xi32>
    %sign3A_2274 = arith.constant 0 : i32
    %sign3A_2275 = vector.broadcast %sign3A_2274 : i32 to vector<16xi32>
    %sign3A_2276 = arith.cmpi sgt, %add3A_2270, %sign3A_2275 : vector<16xi32>
    %sign3A_2277 = arith.extui %sign3A_2276 : vector<16xi1> to vector<16xi32>
    %sign3A_2278 = arith.constant 0 : i32
    %sign3A_2279 = vector.broadcast %sign3A_2278 : i32 to vector<16xi32>
    %sign3A_2280 = arith.cmpi slt, %add3A_2270, %sign3A_2279 : vector<16xi32>
    %sign3A_2281 = arith.extui %sign3A_2280 : vector<16xi1> to vector<16xi32>
    %sign3A_2282 = arith.subi %sign3A_2277, %sign3A_2281 : vector<16xi32>
    %sign3A_2283 = arith.constant 0 : i32
    %sign3A_2284 = arith.cmpi sgt, %jit3A_2271, %sign3A_2283 : i32
    %sign3A_2285 = arith.extui %sign3A_2284 : i1 to i32
    %sign3A_2286 = arith.constant 0 : i32
    %sign3A_2287 = arith.cmpi slt, %jit3A_2271, %sign3A_2286 : i32
    %sign3A_2288 = arith.extui %sign3A_2287 : i1 to i32
    %sign3A_2289 = arith.subi %sign3A_2285, %sign3A_2288 : i32
    %ne3A_2290 = vector.broadcast %sign3A_2289 : i32 to vector<16xi32>
    %ne3A_2291 = arith.cmpi ne, %sign3A_2282, %ne3A_2290 : vector<16xi32>
    %rem3A_2292 = vector.broadcast %jit3A_2271 : i32 to vector<16xi32>
    %rem3A_2293 = arith.remsi %add3A_2270, %rem3A_2292 : vector<16xi32>
    %ne3A_2294 = arith.constant 0 : i32
    %ne3A_2295 = vector.broadcast %ne3A_2294 : i32 to vector<16xi32>
    %ne3A_2296 = arith.cmpi ne, %rem3A_2293, %ne3A_2295 : vector<16xi32>
    %and3A_2297 = arith.andi %ne3A_2291, %ne3A_2296 : vector<16xi1>
    %sub3A_2298 = arith.constant 1 : i32
    %sub3A_2299 = vector.broadcast %sub3A_2298 : i32 to vector<16xi32>
    %sub3A_2300 = arith.subi %div3A_2273, %sub3A_2299 : vector<16xi32>
    %select_n3A_2301 = arith.select %and3A_2297, %sub3A_2300, %div3A_2273 : vector<16xi1>, vector<16xi32>
    %min3A_2302 = arith.constant 6263 : i32
    %min3A_2303 = vector.broadcast %min3A_2302 : i32 to vector<16xi32>
    %min3A_2304 = arith.minsi %select_n3A_2301, %min3A_2303 : vector<16xi32>
    %gather3A_2305 = tpu.vector_load_idx %arg6[%min3A_2304] : memref<6264xi32, #tpu.memory_space<vmem>>[vector<16xi32>], vector<16xi32>,
    %lt3A_2306 = arith.cmpi slt, %select_n3A_2268, %select_n3A_2269 : vector<16xi32>
    %lt3A_2307 = arith.cmpi slt, %gather3A_2305, %add3A_2077 : vector<16xi32>
    %and3A_2308 = arith.andi %lt3A_2307, %lt3A_2306 : vector<16xi1>
    %lt3A_2309 = arith.cmpi slt, %gather3A_2305, %add3A_2077 : vector<16xi32>
    %not3A_2310 = arith.constant dense<true> : vector<16xi1>
    %not3A_2311 = arith.xori %lt3A_2309, %not3A_2310 : vector<16xi1>
    %and3A_2312 = arith.andi %not3A_2311, %lt3A_2306 : vector<16xi1>
    %add3A_2313 = arith.constant 1 : i32
    %add3A_2314 = vector.broadcast %add3A_2313 : i32 to vector<16xi32>
    %add3A_2315 = arith.addi %select_n3A_2301, %add3A_2314 : vector<16xi32>
    %select_n3A_2316 = arith.select %and3A_2308, %add3A_2315, %select_n3A_2268 : vector<16xi1>, vector<16xi32>
    %select_n3A_2317 = arith.select %and3A_2312, %select_n3A_2301, %select_n3A_2269 : vector<16xi1>, vector<16xi32>
    %add3A_2318 = arith.addi %select_n3A_2316, %select_n3A_2317 : vector<16xi32>
    %jit3A_2319 = arith.constant 2 : i32
    %div3A_2320 = vector.broadcast %jit3A_2319 : i32 to vector<16xi32>
    %div3A_2321 = arith.divsi %add3A_2318, %div3A_2320 : vector<16xi32>
    %sign3A_2322 = arith.constant 0 : i32
    %sign3A_2323 = vector.broadcast %sign3A_2322 : i32 to vector<16xi32>
    %sign3A_2324 = arith.cmpi sgt, %add3A_2318, %sign3A_2323 : vector<16xi32>
    %sign3A_2325 = arith.extui %sign3A_2324 : vector<16xi1> to vector<16xi32>
    %sign3A_2326 = arith.constant 0 : i32
    %sign3A_2327 = vector.broadcast %sign3A_2326 : i32 to vector<16xi32>
    %sign3A_2328 = arith.cmpi slt, %add3A_2318, %sign3A_2327 : vector<16xi32>
    %sign3A_2329 = arith.extui %sign3A_2328 : vector<16xi1> to vector<16xi32>
    %sign3A_2330 = arith.subi %sign3A_2325, %sign3A_2329 : vector<16xi32>
    %sign3A_2331 = arith.constant 0 : i32
    %sign3A_2332 = arith.cmpi sgt, %jit3A_2319, %sign3A_2331 : i32
    %sign3A_2333 = arith.extui %sign3A_2332 : i1 to i32
    %sign3A_2334 = arith.constant 0 : i32
    %sign3A_2335 = arith.cmpi slt, %jit3A_2319, %sign3A_2334 : i32
    %sign3A_2336 = arith.extui %sign3A_2335 : i1 to i32
    %sign3A_2337 = arith.subi %sign3A_2333, %sign3A_2336 : i32
    %ne3A_2338 = vector.broadcast %sign3A_2337 : i32 to vector<16xi32>
    %ne3A_2339 = arith.cmpi ne, %sign3A_2330, %ne3A_2338 : vector<16xi32>
    %rem3A_2340 = vector.broadcast %jit3A_2319 : i32 to vector<16xi32>
    %rem3A_2341 = arith.remsi %add3A_2318, %rem3A_2340 : vector<16xi32>
    %ne3A_2342 = arith.constant 0 : i32
    %ne3A_2343 = vector.broadcast %ne3A_2342 : i32 to vector<16xi32>
    %ne3A_2344 = arith.cmpi ne, %rem3A_2341, %ne3A_2343 : vector<16xi32>
    %and3A_2345 = arith.andi %ne3A_2339, %ne3A_2344 : vector<16xi1>
    %sub3A_2346 = arith.constant 1 : i32
    %sub3A_2347 = vector.broadcast %sub3A_2346 : i32 to vector<16xi32>
    %sub3A_2348 = arith.subi %div3A_2321, %sub3A_2347 : vector<16xi32>
    %select_n3A_2349 = arith.select %and3A_2345, %sub3A_2348, %div3A_2321 : vector<16xi1>, vector<16xi32>
    %min3A_2350 = arith.constant 6263 : i32
    %min3A_2351 = vector.broadcast %min3A_2350 : i32 to vector<16xi32>
    %min3A_2352 = arith.minsi %select_n3A_2349, %min3A_2351 : vector<16xi32>
    %gather3A_2353 = tpu.vector_load_idx %arg6[%min3A_2352] : memref<6264xi32, #tpu.memory_space<vmem>>[vector<16xi32>], vector<16xi32>,
    %lt3A_2354 = arith.cmpi slt, %select_n3A_2316, %select_n3A_2317 : vector<16xi32>
    %lt3A_2355 = arith.cmpi slt, %gather3A_2353, %add3A_2077 : vector<16xi32>
    %and3A_2356 = arith.andi %lt3A_2355, %lt3A_2354 : vector<16xi1>
    %lt3A_2357 = arith.cmpi slt, %gather3A_2353, %add3A_2077 : vector<16xi32>
    %not3A_2358 = arith.constant dense<true> : vector<16xi1>
    %not3A_2359 = arith.xori %lt3A_2357, %not3A_2358 : vector<16xi1>
    %and3A_2360 = arith.andi %not3A_2359, %lt3A_2354 : vector<16xi1>
    %add3A_2361 = arith.constant 1 : i32
    %add3A_2362 = vector.broadcast %add3A_2361 : i32 to vector<16xi32>
    %add3A_2363 = arith.addi %select_n3A_2349, %add3A_2362 : vector<16xi32>
    %select_n3A_2364 = arith.select %and3A_2356, %add3A_2363, %select_n3A_2316 : vector<16xi1>, vector<16xi32>
    %select_n3A_2365 = arith.select %and3A_2360, %select_n3A_2349, %select_n3A_2317 : vector<16xi1>, vector<16xi32>
    %add3A_2366 = arith.addi %select_n3A_2364, %select_n3A_2365 : vector<16xi32>
    %jit3A_2367 = arith.constant 2 : i32
    %div3A_2368 = vector.broadcast %jit3A_2367 : i32 to vector<16xi32>
    %div3A_2369 = arith.divsi %add3A_2366, %div3A_2368 : vector<16xi32>
    %sign3A_2370 = arith.constant 0 : i32
    %sign3A_2371 = vector.broadcast %sign3A_2370 : i32 to vector<16xi32>
    %sign3A_2372 = arith.cmpi sgt, %add3A_2366, %sign3A_2371 : vector<16xi32>
    %sign3A_2373 = arith.extui %sign3A_2372 : vector<16xi1> to vector<16xi32>
    %sign3A_2374 = arith.constant 0 : i32
    %sign3A_2375 = vector.broadcast %sign3A_2374 : i32 to vector<16xi32>
    %sign3A_2376 = arith.cmpi slt, %add3A_2366, %sign3A_2375 : vector<16xi32>
    %sign3A_2377 = arith.extui %sign3A_2376 : vector<16xi1> to vector<16xi32>
    %sign3A_2378 = arith.subi %sign3A_2373, %sign3A_2377 : vector<16xi32>
    %sign3A_2379 = arith.constant 0 : i32
    %sign3A_2380 = arith.cmpi sgt, %jit3A_2367, %sign3A_2379 : i32
    %sign3A_2381 = arith.extui %sign3A_2380 : i1 to i32
    %sign3A_2382 = arith.constant 0 : i32
    %sign3A_2383 = arith.cmpi slt, %jit3A_2367, %sign3A_2382 : i32
    %sign3A_2384 = arith.extui %sign3A_2383 : i1 to i32
    %sign3A_2385 = arith.subi %sign3A_2381, %sign3A_2384 : i32
    %ne3A_2386 = vector.broadcast %sign3A_2385 : i32 to vector<16xi32>
    %ne3A_2387 = arith.cmpi ne, %sign3A_2378, %ne3A_2386 : vector<16xi32>
    %rem3A_2388 = vector.broadcast %jit3A_2367 : i32 to vector<16xi32>
    %rem3A_2389 = arith.remsi %add3A_2366, %rem3A_2388 : vector<16xi32>
    %ne3A_2390 = arith.constant 0 : i32
    %ne3A_2391 = vector.broadcast %ne3A_2390 : i32 to vector<16xi32>
    %ne3A_2392 = arith.cmpi ne, %rem3A_2389, %ne3A_2391 : vector<16xi32>
    %and3A_2393 = arith.andi %ne3A_2387, %ne3A_2392 : vector<16xi1>
    %sub3A_2394 = arith.constant 1 : i32
    %sub3A_2395 = vector.broadcast %sub3A_2394 : i32 to vector<16xi32>
    %sub3A_2396 = arith.subi %div3A_2369, %sub3A_2395 : vector<16xi32>
    %select_n3A_2397 = arith.select %and3A_2393, %sub3A_2396, %div3A_2369 : vector<16xi1>, vector<16xi32>
    %min3A_2398 = arith.constant 6263 : i32
    %min3A_2399 = vector.broadcast %min3A_2398 : i32 to vector<16xi32>
    %min3A_2400 = arith.minsi %select_n3A_2397, %min3A_2399 : vector<16xi32>
    %gather3A_2401 = tpu.vector_load_idx %arg6[%min3A_2400] : memref<6264xi32, #tpu.memory_space<vmem>>[vector<16xi32>], vector<16xi32>,
    %lt3A_2402 = arith.cmpi slt, %select_n3A_2364, %select_n3A_2365 : vector<16xi32>
    %lt3A_2403 = arith.cmpi slt, %gather3A_2401, %add3A_2077 : vector<16xi32>
    %and3A_2404 = arith.andi %lt3A_2403, %lt3A_2402 : vector<16xi1>
    %lt3A_2405 = arith.cmpi slt, %gather3A_2401, %add3A_2077 : vector<16xi32>
    %not3A_2406 = arith.constant dense<true> : vector<16xi1>
    %not3A_2407 = arith.xori %lt3A_2405, %not3A_2406 : vector<16xi1>
    %and3A_2408 = arith.andi %not3A_2407, %lt3A_2402 : vector<16xi1>
    %add3A_2409 = arith.constant 1 : i32
    %add3A_2410 = vector.broadcast %add3A_2409 : i32 to vector<16xi32>
    %add3A_2411 = arith.addi %select_n3A_2397, %add3A_2410 : vector<16xi32>
    %select_n3A_2412 = arith.select %and3A_2404, %add3A_2411, %select_n3A_2364 : vector<16xi1>, vector<16xi32>
    %select_n3A_2413 = arith.select %and3A_2408, %select_n3A_2397, %select_n3A_2365 : vector<16xi1>, vector<16xi32>
    %add3A_2414 = arith.addi %select_n3A_2412, %select_n3A_2413 : vector<16xi32>
    %jit3A_2415 = arith.constant 2 : i32
    %div3A_2416 = vector.broadcast %jit3A_2415 : i32 to vector<16xi32>
    %div3A_2417 = arith.divsi %add3A_2414, %div3A_2416 : vector<16xi32>
    %sign3A_2418 = arith.constant 0 : i32
    %sign3A_2419 = vector.broadcast %sign3A_2418 : i32 to vector<16xi32>
    %sign3A_2420 = arith.cmpi sgt, %add3A_2414, %sign3A_2419 : vector<16xi32>
    %sign3A_2421 = arith.extui %sign3A_2420 : vector<16xi1> to vector<16xi32>
    %sign3A_2422 = arith.constant 0 : i32
    %sign3A_2423 = vector.broadcast %sign3A_2422 : i32 to vector<16xi32>
    %sign3A_2424 = arith.cmpi slt, %add3A_2414, %sign3A_2423 : vector<16xi32>
    %sign3A_2425 = arith.extui %sign3A_2424 : vector<16xi1> to vector<16xi32>
    %sign3A_2426 = arith.subi %sign3A_2421, %sign3A_2425 : vector<16xi32>
    %sign3A_2427 = arith.constant 0 : i32
    %sign3A_2428 = arith.cmpi sgt, %jit3A_2415, %sign3A_2427 : i32
    %sign3A_2429 = arith.extui %sign3A_2428 : i1 to i32
    %sign3A_2430 = arith.constant 0 : i32
    %sign3A_2431 = arith.cmpi slt, %jit3A_2415, %sign3A_2430 : i32
    %sign3A_2432 = arith.extui %sign3A_2431 : i1 to i32
    %sign3A_2433 = arith.subi %sign3A_2429, %sign3A_2432 : i32
    %ne3A_2434 = vector.broadcast %sign3A_2433 : i32 to vector<16xi32>
    %ne3A_2435 = arith.cmpi ne, %sign3A_2426, %ne3A_2434 : vector<16xi32>
    %rem3A_2436 = vector.broadcast %jit3A_2415 : i32 to vector<16xi32>
    %rem3A_2437 = arith.remsi %add3A_2414, %rem3A_2436 : vector<16xi32>
    %ne3A_2438 = arith.constant 0 : i32
    %ne3A_2439 = vector.broadcast %ne3A_2438 : i32 to vector<16xi32>
    %ne3A_2440 = arith.cmpi ne, %rem3A_2437, %ne3A_2439 : vector<16xi32>
    %and3A_2441 = arith.andi %ne3A_2435, %ne3A_2440 : vector<16xi1>
    %sub3A_2442 = arith.constant 1 : i32
    %sub3A_2443 = vector.broadcast %sub3A_2442 : i32 to vector<16xi32>
    %sub3A_2444 = arith.subi %div3A_2417, %sub3A_2443 : vector<16xi32>
    %select_n3A_2445 = arith.select %and3A_2441, %sub3A_2444, %div3A_2417 : vector<16xi1>, vector<16xi32>
    %min3A_2446 = arith.constant 6263 : i32
    %min3A_2447 = vector.broadcast %min3A_2446 : i32 to vector<16xi32>
    %min3A_2448 = arith.minsi %select_n3A_2445, %min3A_2447 : vector<16xi32>
    %gather3A_2449 = tpu.vector_load_idx %arg6[%min3A_2448] : memref<6264xi32, #tpu.memory_space<vmem>>[vector<16xi32>], vector<16xi32>,
    %lt3A_2450 = arith.cmpi slt, %select_n3A_2412, %select_n3A_2413 : vector<16xi32>
    %lt3A_2451 = arith.cmpi slt, %gather3A_2449, %add3A_2077 : vector<16xi32>
    %and3A_2452 = arith.andi %lt3A_2451, %lt3A_2450 : vector<16xi1>
    %lt3A_2453 = arith.cmpi slt, %gather3A_2449, %add3A_2077 : vector<16xi32>
    %not3A_2454 = arith.constant dense<true> : vector<16xi1>
    %not3A_2455 = arith.xori %lt3A_2453, %not3A_2454 : vector<16xi1>
    %and3A_2456 = arith.andi %not3A_2455, %lt3A_2450 : vector<16xi1>
    %add3A_2457 = arith.constant 1 : i32
    %add3A_2458 = vector.broadcast %add3A_2457 : i32 to vector<16xi32>
    %add3A_2459 = arith.addi %select_n3A_2445, %add3A_2458 : vector<16xi32>
    %select_n3A_2460 = arith.select %and3A_2452, %add3A_2459, %select_n3A_2412 : vector<16xi1>, vector<16xi32>
    %select_n3A_2461 = arith.select %and3A_2456, %select_n3A_2445, %select_n3A_2413 : vector<16xi1>, vector<16xi32>
    %add3A_2462 = arith.addi %select_n3A_2460, %select_n3A_2461 : vector<16xi32>
    %jit3A_2463 = arith.constant 2 : i32
    %div3A_2464 = vector.broadcast %jit3A_2463 : i32 to vector<16xi32>
    %div3A_2465 = arith.divsi %add3A_2462, %div3A_2464 : vector<16xi32>
    %sign3A_2466 = arith.constant 0 : i32
    %sign3A_2467 = vector.broadcast %sign3A_2466 : i32 to vector<16xi32>
    %sign3A_2468 = arith.cmpi sgt, %add3A_2462, %sign3A_2467 : vector<16xi32>
    %sign3A_2469 = arith.extui %sign3A_2468 : vector<16xi1> to vector<16xi32>
    %sign3A_2470 = arith.constant 0 : i32
    %sign3A_2471 = vector.broadcast %sign3A_2470 : i32 to vector<16xi32>
    %sign3A_2472 = arith.cmpi slt, %add3A_2462, %sign3A_2471 : vector<16xi32>
    %sign3A_2473 = arith.extui %sign3A_2472 : vector<16xi1> to vector<16xi32>
    %sign3A_2474 = arith.subi %sign3A_2469, %sign3A_2473 : vector<16xi32>
    %sign3A_2475 = arith.constant 0 : i32
    %sign3A_2476 = arith.cmpi sgt, %jit3A_2463, %sign3A_2475 : i32
    %sign3A_2477 = arith.extui %sign3A_2476 : i1 to i32
    %sign3A_2478 = arith.constant 0 : i32
    %sign3A_2479 = arith.cmpi slt, %jit3A_2463, %sign3A_2478 : i32
    %sign3A_2480 = arith.extui %sign3A_2479 : i1 to i32
    %sign3A_2481 = arith.subi %sign3A_2477, %sign3A_2480 : i32
    %ne3A_2482 = vector.broadcast %sign3A_2481 : i32 to vector<16xi32>
    %ne3A_2483 = arith.cmpi ne, %sign3A_2474, %ne3A_2482 : vector<16xi32>
    %rem3A_2484 = vector.broadcast %jit3A_2463 : i32 to vector<16xi32>
    %rem3A_2485 = arith.remsi %add3A_2462, %rem3A_2484 : vector<16xi32>
    %ne3A_2486 = arith.constant 0 : i32
    %ne3A_2487 = vector.broadcast %ne3A_2486 : i32 to vector<16xi32>
    %ne3A_2488 = arith.cmpi ne, %rem3A_2485, %ne3A_2487 : vector<16xi32>
    %and3A_2489 = arith.andi %ne3A_2483, %ne3A_2488 : vector<16xi1>
    %sub3A_2490 = arith.constant 1 : i32
    %sub3A_2491 = vector.broadcast %sub3A_2490 : i32 to vector<16xi32>
    %sub3A_2492 = arith.subi %div3A_2465, %sub3A_2491 : vector<16xi32>
    %select_n3A_2493 = arith.select %and3A_2489, %sub3A_2492, %div3A_2465 : vector<16xi1>, vector<16xi32>
    %min3A_2494 = arith.constant 6263 : i32
    %min3A_2495 = vector.broadcast %min3A_2494 : i32 to vector<16xi32>
    %min3A_2496 = arith.minsi %select_n3A_2493, %min3A_2495 : vector<16xi32>
    %gather3A_2497 = tpu.vector_load_idx %arg6[%min3A_2496] : memref<6264xi32, #tpu.memory_space<vmem>>[vector<16xi32>], vector<16xi32>,
    %lt3A_2498 = arith.cmpi slt, %select_n3A_2460, %select_n3A_2461 : vector<16xi32>
    %lt3A_2499 = arith.cmpi slt, %gather3A_2497, %add3A_2077 : vector<16xi32>
    %and3A_2500 = arith.andi %lt3A_2499, %lt3A_2498 : vector<16xi1>
    %lt3A_2501 = arith.cmpi slt, %gather3A_2497, %add3A_2077 : vector<16xi32>
    %not3A_2502 = arith.constant dense<true> : vector<16xi1>
    %not3A_2503 = arith.xori %lt3A_2501, %not3A_2502 : vector<16xi1>
    %and3A_2504 = arith.andi %not3A_2503, %lt3A_2498 : vector<16xi1>
    %add3A_2505 = arith.constant 1 : i32
    %add3A_2506 = vector.broadcast %add3A_2505 : i32 to vector<16xi32>
    %add3A_2507 = arith.addi %select_n3A_2493, %add3A_2506 : vector<16xi32>
    %select_n3A_2508 = arith.select %and3A_2500, %add3A_2507, %select_n3A_2460 : vector<16xi1>, vector<16xi32>
    %select_n3A_2509 = arith.select %and3A_2504, %select_n3A_2493, %select_n3A_2461 : vector<16xi1>, vector<16xi32>
    %add3A_2510 = arith.addi %select_n3A_2508, %select_n3A_2509 : vector<16xi32>
    %jit3A_2511 = arith.constant 2 : i32
    %div3A_2512 = vector.broadcast %jit3A_2511 : i32 to vector<16xi32>
    %div3A_2513 = arith.divsi %add3A_2510, %div3A_2512 : vector<16xi32>
    %sign3A_2514 = arith.constant 0 : i32
    %sign3A_2515 = vector.broadcast %sign3A_2514 : i32 to vector<16xi32>
    %sign3A_2516 = arith.cmpi sgt, %add3A_2510, %sign3A_2515 : vector<16xi32>
    %sign3A_2517 = arith.extui %sign3A_2516 : vector<16xi1> to vector<16xi32>
    %sign3A_2518 = arith.constant 0 : i32
    %sign3A_2519 = vector.broadcast %sign3A_2518 : i32 to vector<16xi32>
    %sign3A_2520 = arith.cmpi slt, %add3A_2510, %sign3A_2519 : vector<16xi32>
    %sign3A_2521 = arith.extui %sign3A_2520 : vector<16xi1> to vector<16xi32>
    %sign3A_2522 = arith.subi %sign3A_2517, %sign3A_2521 : vector<16xi32>
    %sign3A_2523 = arith.constant 0 : i32
    %sign3A_2524 = arith.cmpi sgt, %jit3A_2511, %sign3A_2523 : i32
    %sign3A_2525 = arith.extui %sign3A_2524 : i1 to i32
    %sign3A_2526 = arith.constant 0 : i32
    %sign3A_2527 = arith.cmpi slt, %jit3A_2511, %sign3A_2526 : i32
    %sign3A_2528 = arith.extui %sign3A_2527 : i1 to i32
    %sign3A_2529 = arith.subi %sign3A_2525, %sign3A_2528 : i32
    %ne3A_2530 = vector.broadcast %sign3A_2529 : i32 to vector<16xi32>
    %ne3A_2531 = arith.cmpi ne, %sign3A_2522, %ne3A_2530 : vector<16xi32>
    %rem3A_2532 = vector.broadcast %jit3A_2511 : i32 to vector<16xi32>
    %rem3A_2533 = arith.remsi %add3A_2510, %rem3A_2532 : vector<16xi32>
    %ne3A_2534 = arith.constant 0 : i32
    %ne3A_2535 = vector.broadcast %ne3A_2534 : i32 to vector<16xi32>
    %ne3A_2536 = arith.cmpi ne, %rem3A_2533, %ne3A_2535 : vector<16xi32>
    %and3A_2537 = arith.andi %ne3A_2531, %ne3A_2536 : vector<16xi1>
    %sub3A_2538 = arith.constant 1 : i32
    %sub3A_2539 = vector.broadcast %sub3A_2538 : i32 to vector<16xi32>
    %sub3A_2540 = arith.subi %div3A_2513, %sub3A_2539 : vector<16xi32>
    %select_n3A_2541 = arith.select %and3A_2537, %sub3A_2540, %div3A_2513 : vector<16xi1>, vector<16xi32>
    %min3A_2542 = arith.constant 6263 : i32
    %min3A_2543 = vector.broadcast %min3A_2542 : i32 to vector<16xi32>
    %min3A_2544 = arith.minsi %select_n3A_2541, %min3A_2543 : vector<16xi32>
    %gather3A_2545 = tpu.vector_load_idx %arg6[%min3A_2544] : memref<6264xi32, #tpu.memory_space<vmem>>[vector<16xi32>], vector<16xi32>,
    %lt3A_2546 = arith.cmpi slt, %select_n3A_2508, %select_n3A_2509 : vector<16xi32>
    %lt3A_2547 = arith.cmpi slt, %gather3A_2545, %add3A_2077 : vector<16xi32>
    %and3A_2548 = arith.andi %lt3A_2547, %lt3A_2546 : vector<16xi1>
    %lt3A_2549 = arith.cmpi slt, %gather3A_2545, %add3A_2077 : vector<16xi32>
    %not3A_2550 = arith.constant dense<true> : vector<16xi1>
    %not3A_2551 = arith.xori %lt3A_2549, %not3A_2550 : vector<16xi1>
    %and3A_2552 = arith.andi %not3A_2551, %lt3A_2546 : vector<16xi1>
    %add3A_2553 = arith.constant 1 : i32
    %add3A_2554 = vector.broadcast %add3A_2553 : i32 to vector<16xi32>
    %add3A_2555 = arith.addi %select_n3A_2541, %add3A_2554 : vector<16xi32>
    %select_n3A_2556 = arith.select %and3A_2548, %add3A_2555, %select_n3A_2508 : vector<16xi1>, vector<16xi32>
    %select_n3A_2557 = arith.select %and3A_2552, %select_n3A_2541, %select_n3A_2509 : vector<16xi1>, vector<16xi32>
    %add3A_2558 = arith.addi %select_n3A_2556, %select_n3A_2557 : vector<16xi32>
    %jit3A_2559 = arith.constant 2 : i32
    %div3A_2560 = vector.broadcast %jit3A_2559 : i32 to vector<16xi32>
    %div3A_2561 = arith.divsi %add3A_2558, %div3A_2560 : vector<16xi32>
    %sign3A_2562 = arith.constant 0 : i32
    %sign3A_2563 = vector.broadcast %sign3A_2562 : i32 to vector<16xi32>
    %sign3A_2564 = arith.cmpi sgt, %add3A_2558, %sign3A_2563 : vector<16xi32>
    %sign3A_2565 = arith.extui %sign3A_2564 : vector<16xi1> to vector<16xi32>
    %sign3A_2566 = arith.constant 0 : i32
    %sign3A_2567 = vector.broadcast %sign3A_2566 : i32 to vector<16xi32>
    %sign3A_2568 = arith.cmpi slt, %add3A_2558, %sign3A_2567 : vector<16xi32>
    %sign3A_2569 = arith.extui %sign3A_2568 : vector<16xi1> to vector<16xi32>
    %sign3A_2570 = arith.subi %sign3A_2565, %sign3A_2569 : vector<16xi32>
    %sign3A_2571 = arith.constant 0 : i32
    %sign3A_2572 = arith.cmpi sgt, %jit3A_2559, %sign3A_2571 : i32
    %sign3A_2573 = arith.extui %sign3A_2572 : i1 to i32
    %sign3A_2574 = arith.constant 0 : i32
    %sign3A_2575 = arith.cmpi slt, %jit3A_2559, %sign3A_2574 : i32
    %sign3A_2576 = arith.extui %sign3A_2575 : i1 to i32
    %sign3A_2577 = arith.subi %sign3A_2573, %sign3A_2576 : i32
    %ne3A_2578 = vector.broadcast %sign3A_2577 : i32 to vector<16xi32>
    %ne3A_2579 = arith.cmpi ne, %sign3A_2570, %ne3A_2578 : vector<16xi32>
    %rem3A_2580 = vector.broadcast %jit3A_2559 : i32 to vector<16xi32>
    %rem3A_2581 = arith.remsi %add3A_2558, %rem3A_2580 : vector<16xi32>
    %ne3A_2582 = arith.constant 0 : i32
    %ne3A_2583 = vector.broadcast %ne3A_2582 : i32 to vector<16xi32>
    %ne3A_2584 = arith.cmpi ne, %rem3A_2581, %ne3A_2583 : vector<16xi32>
    %and3A_2585 = arith.andi %ne3A_2579, %ne3A_2584 : vector<16xi1>
    %sub3A_2586 = arith.constant 1 : i32
    %sub3A_2587 = vector.broadcast %sub3A_2586 : i32 to vector<16xi32>
    %sub3A_2588 = arith.subi %div3A_2561, %sub3A_2587 : vector<16xi32>
    %select_n3A_2589 = arith.select %and3A_2585, %sub3A_2588, %div3A_2561 : vector<16xi1>, vector<16xi32>
    %min3A_2590 = arith.constant 6263 : i32
    %min3A_2591 = vector.broadcast %min3A_2590 : i32 to vector<16xi32>
    %min3A_2592 = arith.minsi %select_n3A_2589, %min3A_2591 : vector<16xi32>
    %gather3A_2593 = tpu.vector_load_idx %arg6[%min3A_2592] : memref<6264xi32, #tpu.memory_space<vmem>>[vector<16xi32>], vector<16xi32>,
    %lt3A_2594 = arith.cmpi slt, %select_n3A_2556, %select_n3A_2557 : vector<16xi32>
    %lt3A_2595 = arith.cmpi slt, %gather3A_2593, %add3A_2077 : vector<16xi32>
    %and3A_2596 = arith.andi %lt3A_2595, %lt3A_2594 : vector<16xi1>
    %lt3A_2597 = arith.cmpi slt, %gather3A_2593, %add3A_2077 : vector<16xi32>
    %not3A_2598 = arith.constant dense<true> : vector<16xi1>
    %not3A_2599 = arith.xori %lt3A_2597, %not3A_2598 : vector<16xi1>
    %and3A_2600 = arith.andi %not3A_2599, %lt3A_2594 : vector<16xi1>
    %add3A_2601 = arith.constant 1 : i32
    %add3A_2602 = vector.broadcast %add3A_2601 : i32 to vector<16xi32>
    %add3A_2603 = arith.addi %select_n3A_2589, %add3A_2602 : vector<16xi32>
    %select_n3A_2604 = arith.select %and3A_2596, %add3A_2603, %select_n3A_2556 : vector<16xi1>, vector<16xi32>
    %select_n3A_2605 = arith.select %and3A_2600, %select_n3A_2589, %select_n3A_2557 : vector<16xi1>, vector<16xi32>
    %add3A_2606 = arith.addi %select_n3A_2604, %select_n3A_2605 : vector<16xi32>
    %jit3A_2607 = arith.constant 2 : i32
    %div3A_2608 = vector.broadcast %jit3A_2607 : i32 to vector<16xi32>
    %div3A_2609 = arith.divsi %add3A_2606, %div3A_2608 : vector<16xi32>
    %sign3A_2610 = arith.constant 0 : i32
    %sign3A_2611 = vector.broadcast %sign3A_2610 : i32 to vector<16xi32>
    %sign3A_2612 = arith.cmpi sgt, %add3A_2606, %sign3A_2611 : vector<16xi32>
    %sign3A_2613 = arith.extui %sign3A_2612 : vector<16xi1> to vector<16xi32>
    %sign3A_2614 = arith.constant 0 : i32
    %sign3A_2615 = vector.broadcast %sign3A_2614 : i32 to vector<16xi32>
    %sign3A_2616 = arith.cmpi slt, %add3A_2606, %sign3A_2615 : vector<16xi32>
    %sign3A_2617 = arith.extui %sign3A_2616 : vector<16xi1> to vector<16xi32>
    %sign3A_2618 = arith.subi %sign3A_2613, %sign3A_2617 : vector<16xi32>
    %sign3A_2619 = arith.constant 0 : i32
    %sign3A_2620 = arith.cmpi sgt, %jit3A_2607, %sign3A_2619 : i32
    %sign3A_2621 = arith.extui %sign3A_2620 : i1 to i32
    %sign3A_2622 = arith.constant 0 : i32
    %sign3A_2623 = arith.cmpi slt, %jit3A_2607, %sign3A_2622 : i32
    %sign3A_2624 = arith.extui %sign3A_2623 : i1 to i32
    %sign3A_2625 = arith.subi %sign3A_2621, %sign3A_2624 : i32
    %ne3A_2626 = vector.broadcast %sign3A_2625 : i32 to vector<16xi32>
    %ne3A_2627 = arith.cmpi ne, %sign3A_2618, %ne3A_2626 : vector<16xi32>
    %rem3A_2628 = vector.broadcast %jit3A_2607 : i32 to vector<16xi32>
    %rem3A_2629 = arith.remsi %add3A_2606, %rem3A_2628 : vector<16xi32>
    %ne3A_2630 = arith.constant 0 : i32
    %ne3A_2631 = vector.broadcast %ne3A_2630 : i32 to vector<16xi32>
    %ne3A_2632 = arith.cmpi ne, %rem3A_2629, %ne3A_2631 : vector<16xi32>
    %and3A_2633 = arith.andi %ne3A_2627, %ne3A_2632 : vector<16xi1>
    %sub3A_2634 = arith.constant 1 : i32
    %sub3A_2635 = vector.broadcast %sub3A_2634 : i32 to vector<16xi32>
    %sub3A_2636 = arith.subi %div3A_2609, %sub3A_2635 : vector<16xi32>
    %select_n3A_2637 = arith.select %and3A_2633, %sub3A_2636, %div3A_2609 : vector<16xi1>, vector<16xi32>
    %min3A_2638 = arith.constant 6263 : i32
    %min3A_2639 = vector.broadcast %min3A_2638 : i32 to vector<16xi32>
    %min3A_2640 = arith.minsi %select_n3A_2637, %min3A_2639 : vector<16xi32>
    %gather3A_2641 = tpu.vector_load_idx %arg6[%min3A_2640] : memref<6264xi32, #tpu.memory_space<vmem>>[vector<16xi32>], vector<16xi32>,
    %lt3A_2642 = arith.cmpi slt, %select_n3A_2604, %select_n3A_2605 : vector<16xi32>
    %lt3A_2643 = arith.cmpi slt, %gather3A_2641, %add3A_2077 : vector<16xi32>
    %and3A_2644 = arith.andi %lt3A_2643, %lt3A_2642 : vector<16xi1>
    %lt3A_2645 = arith.cmpi slt, %gather3A_2641, %add3A_2077 : vector<16xi32>
    %not3A_2646 = arith.constant dense<true> : vector<16xi1>
    %not3A_2647 = arith.xori %lt3A_2645, %not3A_2646 : vector<16xi1>
    %and3A_2648 = arith.andi %not3A_2647, %lt3A_2642 : vector<16xi1>
    %add3A_2649 = arith.constant 1 : i32
    %add3A_2650 = vector.broadcast %add3A_2649 : i32 to vector<16xi32>
    %add3A_2651 = arith.addi %select_n3A_2637, %add3A_2650 : vector<16xi32>
    %select_n3A_2652 = arith.select %and3A_2644, %add3A_2651, %select_n3A_2604 : vector<16xi1>, vector<16xi32>
    %select_n3A_2653 = arith.select %and3A_2648, %select_n3A_2637, %select_n3A_2605 : vector<16xi1>, vector<16xi32>
    %add3A_2654 = arith.addi %select_n3A_2652, %select_n3A_2653 : vector<16xi32>
    %jit3A_2655 = arith.constant 2 : i32
    %div3A_2656 = vector.broadcast %jit3A_2655 : i32 to vector<16xi32>
    %div3A_2657 = arith.divsi %add3A_2654, %div3A_2656 : vector<16xi32>
    %sign3A_2658 = arith.constant 0 : i32
    %sign3A_2659 = vector.broadcast %sign3A_2658 : i32 to vector<16xi32>
    %sign3A_2660 = arith.cmpi sgt, %add3A_2654, %sign3A_2659 : vector<16xi32>
    %sign3A_2661 = arith.extui %sign3A_2660 : vector<16xi1> to vector<16xi32>
    %sign3A_2662 = arith.constant 0 : i32
    %sign3A_2663 = vector.broadcast %sign3A_2662 : i32 to vector<16xi32>
    %sign3A_2664 = arith.cmpi slt, %add3A_2654, %sign3A_2663 : vector<16xi32>
    %sign3A_2665 = arith.extui %sign3A_2664 : vector<16xi1> to vector<16xi32>
    %sign3A_2666 = arith.subi %sign3A_2661, %sign3A_2665 : vector<16xi32>
    %sign3A_2667 = arith.constant 0 : i32
    %sign3A_2668 = arith.cmpi sgt, %jit3A_2655, %sign3A_2667 : i32
    %sign3A_2669 = arith.extui %sign3A_2668 : i1 to i32
    %sign3A_2670 = arith.constant 0 : i32
    %sign3A_2671 = arith.cmpi slt, %jit3A_2655, %sign3A_2670 : i32
    %sign3A_2672 = arith.extui %sign3A_2671 : i1 to i32
    %sign3A_2673 = arith.subi %sign3A_2669, %sign3A_2672 : i32
    %ne3A_2674 = vector.broadcast %sign3A_2673 : i32 to vector<16xi32>
    %ne3A_2675 = arith.cmpi ne, %sign3A_2666, %ne3A_2674 : vector<16xi32>
    %rem3A_2676 = vector.broadcast %jit3A_2655 : i32 to vector<16xi32>
    %rem3A_2677 = arith.remsi %add3A_2654, %rem3A_2676 : vector<16xi32>
    %ne3A_2678 = arith.constant 0 : i32
    %ne3A_2679 = vector.broadcast %ne3A_2678 : i32 to vector<16xi32>
    %ne3A_2680 = arith.cmpi ne, %rem3A_2677, %ne3A_2679 : vector<16xi32>
    %and3A_2681 = arith.andi %ne3A_2675, %ne3A_2680 : vector<16xi1>
    %sub3A_2682 = arith.constant 1 : i32
    %sub3A_2683 = vector.broadcast %sub3A_2682 : i32 to vector<16xi32>
    %sub3A_2684 = arith.subi %div3A_2657, %sub3A_2683 : vector<16xi32>
    %select_n3A_2685 = arith.select %and3A_2681, %sub3A_2684, %div3A_2657 : vector<16xi1>, vector<16xi32>
    %min3A_2686 = arith.constant 6263 : i32
    %min3A_2687 = vector.broadcast %min3A_2686 : i32 to vector<16xi32>
    %min3A_2688 = arith.minsi %select_n3A_2685, %min3A_2687 : vector<16xi32>
    %gather3A_2689 = tpu.vector_load_idx %arg6[%min3A_2688] : memref<6264xi32, #tpu.memory_space<vmem>>[vector<16xi32>], vector<16xi32>,
    %lt3A_2690 = arith.cmpi slt, %select_n3A_2652, %select_n3A_2653 : vector<16xi32>
    %lt3A_2691 = arith.cmpi slt, %gather3A_2689, %add3A_2077 : vector<16xi32>
    %and3A_2692 = arith.andi %lt3A_2691, %lt3A_2690 : vector<16xi1>
    %lt3A_2693 = arith.cmpi slt, %gather3A_2689, %add3A_2077 : vector<16xi32>
    %not3A_2694 = arith.constant dense<true> : vector<16xi1>
    %not3A_2695 = arith.xori %lt3A_2693, %not3A_2694 : vector<16xi1>
    %and3A_2696 = arith.andi %not3A_2695, %lt3A_2690 : vector<16xi1>
    %add3A_2697 = arith.constant 1 : i32
    %add3A_2698 = vector.broadcast %add3A_2697 : i32 to vector<16xi32>
    %add3A_2699 = arith.addi %select_n3A_2685, %add3A_2698 : vector<16xi32>
    %select_n3A_2700 = arith.select %and3A_2692, %add3A_2699, %select_n3A_2652 : vector<16xi1>, vector<16xi32>
    %select_n3A_2701 = arith.select %and3A_2696, %select_n3A_2685, %select_n3A_2653 : vector<16xi1>, vector<16xi32>
    %add3A_2702 = arith.addi %select_n3A_2700, %select_n3A_2701 : vector<16xi32>
    %jit3A_2703 = arith.constant 2 : i32
    %div3A_2704 = vector.broadcast %jit3A_2703 : i32 to vector<16xi32>
    %div3A_2705 = arith.divsi %add3A_2702, %div3A_2704 : vector<16xi32>
    %sign3A_2706 = arith.constant 0 : i32
    %sign3A_2707 = vector.broadcast %sign3A_2706 : i32 to vector<16xi32>
    %sign3A_2708 = arith.cmpi sgt, %add3A_2702, %sign3A_2707 : vector<16xi32>
    %sign3A_2709 = arith.extui %sign3A_2708 : vector<16xi1> to vector<16xi32>
    %sign3A_2710 = arith.constant 0 : i32
    %sign3A_2711 = vector.broadcast %sign3A_2710 : i32 to vector<16xi32>
    %sign3A_2712 = arith.cmpi slt, %add3A_2702, %sign3A_2711 : vector<16xi32>
    %sign3A_2713 = arith.extui %sign3A_2712 : vector<16xi1> to vector<16xi32>
    %sign3A_2714 = arith.subi %sign3A_2709, %sign3A_2713 : vector<16xi32>
    %sign3A_2715 = arith.constant 0 : i32
    %sign3A_2716 = arith.cmpi sgt, %jit3A_2703, %sign3A_2715 : i32
    %sign3A_2717 = arith.extui %sign3A_2716 : i1 to i32
    %sign3A_2718 = arith.constant 0 : i32
    %sign3A_2719 = arith.cmpi slt, %jit3A_2703, %sign3A_2718 : i32
    %sign3A_2720 = arith.extui %sign3A_2719 : i1 to i32
    %sign3A_2721 = arith.subi %sign3A_2717, %sign3A_2720 : i32
    %ne3A_2722 = vector.broadcast %sign3A_2721 : i32 to vector<16xi32>
    %ne3A_2723 = arith.cmpi ne, %sign3A_2714, %ne3A_2722 : vector<16xi32>
    %rem3A_2724 = vector.broadcast %jit3A_2703 : i32 to vector<16xi32>
    %rem3A_2725 = arith.remsi %add3A_2702, %rem3A_2724 : vector<16xi32>
    %ne3A_2726 = arith.constant 0 : i32
    %ne3A_2727 = vector.broadcast %ne3A_2726 : i32 to vector<16xi32>
    %ne3A_2728 = arith.cmpi ne, %rem3A_2725, %ne3A_2727 : vector<16xi32>
    %and3A_2729 = arith.andi %ne3A_2723, %ne3A_2728 : vector<16xi1>
    %sub3A_2730 = arith.constant 1 : i32
    %sub3A_2731 = vector.broadcast %sub3A_2730 : i32 to vector<16xi32>
    %sub3A_2732 = arith.subi %div3A_2705, %sub3A_2731 : vector<16xi32>
    %select_n3A_2733 = arith.select %and3A_2729, %sub3A_2732, %div3A_2705 : vector<16xi1>, vector<16xi32>
    %min3A_2734 = arith.constant 6263 : i32
    %min3A_2735 = vector.broadcast %min3A_2734 : i32 to vector<16xi32>
    %min3A_2736 = arith.minsi %select_n3A_2733, %min3A_2735 : vector<16xi32>
    %gather3A_2737 = tpu.vector_load_idx %arg6[%min3A_2736] : memref<6264xi32, #tpu.memory_space<vmem>>[vector<16xi32>], vector<16xi32>,
    %lt3A_2738 = arith.cmpi slt, %select_n3A_2700, %select_n3A_2701 : vector<16xi32>
    %lt3A_2739 = arith.cmpi slt, %gather3A_2737, %add3A_2077 : vector<16xi32>
    %and3A_2740 = arith.andi %lt3A_2739, %lt3A_2738 : vector<16xi1>
    %lt3A_2741 = arith.cmpi slt, %gather3A_2737, %add3A_2077 : vector<16xi32>
    %not3A_2742 = arith.constant dense<true> : vector<16xi1>
    %not3A_2743 = arith.xori %lt3A_2741, %not3A_2742 : vector<16xi1>
    %and3A_2744 = arith.andi %not3A_2743, %lt3A_2738 : vector<16xi1>
    %add3A_2745 = arith.constant 1 : i32
    %add3A_2746 = vector.broadcast %add3A_2745 : i32 to vector<16xi32>
    %add3A_2747 = arith.addi %select_n3A_2733, %add3A_2746 : vector<16xi32>
    %select_n3A_2748 = arith.select %and3A_2740, %add3A_2747, %select_n3A_2700 : vector<16xi1>, vector<16xi32>
    %select_n3A_2749 = arith.select %and3A_2744, %select_n3A_2733, %select_n3A_2701 : vector<16xi1>, vector<16xi32>
    %sub3A_2750 = arith.subi %select_n3A_2748, %broadcast_in_dim3A : vector<16xi32>
    %swap3A_2751 = arith.constant 48 : index
    %swap3A_2752 = tpu.vector_load %arg7[%swap3A_2751] {strides = array<i32>} : memref<64xi32, #tpu.memory_space<vmem>>, vector<16xi32>,
    tpu.vector_store %arg7[%swap3A_2751], %sub3A_2750 {strides = array<i32>} : memref<64xi32, #tpu.memory_space<vmem>>, vector<16xi32>,
    %mul3A_2753 = arith.constant 64 : i32
    %mul3A_2754 = arith.muli %arg1, %mul3A_2753 : i32
    "tpu.region"() ({
      %run_scoped3A = tpu.sem_alloc : memref<!tpu.dma_semaphore, #tpu.memory_space<semaphore_mem>>
      %dma_start3A_2983 = tpu.memref_slice %arg13[%mul3A_2754] : memref<1024xi32, #tpu.memory_space<vmem_shared>> -> memref<64xi32, #tpu.memory_space<vmem_shared>>
      %dma_start3A_2984 = tpu.memref_slice %arg13[%mul3A_2754] : memref<1024xi32, #tpu.memory_space<vmem_shared>> -> memref<64xi32, #tpu.memory_space<vmem_shared>>
      tpu.enqueue_dma source(%arg7 : memref<64xi32, #tpu.memory_space<vmem>>) target(%dma_start3A_2984 : memref<64xi32, #tpu.memory_space<vmem_shared>>) target_semaphore(%run_scoped3A : memref<!tpu.dma_semaphore, #tpu.memory_space<semaphore_mem>>)
      %dma_wait3A_2985 = tpu.memref_slice %arg13[%mul3A_2754] : memref<1024xi32, #tpu.memory_space<vmem_shared>> -> memref<64xi32, #tpu.memory_space<vmem_shared>>
      %dma_wait3A_2986 = tpu.memref_slice %arg13[%mul3A_2754] : memref<1024xi32, #tpu.memory_space<vmem_shared>> -> memref<64xi32, #tpu.memory_space<vmem_shared>>
      tpu.wait_dma2 semaphore(%run_scoped3A : memref<!tpu.dma_semaphore, #tpu.memory_space<semaphore_mem>>) src(%arg7 : memref<64xi32, #tpu.memory_space<vmem>>) dst(%dma_wait3A_2986 : memref<64xi32, #tpu.memory_space<vmem_shared>>)
      tpu.yield
    }) : () -> ()
    %dma_wait3A_2755 = tpu.memref_slice %arg2[%min3A_3] : memref<100000xi32, #tpu.memory_space<hbm>> -> memref<3136xi32, #tpu.memory_space<hbm>>
    %dma_wait3A_2756 = tpu.memref_slice %arg2[%min3A_3] : memref<100000xi32, #tpu.memory_space<hbm>> -> memref<3136xi32, #tpu.memory_space<hbm>>
    tpu.wait_dma2 semaphore(%arg17 : memref<!tpu.dma_semaphore, #tpu.memory_space<semaphore_mem>>) src(%dma_wait3A_2756 : memref<3136xi32, #tpu.memory_space<hbm>>) dst(%arg5 : memref<3136xi32, #tpu.memory_space<vmem>>)
    %dma_wait3A_2757 = arith.constant 0 : i32
    %dma_wait3A_2758 = tpu.memref_slice %arg12[%mul3A_7, %dma_wait3A_2757] : memref<4096x128xf32, #tpu.memory_space<vmem_shared>> -> memref<256x128xf32, #tpu.memory_space<vmem_shared>>
    %dma_wait3A_2759 = arith.constant 0 : i32
    %dma_wait3A_2760 = tpu.memref_slice %arg3[%mul3A_5, %dma_wait3A_2759] : memref<4096x128xf32, #tpu.memory_space<hbm>> -> memref<256x128xf32, #tpu.memory_space<hbm>>
    tpu.wait_dma2 semaphore(%arg14 : memref<!tpu.dma_semaphore, #tpu.memory_space<semaphore_mem>>) src(%dma_wait3A_2760 : memref<256x128xf32, #tpu.memory_space<hbm>>) dst(%dma_wait3A_2758 : memref<256x128xf32, #tpu.memory_space<vmem_shared>>)
    %barrier3A = arith.constant 0 : index
    tpu.barrier barrier_id(%barrier3A)
    "tpu.region"() ({
      %run_scoped3A = tpu.sem_alloc : memref<!tpu.dma_semaphore, #tpu.memory_space<semaphore_mem>>
      tpu.enqueue_dma source(%arg13 : memref<1024xi32, #tpu.memory_space<vmem_shared>>) target(%arg8 : memref<1024xi32, #tpu.memory_space<vmem>>) target_semaphore(%run_scoped3A : memref<!tpu.dma_semaphore, #tpu.memory_space<semaphore_mem>>)
      tpu.wait_dma2 semaphore(%run_scoped3A : memref<!tpu.dma_semaphore, #tpu.memory_space<semaphore_mem>>) src(%arg13 : memref<1024xi32, #tpu.memory_space<vmem_shared>>) dst(%arg8 : memref<1024xi32, #tpu.memory_space<vmem>>)
      tpu.yield
    }) : () -> ()
    %broadcast_in_dim3A_2761 = arith.constant 0 : i32
    %broadcast_in_dim3A_2762 = vector.broadcast %broadcast_in_dim3A_2761 : i32 to vector<16xi32>
    %get3A = arith.constant 0 : index
    %get3A_2763 = tpu.vector_load %arg8[%get3A] {strides = array<i32>} : memref<1024xi32, #tpu.memory_space<vmem>>, vector<16xi32>,
    %add3A_2764 = arith.addi %broadcast_in_dim3A_2762, %get3A_2763 : vector<16xi32>
    %get3A_2765 = arith.constant 64 : index
    %get3A_2766 = tpu.vector_load %arg8[%get3A_2765] {strides = array<i32>} : memref<1024xi32, #tpu.memory_space<vmem>>, vector<16xi32>,
    %add3A_2767 = arith.addi %add3A_2764, %get3A_2766 : vector<16xi32>
    %get3A_2768 = arith.constant 128 : index
    %get3A_2769 = tpu.vector_load %arg8[%get3A_2768] {strides = array<i32>} : memref<1024xi32, #tpu.memory_space<vmem>>, vector<16xi32>,
    %add3A_2770 = arith.addi %add3A_2767, %get3A_2769 : vector<16xi32>
    %get3A_2771 = arith.constant 192 : index
    %get3A_2772 = tpu.vector_load %arg8[%get3A_2771] {strides = array<i32>} : memref<1024xi32, #tpu.memory_space<vmem>>, vector<16xi32>,
    %add3A_2773 = arith.addi %add3A_2770, %get3A_2772 : vector<16xi32>
    %get3A_2774 = arith.constant 256 : index
    %get3A_2775 = tpu.vector_load %arg8[%get3A_2774] {strides = array<i32>} : memref<1024xi32, #tpu.memory_space<vmem>>, vector<16xi32>,
    %add3A_2776 = arith.addi %add3A_2773, %get3A_2775 : vector<16xi32>
    %get3A_2777 = arith.constant 320 : index
    %get3A_2778 = tpu.vector_load %arg8[%get3A_2777] {strides = array<i32>} : memref<1024xi32, #tpu.memory_space<vmem>>, vector<16xi32>,
    %add3A_2779 = arith.addi %add3A_2776, %get3A_2778 : vector<16xi32>
    %get3A_2780 = arith.constant 384 : index
    %get3A_2781 = tpu.vector_load %arg8[%get3A_2780] {strides = array<i32>} : memref<1024xi32, #tpu.memory_space<vmem>>, vector<16xi32>,
    %add3A_2782 = arith.addi %add3A_2779, %get3A_2781 : vector<16xi32>
    %get3A_2783 = arith.constant 448 : index
    %get3A_2784 = tpu.vector_load %arg8[%get3A_2783] {strides = array<i32>} : memref<1024xi32, #tpu.memory_space<vmem>>, vector<16xi32>,
    %add3A_2785 = arith.addi %add3A_2782, %get3A_2784 : vector<16xi32>
    %get3A_2786 = arith.constant 512 : index
    %get3A_2787 = tpu.vector_load %arg8[%get3A_2786] {strides = array<i32>} : memref<1024xi32, #tpu.memory_space<vmem>>, vector<16xi32>,
    %add3A_2788 = arith.addi %add3A_2785, %get3A_2787 : vector<16xi32>
    %get3A_2789 = arith.constant 576 : index
    %get3A_2790 = tpu.vector_load %arg8[%get3A_2789] {strides = array<i32>} : memref<1024xi32, #tpu.memory_space<vmem>>, vector<16xi32>,
    %add3A_2791 = arith.addi %add3A_2788, %get3A_2790 : vector<16xi32>
    %get3A_2792 = arith.constant 640 : index
    %get3A_2793 = tpu.vector_load %arg8[%get3A_2792] {strides = array<i32>} : memref<1024xi32, #tpu.memory_space<vmem>>, vector<16xi32>,
    %add3A_2794 = arith.addi %add3A_2791, %get3A_2793 : vector<16xi32>
    %get3A_2795 = arith.constant 704 : index
    %get3A_2796 = tpu.vector_load %arg8[%get3A_2795] {strides = array<i32>} : memref<1024xi32, #tpu.memory_space<vmem>>, vector<16xi32>,
    %add3A_2797 = arith.addi %add3A_2794, %get3A_2796 : vector<16xi32>
    %get3A_2798 = arith.constant 768 : index
    %get3A_2799 = tpu.vector_load %arg8[%get3A_2798] {strides = array<i32>} : memref<1024xi32, #tpu.memory_space<vmem>>, vector<16xi32>,
    %add3A_2800 = arith.addi %add3A_2797, %get3A_2799 : vector<16xi32>
    %get3A_2801 = arith.constant 832 : index
    %get3A_2802 = tpu.vector_load %arg8[%get3A_2801] {strides = array<i32>} : memref<1024xi32, #tpu.memory_space<vmem>>, vector<16xi32>,
    %add3A_2803 = arith.addi %add3A_2800, %get3A_2802 : vector<16xi32>
    %get3A_2804 = arith.constant 896 : index
    %get3A_2805 = tpu.vector_load %arg8[%get3A_2804] {strides = array<i32>} : memref<1024xi32, #tpu.memory_space<vmem>>, vector<16xi32>,
    %add3A_2806 = arith.addi %add3A_2803, %get3A_2805 : vector<16xi32>
    %get3A_2807 = arith.constant 960 : index
    %get3A_2808 = tpu.vector_load %arg8[%get3A_2807] {strides = array<i32>} : memref<1024xi32, #tpu.memory_space<vmem>>, vector<16xi32>,
    %add3A_2809 = arith.addi %add3A_2806, %get3A_2808 : vector<16xi32>
    %swap3A_2810 = arith.constant 0 : index
    %swap3A_2811 = tpu.vector_load %arg9[%swap3A_2810] {strides = array<i32>} : memref<64xi32, #tpu.memory_space<vmem>>, vector<16xi32>,
    tpu.vector_store %arg9[%swap3A_2810], %add3A_2809 {strides = array<i32>} : memref<64xi32, #tpu.memory_space<vmem>>, vector<16xi32>,
    %broadcast_in_dim3A_2812 = arith.constant 0 : i32
    %broadcast_in_dim3A_2813 = vector.broadcast %broadcast_in_dim3A_2812 : i32 to vector<16xi32>
    %get3A_2814 = arith.constant 16 : index
    %get3A_2815 = tpu.vector_load %arg8[%get3A_2814] {strides = array<i32>} : memref<1024xi32, #tpu.memory_space<vmem>>, vector<16xi32>,
    %add3A_2816 = arith.addi %broadcast_in_dim3A_2813, %get3A_2815 : vector<16xi32>
    %get3A_2817 = arith.constant 80 : index
    %get3A_2818 = tpu.vector_load %arg8[%get3A_2817] {strides = array<i32>} : memref<1024xi32, #tpu.memory_space<vmem>>, vector<16xi32>,
    %add3A_2819 = arith.addi %add3A_2816, %get3A_2818 : vector<16xi32>
    %get3A_2820 = arith.constant 144 : index
    %get3A_2821 = tpu.vector_load %arg8[%get3A_2820] {strides = array<i32>} : memref<1024xi32, #tpu.memory_space<vmem>>, vector<16xi32>,
    %add3A_2822 = arith.addi %add3A_2819, %get3A_2821 : vector<16xi32>
    %get3A_2823 = arith.constant 208 : index
    %get3A_2824 = tpu.vector_load %arg8[%get3A_2823] {strides = array<i32>} : memref<1024xi32, #tpu.memory_space<vmem>>, vector<16xi32>,
    %add3A_2825 = arith.addi %add3A_2822, %get3A_2824 : vector<16xi32>
    %get3A_2826 = arith.constant 272 : index
    %get3A_2827 = tpu.vector_load %arg8[%get3A_2826] {strides = array<i32>} : memref<1024xi32, #tpu.memory_space<vmem>>, vector<16xi32>,
    %add3A_2828 = arith.addi %add3A_2825, %get3A_2827 : vector<16xi32>
    %get3A_2829 = arith.constant 336 : index
    %get3A_2830 = tpu.vector_load %arg8[%get3A_2829] {strides = array<i32>} : memref<1024xi32, #tpu.memory_space<vmem>>, vector<16xi32>,
    %add3A_2831 = arith.addi %add3A_2828, %get3A_2830 : vector<16xi32>
    %get3A_2832 = arith.constant 400 : index
    %get3A_2833 = tpu.vector_load %arg8[%get3A_2832] {strides = array<i32>} : memref<1024xi32, #tpu.memory_space<vmem>>, vector<16xi32>,
    %add3A_2834 = arith.addi %add3A_2831, %get3A_2833 : vector<16xi32>
    %get3A_2835 = arith.constant 464 : index
    %get3A_2836 = tpu.vector_load %arg8[%get3A_2835] {strides = array<i32>} : memref<1024xi32, #tpu.memory_space<vmem>>, vector<16xi32>,
    %add3A_2837 = arith.addi %add3A_2834, %get3A_2836 : vector<16xi32>
    %get3A_2838 = arith.constant 528 : index
    %get3A_2839 = tpu.vector_load %arg8[%get3A_2838] {strides = array<i32>} : memref<1024xi32, #tpu.memory_space<vmem>>, vector<16xi32>,
    %add3A_2840 = arith.addi %add3A_2837, %get3A_2839 : vector<16xi32>
    %get3A_2841 = arith.constant 592 : index
    %get3A_2842 = tpu.vector_load %arg8[%get3A_2841] {strides = array<i32>} : memref<1024xi32, #tpu.memory_space<vmem>>, vector<16xi32>,
    %add3A_2843 = arith.addi %add3A_2840, %get3A_2842 : vector<16xi32>
    %get3A_2844 = arith.constant 656 : index
    %get3A_2845 = tpu.vector_load %arg8[%get3A_2844] {strides = array<i32>} : memref<1024xi32, #tpu.memory_space<vmem>>, vector<16xi32>,
    %add3A_2846 = arith.addi %add3A_2843, %get3A_2845 : vector<16xi32>
    %get3A_2847 = arith.constant 720 : index
    %get3A_2848 = tpu.vector_load %arg8[%get3A_2847] {strides = array<i32>} : memref<1024xi32, #tpu.memory_space<vmem>>, vector<16xi32>,
    %add3A_2849 = arith.addi %add3A_2846, %get3A_2848 : vector<16xi32>
    %get3A_2850 = arith.constant 784 : index
    %get3A_2851 = tpu.vector_load %arg8[%get3A_2850] {strides = array<i32>} : memref<1024xi32, #tpu.memory_space<vmem>>, vector<16xi32>,
    %add3A_2852 = arith.addi %add3A_2849, %get3A_2851 : vector<16xi32>
    %get3A_2853 = arith.constant 848 : index
    %get3A_2854 = tpu.vector_load %arg8[%get3A_2853] {strides = array<i32>} : memref<1024xi32, #tpu.memory_space<vmem>>, vector<16xi32>,
    %add3A_2855 = arith.addi %add3A_2852, %get3A_2854 : vector<16xi32>
    %get3A_2856 = arith.constant 912 : index
    %get3A_2857 = tpu.vector_load %arg8[%get3A_2856] {strides = array<i32>} : memref<1024xi32, #tpu.memory_space<vmem>>, vector<16xi32>,
    %add3A_2858 = arith.addi %add3A_2855, %get3A_2857 : vector<16xi32>
    %get3A_2859 = arith.constant 976 : index
    %get3A_2860 = tpu.vector_load %arg8[%get3A_2859] {strides = array<i32>} : memref<1024xi32, #tpu.memory_space<vmem>>, vector<16xi32>,
    %add3A_2861 = arith.addi %add3A_2858, %get3A_2860 : vector<16xi32>
    %swap3A_2862 = arith.constant 16 : index
    %swap3A_2863 = tpu.vector_load %arg9[%swap3A_2862] {strides = array<i32>} : memref<64xi32, #tpu.memory_space<vmem>>, vector<16xi32>,
    tpu.vector_store %arg9[%swap3A_2862], %add3A_2861 {strides = array<i32>} : memref<64xi32, #tpu.memory_space<vmem>>, vector<16xi32>,
    %broadcast_in_dim3A_2864 = arith.constant 0 : i32
    %broadcast_in_dim3A_2865 = vector.broadcast %broadcast_in_dim3A_2864 : i32 to vector<16xi32>
    %get3A_2866 = arith.constant 32 : index
    %get3A_2867 = tpu.vector_load %arg8[%get3A_2866] {strides = array<i32>} : memref<1024xi32, #tpu.memory_space<vmem>>, vector<16xi32>,
    %add3A_2868 = arith.addi %broadcast_in_dim3A_2865, %get3A_2867 : vector<16xi32>
    %get3A_2869 = arith.constant 96 : index
    %get3A_2870 = tpu.vector_load %arg8[%get3A_2869] {strides = array<i32>} : memref<1024xi32, #tpu.memory_space<vmem>>, vector<16xi32>,
    %add3A_2871 = arith.addi %add3A_2868, %get3A_2870 : vector<16xi32>
    %get3A_2872 = arith.constant 160 : index
    %get3A_2873 = tpu.vector_load %arg8[%get3A_2872] {strides = array<i32>} : memref<1024xi32, #tpu.memory_space<vmem>>, vector<16xi32>,
    %add3A_2874 = arith.addi %add3A_2871, %get3A_2873 : vector<16xi32>
    %get3A_2875 = arith.constant 224 : index
    %get3A_2876 = tpu.vector_load %arg8[%get3A_2875] {strides = array<i32>} : memref<1024xi32, #tpu.memory_space<vmem>>, vector<16xi32>,
    %add3A_2877 = arith.addi %add3A_2874, %get3A_2876 : vector<16xi32>
    %get3A_2878 = arith.constant 288 : index
    %get3A_2879 = tpu.vector_load %arg8[%get3A_2878] {strides = array<i32>} : memref<1024xi32, #tpu.memory_space<vmem>>, vector<16xi32>,
    %add3A_2880 = arith.addi %add3A_2877, %get3A_2879 : vector<16xi32>
    %get3A_2881 = arith.constant 352 : index
    %get3A_2882 = tpu.vector_load %arg8[%get3A_2881] {strides = array<i32>} : memref<1024xi32, #tpu.memory_space<vmem>>, vector<16xi32>,
    %add3A_2883 = arith.addi %add3A_2880, %get3A_2882 : vector<16xi32>
    %get3A_2884 = arith.constant 416 : index
    %get3A_2885 = tpu.vector_load %arg8[%get3A_2884] {strides = array<i32>} : memref<1024xi32, #tpu.memory_space<vmem>>, vector<16xi32>,
    %add3A_2886 = arith.addi %add3A_2883, %get3A_2885 : vector<16xi32>
    %get3A_2887 = arith.constant 480 : index
    %get3A_2888 = tpu.vector_load %arg8[%get3A_2887] {strides = array<i32>} : memref<1024xi32, #tpu.memory_space<vmem>>, vector<16xi32>,
    %add3A_2889 = arith.addi %add3A_2886, %get3A_2888 : vector<16xi32>
    %get3A_2890 = arith.constant 544 : index
    %get3A_2891 = tpu.vector_load %arg8[%get3A_2890] {strides = array<i32>} : memref<1024xi32, #tpu.memory_space<vmem>>, vector<16xi32>,
    %add3A_2892 = arith.addi %add3A_2889, %get3A_2891 : vector<16xi32>
    %get3A_2893 = arith.constant 608 : index
    %get3A_2894 = tpu.vector_load %arg8[%get3A_2893] {strides = array<i32>} : memref<1024xi32, #tpu.memory_space<vmem>>, vector<16xi32>,
    %add3A_2895 = arith.addi %add3A_2892, %get3A_2894 : vector<16xi32>
    %get3A_2896 = arith.constant 672 : index
    %get3A_2897 = tpu.vector_load %arg8[%get3A_2896] {strides = array<i32>} : memref<1024xi32, #tpu.memory_space<vmem>>, vector<16xi32>,
    %add3A_2898 = arith.addi %add3A_2895, %get3A_2897 : vector<16xi32>
    %get3A_2899 = arith.constant 736 : index
    %get3A_2900 = tpu.vector_load %arg8[%get3A_2899] {strides = array<i32>} : memref<1024xi32, #tpu.memory_space<vmem>>, vector<16xi32>,
    %add3A_2901 = arith.addi %add3A_2898, %get3A_2900 : vector<16xi32>
    %get3A_2902 = arith.constant 800 : index
    %get3A_2903 = tpu.vector_load %arg8[%get3A_2902] {strides = array<i32>} : memref<1024xi32, #tpu.memory_space<vmem>>, vector<16xi32>,
    %add3A_2904 = arith.addi %add3A_2901, %get3A_2903 : vector<16xi32>
    %get3A_2905 = arith.constant 864 : index
    %get3A_2906 = tpu.vector_load %arg8[%get3A_2905] {strides = array<i32>} : memref<1024xi32, #tpu.memory_space<vmem>>, vector<16xi32>,
    %add3A_2907 = arith.addi %add3A_2904, %get3A_2906 : vector<16xi32>
    %get3A_2908 = arith.constant 928 : index
    %get3A_2909 = tpu.vector_load %arg8[%get3A_2908] {strides = array<i32>} : memref<1024xi32, #tpu.memory_space<vmem>>, vector<16xi32>,
    %add3A_2910 = arith.addi %add3A_2907, %get3A_2909 : vector<16xi32>
    %get3A_2911 = arith.constant 992 : index
    %get3A_2912 = tpu.vector_load %arg8[%get3A_2911] {strides = array<i32>} : memref<1024xi32, #tpu.memory_space<vmem>>, vector<16xi32>,
    %add3A_2913 = arith.addi %add3A_2910, %get3A_2912 : vector<16xi32>
    %swap3A_2914 = arith.constant 32 : index
    %swap3A_2915 = tpu.vector_load %arg9[%swap3A_2914] {strides = array<i32>} : memref<64xi32, #tpu.memory_space<vmem>>, vector<16xi32>,
    tpu.vector_store %arg9[%swap3A_2914], %add3A_2913 {strides = array<i32>} : memref<64xi32, #tpu.memory_space<vmem>>, vector<16xi32>,
    %broadcast_in_dim3A_2916 = arith.constant 0 : i32
    %broadcast_in_dim3A_2917 = vector.broadcast %broadcast_in_dim3A_2916 : i32 to vector<16xi32>
    %get3A_2918 = arith.constant 48 : index
    %get3A_2919 = tpu.vector_load %arg8[%get3A_2918] {strides = array<i32>} : memref<1024xi32, #tpu.memory_space<vmem>>, vector<16xi32>,
    %add3A_2920 = arith.addi %broadcast_in_dim3A_2917, %get3A_2919 : vector<16xi32>
    %get3A_2921 = arith.constant 112 : index
    %get3A_2922 = tpu.vector_load %arg8[%get3A_2921] {strides = array<i32>} : memref<1024xi32, #tpu.memory_space<vmem>>, vector<16xi32>,
    %add3A_2923 = arith.addi %add3A_2920, %get3A_2922 : vector<16xi32>
    %get3A_2924 = arith.constant 176 : index
    %get3A_2925 = tpu.vector_load %arg8[%get3A_2924] {strides = array<i32>} : memref<1024xi32, #tpu.memory_space<vmem>>, vector<16xi32>,
    %add3A_2926 = arith.addi %add3A_2923, %get3A_2925 : vector<16xi32>
    %get3A_2927 = arith.constant 240 : index
    %get3A_2928 = tpu.vector_load %arg8[%get3A_2927] {strides = array<i32>} : memref<1024xi32, #tpu.memory_space<vmem>>, vector<16xi32>,
    %add3A_2929 = arith.addi %add3A_2926, %get3A_2928 : vector<16xi32>
    %get3A_2930 = arith.constant 304 : index
    %get3A_2931 = tpu.vector_load %arg8[%get3A_2930] {strides = array<i32>} : memref<1024xi32, #tpu.memory_space<vmem>>, vector<16xi32>,
    %add3A_2932 = arith.addi %add3A_2929, %get3A_2931 : vector<16xi32>
    %get3A_2933 = arith.constant 368 : index
    %get3A_2934 = tpu.vector_load %arg8[%get3A_2933] {strides = array<i32>} : memref<1024xi32, #tpu.memory_space<vmem>>, vector<16xi32>,
    %add3A_2935 = arith.addi %add3A_2932, %get3A_2934 : vector<16xi32>
    %get3A_2936 = arith.constant 432 : index
    %get3A_2937 = tpu.vector_load %arg8[%get3A_2936] {strides = array<i32>} : memref<1024xi32, #tpu.memory_space<vmem>>, vector<16xi32>,
    %add3A_2938 = arith.addi %add3A_2935, %get3A_2937 : vector<16xi32>
    %get3A_2939 = arith.constant 496 : index
    %get3A_2940 = tpu.vector_load %arg8[%get3A_2939] {strides = array<i32>} : memref<1024xi32, #tpu.memory_space<vmem>>, vector<16xi32>,
    %add3A_2941 = arith.addi %add3A_2938, %get3A_2940 : vector<16xi32>
    %get3A_2942 = arith.constant 560 : index
    %get3A_2943 = tpu.vector_load %arg8[%get3A_2942] {strides = array<i32>} : memref<1024xi32, #tpu.memory_space<vmem>>, vector<16xi32>,
    %add3A_2944 = arith.addi %add3A_2941, %get3A_2943 : vector<16xi32>
    %get3A_2945 = arith.constant 624 : index
    %get3A_2946 = tpu.vector_load %arg8[%get3A_2945] {strides = array<i32>} : memref<1024xi32, #tpu.memory_space<vmem>>, vector<16xi32>,
    %add3A_2947 = arith.addi %add3A_2944, %get3A_2946 : vector<16xi32>
    %get3A_2948 = arith.constant 688 : index
    %get3A_2949 = tpu.vector_load %arg8[%get3A_2948] {strides = array<i32>} : memref<1024xi32, #tpu.memory_space<vmem>>, vector<16xi32>,
    %add3A_2950 = arith.addi %add3A_2947, %get3A_2949 : vector<16xi32>
    %get3A_2951 = arith.constant 752 : index
    %get3A_2952 = tpu.vector_load %arg8[%get3A_2951] {strides = array<i32>} : memref<1024xi32, #tpu.memory_space<vmem>>, vector<16xi32>,
    %add3A_2953 = arith.addi %add3A_2950, %get3A_2952 : vector<16xi32>
    %get3A_2954 = arith.constant 816 : index
    %get3A_2955 = tpu.vector_load %arg8[%get3A_2954] {strides = array<i32>} : memref<1024xi32, #tpu.memory_space<vmem>>, vector<16xi32>,
    %add3A_2956 = arith.addi %add3A_2953, %get3A_2955 : vector<16xi32>
    %get3A_2957 = arith.constant 880 : index
    %get3A_2958 = tpu.vector_load %arg8[%get3A_2957] {strides = array<i32>} : memref<1024xi32, #tpu.memory_space<vmem>>, vector<16xi32>,
    %add3A_2959 = arith.addi %add3A_2956, %get3A_2958 : vector<16xi32>
    %get3A_2960 = arith.constant 944 : index
    %get3A_2961 = tpu.vector_load %arg8[%get3A_2960] {strides = array<i32>} : memref<1024xi32, #tpu.memory_space<vmem>>, vector<16xi32>,
    %add3A_2962 = arith.addi %add3A_2959, %get3A_2961 : vector<16xi32>
    %get3A_2963 = arith.constant 1008 : index
    %get3A_2964 = tpu.vector_load %arg8[%get3A_2963] {strides = array<i32>} : memref<1024xi32, #tpu.memory_space<vmem>>, vector<16xi32>,
    %add3A_2965 = arith.addi %add3A_2962, %get3A_2964 : vector<16xi32>
    %swap3A_2966 = arith.constant 48 : index
    %swap3A_2967 = tpu.vector_load %arg9[%swap3A_2966] {strides = array<i32>} : memref<64xi32, #tpu.memory_space<vmem>>, vector<16xi32>,
    tpu.vector_store %arg9[%swap3A_2966], %add3A_2965 {strides = array<i32>} : memref<64xi32, #tpu.memory_space<vmem>>, vector<16xi32>,
    %scan3A = arith.constant 0 : i32
    %scan3A_2968 = arith.constant 0 : i32
    %scan3A_2969 = arith.constant 28 : i32
    %scan3A_2970 = arith.addi %scan3A_2968, %scan3A_2969 : i32
    %scan3A_2971 = arith.constant 1 : i32
    %scan3A_2972 = scf.for %scan3A_2983 = %scan3A_2968 to %scan3A_2970 step %scan3A_2971 iter_args(%scan3A_2984 = %scan3A) -> (i32)  : i32 {
      %mul3A_2985 = arith.constant 112 : i32
      %mul3A_2986 = arith.muli %scan3A_2983, %mul3A_2985 : i32
      %add3A_2987 = arith.addi %min3A_3, %mul3A_2986 : i32
      %mul3A_2988 = arith.constant 112 : i32
      %mul3A_2989 = arith.muli %scan3A_2983, %mul3A_2988 : i32
      %get3A_2990 = arith.index_cast %mul3A_2989 : i32 to index
      %get3A_2991 = tpu.vector_load %arg5[%get3A_2990] {strides = array<i32>} : memref<3136xi32, #tpu.memory_space<vmem>>, vector<16xi32>,
      %mul3A_2992 = arith.constant 112 : i32
      %mul3A_2993 = arith.muli %scan3A_2983, %mul3A_2992 : i32
      %add3A_2994 = arith.constant 112 : i32
      %add3A_2995 = arith.addi %mul3A_2993, %add3A_2994 : i32
      %sub3A_2996 = arith.constant 16 : i32
      %sub3A_2997 = arith.subi %add3A_2995, %sub3A_2996 : i32
      %get3A_2998 = arith.index_cast %sub3A_2997 : i32 to index
      %get3A_2999 = tpu.vector_load %arg5[%get3A_2998] {strides = array<i32>} : memref<3136xi32, #tpu.memory_space<vmem>>, vector<16xi32>,
      %reduce_min3A = arith.constant true
      %reduce_min3A_3000 = vector.broadcast %reduce_min3A : i1 to vector<16xi1>
      %reduce_min3A_3001 = arith.constant -2147483648 : i32
      %reduce_min3A_3002 = vector.broadcast %reduce_min3A_3001 : i32 to vector<16xi32>
      %reduce_min3A_3003 = arith.xori %get3A_2991, %reduce_min3A_3002 : vector<16xi32>
      %reduce_min3A_3004 = tpu.scan <min>, %reduce_min3A_3003 masked %reduce_min3A_3000 : vector<16xi32>, vector<16xi1> -> vector<16xi32>
      %reduce_min3A_3005 = arith.xori %reduce_min3A_3004, %reduce_min3A_3002 : vector<16xi32>
      %reduce_min3A_3006 = vector.extract %reduce_min3A_3005[15] : i32 from vector<16xi32>
      %reduce_max3A = arith.constant true
      %reduce_max3A_3007 = vector.broadcast %reduce_max3A : i1 to vector<16xi1>
      %reduce_max3A_3008 = arith.constant -2147483648 : i32
      %reduce_max3A_3009 = vector.broadcast %reduce_max3A_3008 : i32 to vector<16xi32>
      %reduce_max3A_3010 = arith.xori %get3A_2999, %reduce_max3A_3009 : vector<16xi32>
      %reduce_max3A_3011 = tpu.scan <max>, %reduce_max3A_3010 masked %reduce_max3A_3007 : vector<16xi32>, vector<16xi1> -> vector<16xi32>
      %reduce_max3A_3012 = arith.xori %reduce_max3A_3011, %reduce_max3A_3009 : vector<16xi32>
      %reduce_max3A_3013 = vector.extract %reduce_max3A_3012[15] : i32 from vector<16xi32>
      %broadcast_in_dim3A_3014 = vector.broadcast %reduce_min3A_3006 : i32 to vector<16xi32>
      %gather3A_3015 = tpu.vector_load_idx %arg9[%broadcast_in_dim3A_3014] : memref<64xi32, #tpu.memory_space<vmem>>[vector<16xi32>], vector<16xi32>,
      %reduce_max3A_3016 = arith.constant true
      %reduce_max3A_3017 = vector.broadcast %reduce_max3A_3016 : i1 to vector<16xi1>
      %reduce_max3A_3018 = arith.constant -2147483648 : i32
      %reduce_max3A_3019 = vector.broadcast %reduce_max3A_3018 : i32 to vector<16xi32>
      %reduce_max3A_3020 = arith.xori %gather3A_3015, %reduce_max3A_3019 : vector<16xi32>
      %reduce_max3A_3021 = tpu.scan <max>, %reduce_max3A_3020 masked %reduce_max3A_3017 : vector<16xi32>, vector<16xi1> -> vector<16xi32>
      %reduce_max3A_3022 = arith.xori %reduce_max3A_3021, %reduce_max3A_3019 : vector<16xi32>
      %reduce_max3A_3023 = vector.extract %reduce_max3A_3022[15] : i32 from vector<16xi32>
      %sub3A_3024 = arith.subi %add3A_2987, %reduce_max3A_3023 : i32
      %eq3A = arith.cmpi eq, %reduce_min3A_3006, %reduce_max3A_3013 : i32
      %add3A_3025 = arith.constant 112 : i32
      %add3A_3026 = arith.addi %sub3A_3024, %add3A_3025 : i32
      %le3A = arith.constant 4096 : i32
      %le3A_3027 = arith.cmpi sle, %add3A_3026, %le3A : i32
      %and3A_3028 = arith.andi %eq3A, %le3A_3027 : i1
      %convert_element_type3A = arith.extui %and3A_3028 : i1 to i32
      %cond3A = arith.constant 0 : i32
      %cond3A_3029 = arith.cmpi ne, %convert_element_type3A, %cond3A : i32
      scf.if %cond3A_3029 {
        %dma_start3A_3037 = arith.constant 0 : i32
        %dma_start3A_3038 = tpu.memref_slice %arg4[%add3A_2987, %dma_start3A_3037] : memref<100000x128xf32, #tpu.memory_space<hbm>> -> memref<112x128xf32, #tpu.memory_space<hbm>>
        %dma_start3A_3039 = arith.constant 0 : i32
        %dma_start3A_3040 = tpu.memref_slice %arg12[%sub3A_3024, %dma_start3A_3039] : memref<4096x128xf32, #tpu.memory_space<vmem_shared>> -> memref<112x128xf32, #tpu.memory_space<vmem_shared>>
        tpu.enqueue_dma source(%dma_start3A_3040 : memref<112x128xf32, #tpu.memory_space<vmem_shared>>) target(%dma_start3A_3038 : memref<112x128xf32, #tpu.memory_space<hbm>>) target_semaphore(%arg16 : memref<!tpu.dma_semaphore, #tpu.memory_space<semaphore_mem>>)
      } else {
      }
      %not3A_3030 = arith.constant true
      %not3A_3031 = arith.xori %and3A_3028, %not3A_3030 : i1
      %convert_element_type3A_3032 = arith.extui %not3A_3031 : i1 to i32
      %cond3A_3033 = arith.constant 0 : i32
      %cond3A_3034 = arith.cmpi ne, %convert_element_type3A_3032, %cond3A_3033 : i32
      scf.if %cond3A_3034 {
        %add3A_3037 = arith.constant 0 : i32
        %add3A_3038 = arith.addi %add3A_2987, %add3A_3037 : i32
        %mul3A_3039 = arith.constant 112 : i32
        %mul3A_3040 = arith.muli %scan3A_2983, %mul3A_3039 : i32
        %add3A_3041 = arith.constant 0 : i32
        %add3A_3042 = arith.addi %mul3A_3040, %add3A_3041 : i32
        %get3A_3043 = arith.index_cast %add3A_3042 : i32 to index
        %get3A_3044 = tpu.vector_load %arg5[%get3A_3043] {strides = array<i32>} : memref<3136xi32, #tpu.memory_space<vmem>>, vector<16xi32>,
        %gather3A_3045 = tpu.vector_load_idx %arg9[%get3A_3044] : memref<64xi32, #tpu.memory_space<vmem>>[vector<16xi32>], vector<16xi32>,
        %add3A_3046 = vector.broadcast %add3A_3038 : i32 to vector<16xi32>
        %add3A_3047 = arith.addi %add3A_3046, %iota3A : vector<16xi32>
        %sub3A_3048 = arith.subi %add3A_3047, %gather3A_3045 : vector<16xi32>
        %jit3A_3049 = arith.constant 0 : i32
        %jit3A_3050 = arith.constant 4095 : i32
        %max3A = vector.broadcast %jit3A_3049 : i32 to vector<16xi32>
        %max3A_3051 = arith.maxsi %max3A, %sub3A_3048 : vector<16xi32>
        %min3A_3052 = vector.broadcast %jit3A_3050 : i32 to vector<16xi32>
        %min3A_3053 = arith.minsi %min3A_3052, %max3A_3051 : vector<16xi32>
        %swap3A_3054 = arith.constant 0 : index
        %swap3A_3055 = tpu.vector_load %arg10[%swap3A_3054] {strides = array<i32>} : memref<112xi32, #tpu.memory_space<vmem>>, vector<16xi32>,
        tpu.vector_store %arg10[%swap3A_3054], %min3A_3053 {strides = array<i32>} : memref<112xi32, #tpu.memory_space<vmem>>, vector<16xi32>,
        %add3A_3056 = arith.constant 16 : i32
        %add3A_3057 = arith.addi %add3A_2987, %add3A_3056 : i32
        %mul3A_3058 = arith.constant 112 : i32
        %mul3A_3059 = arith.muli %scan3A_2983, %mul3A_3058 : i32
        %add3A_3060 = arith.constant 16 : i32
        %add3A_3061 = arith.addi %mul3A_3059, %add3A_3060 : i32
        %get3A_3062 = arith.index_cast %add3A_3061 : i32 to index
        %get3A_3063 = tpu.vector_load %arg5[%get3A_3062] {strides = array<i32>} : memref<3136xi32, #tpu.memory_space<vmem>>, vector<16xi32>,
        %gather3A_3064 = tpu.vector_load_idx %arg9[%get3A_3063] : memref<64xi32, #tpu.memory_space<vmem>>[vector<16xi32>], vector<16xi32>,
        %add3A_3065 = vector.broadcast %add3A_3057 : i32 to vector<16xi32>
        %add3A_3066 = arith.addi %add3A_3065, %iota3A : vector<16xi32>
        %sub3A_3067 = arith.subi %add3A_3066, %gather3A_3064 : vector<16xi32>
        %jit3A_3068 = arith.constant 0 : i32
        %jit3A_3069 = arith.constant 4095 : i32
        %max3A_3070 = vector.broadcast %jit3A_3068 : i32 to vector<16xi32>
        %max3A_3071 = arith.maxsi %max3A_3070, %sub3A_3067 : vector<16xi32>
        %min3A_3072 = vector.broadcast %jit3A_3069 : i32 to vector<16xi32>
        %min3A_3073 = arith.minsi %min3A_3072, %max3A_3071 : vector<16xi32>
        %swap3A_3074 = arith.constant 16 : index
        %swap3A_3075 = tpu.vector_load %arg10[%swap3A_3074] {strides = array<i32>} : memref<112xi32, #tpu.memory_space<vmem>>, vector<16xi32>,
        tpu.vector_store %arg10[%swap3A_3074], %min3A_3073 {strides = array<i32>} : memref<112xi32, #tpu.memory_space<vmem>>, vector<16xi32>,
        %add3A_3076 = arith.constant 32 : i32
        %add3A_3077 = arith.addi %add3A_2987, %add3A_3076 : i32
        %mul3A_3078 = arith.constant 112 : i32
        %mul3A_3079 = arith.muli %scan3A_2983, %mul3A_3078 : i32
        %add3A_3080 = arith.constant 32 : i32
        %add3A_3081 = arith.addi %mul3A_3079, %add3A_3080 : i32
        %get3A_3082 = arith.index_cast %add3A_3081 : i32 to index
        %get3A_3083 = tpu.vector_load %arg5[%get3A_3082] {strides = array<i32>} : memref<3136xi32, #tpu.memory_space<vmem>>, vector<16xi32>,
        %gather3A_3084 = tpu.vector_load_idx %arg9[%get3A_3083] : memref<64xi32, #tpu.memory_space<vmem>>[vector<16xi32>], vector<16xi32>,
        %add3A_3085 = vector.broadcast %add3A_3077 : i32 to vector<16xi32>
        %add3A_3086 = arith.addi %add3A_3085, %iota3A : vector<16xi32>
        %sub3A_3087 = arith.subi %add3A_3086, %gather3A_3084 : vector<16xi32>
        %jit3A_3088 = arith.constant 0 : i32
        %jit3A_3089 = arith.constant 4095 : i32
        %max3A_3090 = vector.broadcast %jit3A_3088 : i32 to vector<16xi32>
        %max3A_3091 = arith.maxsi %max3A_3090, %sub3A_3087 : vector<16xi32>
        %min3A_3092 = vector.broadcast %jit3A_3089 : i32 to vector<16xi32>
        %min3A_3093 = arith.minsi %min3A_3092, %max3A_3091 : vector<16xi32>
        %swap3A_3094 = arith.constant 32 : index
        %swap3A_3095 = tpu.vector_load %arg10[%swap3A_3094] {strides = array<i32>} : memref<112xi32, #tpu.memory_space<vmem>>, vector<16xi32>,
        tpu.vector_store %arg10[%swap3A_3094], %min3A_3093 {strides = array<i32>} : memref<112xi32, #tpu.memory_space<vmem>>, vector<16xi32>,
        %add3A_3096 = arith.constant 48 : i32
        %add3A_3097 = arith.addi %add3A_2987, %add3A_3096 : i32
        %mul3A_3098 = arith.constant 112 : i32
        %mul3A_3099 = arith.muli %scan3A_2983, %mul3A_3098 : i32
        %add3A_3100 = arith.constant 48 : i32
        %add3A_3101 = arith.addi %mul3A_3099, %add3A_3100 : i32
        %get3A_3102 = arith.index_cast %add3A_3101 : i32 to index
        %get3A_3103 = tpu.vector_load %arg5[%get3A_3102] {strides = array<i32>} : memref<3136xi32, #tpu.memory_space<vmem>>, vector<16xi32>,
        %gather3A_3104 = tpu.vector_load_idx %arg9[%get3A_3103] : memref<64xi32, #tpu.memory_space<vmem>>[vector<16xi32>], vector<16xi32>,
        %add3A_3105 = vector.broadcast %add3A_3097 : i32 to vector<16xi32>
        %add3A_3106 = arith.addi %add3A_3105, %iota3A : vector<16xi32>
        %sub3A_3107 = arith.subi %add3A_3106, %gather3A_3104 : vector<16xi32>
        %jit3A_3108 = arith.constant 0 : i32
        %jit3A_3109 = arith.constant 4095 : i32
        %max3A_3110 = vector.broadcast %jit3A_3108 : i32 to vector<16xi32>
        %max3A_3111 = arith.maxsi %max3A_3110, %sub3A_3107 : vector<16xi32>
        %min3A_3112 = vector.broadcast %jit3A_3109 : i32 to vector<16xi32>
        %min3A_3113 = arith.minsi %min3A_3112, %max3A_3111 : vector<16xi32>
        %swap3A_3114 = arith.constant 48 : index
        %swap3A_3115 = tpu.vector_load %arg10[%swap3A_3114] {strides = array<i32>} : memref<112xi32, #tpu.memory_space<vmem>>, vector<16xi32>,
        tpu.vector_store %arg10[%swap3A_3114], %min3A_3113 {strides = array<i32>} : memref<112xi32, #tpu.memory_space<vmem>>, vector<16xi32>,
        %add3A_3116 = arith.constant 64 : i32
        %add3A_3117 = arith.addi %add3A_2987, %add3A_3116 : i32
        %mul3A_3118 = arith.constant 112 : i32
        %mul3A_3119 = arith.muli %scan3A_2983, %mul3A_3118 : i32
        %add3A_3120 = arith.constant 64 : i32
        %add3A_3121 = arith.addi %mul3A_3119, %add3A_3120 : i32
        %get3A_3122 = arith.index_cast %add3A_3121 : i32 to index
        %get3A_3123 = tpu.vector_load %arg5[%get3A_3122] {strides = array<i32>} : memref<3136xi32, #tpu.memory_space<vmem>>, vector<16xi32>,
        %gather3A_3124 = tpu.vector_load_idx %arg9[%get3A_3123] : memref<64xi32, #tpu.memory_space<vmem>>[vector<16xi32>], vector<16xi32>,
        %add3A_3125 = vector.broadcast %add3A_3117 : i32 to vector<16xi32>
        %add3A_3126 = arith.addi %add3A_3125, %iota3A : vector<16xi32>
        %sub3A_3127 = arith.subi %add3A_3126, %gather3A_3124 : vector<16xi32>
        %jit3A_3128 = arith.constant 0 : i32
        %jit3A_3129 = arith.constant 4095 : i32
        %max3A_3130 = vector.broadcast %jit3A_3128 : i32 to vector<16xi32>
        %max3A_3131 = arith.maxsi %max3A_3130, %sub3A_3127 : vector<16xi32>
        %min3A_3132 = vector.broadcast %jit3A_3129 : i32 to vector<16xi32>
        %min3A_3133 = arith.minsi %min3A_3132, %max3A_3131 : vector<16xi32>
        %swap3A_3134 = arith.constant 64 : index
        %swap3A_3135 = tpu.vector_load %arg10[%swap3A_3134] {strides = array<i32>} : memref<112xi32, #tpu.memory_space<vmem>>, vector<16xi32>,
        tpu.vector_store %arg10[%swap3A_3134], %min3A_3133 {strides = array<i32>} : memref<112xi32, #tpu.memory_space<vmem>>, vector<16xi32>,
        %add3A_3136 = arith.constant 80 : i32
        %add3A_3137 = arith.addi %add3A_2987, %add3A_3136 : i32
        %mul3A_3138 = arith.constant 112 : i32
        %mul3A_3139 = arith.muli %scan3A_2983, %mul3A_3138 : i32
        %add3A_3140 = arith.constant 80 : i32
        %add3A_3141 = arith.addi %mul3A_3139, %add3A_3140 : i32
        %get3A_3142 = arith.index_cast %add3A_3141 : i32 to index
        %get3A_3143 = tpu.vector_load %arg5[%get3A_3142] {strides = array<i32>} : memref<3136xi32, #tpu.memory_space<vmem>>, vector<16xi32>,
        %gather3A_3144 = tpu.vector_load_idx %arg9[%get3A_3143] : memref<64xi32, #tpu.memory_space<vmem>>[vector<16xi32>], vector<16xi32>,
        %add3A_3145 = vector.broadcast %add3A_3137 : i32 to vector<16xi32>
        %add3A_3146 = arith.addi %add3A_3145, %iota3A : vector<16xi32>
        %sub3A_3147 = arith.subi %add3A_3146, %gather3A_3144 : vector<16xi32>
        %jit3A_3148 = arith.constant 0 : i32
        %jit3A_3149 = arith.constant 4095 : i32
        %max3A_3150 = vector.broadcast %jit3A_3148 : i32 to vector<16xi32>
        %max3A_3151 = arith.maxsi %max3A_3150, %sub3A_3147 : vector<16xi32>
        %min3A_3152 = vector.broadcast %jit3A_3149 : i32 to vector<16xi32>
        %min3A_3153 = arith.minsi %min3A_3152, %max3A_3151 : vector<16xi32>
        %swap3A_3154 = arith.constant 80 : index
        %swap3A_3155 = tpu.vector_load %arg10[%swap3A_3154] {strides = array<i32>} : memref<112xi32, #tpu.memory_space<vmem>>, vector<16xi32>,
        tpu.vector_store %arg10[%swap3A_3154], %min3A_3153 {strides = array<i32>} : memref<112xi32, #tpu.memory_space<vmem>>, vector<16xi32>,
        %add3A_3156 = arith.constant 96 : i32
        %add3A_3157 = arith.addi %add3A_2987, %add3A_3156 : i32
        %mul3A_3158 = arith.constant 112 : i32
        %mul3A_3159 = arith.muli %scan3A_2983, %mul3A_3158 : i32
        %add3A_3160 = arith.constant 96 : i32
        %add3A_3161 = arith.addi %mul3A_3159, %add3A_3160 : i32
        %get3A_3162 = arith.index_cast %add3A_3161 : i32 to index
        %get3A_3163 = tpu.vector_load %arg5[%get3A_3162] {strides = array<i32>} : memref<3136xi32, #tpu.memory_space<vmem>>, vector<16xi32>,
        %gather3A_3164 = tpu.vector_load_idx %arg9[%get3A_3163] : memref<64xi32, #tpu.memory_space<vmem>>[vector<16xi32>], vector<16xi32>,
        %add3A_3165 = vector.broadcast %add3A_3157 : i32 to vector<16xi32>
        %add3A_3166 = arith.addi %add3A_3165, %iota3A : vector<16xi32>
        %sub3A_3167 = arith.subi %add3A_3166, %gather3A_3164 : vector<16xi32>
        %jit3A_3168 = arith.constant 0 : i32
        %jit3A_3169 = arith.constant 4095 : i32
        %max3A_3170 = vector.broadcast %jit3A_3168 : i32 to vector<16xi32>
        %max3A_3171 = arith.maxsi %max3A_3170, %sub3A_3167 : vector<16xi32>
        %min3A_3172 = vector.broadcast %jit3A_3169 : i32 to vector<16xi32>
        %min3A_3173 = arith.minsi %min3A_3172, %max3A_3171 : vector<16xi32>
        %swap3A_3174 = arith.constant 96 : index
        %swap3A_3175 = tpu.vector_load %arg10[%swap3A_3174] {strides = array<i32>} : memref<112xi32, #tpu.memory_space<vmem>>, vector<16xi32>,
        tpu.vector_store %arg10[%swap3A_3174], %min3A_3173 {strides = array<i32>} : memref<112xi32, #tpu.memory_space<vmem>>, vector<16xi32>,
        %dma_start3A_3176 = arith.constant 0 : i32
        %dma_start3A_3177 = arith.constant 0 : i32
        %dma_start3A_3178 = tpu.memref_slice %arg3[%dma_start3A_3176, %dma_start3A_3177] : memref<4096x128xf32, #tpu.memory_space<hbm>> -> memref<4096x128xf32, #tpu.memory_space<hbm>>
        tpu.enqueue_indirect_dma source(%dma_start3A_3178 : memref<4096x128xf32, #tpu.memory_space<hbm>>) target(%arg11 : memref<112x128xf32, #tpu.memory_space<vmem>>) offsets(%arg10 : memref<112xi32, #tpu.memory_space<vmem>>) semaphore(%arg15 : memref<!tpu.dma_semaphore, #tpu.memory_space<semaphore_mem>>)
        %dma_wait3A_3179 = arith.constant 0 : i32
        %dma_wait3A_3180 = arith.constant 0 : i32
        %dma_wait3A_3181 = tpu.memref_slice %arg3[%dma_wait3A_3179, %dma_wait3A_3180] : memref<4096x128xf32, #tpu.memory_space<hbm>> -> memref<4096x128xf32, #tpu.memory_space<hbm>>
        tpu.wait_indirect_dma semaphore(%arg15 : memref<!tpu.dma_semaphore, #tpu.memory_space<semaphore_mem>>) src(%dma_wait3A_3181 : memref<4096x128xf32, #tpu.memory_space<hbm>>) dst(%arg11 : memref<112x128xf32, #tpu.memory_space<vmem>>)
        "tpu.region"() ({
          %run_scoped3A = tpu.sem_alloc : memref<!tpu.dma_semaphore, #tpu.memory_space<semaphore_mem>>
          %dma_start3A_3182 = arith.constant 0 : i32
          %dma_start3A_3183 = tpu.memref_slice %arg4[%add3A_2987, %dma_start3A_3182] : memref<100000x128xf32, #tpu.memory_space<hbm>> -> memref<112x128xf32, #tpu.memory_space<hbm>>
          %dma_start3A_3184 = arith.constant 0 : i32
          %dma_start3A_3185 = tpu.memref_slice %arg4[%add3A_2987, %dma_start3A_3184] : memref<100000x128xf32, #tpu.memory_space<hbm>> -> memref<112x128xf32, #tpu.memory_space<hbm>>
          tpu.enqueue_dma source(%arg11 : memref<112x128xf32, #tpu.memory_space<vmem>>) target(%dma_start3A_3185 : memref<112x128xf32, #tpu.memory_space<hbm>>) target_semaphore(%run_scoped3A : memref<!tpu.dma_semaphore, #tpu.memory_space<semaphore_mem>>)
          %dma_wait3A_3186 = arith.constant 0 : i32
          %dma_wait3A_3187 = tpu.memref_slice %arg4[%add3A_2987, %dma_wait3A_3186] : memref<100000x128xf32, #tpu.memory_space<hbm>> -> memref<112x128xf32, #tpu.memory_space<hbm>>
          %dma_wait3A_3188 = arith.constant 0 : i32
          %dma_wait3A_3189 = tpu.memref_slice %arg4[%add3A_2987, %dma_wait3A_3188] : memref<100000x128xf32, #tpu.memory_space<hbm>> -> memref<112x128xf32, #tpu.memory_space<hbm>>
          tpu.wait_dma2 semaphore(%run_scoped3A : memref<!tpu.dma_semaphore, #tpu.memory_space<semaphore_mem>>) src(%arg11 : memref<112x128xf32, #tpu.memory_space<vmem>>) dst(%dma_wait3A_3189 : memref<112x128xf32, #tpu.memory_space<hbm>>)
          tpu.yield
        }) : () -> ()
      } else {
      }
      %convert_element_type3A_3035 = arith.extui %and3A_3028 : i1 to i32
      %add3A_3036 = arith.addi %scan3A_2984, %convert_element_type3A_3035 : i32
      scf.yield %add3A_3036 : i32
    }
    %scan3A_2973 = arith.constant 28 : i32
    %while3A = arith.constant 0 : i32
    %while3A_2974 = arith.constant 0 : i32
    %while3A_2975 = arith.subi %scan3A_2972, %while3A_2974 : i32
    %while3A_2976 = arith.addi %while3A_2974, %while3A_2975 : i32
    %while3A_2977 = arith.constant 1 : i32
    %while3A_2978 = arith.divsi %while3A_2975, %while3A_2977 : i32
    %while3A_2979 = arith.muli %while3A_2978, %while3A_2977 : i32
    %while3A_2980 = arith.addi %while3A_2974, %while3A_2979 : i32
    %while3A_2981 = arith.constant 1 : i32
    scf.for %while3A_2983 = %while3A_2974 to %while3A_2980 step %while3A_2981  : i32 {
      %dma_wait3A_2984 = arith.constant 0 : i32
      %dma_wait3A_2985 = tpu.memref_slice %arg4[%min3A_3, %dma_wait3A_2984] : memref<100000x128xf32, #tpu.memory_space<hbm>> -> memref<112x128xf32, #tpu.memory_space<hbm>>
      %dma_wait3A_2986 = arith.constant 0 : i32
      %dma_wait3A_2987 = arith.constant 0 : i32
      %dma_wait3A_2988 = tpu.memref_slice %arg3[%dma_wait3A_2986, %dma_wait3A_2987] : memref<4096x128xf32, #tpu.memory_space<hbm>> -> memref<112x128xf32, #tpu.memory_space<hbm>>
      tpu.wait_dma2 semaphore(%arg16 : memref<!tpu.dma_semaphore, #tpu.memory_space<semaphore_mem>>) src(%dma_wait3A_2988 : memref<112x128xf32, #tpu.memory_space<hbm>>) dst(%dma_wait3A_2985 : memref<112x128xf32, #tpu.memory_space<hbm>>)
    }
    %while3A_2982 = arith.constant 1 : i32
    scf.for %while3A_2983 = %while3A_2980 to %while3A_2976 step %while3A_2982  : i32 {
      %dma_wait3A_2984 = arith.constant 0 : i32
      %dma_wait3A_2985 = tpu.memref_slice %arg4[%min3A_3, %dma_wait3A_2984] : memref<100000x128xf32, #tpu.memory_space<hbm>> -> memref<112x128xf32, #tpu.memory_space<hbm>>
      %dma_wait3A_2986 = arith.constant 0 : i32
      %dma_wait3A_2987 = arith.constant 0 : i32
      %dma_wait3A_2988 = tpu.memref_slice %arg3[%dma_wait3A_2986, %dma_wait3A_2987] : memref<4096x128xf32, #tpu.memory_space<hbm>> -> memref<112x128xf32, #tpu.memory_space<hbm>>
      tpu.wait_dma2 semaphore(%arg16 : memref<!tpu.dma_semaphore, #tpu.memory_space<semaphore_mem>>) src(%dma_wait3A_2988 : memref<112x128xf32, #tpu.memory_space<hbm>>) dst(%dma_wait3A_2985 : memref<112x128xf32, #tpu.memory_space<hbm>>)
    }
    return
  }
}

</mosaic_0001>

<sc_bundles>
// kernel: kernel.3.cloned.1.call-start
scs
__scs_entry_jumppad:
0x0: {  	(pc) =	sbr.rel $0x88, $3  }
0x1: {  	(tag) =	ssettag $0x0;
	lr =	simm.s32 $0x1  }
0x2: {  	[smem:$0x3F9F] =	sst lr;
	_ =	strace $0xD0000000  }
0x3: {  	_ = 	snop  }
0x4: {  	_ = 	snop  }
0x5: {  	_ = 	snop  }
0x6: {  	_ = 	snop  }
0x7: {  	_ = 	snop  }
__scs_overlays_trampoline_lowered:
0x8: {  	[smem:$0x3FAE] =	sst s0  }
0x9: {  	[smem:$0x3FAF] =	sst s1  }
0xa: {  	[smem:$0x3FB0] =	sst s2  }
0xb: {  	[smem:$0x3FB1] =	sst s3  }
0xc: {  	[smem:$0x3FB2] =	sst s4  }
0xd: {  	[smem:$0x3FB3] =	sst s5  }
0xe: {  	[smem:$0x3FB4] =	sst s6  }
0xf: {  	[smem:$0x3FB5] =	sst s7  }
0x10: {  	[smem:$0x3FB6] =	sst s8  }
0x11: {  	[smem:$0x3FB7] =	sst s9;
	s0 =	simm.s32 @!p0 $0x0  }
0x12: {  	s1 =	sld [smem:$0x3F9D];
	s0 =	simm.s32 @p0 $0x1  }
0x13: {  	[smem:$0x3FB8] =	sst s0;
	s0 =	simm.s32 @!p1 $0x0  }
0x14: {  	s2 =	sld [smem:$0x3F9C];
	s0 =	simm.s32 @p1 $0x1  }
0x15: {  	[smem:$0x3FB9] =	sst s0;
	s0 =	simm.s32 @!p2 $0x0  }
0x16: {  	s3 =	sld [smem:$0x3FDB];
	s0 =	simm.s32 @p2 $0x1  }
0x17: {  	s4 =	simm.s32 $0x1BF5;
	[smem:$0x3FBB] =	sst s0  }
0x18: {  	s0 =	sld [smem:$0x3F9E];
	_ =	swait.ge [sflag:s4], $0x0  }
0x19: {  	s7 =	sld [smem:$0x3F9F]  }
0x1a: {  	s8 =	sadd.s32 $0xFFFFE003, lr  }
0x1b: {  	s9 =	sadd.s32 $0xFFFFFEF7, lr;
	s5 =	simm.s32 $0xFFFFFFFF;
	p2 =	slt.u32 s8, $0xFFFFF086  }
0x1c: {  	p1 =	slt.u32 s9, $0xF7A;
	s5 =	simm.s32 @!p2 $0x0  }
0x1d: {  	s5 =	simm.s32 @p1 $0x1;
	p0 =	seq.s32 s7, s2  }
0x1e: {  	s7 =	smul.u32 @!p0 $0xF7A, s2;
	p2 =	seq.s32 @!p0 s5, $0x0  }
0x1f: {  	s9 =	smul.u32 $0xF7A, s1;
	s8 =	simm.s32 @!p0 $0x1BF5;
	p2 =	por !p2, p0  }
0x20: {  	[sflag:s8] =	ssyncset.s32 @!p0 $0xFFFFF086;
	s6 =	sadd.s32 @!p0 s3, s7;
	s7 =	simm.s32 @!p0 $0x108  }
0x21: {  	s3 =	sadd.s32 s3, s9;
	s6 =	sadd.s32 @!p0 $0x88, s6;
	s7 =	simm.s32 @p2 $0x1082  }
0x22: {  	[simem:s7], [sflag:s8] =	dma.local @!p0 [hbm:s6], $0xF7A  }
0x23: {  	s9 =	sor.u32 $0xD0000000, s2;
	s6 =	simm.s32 $0x108;
	_ =	swait.ge @!p0 [sflag:s8], $0x0  }
0x24: {  	s3 =	sadd.s32 $0x88, s3;
	s6 =	simm.s32 @!p1 $0x1082;
	[sflag:s4] =	ssyncset.s32 $0xFFFFF086  }
0x25: {  	[simem:s6], [sflag:s4] =	dma.local [hbm:s3], $0xF7A  }
0x26: {  	[smem:$0x3F9F] =	sst s1;
	(tag) =	ssettag s2;
	_ =	strace s9  }
0x27: {  	s1 =	sld [smem:$0x3FAF]  }
0x28: {  	s2 =	sld [smem:$0x3FB0]  }
0x29: {  	s4 =	sld [smem:$0x3FB2]  }
0x2a: {  	p0 =	seq.s32 s5, $0x0;
	s5 =	sld [smem:$0x3FB3]  }
0x2b: {  	s6 =	sld [smem:$0x3FB4]  }
0x2c: {  	s7 =	sld [smem:$0x3FB5]  }
0x2d: {  	s3 =	simm.s32 $0x108;
	s8 =	sld [smem:$0x3FB6]  }
0x2e: {  	s3 =	simm.s32 @!p0 $0x1082;
	s9 =	sld [smem:$0x3FB7]  }
0x2f: {  	lr =	sadd.s32 s0, s3;
	s0 =	sld [smem:$0x3FAE]  }
0x30: {  	s3 =	sld [smem:$0x3FB1]  }
0x31: {  	[smem:$0x3FBA] =	sst s10  }
0x32: {  	s10 =	sld [smem:$0x3FB8];
	_ =	sdelay $0x3  }
0x33: {  	p0 =	seq.s32 s10, $0x1;
	s10 =	sld [smem:$0x3FBA];
	_ =	sdelay $0x3  }
0x34: {  	[smem:$0x3FBA] =	sst s10  }
0x35: {  	s10 =	sld [smem:$0x3FB9];
	_ =	sdelay $0x3  }
0x36: {  	p1 =	seq.s32 s10, $0x1;
	s10 =	sld [smem:$0x3FBA];
	_ =	sdelay $0x3  }
0x37: {  	[smem:$0x3FBA] =	sst s10  }
0x38: {  	s10 =	sld [smem:$0x3FBB]  }
0x39: {  	_ = 	snop;
	(pc) =	sbr.ind lr, $3  }
0x3a: {  	_ = 	snop  }
0x3b: {  	_ = 	snop  }
0x3c: {  	p2 =	seq.s32 s10, $0x1;
	s10 =	sld [smem:$0x3FBA]  }
0x3d: {  	_ =	shalt  }
0x3e: {  	_ =	shalt  }
0x3f: {  	_ =	shalt  }
0x40: {  	_ =	shalt  }
0x41: {  	_ =	shalt  }
0x42: {  	_ =	shalt  }
0x43: {  	_ =	shalt  }
0x44: {  	_ =	shalt  }
0x45: {  	_ =	shalt  }
0x46: {  	_ =	shalt  }
0x47: {  	_ =	shalt  }
0x48: {  	_ =	shalt  }
0x49: {  	_ =	shalt  }
0x4a: {  	_ =	shalt  }
0x4b: {  	_ =	shalt  }
0x4c: {  	_ =	shalt  }
0x4d: {  	_ =	shalt  }
0x4e: {  	_ =	shalt  }
0x4f: {  	_ =	shalt  }
0x50: {  	_ =	shalt  }
0x51: {  	_ =	shalt  }
0x52: {  	_ =	shalt  }
0x53: {  	_ =	shalt  }
0x54: {  	_ =	shalt  }
0x55: {  	_ =	shalt  }
0x56: {  	_ =	shalt  }
0x57: {  	_ =	shalt  }
0x58: {  	_ =	shalt  }
0x59: {  	_ =	shalt  }
0x5a: {  	_ =	shalt  }
0x5b: {  	_ =	shalt  }
0x5c: {  	_ =	shalt  }
0x5d: {  	_ =	shalt  }
0x5e: {  	_ =	shalt  }
0x5f: {  	_ =	shalt  }
0x60: {  	_ =	shalt  }
0x61: {  	_ =	shalt  }
0x62: {  	_ =	shalt  }
0x63: {  	_ =	shalt  }
0x64: {  	_ =	shalt  }
0x65: {  	_ =	shalt  }
0x66: {  	_ =	shalt  }
0x67: {  	_ =	shalt  }
0x68: {  	_ =	shalt  }
0x69: {  	_ =	shalt  }
0x6a: {  	_ =	shalt  }
0x6b: {  	_ =	shalt  }
0x6c: {  	_ =	shalt  }
0x6d: {  	_ =	shalt  }
0x6e: {  	_ =	shalt  }
0x6f: {  	_ =	shalt  }
0x70: {  	_ =	shalt  }
0x71: {  	_ =	shalt  }
0x72: {  	_ =	shalt  }
0x73: {  	_ =	shalt  }
0x74: {  	_ =	shalt  }
0x75: {  	_ =	shalt  }
0x76: {  	_ =	shalt  }
0x77: {  	_ =	shalt  }
0x78: {  	_ =	shalt  }
0x79: {  	_ =	shalt  }
0x7a: {  	_ =	shalt  }
0x7b: {  	_ =	shalt  }
0x7c: {  	_ =	shalt  }
0x7d: {  	_ =	shalt  }
0x7e: {  	_ =	shalt  }
0x7f: {  	_ =	shalt  }
0x80: {  	_ =	shalt  }
0x81: {  	_ =	shalt  }
0x82: {  	_ =	shalt  }
0x83: {  	_ =	shalt  }
0x84: {  	_ =	shalt  }
0x85: {  	_ =	shalt  }
0x86: {  	_ =	shalt  }
0x87: {  	_ =	shalt  }
.Lfunc_end0:
.L_simem_size_0:
called_computation_lowered:
.L_overlay_start_0:
0x88: {  	s2 =	sld [smem:$0x3FD9]  }
0x89: {  	s3 =	sld [smem:$0x3FFE];
	_ =	sdelay $0x1  }
0x8a: {  	s1 =	srdreg.scid  }
0x8b: {  	s0 =	sand.u32 $0x1, s1  }
0x8c: {  	s18 =	sshll.u32 s0, $0xA;
	s2 =	sadd.s32 s3, s2  }
0x8d: {  	s2 =	sadd.s32 s2, s18  }
0x8e: {  	[smem:$0x3FC6] =	sst s2  }
0x8f: {  	_ = 	snop  }
0x90: {  	s2 =	sld [smem:$0x3FC9]  }
0x91: {  	s19 =	sld [smem:$0x3FC8]  }
0x92: {  	s4 =	sld [smem:$0x3FD0];
	(tm) =	ssettm $0x1  }
0x93: {  	s5 =	sld [smem:$0x3FFB];
	_ =	sdelay $0x3  }
0x94: {  	_ =	strace s5  }
0x95: {  	s5 =	sld [smem:$0x3FFC];
	_ =	sdelay $0x3  }
0x96: {  	_ =	strace s5  }
0x97: {  	s5 =	sld [smem:$0x3FFD];
	_ =	sdelay $0x3  }
0x98: {  	_ =	strace s5  }
0x99: {  	_ =	strace $0x8FFFFFFF  }
0x9a: {  	s20 =	sld [smem:$0x3FDB];
	_ =	sdelay $0x1  }
0x9b: {  	s6 =	simm.s32 $_scs_section_size  }
0x9c: {  	s7 =	simm.s32 $_size__tile_overlayer_lowered;
	s8 =	simm.s32 $_tile_overlayer_lowered  }
0x9d: {  	s23 =	simm.s32 $0x1BFF;
	s22 =	sshll.u32 s8, $0x1;
	s5 =	sadd.s32 s6, s20  }
0x9e: {  	s9 =	simm.s32 $0x0;
	s21 =	sshll.u32 s7, $0x1;
	s7 =	sadd.s32 s22, s5  }
0x9f: {  	[timem:s9], [sflag:s23] =	dma.local [hbm:s7], s21  }
0xa0: {  	_ =	swait.ge [sflag:s23], s21  }
0xa1: {  	s6 =	ssub.s32 $0x0, s21;
	[sflag:s23] =	ssyncset.done $0x0  }
0xa2: {  	[sflag:s23] =	ssyncadd.s32 s6;
	_ =	sdelay $0x1  }
0xa3: {  	s24 =	simm.s32 $0x1B8B  }
0xa4: {  	_ =	swait.ge [sflag:s24], $0x1  }
0xa5: {  	[sflag:s24] =	ssyncset.done $0x0  }
0xa6: {  	s25 =	simm.s32 $0x1B8E;
	[sflag:s24] =	ssyncadd.s32 $0xFFFFFFFF  }
0xa7: {  	s26 =	simm.s32 $execute0_lowered;
	[smem:$0x3FD2] =	sst s25  }
0xa8: {  	s6 =	sshll.u32 s26, $0x1;
	_ =	strace $0x80000046;
	[dreg:$0x1] =	wrdreg $0xFFFFFFFF  }
0xa9: {  	s28 =	simm.s32 $_size_execute0_lowered;
	s5 =	sadd.s32 s5, s6;
	[dreg:$0x0] =	wrdreg $0x0  }
0xaa: {  	s6 =	sshll.u32 s28, $0x1;
	[dreg:$0x2] =	wrdreg s5  }
0xab: {  	[dreg:$0x3] =	wrdreg s6  }
0xac: {  	[dreg:$0x4] =	wrdreg $0xC0  }
0xad: {  	_ =	task [dreg:s9], $0x5FFFF  }
0xae: {  	[dreg:$0x1] =	wrdreg $0xFFFFFFFF  }
0xaf: {  	[dreg:$0x0] =	wrdreg $0x60  }
0xb0: {  	[dreg:$0x2] =	wrdreg s2  }
0xb1: {  	[dreg:$0x3] =	wrdreg s19  }
0xb2: {  	[dreg:$0x4] =	wrdreg s4  }
0xb3: {  	[dreg:$0x5] =	wrdreg $0x62800  }
0xb4: {  	[dreg:$0x6] =	wrdreg $0xE2800  }
0xb5: {  	[dreg:$0x7] =	wrdreg $0x9  }
0xb6: {  	_ =	task.clear_ibuf [dreg:s9], $0x8FFFF;
	_ =	strace $0x90000046  }
0xb7: {  	s29 =	simm.s32 $0x9;
	_ =	strace $0x80000048  }
0xb8: {  	_ =	swait.ge [sflag:s29], $0x1  }
0xb9: {  	[sflag:s29] =	ssyncadd.s32 $0xFFFFFFFF  }
0xba: {  	_ =	strace $0x90000048  }
0xbb: {  	_ =	sfence  }
0xbc: {  	s30 =	sld [smem:$0x0];
	_ =	sdelay $0x2  }
0xbd: {  	s31 =	sshll.u32 s1, $0xD;
	s1 =	sshrl.u32 s1, $0x2  }
0xbe: {  	s3 =	sand.u32 $0x4000, s31;
	s1 =	sadd.s32 s1, s30  }
0xbf: {  	s0 =	sor.u32 s3, s0;
	s1 =	sshll.u32 s1, $0x11  }
0xc0: {  	s0 =	sor.u32 s1, s0  }
0xc1: {  	s0 =	sadd.s32 $0x8F2B, s0  }
0xc2: {  	[sflag:s0] =	ssyncadd.remote.s32 $0x1  }
0xc3: {  	_ =	sfence.sel $0xFFFF  }
0xc4: {  	[dreg:$0x0] =	wrdreg $0xFFFFFFFF;
	(pc) =	sbr.abs _section_cstart, $3  }
0xc5: {  	[dreg:$0x1] =	wrdreg $0xFFFFFFFF  }
0xc6: {  	_ =	task.clear_ibuf [dreg:s9], $0x2FFFF;
	_ =	strace $0x9FFFFFFF  }
0xc7: {  	(tm) =	ssettm $0x7FFFFFFF  }
tec
execute0_lowered:
.L_overlay_start_1:
0x0: {  	(tag) =	ssettag $0x1  }
0x1: {  	s0 =	rddreg [dreg:$0x0]  }
0x2: {  	s1 =	rddreg [dreg:$0x1]  }
0x3: {  	s2 =	rddreg [dreg:$0x2]  }
0x4: {  	s3 =	rddreg [dreg:$0x3];
	s4 =	srdreg.scid  }
0x5: {  	s10 =	stileid.u32;
	s15 =	rddreg [dreg:$0x4]  }
0x6: {  	s16 =	simm.s32 $0xC80;
	s17 =	simm.s32 $0x5;
	s19 =	simm.s32 $0x6  }
0x7: {  	s28 =	simm.s32 $0x2A80;
	s29 =	simm.s32 $0x2;
	s30 =	simm.s32 $0x0  }
0x8: {  	s5 =	sand.u32 $0x1, s4;
	s6 =	sshll.u32 s10, $0x1;
	s4 =	simm.s32 $0x0  }
0x9: {  	s21 =	sshll.u32 s10, $0xF;
	s22 =	sshll.u32 s10, $0xC;
	s9 =	smul.u32 $0x186A, s10  }
0xa: {  	s6 =	sor.u32 s5, s6;
	[smem:$0x7FF] =	sst s4;
	s7 =	ssub.s32 $0x2, s5  }
0xb: {  	s13 =	sadd.s32 s21, s3;
	s5 =	smul.u32 $0xC40, s5;
	s21 =	simm.s32 $0x1  }
0xc: {  	s6 =	smul.u32 $0xC40, s6;
	s8 =	sshrl.u32 s7, $0x1;
	s11 =	sand.u32 $0x1FFF8, s9  }
0xd: {  	_ =	strace $0x80000047;
	s12 =	ssub.s32 s7, s8;
	s11 =	smin.u32 s11, $0x16E28  }
0xe: {  	s20 =	smin.u32 s6, $0x17A60;
	s6 =	sadd.s32 s1, s22;
	s14 =	ssub.s32 s9, s11  }
0xf: {  	s26 =	sshrl.u32 s11, $0x3;
	s12 =	smax.u32 s12, $0x1;
	[dreg:$0x6] =	wrdreg s6  }
0x10: {  	s6 =	sshll.u32 s10, $0x6;
	s10 =	smul.u32 $0x1880, s10;
	s23 =	sshrl.u32 s20, $0x3  }
0x11: {  	s18 =	sadd.s32 $0x186A, s14;
	s20 =	simm.s32 $0x4;
	s24 =	sor.u32 $0x1C01, s6  }
0x12: {  	s25 =	sadd.s32 s0, s23;
	s0 =	sadd.s32 s0, s26;
	s11 =	sadd.s32 s6, s15  }
.Ltmp0:
0x13: {  	v0 =	vmov s14;
	s15 =	sshrl.u32 s13, $0x3;
	[dreg:$0x7] =	wrdreg s24;
	(pc) =	sbr.rel .LBB2_1-.Ltmp0, $4  }
0x14: {  	v5 =	vlaneseq.u32;
	v6 =	vimm.s32 $0x0;
	v1 =	vadd.s32 s18, v0;
	s23 =	simm.s32 $0x2980;
	[dreg:$0x8] =	wrdreg s25;
	s5 =	sadd.s32 s5, s10  }
0x15: {  	v7 =	vor.u32 $0x10, v5;
	v8 =	vor.u32 $0x20, v5;
	s26 =	simm.s32 $0x2A00;
	[dreg:$0x9] =	wrdreg s0;
	v1 =	vshra.s32 v1, $0x1;
	s10 =	smin.u32 s5, $0x17A60  }
0x16: {  	v9 =	vor.u32 $0x30, v5;
	v2 =	vmov s18;
	s24 =	simm.s32 $0x3;
	vm0 =	vlt.s32 v1, $0x1877;
	s31 =	sshll.u32 s10, $0x7;
	s5 =	sshll.u32 s10, $0x4  }
0x17: {  	s25 =	simm.s32 $0x70;
	v4 =	vadd.s32 $0x1, v1;
	v3 =	vnsel vm0, $0x1877, v1;
	vm0 =	vlt.s32 v0, v2;
	s3 =	sadd.s32 s31, s3;
	s0 =	sadd.s32 s5, s2  }
.LBB2_9:
0x18: {  	[sflag:s24] =	ssyncadd.s32 $0xFFFFF900  }
.LBB2_10:
0x19: {  	s30 =	sadd.s32 $0x1, s30  }
0x1a: {  	p0 =	sne.s32 s30, s12  }
.Ltmp1:
0x1b: {  	_ = 	snop;
	(pc) =	sbr.rel @!p0 .LBB2_11-.Ltmp1, $1  }
0x1c: {  	_ =	sdelay $0x3  }
.LBB2_1:
0x1d: {  	s2 =	rddreg [dreg:$0x6]  }
0x1e: {  	s5 =	rddreg [dreg:$0x7]  }
0x1f: {  	[spmem:s15], [sflag:s5] =	dma.local [hbm:s2], $0x1000  }
0x20: {  	s2 =	rddreg [dreg:$0x8]  }
0x21: {  	[tilespmem:s4], [sflag:$0x4] =	stream.linear.gather [hbm4b:s2+s4], $0xC40, $0x38;
	[tilespmem:$0xE2C0] =	vst v63  }
0x22: {  	s13 =	rddreg [dreg:$0x9]  }
0x23: {  	[tilespmem:s16], [sflag:$0x5] =	stream.linear.gather [hbm4b:s13+s4], $0x1878, $0x38;
	[tilespmem:$0xE2C0] =	vst v63  }
0x24: {  	_ =	swait.ge [sflag:s17], $0x1878  }
0x25: {  	[sflag:s17] =	ssyncset.done $0x0  }
0x26: {  	[sflag:s17] =	ssyncadd.s32 $0xFFFFE788  }
0x27: {  	v10 =	vld.idx.msk [tilespmem:v3+s16+$0x0], $0xffff;
	_ =	sdelay $0x4  }
0x28: {  	vm1 =	vge.s32 v10, v5;
	vm2 =	vlt.s32 v10, v5  }
0x29: {  	vm2 =	vmand vm0, vm2;
	vm1 =	vmand vm0, vm1  }
0x2a: {  	v10 =	vsel vm2, v4, v0;
	v11 =	vsel vm1, v1, v2  }
0x2b: {  	v12 =	vadd.s32 v11, v10  }
0x2c: {  	v13 =	vand.u32 $0x1, v12  }
0x2d: {  	v14 =	vshrl.u32 v12, $0x1F;
	vm1 =	vlt.s32 v12, $0x1;
	vm2 =	veq.s32 v13, $0x1  }
0x2e: {  	v12 =	vadd.s32 v14, v12;
	vm1 =	vmand vm1, vm2  }
0x2f: {  	v12 =	vshra.s32 v12, $0x1;
	v41 =	vsel vm1, $0xFFFFFFFF, v6  }
0x30: {  	v12 =	vadd.s32 v41, v12  }
0x31: {  	vm1 =	vlt.s32 v12, $0x1877  }
0x32: {  	v13 =	vnsel vm1, $0x1877, v12;
	_ =	sdelay $0x4  }
0x33: {  	v13 =	vld.idx.msk [tilespmem:v13+s16+$0x0], $0xffff;
	_ =	sdelay $0x4  }
0x34: {  	vm1 =	vlt.s32 v10, v11;
	vm2 =	vge.s32 v13, v5;
	vm3 =	vlt.s32 v13, v5  }
0x35: {  	v42 =	vadd.s32 $0x1, v12;
	vm3 =	vmand vm3, vm1;
	vm1 =	vmand vm1, vm2  }
0x36: {  	v10 =	vsel vm3, v42, v10;
	v11 =	vsel vm1, v12, v11  }
0x37: {  	v12 =	vadd.s32 v11, v10  }
0x38: {  	v43 =	vand.u32 $0x1, v12  }
0x39: {  	v44 =	vshrl.u32 v12, $0x1F;
	vm1 =	vlt.s32 v12, $0x1;
	vm2 =	veq.s32 v43, $0x1  }
0x3a: {  	v12 =	vadd.s32 v44, v12;
	vm1 =	vmand vm1, vm2  }
0x3b: {  	v12 =	vshra.s32 v12, $0x1;
	v45 =	vsel vm1, $0xFFFFFFFF, v6  }
0x3c: {  	v12 =	vadd.s32 v45, v12  }
0x3d: {  	vm1 =	vlt.s32 v12, $0x1877  }
0x3e: {  	v13 =	vnsel vm1, $0x1877, v12;
	_ =	sdelay $0x4  }
0x3f: {  	v13 =	vld.idx.msk [tilespmem:v13+s16+$0x0], $0xffff;
	_ =	sdelay $0x4  }
0x40: {  	vm1 =	vlt.s32 v10, v11;
	vm2 =	vge.s32 v13, v5;
	vm3 =	vlt.s32 v13, v5  }
0x41: {  	v46 =	vadd.s32 $0x1, v12;
	vm3 =	vmand vm3, vm1;
	vm1 =	vmand vm1, vm2  }
0x42: {  	v10 =	vsel vm3, v46, v10;
	v11 =	vsel vm1, v12, v11  }
0x43: {  	v12 =	vadd.s32 v11, v10  }
0x44: {  	v47 =	vand.u32 $0x1, v12  }
0x45: {  	v48 =	vshrl.u32 v12, $0x1F;
	vm1 =	vlt.s32 v12, $0x1;
	vm2 =	veq.s32 v47, $0x1  }
0x46: {  	v12 =	vadd.s32 v48, v12;
	vm1 =	vmand vm1, vm2  }
0x47: {  	v12 =	vshra.s32 v12, $0x1;
	v49 =	vsel vm1, $0xFFFFFFFF, v6  }
0x48: {  	v12 =	vadd.s32 v49, v12  }
0x49: {  	vm1 =	vlt.s32 v12, $0x1877  }
0x4a: {  	v13 =	vnsel vm1, $0x1877, v12;
	_ =	sdelay $0x4  }
0x4b: {  	v13 =	vld.idx.msk [tilespmem:v13+s16+$0x0], $0xffff;
	_ =	sdelay $0x4  }
0x4c: {  	vm1 =	vlt.s32 v10, v11;
	vm2 =	vge.s32 v13, v5;
	vm3 =	vlt.s32 v13, v5  }
0x4d: {  	v50 =	vadd.s32 $0x1, v12;
	vm3 =	vmand vm3, vm1;
	vm1 =	vmand vm1, vm2  }
0x4e: {  	v10 =	vsel vm3, v50, v10;
	v11 =	vsel vm1, v12, v11  }
0x4f: {  	v12 =	vadd.s32 v11, v10  }
0x50: {  	v51 =	vand.u32 $0x1, v12  }
0x51: {  	v52 =	vshrl.u32 v12, $0x1F;
	vm1 =	vlt.s32 v12, $0x1;
	vm2 =	veq.s32 v51, $0x1  }
0x52: {  	v12 =	vadd.s32 v52, v12;
	vm1 =	vmand vm1, vm2  }
0x53: {  	v12 =	vshra.s32 v12, $0x1;
	v53 =	vsel vm1, $0xFFFFFFFF, v6  }
0x54: {  	v12 =	vadd.s32 v53, v12  }
0x55: {  	vm1 =	vlt.s32 v12, $0x1877  }
0x56: {  	v13 =	vnsel vm1, $0x1877, v12;
	_ =	sdelay $0x4  }
0x57: {  	v13 =	vld.idx.msk [tilespmem:v13+s16+$0x0], $0xffff;
	_ =	sdelay $0x4  }
0x58: {  	vm1 =	vlt.s32 v10, v11;
	vm2 =	vge.s32 v13, v5;
	vm3 =	vlt.s32 v13, v5  }
0x59: {  	v54 =	vadd.s32 $0x1, v12;
	vm3 =	vmand vm3, vm1;
	vm1 =	vmand vm1, vm2  }
0x5a: {  	v10 =	vsel vm3, v54, v10;
	v11 =	vsel vm1, v12, v11  }
0x5b: {  	v12 =	vadd.s32 v11, v10  }
0x5c: {  	v55 =	vand.u32 $0x1, v12  }
0x5d: {  	v56 =	vshrl.u32 v12, $0x1F;
	vm1 =	vlt.s32 v12, $0x1;
	vm2 =	veq.s32 v55, $0x1  }
0x5e: {  	v12 =	vadd.s32 v56, v12;
	vm1 =	vmand vm1, vm2  }
0x5f: {  	v12 =	vshra.s32 v12, $0x1;
	v57 =	vsel vm1, $0xFFFFFFFF, v6  }
0x60: {  	v12 =	vadd.s32 v57, v12  }
0x61: {  	vm1 =	vlt.s32 v12, $0x1877  }
0x62: {  	v13 =	vnsel vm1, $0x1877, v12;
	_ =	sdelay $0x4  }
0x63: {  	v13 =	vld.idx.msk [tilespmem:v13+s16+$0x0], $0xffff;
	_ =	sdelay $0x4  }
0x64: {  	vm1 =	vlt.s32 v10, v11;
	vm2 =	vge.s32 v13, v5;
	vm3 =	vlt.s32 v13, v5  }
0x65: {  	v58 =	vadd.s32 $0x1, v12;
	vm3 =	vmand vm3, vm1;
	vm1 =	vmand vm1, vm2  }
0x66: {  	v10 =	vsel vm3, v58, v10;
	v11 =	vsel vm1, v12, v11  }
0x67: {  	v12 =	vadd.s32 v11, v10  }
0x68: {  	v59 =	vand.u32 $0x1, v12  }
0x69: {  	v60 =	vshrl.u32 v12, $0x1F;
	vm1 =	vlt.s32 v12, $0x1;
	vm2 =	veq.s32 v59, $0x1  }
0x6a: {  	v12 =	vadd.s32 v60, v12;
	vm1 =	vmand vm1, vm2  }
0x6b: {  	v12 =	vshra.s32 v12, $0x1;
	v61 =	vsel vm1, $0xFFFFFFFF, v6  }
0x6c: {  	v12 =	vadd.s32 v61, v12  }
0x6d: {  	vm1 =	vlt.s32 v12, $0x1877  }
0x6e: {  	v13 =	vnsel vm1, $0x1877, v12;
	_ =	sdelay $0x4  }
0x6f: {  	v13 =	vld.idx.msk [tilespmem:v13+s16+$0x0], $0xffff;
	_ =	sdelay $0x4  }
0x70: {  	vm1 =	vlt.s32 v10, v11;
	vm2 =	vge.s32 v13, v5;
	vm3 =	vlt.s32 v13, v5  }
0x71: {  	v62 =	vadd.s32 $0x1, v12;
	vm3 =	vmand vm3, vm1;
	vm1 =	vmand vm1, vm2  }
0x72: {  	v10 =	vsel vm3, v62, v10;
	v11 =	vsel vm1, v12, v11  }
0x73: {  	v12 =	vadd.s32 v11, v10  }
0x74: {  	v63 =	vand.u32 $0x1, v12  }
0x75: {  	v16 =	vshrl.u32 v12, $0x1F;
	vm1 =	vlt.s32 v12, $0x1;
	vm2 =	veq.s32 v63, $0x1  }
0x76: {  	v12 =	vadd.s32 v16, v12;
	vm1 =	vmand vm1, vm2  }
0x77: {  	v12 =	vshra.s32 v12, $0x1;
	v17 =	vsel vm1, $0xFFFFFFFF, v6  }
0x78: {  	v12 =	vadd.s32 v17, v12  }
0x79: {  	vm1 =	vlt.s32 v12, $0x1877  }
0x7a: {  	v13 =	vnsel vm1, $0x1877, v12;
	_ =	sdelay $0x4  }
0x7b: {  	v13 =	vld.idx.msk [tilespmem:v13+s16+$0x0], $0xffff;
	_ =	sdelay $0x4  }
0x7c: {  	vm1 =	vlt.s32 v10, v11;
	vm2 =	vge.s32 v13, v5;
	vm3 =	vlt.s32 v13, v5  }
0x7d: {  	v18 =	vadd.s32 $0x1, v12;
	vm3 =	vmand vm3, vm1;
	vm1 =	vmand vm1, vm2  }
0x7e: {  	v10 =	vsel vm3, v18, v10;
	v11 =	vsel vm1, v12, v11  }
0x7f: {  	v12 =	vadd.s32 v11, v10  }
0x80: {  	v19 =	vand.u32 $0x1, v12  }
0x81: {  	v20 =	vshrl.u32 v12, $0x1F;
	vm1 =	vlt.s32 v12, $0x1;
	vm2 =	veq.s32 v19, $0x1  }
0x82: {  	v12 =	vadd.s32 v20, v12;
	vm1 =	vmand vm1, vm2  }
0x83: {  	v12 =	vshra.s32 v12, $0x1;
	v21 =	vsel vm1, $0xFFFFFFFF, v6  }
0x84: {  	v12 =	vadd.s32 v21, v12  }
0x85: {  	vm1 =	vlt.s32 v12, $0x1877  }
0x86: {  	v13 =	vnsel vm1, $0x1877, v12;
	_ =	sdelay $0x4  }
0x87: {  	v13 =	vld.idx.msk [tilespmem:v13+s16+$0x0], $0xffff;
	_ =	sdelay $0x4  }
0x88: {  	vm1 =	vlt.s32 v10, v11;
	vm2 =	vge.s32 v13, v5;
	vm3 =	vlt.s32 v13, v5  }
0x89: {  	v22 =	vadd.s32 $0x1, v12;
	vm3 =	vmand vm3, vm1;
	vm1 =	vmand vm1, vm2  }
0x8a: {  	v10 =	vsel vm3, v22, v10;
	v11 =	vsel vm1, v12, v11  }
0x8b: {  	v12 =	vadd.s32 v11, v10  }
0x8c: {  	v23 =	vand.u32 $0x1, v12  }
0x8d: {  	v24 =	vshrl.u32 v12, $0x1F;
	vm1 =	vlt.s32 v12, $0x1;
	vm2 =	veq.s32 v23, $0x1  }
0x8e: {  	v12 =	vadd.s32 v24, v12;
	vm1 =	vmand vm1, vm2  }
0x8f: {  	v12 =	vshra.s32 v12, $0x1;
	v25 =	vsel vm1, $0xFFFFFFFF, v6  }
0x90: {  	v12 =	vadd.s32 v25, v12  }
0x91: {  	vm1 =	vlt.s32 v12, $0x1877  }
0x92: {  	v13 =	vnsel vm1, $0x1877, v12;
	_ =	sdelay $0x4  }
0x93: {  	v13 =	vld.idx.msk [tilespmem:v13+s16+$0x0], $0xffff;
	_ =	sdelay $0x4  }
0x94: {  	vm1 =	vlt.s32 v10, v11;
	vm2 =	vge.s32 v13, v5;
	vm3 =	vlt.s32 v13, v5  }
0x95: {  	v26 =	vadd.s32 $0x1, v12;
	vm3 =	vmand vm3, vm1;
	vm1 =	vmand vm1, vm2  }
0x96: {  	v10 =	vsel vm3, v26, v10;
	v11 =	vsel vm1, v12, v11  }
0x97: {  	v12 =	vadd.s32 v11, v10  }
0x98: {  	v27 =	vand.u32 $0x1, v12  }
0x99: {  	v28 =	vshrl.u32 v12, $0x1F;
	vm1 =	vlt.s32 v12, $0x1;
	vm2 =	veq.s32 v27, $0x1  }
0x9a: {  	v12 =	vadd.s32 v28, v12;
	vm1 =	vmand vm1, vm2  }
0x9b: {  	v12 =	vshra.s32 v12, $0x1;
	v29 =	vsel vm1, $0xFFFFFFFF, v6  }
0x9c: {  	v12 =	vadd.s32 v29, v12  }
0x9d: {  	vm1 =	vlt.s32 v12, $0x1877  }
0x9e: {  	v13 =	vnsel vm1, $0x1877, v12;
	_ =	sdelay $0x4  }
0x9f: {  	v13 =	vld.idx.msk [tilespmem:v13+s16+$0x0], $0xffff;
	_ =	sdelay $0x4  }
0xa0: {  	vm1 =	vlt.s32 v10, v11;
	vm2 =	vge.s32 v13, v5;
	vm3 =	vlt.s32 v13, v5  }
0xa1: {  	v30 =	vadd.s32 $0x1, v12;
	vm3 =	vmand vm3, vm1;
	vm1 =	vmand vm1, vm2  }
0xa2: {  	v10 =	vsel vm3, v30, v10;
	v11 =	vsel vm1, v12, v11  }
0xa3: {  	v12 =	vadd.s32 v11, v10  }
0xa4: {  	v31 =	vand.u32 $0x1, v12  }
0xa5: {  	v32 =	vshrl.u32 v12, $0x1F;
	vm1 =	vlt.s32 v12, $0x1;
	vm2 =	veq.s32 v31, $0x1  }
0xa6: {  	v12 =	vadd.s32 v32, v12;
	vm1 =	vmand vm1, vm2  }
0xa7: {  	v12 =	vshra.s32 v12, $0x1;
	v33 =	vsel vm1, $0xFFFFFFFF, v6  }
0xa8: {  	v12 =	vadd.s32 v33, v12  }
0xa9: {  	vm1 =	vlt.s32 v12, $0x1877  }
0xaa: {  	v13 =	vnsel vm1, $0x1877, v12;
	_ =	sdelay $0x4  }
0xab: {  	v13 =	vld.idx.msk [tilespmem:v13+s16+$0x0], $0xffff;
	_ =	sdelay $0x4  }
0xac: {  	vm1 =	vlt.s32 v10, v11;
	vm2 =	vge.s32 v13, v5;
	vm3 =	vlt.s32 v13, v5  }
0xad: {  	v34 =	vadd.s32 $0x1, v12;
	vm3 =	vmand vm3, vm1;
	vm1 =	vmand vm1, vm2  }
0xae: {  	v10 =	vsel vm3, v34, v10;
	v11 =	vsel vm1, v12, v11  }
0xaf: {  	v12 =	vadd.s32 v11, v10  }
0xb0: {  	v35 =	vand.u32 $0x1, v12  }
0xb1: {  	v36 =	vshrl.u32 v12, $0x1F;
	vm1 =	vlt.s32 v12, $0x1;
	vm2 =	veq.s32 v35, $0x1  }
0xb2: {  	v12 =	vadd.s32 v36, v12;
	vm1 =	vmand vm1, vm2  }
0xb3: {  	v12 =	vshra.s32 v12, $0x1;
	v37 =	vsel vm1, $0xFFFFFFFF, v6  }
0xb4: {  	v12 =	vadd.s32 v37, v12  }
0xb5: {  	vm1 =	vlt.s32 v12, $0x1877  }
0xb6: {  	v13 =	vnsel vm1, $0x1877, v12;
	_ =	sdelay $0x4  }
0xb7: {  	v13 =	vld.idx.msk [tilespmem:v13+s16+$0x0], $0xffff;
	_ =	sdelay $0x4  }
0xb8: {  	vm1 =	vlt.s32 v10, v11;
	vm2 =	vge.s32 v13, v5;
	vm3 =	vlt.s32 v13, v5  }
0xb9: {  	v38 =	vadd.s32 $0x1, v12;
	vm3 =	vmand vm3, vm1;
	vm1 =	vmand vm1, vm2  }
0xba: {  	v10 =	vsel vm3, v38, v10;
	v11 =	vsel vm1, v12, v11  }
0xbb: {  	v12 =	vadd.s32 v11, v10  }
0xbc: {  	v39 =	vand.u32 $0x1, v12  }
0xbd: {  	v40 =	vshrl.u32 v12, $0x1F;
	vm1 =	vlt.s32 v12, $0x1;
	vm2 =	veq.s32 v39, $0x1  }
0xbe: {  	v12 =	vadd.s32 v40, v12;
	vm1 =	vmand vm1, vm2  }
0xbf: {  	v12 =	vshra.s32 v12, $0x1;
	v41 =	vsel vm1, $0xFFFFFFFF, v6  }
0xc0: {  	v12 =	vadd.s32 v41, v12  }
0xc1: {  	vm1 =	vlt.s32 v12, $0x1877  }
0xc2: {  	v13 =	vnsel vm1, $0x1877, v12;
	_ =	sdelay $0x4  }
0xc3: {  	v13 =	vld.idx.msk [tilespmem:v13+s16+$0x0], $0xffff;
	_ =	sdelay $0x4  }
0xc4: {  	vm1 =	vlt.s32 v10, v11;
	vm2 =	vlt.s32 v13, v5  }
0xc5: {  	v11 =	vadd.s32 $0x1, v12;
	vm1 =	vmand vm2, vm1  }
0xc6: {  	v10 =	vsel vm1, v11, v10  }
0xc7: {  	v10 =	vsub.s32 v10, v0  }
0xc8: {  	[tilespmem:$0x2500] =	vst v10  }
0xc9: {  	v10 =	vld.idx.msk [tilespmem:v3+s16+$0x0], $0xffff;
	_ =	sdelay $0x4  }
0xca: {  	vm1 =	vge.s32 v10, v7;
	vm2 =	vlt.s32 v10, v7  }
0xcb: {  	vm2 =	vmand vm0, vm2;
	vm1 =	vmand vm0, vm1  }
0xcc: {  	v10 =	vsel vm2, v4, v0;
	v11 =	vsel vm1, v1, v2  }
0xcd: {  	v42 =	vadd.s32 v11, v10  }
0xce: {  	v43 =	vand.u32 $0x1, v42  }
0xcf: {  	v44 =	vshrl.u32 v42, $0x1F;
	vm1 =	vlt.s32 v42, $0x1;
	vm2 =	veq.s32 v43, $0x1  }
0xd0: {  	v12 =	vadd.s32 v44, v42;
	vm1 =	vmand vm1, vm2  }
0xd1: {  	v12 =	vshra.s32 v12, $0x1;
	v45 =	vsel vm1, $0xFFFFFFFF, v6  }
0xd2: {  	v12 =	vadd.s32 v45, v12  }
0xd3: {  	vm1 =	vlt.s32 v12, $0x1877  }
0xd4: {  	v13 =	vnsel vm1, $0x1877, v12;
	_ =	sdelay $0x4  }
0xd5: {  	v13 =	vld.idx.msk [tilespmem:v13+s16+$0x0], $0xffff;
	_ =	sdelay $0x4  }
0xd6: {  	vm1 =	vlt.s32 v10, v11;
	vm2 =	vge.s32 v13, v7;
	vm3 =	vlt.s32 v13, v7  }
0xd7: {  	v46 =	vadd.s32 $0x1, v12;
	vm3 =	vmand vm3, vm1;
	vm1 =	vmand vm1, vm2  }
0xd8: {  	v10 =	vsel vm3, v46, v10;
	v11 =	vsel vm1, v12, v11  }
0xd9: {  	v12 =	vadd.s32 v11, v10  }
0xda: {  	v47 =	vand.u32 $0x1, v12  }
0xdb: {  	v48 =	vshrl.u32 v12, $0x1F;
	vm1 =	vlt.s32 v12, $0x1;
	vm2 =	veq.s32 v47, $0x1  }
0xdc: {  	v12 =	vadd.s32 v48, v12;
	vm1 =	vmand vm1, vm2  }
0xdd: {  	v12 =	vshra.s32 v12, $0x1;
	v49 =	vsel vm1, $0xFFFFFFFF, v6  }
0xde: {  	v12 =	vadd.s32 v49, v12  }
0xdf: {  	vm1 =	vlt.s32 v12, $0x1877  }
0xe0: {  	v13 =	vnsel vm1, $0x1877, v12;
	_ =	sdelay $0x4  }
0xe1: {  	v13 =	vld.idx.msk [tilespmem:v13+s16+$0x0], $0xffff;
	_ =	sdelay $0x4  }
0xe2: {  	vm1 =	vlt.s32 v10, v11;
	vm2 =	vge.s32 v13, v7;
	vm3 =	vlt.s32 v13, v7  }
0xe3: {  	v50 =	vadd.s32 $0x1, v12;
	vm3 =	vmand vm3, vm1;
	vm1 =	vmand vm1, vm2  }
0xe4: {  	v10 =	vsel vm3, v50, v10;
	v11 =	vsel vm1, v12, v11  }
0xe5: {  	v12 =	vadd.s32 v11, v10  }
0xe6: {  	v51 =	vand.u32 $0x1, v12  }
0xe7: {  	v52 =	vshrl.u32 v12, $0x1F;
	vm1 =	vlt.s32 v12, $0x1;
	vm2 =	veq.s32 v51, $0x1  }
0xe8: {  	v12 =	vadd.s32 v52, v12;
	vm1 =	vmand vm1, vm2  }
0xe9: {  	v12 =	vshra.s32 v12, $0x1;
	v53 =	vsel vm1, $0xFFFFFFFF, v6  }
0xea: {  	v12 =	vadd.s32 v53, v12  }
0xeb: {  	vm1 =	vlt.s32 v12, $0x1877  }
0xec: {  	v13 =	vnsel vm1, $0x1877, v12;
	_ =	sdelay $0x4  }
0xed: {  	v13 =	vld.idx.msk [tilespmem:v13+s16+$0x0], $0xffff;
	_ =	sdelay $0x4  }
0xee: {  	vm1 =	vlt.s32 v10, v11;
	vm2 =	vge.s32 v13, v7;
	vm3 =	vlt.s32 v13, v7  }
0xef: {  	v54 =	vadd.s32 $0x1, v12;
	vm3 =	vmand vm3, vm1;
	vm1 =	vmand vm1, vm2  }
0xf0: {  	v10 =	vsel vm3, v54, v10;
	v11 =	vsel vm1, v12, v11  }
0xf1: {  	v12 =	vadd.s32 v11, v10  }
0xf2: {  	v55 =	vand.u32 $0x1, v12  }
0xf3: {  	v56 =	vshrl.u32 v12, $0x1F;
	vm1 =	vlt.s32 v12, $0x1;
	vm2 =	veq.s32 v55, $0x1  }
0xf4: {  	v12 =	vadd.s32 v56, v12;
	vm1 =	vmand vm1, vm2  }
0xf5: {  	v12 =	vshra.s32 v12, $0x1;
	v57 =	vsel vm1, $0xFFFFFFFF, v6  }
0xf6: {  	v12 =	vadd.s32 v57, v12  }
0xf7: {  	vm1 =	vlt.s32 v12, $0x1877  }
0xf8: {  	v13 =	vnsel vm1, $0x1877, v12;
	_ =	sdelay $0x4  }
0xf9: {  	v13 =	vld.idx.msk [tilespmem:v13+s16+$0x0], $0xffff;
	_ =	sdelay $0x4  }
0xfa: {  	vm1 =	vlt.s32 v10, v11;
	vm2 =	vge.s32 v13, v7;
	vm3 =	vlt.s32 v13, v7  }
0xfb: {  	v58 =	vadd.s32 $0x1, v12;
	vm3 =	vmand vm3, vm1;
	vm1 =	vmand vm1, vm2  }
0xfc: {  	v10 =	vsel vm3, v58, v10;
	v11 =	vsel vm1, v12, v11  }
0xfd: {  	v12 =	vadd.s32 v11, v10  }
0xfe: {  	v59 =	vand.u32 $0x1, v12  }
0xff: {  	v60 =	vshrl.u32 v12, $0x1F;
	vm1 =	vlt.s32 v12, $0x1;
	vm2 =	veq.s32 v59, $0x1  }
0x100: {  	v12 =	vadd.s32 v60, v12;
	vm1 =	vmand vm1, vm2  }
0x101: {  	v12 =	vshra.s32 v12, $0x1;
	v61 =	vsel vm1, $0xFFFFFFFF, v6  }
0x102: {  	v12 =	vadd.s32 v61, v12  }
0x103: {  	vm1 =	vlt.s32 v12, $0x1877  }
0x104: {  	v13 =	vnsel vm1, $0x1877, v12;
	_ =	sdelay $0x4  }
0x105: {  	v13 =	vld.idx.msk [tilespmem:v13+s16+$0x0], $0xffff;
	_ =	sdelay $0x4  }
0x106: {  	vm1 =	vlt.s32 v10, v11;
	vm2 =	vge.s32 v13, v7;
	vm3 =	vlt.s32 v13, v7  }
0x107: {  	v62 =	vadd.s32 $0x1, v12;
	vm3 =	vmand vm3, vm1;
	vm1 =	vmand vm1, vm2  }
0x108: {  	v10 =	vsel vm3, v62, v10;
	v11 =	vsel vm1, v12, v11  }
0x109: {  	v12 =	vadd.s32 v11, v10  }
0x10a: {  	v63 =	vand.u32 $0x1, v12  }
0x10b: {  	v16 =	vshrl.u32 v12, $0x1F;
	vm1 =	vlt.s32 v12, $0x1;
	vm2 =	veq.s32 v63, $0x1  }
0x10c: {  	v12 =	vadd.s32 v16, v12;
	vm1 =	vmand vm1, vm2  }
0x10d: {  	v12 =	vshra.s32 v12, $0x1;
	v17 =	vsel vm1, $0xFFFFFFFF, v6  }
0x10e: {  	v12 =	vadd.s32 v17, v12  }
0x10f: {  	vm1 =	vlt.s32 v12, $0x1877  }
0x110: {  	v13 =	vnsel vm1, $0x1877, v12;
	_ =	sdelay $0x4  }
0x111: {  	v13 =	vld.idx.msk [tilespmem:v13+s16+$0x0], $0xffff;
	_ =	sdelay $0x4  }
0x112: {  	vm1 =	vlt.s32 v10, v11;
	vm2 =	vge.s32 v13, v7;
	vm3 =	vlt.s32 v13, v7  }
0x113: {  	v18 =	vadd.s32 $0x1, v12;
	vm3 =	vmand vm3, vm1;
	vm1 =	vmand vm1, vm2  }
0x114: {  	v10 =	vsel vm3, v18, v10;
	v11 =	vsel vm1, v12, v11  }
0x115: {  	v12 =	vadd.s32 v11, v10  }
0x116: {  	v19 =	vand.u32 $0x1, v12  }
0x117: {  	v20 =	vshrl.u32 v12, $0x1F;
	vm1 =	vlt.s32 v12, $0x1;
	vm2 =	veq.s32 v19, $0x1  }
0x118: {  	v12 =	vadd.s32 v20, v12;
	vm1 =	vmand vm1, vm2  }
0x119: {  	v12 =	vshra.s32 v12, $0x1;
	v21 =	vsel vm1, $0xFFFFFFFF, v6  }
0x11a: {  	v12 =	vadd.s32 v21, v12  }
0x11b: {  	vm1 =	vlt.s32 v12, $0x1877  }
0x11c: {  	v13 =	vnsel vm1, $0x1877, v12;
	_ =	sdelay $0x4  }
0x11d: {  	v13 =	vld.idx.msk [tilespmem:v13+s16+$0x0], $0xffff;
	_ =	sdelay $0x4  }
0x11e: {  	vm1 =	vlt.s32 v10, v11;
	vm2 =	vge.s32 v13, v7;
	vm3 =	vlt.s32 v13, v7  }
0x11f: {  	v22 =	vadd.s32 $0x1, v12;
	vm3 =	vmand vm3, vm1;
	vm1 =	vmand vm1, vm2  }
0x120: {  	v10 =	vsel vm3, v22, v10;
	v11 =	vsel vm1, v12, v11  }
0x121: {  	v12 =	vadd.s32 v11, v10  }
0x122: {  	v23 =	vand.u32 $0x1, v12  }
0x123: {  	v24 =	vshrl.u32 v12, $0x1F;
	vm1 =	vlt.s32 v12, $0x1;
	vm2 =	veq.s32 v23, $0x1  }
0x124: {  	v12 =	vadd.s32 v24, v12;
	vm1 =	vmand vm1, vm2  }
0x125: {  	v12 =	vshra.s32 v12, $0x1;
	v25 =	vsel vm1, $0xFFFFFFFF, v6  }
0x126: {  	v12 =	vadd.s32 v25, v12  }
0x127: {  	vm1 =	vlt.s32 v12, $0x1877  }
0x128: {  	v13 =	vnsel vm1, $0x1877, v12;
	_ =	sdelay $0x4  }
0x129: {  	v13 =	vld.idx.msk [tilespmem:v13+s16+$0x0], $0xffff;
	_ =	sdelay $0x4  }
0x12a: {  	vm1 =	vlt.s32 v10, v11;
	vm2 =	vge.s32 v13, v7;
	vm3 =	vlt.s32 v13, v7  }
0x12b: {  	v26 =	vadd.s32 $0x1, v12;
	vm3 =	vmand vm3, vm1;
	vm1 =	vmand vm1, vm2  }
0x12c: {  	v10 =	vsel vm3, v26, v10;
	v11 =	vsel vm1, v12, v11  }
0x12d: {  	v12 =	vadd.s32 v11, v10  }
0x12e: {  	v27 =	vand.u32 $0x1, v12  }
0x12f: {  	v28 =	vshrl.u32 v12, $0x1F;
	vm1 =	vlt.s32 v12, $0x1;
	vm2 =	veq.s32 v27, $0x1  }
0x130: {  	v12 =	vadd.s32 v28, v12;
	vm1 =	vmand vm1, vm2  }
0x131: {  	v12 =	vshra.s32 v12, $0x1;
	v29 =	vsel vm1, $0xFFFFFFFF, v6  }
0x132: {  	v12 =	vadd.s32 v29, v12  }
0x133: {  	vm1 =	vlt.s32 v12, $0x1877  }
0x134: {  	v13 =	vnsel vm1, $0x1877, v12;
	_ =	sdelay $0x4  }
0x135: {  	v13 =	vld.idx.msk [tilespmem:v13+s16+$0x0], $0xffff;
	_ =	sdelay $0x4  }
0x136: {  	vm1 =	vlt.s32 v10, v11;
	vm2 =	vge.s32 v13, v7;
	vm3 =	vlt.s32 v13, v7  }
0x137: {  	v30 =	vadd.s32 $0x1, v12;
	vm3 =	vmand vm3, vm1;
	vm1 =	vmand vm1, vm2  }
0x138: {  	v10 =	vsel vm3, v30, v10;
	v11 =	vsel vm1, v12, v11  }
0x139: {  	v12 =	vadd.s32 v11, v10  }
0x13a: {  	v31 =	vand.u32 $0x1, v12  }
0x13b: {  	v32 =	vshrl.u32 v12, $0x1F;
	vm1 =	vlt.s32 v12, $0x1;
	vm2 =	veq.s32 v31, $0x1  }
0x13c: {  	v12 =	vadd.s32 v32, v12;
	vm1 =	vmand vm1, vm2  }
0x13d: {  	v12 =	vshra.s32 v12, $0x1;
	v33 =	vsel vm1, $0xFFFFFFFF, v6  }
0x13e: {  	v12 =	vadd.s32 v33, v12  }
0x13f: {  	vm1 =	vlt.s32 v12, $0x1877  }
0x140: {  	v13 =	vnsel vm1, $0x1877, v12;
	_ =	sdelay $0x4  }
0x141: {  	v13 =	vld.idx.msk [tilespmem:v13+s16+$0x0], $0xffff;
	_ =	sdelay $0x4  }
0x142: {  	vm1 =	vlt.s32 v10, v11;
	vm2 =	vge.s32 v13, v7;
	vm3 =	vlt.s32 v13, v7  }
0x143: {  	v34 =	vadd.s32 $0x1, v12;
	vm3 =	vmand vm3, vm1;
	vm1 =	vmand vm1, vm2  }
0x144: {  	v10 =	vsel vm3, v34, v10;
	v11 =	vsel vm1, v12, v11  }
0x145: {  	v12 =	vadd.s32 v11, v10  }
0x146: {  	v35 =	vand.u32 $0x1, v12  }
0x147: {  	v36 =	vshrl.u32 v12, $0x1F;
	vm1 =	vlt.s32 v12, $0x1;
	vm2 =	veq.s32 v35, $0x1  }
0x148: {  	v12 =	vadd.s32 v36, v12;
	vm1 =	vmand vm1, vm2  }
0x149: {  	v12 =	vshra.s32 v12, $0x1;
	v37 =	vsel vm1, $0xFFFFFFFF, v6  }
0x14a: {  	v12 =	vadd.s32 v37, v12  }
0x14b: {  	vm1 =	vlt.s32 v12, $0x1877  }
0x14c: {  	v13 =	vnsel vm1, $0x1877, v12;
	_ =	sdelay $0x4  }
0x14d: {  	v13 =	vld.idx.msk [tilespmem:v13+s16+$0x0], $0xffff;
	_ =	sdelay $0x4  }
0x14e: {  	vm1 =	vlt.s32 v10, v11;
	vm2 =	vge.s32 v13, v7;
	vm3 =	vlt.s32 v13, v7  }
0x14f: {  	v38 =	vadd.s32 $0x1, v12;
	vm3 =	vmand vm3, vm1;
	vm1 =	vmand vm1, vm2  }
0x150: {  	v10 =	vsel vm3, v38, v10;
	v11 =	vsel vm1, v12, v11  }
0x151: {  	v12 =	vadd.s32 v11, v10  }
0x152: {  	v39 =	vand.u32 $0x1, v12  }
0x153: {  	v40 =	vshrl.u32 v12, $0x1F;
	vm1 =	vlt.s32 v12, $0x1;
	vm2 =	veq.s32 v39, $0x1  }
0x154: {  	v12 =	vadd.s32 v40, v12;
	vm1 =	vmand vm1, vm2  }
0x155: {  	v12 =	vshra.s32 v12, $0x1;
	v41 =	vsel vm1, $0xFFFFFFFF, v6  }
0x156: {  	v12 =	vadd.s32 v41, v12  }
0x157: {  	vm1 =	vlt.s32 v12, $0x1877  }
0x158: {  	v13 =	vnsel vm1, $0x1877, v12;
	_ =	sdelay $0x4  }
0x159: {  	v13 =	vld.idx.msk [tilespmem:v13+s16+$0x0], $0xffff;
	_ =	sdelay $0x4  }
0x15a: {  	vm1 =	vlt.s32 v10, v11;
	vm2 =	vge.s32 v13, v7;
	vm3 =	vlt.s32 v13, v7  }
0x15b: {  	v42 =	vadd.s32 $0x1, v12;
	vm3 =	vmand vm3, vm1;
	vm1 =	vmand vm1, vm2  }
0x15c: {  	v10 =	vsel vm3, v42, v10;
	v11 =	vsel vm1, v12, v11  }
0x15d: {  	v12 =	vadd.s32 v11, v10  }
0x15e: {  	v43 =	vand.u32 $0x1, v12  }
0x15f: {  	v44 =	vshrl.u32 v12, $0x1F;
	vm1 =	vlt.s32 v12, $0x1;
	vm2 =	veq.s32 v43, $0x1  }
0x160: {  	v12 =	vadd.s32 v44, v12;
	vm1 =	vmand vm1, vm2  }
0x161: {  	v12 =	vshra.s32 v12, $0x1;
	v45 =	vsel vm1, $0xFFFFFFFF, v6  }
0x162: {  	v12 =	vadd.s32 v45, v12  }
0x163: {  	vm1 =	vlt.s32 v12, $0x1877  }
0x164: {  	v13 =	vnsel vm1, $0x1877, v12;
	_ =	sdelay $0x4  }
0x165: {  	v13 =	vld.idx.msk [tilespmem:v13+s16+$0x0], $0xffff;
	_ =	sdelay $0x4  }
0x166: {  	vm1 =	vlt.s32 v10, v11;
	vm2 =	vlt.s32 v13, v7  }
0x167: {  	v11 =	vadd.s32 $0x1, v12;
	vm1 =	vmand vm2, vm1  }
0x168: {  	v10 =	vsel vm1, v11, v10  }
0x169: {  	v10 =	vsub.s32 v10, v0  }
0x16a: {  	[tilespmem:$0x2510] =	vst v10  }
0x16b: {  	v10 =	vld.idx.msk [tilespmem:v3+s16+$0x0], $0xffff;
	_ =	sdelay $0x4  }
0x16c: {  	vm1 =	vge.s32 v10, v8;
	vm2 =	vlt.s32 v10, v8  }
0x16d: {  	vm2 =	vmand vm0, vm2;
	vm1 =	vmand vm0, vm1  }
0x16e: {  	v10 =	vsel vm2, v4, v0;
	v11 =	vsel vm1, v1, v2  }
0x16f: {  	v46 =	vadd.s32 v11, v10  }
0x170: {  	v47 =	vand.u32 $0x1, v46  }
0x171: {  	v48 =	vshrl.u32 v46, $0x1F;
	vm1 =	vlt.s32 v46, $0x1;
	vm2 =	veq.s32 v47, $0x1  }
0x172: {  	v12 =	vadd.s32 v48, v46;
	vm1 =	vmand vm1, vm2  }
0x173: {  	v12 =	vshra.s32 v12, $0x1;
	v49 =	vsel vm1, $0xFFFFFFFF, v6  }
0x174: {  	v12 =	vadd.s32 v49, v12  }
0x175: {  	vm1 =	vlt.s32 v12, $0x1877  }
0x176: {  	v13 =	vnsel vm1, $0x1877, v12;
	_ =	sdelay $0x4  }
0x177: {  	v13 =	vld.idx.msk [tilespmem:v13+s16+$0x0], $0xffff;
	_ =	sdelay $0x4  }
0x178: {  	vm1 =	vlt.s32 v10, v11;
	vm2 =	vge.s32 v13, v8;
	vm3 =	vlt.s32 v13, v8  }
0x179: {  	v50 =	vadd.s32 $0x1, v12;
	vm3 =	vmand vm3, vm1;
	vm1 =	vmand vm1, vm2  }
0x17a: {  	v10 =	vsel vm3, v50, v10;
	v11 =	vsel vm1, v12, v11  }
0x17b: {  	v12 =	vadd.s32 v11, v10  }
0x17c: {  	v51 =	vand.u32 $0x1, v12  }
0x17d: {  	v52 =	vshrl.u32 v12, $0x1F;
	vm1 =	vlt.s32 v12, $0x1;
	vm2 =	veq.s32 v51, $0x1  }
0x17e: {  	v12 =	vadd.s32 v52, v12;
	vm1 =	vmand vm1, vm2  }
0x17f: {  	v12 =	vshra.s32 v12, $0x1;
	v53 =	vsel vm1, $0xFFFFFFFF, v6  }
0x180: {  	v12 =	vadd.s32 v53, v12  }
0x181: {  	vm1 =	vlt.s32 v12, $0x1877  }
0x182: {  	v13 =	vnsel vm1, $0x1877, v12;
	_ =	sdelay $0x4  }
0x183: {  	v13 =	vld.idx.msk [tilespmem:v13+s16+$0x0], $0xffff;
	_ =	sdelay $0x4  }
0x184: {  	vm1 =	vlt.s32 v10, v11;
	vm2 =	vge.s32 v13, v8;
	vm3 =	vlt.s32 v13, v8  }
0x185: {  	v54 =	vadd.s32 $0x1, v12;
	vm3 =	vmand vm3, vm1;
	vm1 =	vmand vm1, vm2  }
0x186: {  	v10 =	vsel vm3, v54, v10;
	v11 =	vsel vm1, v12, v11  }
0x187: {  	v12 =	vadd.s32 v11, v10  }
0x188: {  	v55 =	vand.u32 $0x1, v12  }
0x189: {  	v56 =	vshrl.u32 v12, $0x1F;
	vm1 =	vlt.s32 v12, $0x1;
	vm2 =	veq.s32 v55, $0x1  }
0x18a: {  	v12 =	vadd.s32 v56, v12;
	vm1 =	vmand vm1, vm2  }
0x18b: {  	v12 =	vshra.s32 v12, $0x1;
	v57 =	vsel vm1, $0xFFFFFFFF, v6  }
0x18c: {  	v12 =	vadd.s32 v57, v12  }
0x18d: {  	vm1 =	vlt.s32 v12, $0x1877  }
0x18e: {  	v13 =	vnsel vm1, $0x1877, v12;
	_ =	sdelay $0x4  }
0x18f: {  	v13 =	vld.idx.msk [tilespmem:v13+s16+$0x0], $0xffff;
	_ =	sdelay $0x4  }
0x190: {  	vm1 =	vlt.s32 v10, v11;
	vm2 =	vge.s32 v13, v8;
	vm3 =	vlt.s32 v13, v8  }
0x191: {  	v58 =	vadd.s32 $0x1, v12;
	vm3 =	vmand vm3, vm1;
	vm1 =	vmand vm1, vm2  }
0x192: {  	v10 =	vsel vm3, v58, v10;
	v11 =	vsel vm1, v12, v11  }
0x193: {  	v12 =	vadd.s32 v11, v10  }
0x194: {  	v59 =	vand.u32 $0x1, v12  }
0x195: {  	v60 =	vshrl.u32 v12, $0x1F;
	vm1 =	vlt.s32 v12, $0x1;
	vm2 =	veq.s32 v59, $0x1  }
0x196: {  	v12 =	vadd.s32 v60, v12;
	vm1 =	vmand vm1, vm2  }
0x197: {  	v12 =	vshra.s32 v12, $0x1;
	v61 =	vsel vm1, $0xFFFFFFFF, v6  }
0x198: {  	v12 =	vadd.s32 v61, v12  }
0x199: {  	vm1 =	vlt.s32 v12, $0x1877  }
0x19a: {  	v13 =	vnsel vm1, $0x1877, v12;
	_ =	sdelay $0x4  }
0x19b: {  	v13 =	vld.idx.msk [tilespmem:v13+s16+$0x0], $0xffff;
	_ =	sdelay $0x4  }
0x19c: {  	vm1 =	vlt.s32 v10, v11;
	vm2 =	vge.s32 v13, v8;
	vm3 =	vlt.s32 v13, v8  }
0x19d: {  	v62 =	vadd.s32 $0x1, v12;
	vm3 =	vmand vm3, vm1;
	vm1 =	vmand vm1, vm2  }
0x19e: {  	v10 =	vsel vm3, v62, v10;
	v11 =	vsel vm1, v12, v11  }
0x19f: {  	v12 =	vadd.s32 v11, v10  }
0x1a0: {  	v63 =	vand.u32 $0x1, v12  }
0x1a1: {  	v16 =	vshrl.u32 v12, $0x1F;
	vm1 =	vlt.s32 v12, $0x1;
	vm2 =	veq.s32 v63, $0x1  }
0x1a2: {  	v12 =	vadd.s32 v16, v12;
	vm1 =	vmand vm1, vm2  }
0x1a3: {  	v12 =	vshra.s32 v12, $0x1;
	v17 =	vsel vm1, $0xFFFFFFFF, v6  }
0x1a4: {  	v12 =	vadd.s32 v17, v12  }
0x1a5: {  	vm1 =	vlt.s32 v12, $0x1877  }
0x1a6: {  	v13 =	vnsel vm1, $0x1877, v12;
	_ =	sdelay $0x4  }
0x1a7: {  	v13 =	vld.idx.msk [tilespmem:v13+s16+$0x0], $0xffff;
	_ =	sdelay $0x4  }
0x1a8: {  	vm1 =	vlt.s32 v10, v11;
	vm2 =	vge.s32 v13, v8;
	vm3 =	vlt.s32 v13, v8  }
0x1a9: {  	v18 =	vadd.s32 $0x1, v12;
	vm3 =	vmand vm3, vm1;
	vm1 =	vmand vm1, vm2  }
0x1aa: {  	v10 =	vsel vm3, v18, v10;
	v11 =	vsel vm1, v12, v11  }
0x1ab: {  	v12 =	vadd.s32 v11, v10  }
0x1ac: {  	v19 =	vand.u32 $0x1, v12  }
0x1ad: {  	v20 =	vshrl.u32 v12, $0x1F;
	vm1 =	vlt.s32 v12, $0x1;
	vm2 =	veq.s32 v19, $0x1  }
0x1ae: {  	v12 =	vadd.s32 v20, v12;
	vm1 =	vmand vm1, vm2  }
0x1af: {  	v12 =	vshra.s32 v12, $0x1;
	v21 =	vsel vm1, $0xFFFFFFFF, v6  }
0x1b0: {  	v12 =	vadd.s32 v21, v12  }
0x1b1: {  	vm1 =	vlt.s32 v12, $0x1877  }
0x1b2: {  	v13 =	vnsel vm1, $0x1877, v12;
	_ =	sdelay $0x4  }
0x1b3: {  	v13 =	vld.idx.msk [tilespmem:v13+s16+$0x0], $0xffff;
	_ =	sdelay $0x4  }
0x1b4: {  	vm1 =	vlt.s32 v10, v11;
	vm2 =	vge.s32 v13, v8;
	vm3 =	vlt.s32 v13, v8  }
0x1b5: {  	v22 =	vadd.s32 $0x1, v12;
	vm3 =	vmand vm3, vm1;
	vm1 =	vmand vm1, vm2  }
0x1b6: {  	v10 =	vsel vm3, v22, v10;
	v11 =	vsel vm1, v12, v11  }
0x1b7: {  	v12 =	vadd.s32 v11, v10  }
0x1b8: {  	v23 =	vand.u32 $0x1, v12  }
0x1b9: {  	v24 =	vshrl.u32 v12, $0x1F;
	vm1 =	vlt.s32 v12, $0x1;
	vm2 =	veq.s32 v23, $0x1  }
0x1ba: {  	v12 =	vadd.s32 v24, v12;
	vm1 =	vmand vm1, vm2  }
0x1bb: {  	v12 =	vshra.s32 v12, $0x1;
	v25 =	vsel vm1, $0xFFFFFFFF, v6  }
0x1bc: {  	v12 =	vadd.s32 v25, v12  }
0x1bd: {  	vm1 =	vlt.s32 v12, $0x1877  }
0x1be: {  	v13 =	vnsel vm1, $0x1877, v12;
	_ =	sdelay $0x4  }
0x1bf: {  	v13 =	vld.idx.msk [tilespmem:v13+s16+$0x0], $0xffff;
	_ =	sdelay $0x4  }
0x1c0: {  	vm1 =	vlt.s32 v10, v11;
	vm2 =	vge.s32 v13, v8;
	vm3 =	vlt.s32 v13, v8  }
0x1c1: {  	v26 =	vadd.s32 $0x1, v12;
	vm3 =	vmand vm3, vm1;
	vm1 =	vmand vm1, vm2  }
0x1c2: {  	v10 =	vsel vm3, v26, v10;
	v11 =	vsel vm1, v12, v11  }
0x1c3: {  	v12 =	vadd.s32 v11, v10  }
0x1c4: {  	v27 =	vand.u32 $0x1, v12  }
0x1c5: {  	v28 =	vshrl.u32 v12, $0x1F;
	vm1 =	vlt.s32 v12, $0x1;
	vm2 =	veq.s32 v27, $0x1  }
0x1c6: {  	v12 =	vadd.s32 v28, v12;
	vm1 =	vmand vm1, vm2  }
0x1c7: {  	v12 =	vshra.s32 v12, $0x1;
	v29 =	vsel vm1, $0xFFFFFFFF, v6  }
0x1c8: {  	v12 =	vadd.s32 v29, v12  }
0x1c9: {  	vm1 =	vlt.s32 v12, $0x1877  }
0x1ca: {  	v13 =	vnsel vm1, $0x1877, v12;
	_ =	sdelay $0x4  }
0x1cb: {  	v13 =	vld.idx.msk [tilespmem:v13+s16+$0x0], $0xffff;
	_ =	sdelay $0x4  }
0x1cc: {  	vm1 =	vlt.s32 v10, v11;
	vm2 =	vge.s32 v13, v8;
	vm3 =	vlt.s32 v13, v8  }
0x1cd: {  	v30 =	vadd.s32 $0x1, v12;
	vm3 =	vmand vm3, vm1;
	vm1 =	vmand vm1, vm2  }
0x1ce: {  	v10 =	vsel vm3, v30, v10;
	v11 =	vsel vm1, v12, v11  }
0x1cf: {  	v12 =	vadd.s32 v11, v10  }
0x1d0: {  	v31 =	vand.u32 $0x1, v12  }
0x1d1: {  	v32 =	vshrl.u32 v12, $0x1F;
	vm1 =	vlt.s32 v12, $0x1;
	vm2 =	veq.s32 v31, $0x1  }
0x1d2: {  	v12 =	vadd.s32 v32, v12;
	vm1 =	vmand vm1, vm2  }
0x1d3: {  	v12 =	vshra.s32 v12, $0x1;
	v33 =	vsel vm1, $0xFFFFFFFF, v6  }
0x1d4: {  	v12 =	vadd.s32 v33, v12  }
0x1d5: {  	vm1 =	vlt.s32 v12, $0x1877  }
0x1d6: {  	v13 =	vnsel vm1, $0x1877, v12;
	_ =	sdelay $0x4  }
0x1d7: {  	v13 =	vld.idx.msk [tilespmem:v13+s16+$0x0], $0xffff;
	_ =	sdelay $0x4  }
0x1d8: {  	vm1 =	vlt.s32 v10, v11;
	vm2 =	vge.s32 v13, v8;
	vm3 =	vlt.s32 v13, v8  }
0x1d9: {  	v34 =	vadd.s32 $0x1, v12;
	vm3 =	vmand vm3, vm1;
	vm1 =	vmand vm1, vm2  }
0x1da: {  	v10 =	vsel vm3, v34, v10;
	v11 =	vsel vm1, v12, v11  }
0x1db: {  	v12 =	vadd.s32 v11, v10  }
0x1dc: {  	v35 =	vand.u32 $0x1, v12  }
0x1dd: {  	v36 =	vshrl.u32 v12, $0x1F;
	vm1 =	vlt.s32 v12, $0x1;
	vm2 =	veq.s32 v35, $0x1  }
0x1de: {  	v12 =	vadd.s32 v36, v12;
	vm1 =	vmand vm1, vm2  }
0x1df: {  	v12 =	vshra.s32 v12, $0x1;
	v37 =	vsel vm1, $0xFFFFFFFF, v6  }
0x1e0: {  	v12 =	vadd.s32 v37, v12  }
0x1e1: {  	vm1 =	vlt.s32 v12, $0x1877  }
0x1e2: {  	v13 =	vnsel vm1, $0x1877, v12;
	_ =	sdelay $0x4  }
0x1e3: {  	v13 =	vld.idx.msk [tilespmem:v13+s16+$0x0], $0xffff;
	_ =	sdelay $0x4  }
0x1e4: {  	vm1 =	vlt.s32 v10, v11;
	vm2 =	vge.s32 v13, v8;
	vm3 =	vlt.s32 v13, v8  }
0x1e5: {  	v38 =	vadd.s32 $0x1, v12;
	vm3 =	vmand vm3, vm1;
	vm1 =	vmand vm1, vm2  }
0x1e6: {  	v10 =	vsel vm3, v38, v10;
	v11 =	vsel vm1, v12, v11  }
0x1e7: {  	v12 =	vadd.s32 v11, v10  }
0x1e8: {  	v39 =	vand.u32 $0x1, v12  }
0x1e9: {  	v40 =	vshrl.u32 v12, $0x1F;
	vm1 =	vlt.s32 v12, $0x1;
	vm2 =	veq.s32 v39, $0x1  }
0x1ea: {  	v12 =	vadd.s32 v40, v12;
	vm1 =	vmand vm1, vm2  }
0x1eb: {  	v12 =	vshra.s32 v12, $0x1;
	v41 =	vsel vm1, $0xFFFFFFFF, v6  }
0x1ec: {  	v12 =	vadd.s32 v41, v12  }
0x1ed: {  	vm1 =	vlt.s32 v12, $0x1877  }
0x1ee: {  	v13 =	vnsel vm1, $0x1877, v12;
	_ =	sdelay $0x4  }
0x1ef: {  	v13 =	vld.idx.msk [tilespmem:v13+s16+$0x0], $0xffff;
	_ =	sdelay $0x4  }
0x1f0: {  	vm1 =	vlt.s32 v10, v11;
	vm2 =	vge.s32 v13, v8;
	vm3 =	vlt.s32 v13, v8  }
0x1f1: {  	v42 =	vadd.s32 $0x1, v12;
	vm3 =	vmand vm3, vm1;
	vm1 =	vmand vm1, vm2  }
0x1f2: {  	v10 =	vsel vm3, v42, v10;
	v11 =	vsel vm1, v12, v11  }
0x1f3: {  	v12 =	vadd.s32 v11, v10  }
0x1f4: {  	v43 =	vand.u32 $0x1, v12  }
0x1f5: {  	v44 =	vshrl.u32 v12, $0x1F;
	vm1 =	vlt.s32 v12, $0x1;
	vm2 =	veq.s32 v43, $0x1  }
0x1f6: {  	v12 =	vadd.s32 v44, v12;
	vm1 =	vmand vm1, vm2  }
0x1f7: {  	v12 =	vshra.s32 v12, $0x1;
	v45 =	vsel vm1, $0xFFFFFFFF, v6  }
0x1f8: {  	v12 =	vadd.s32 v45, v12  }
0x1f9: {  	vm1 =	vlt.s32 v12, $0x1877  }
0x1fa: {  	v13 =	vnsel vm1, $0x1877, v12;
	_ =	sdelay $0x4  }
0x1fb: {  	v13 =	vld.idx.msk [tilespmem:v13+s16+$0x0], $0xffff;
	_ =	sdelay $0x4  }
0x1fc: {  	vm1 =	vlt.s32 v10, v11;
	vm2 =	vge.s32 v13, v8;
	vm3 =	vlt.s32 v13, v8  }
0x1fd: {  	v46 =	vadd.s32 $0x1, v12;
	vm3 =	vmand vm3, vm1;
	vm1 =	vmand vm1, vm2  }
0x1fe: {  	v10 =	vsel vm3, v46, v10;
	v11 =	vsel vm1, v12, v11  }
0x1ff: {  	v12 =	vadd.s32 v11, v10  }
0x200: {  	v47 =	vand.u32 $0x1, v12  }
0x201: {  	v48 =	vshrl.u32 v12, $0x1F;
	vm1 =	vlt.s32 v12, $0x1;
	vm2 =	veq.s32 v47, $0x1  }
0x202: {  	v12 =	vadd.s32 v48, v12;
	vm1 =	vmand vm1, vm2  }
0x203: {  	v12 =	vshra.s32 v12, $0x1;
	v49 =	vsel vm1, $0xFFFFFFFF, v6  }
0x204: {  	v12 =	vadd.s32 v49, v12  }
0x205: {  	vm1 =	vlt.s32 v12, $0x1877  }
0x206: {  	v13 =	vnsel vm1, $0x1877, v12;
	_ =	sdelay $0x4  }
0x207: {  	v13 =	vld.idx.msk [tilespmem:v13+s16+$0x0], $0xffff;
	_ =	sdelay $0x4  }
0x208: {  	vm1 =	vlt.s32 v10, v11;
	vm2 =	vlt.s32 v13, v8  }
0x209: {  	v11 =	vadd.s32 $0x1, v12;
	vm1 =	vmand vm2, vm1  }
0x20a: {  	v10 =	vsel vm1, v11, v10  }
0x20b: {  	v10 =	vsub.s32 v10, v0  }
0x20c: {  	[tilespmem:$0x2520] =	vst v10  }
0x20d: {  	v10 =	vld.idx.msk [tilespmem:v3+s16+$0x0], $0xffff;
	_ =	sdelay $0x4  }
0x20e: {  	vm1 =	vge.s32 v10, v9;
	vm2 =	vlt.s32 v10, v9  }
0x20f: {  	vm2 =	vmand vm0, vm2;
	vm1 =	vmand vm0, vm1  }
0x210: {  	v10 =	vsel vm2, v4, v0;
	v11 =	vsel vm1, v1, v2  }
0x211: {  	v50 =	vadd.s32 v11, v10  }
0x212: {  	v51 =	vand.u32 $0x1, v50  }
0x213: {  	v52 =	vshrl.u32 v50, $0x1F;
	vm1 =	vlt.s32 v50, $0x1;
	vm2 =	veq.s32 v51, $0x1  }
0x214: {  	v12 =	vadd.s32 v52, v50;
	vm1 =	vmand vm1, vm2  }
0x215: {  	v12 =	vshra.s32 v12, $0x1;
	v53 =	vsel vm1, $0xFFFFFFFF, v6  }
0x216: {  	v12 =	vadd.s32 v53, v12  }
0x217: {  	vm1 =	vlt.s32 v12, $0x1877  }
0x218: {  	v13 =	vnsel vm1, $0x1877, v12;
	_ =	sdelay $0x4  }
0x219: {  	v13 =	vld.idx.msk [tilespmem:v13+s16+$0x0], $0xffff;
	_ =	sdelay $0x4  }
0x21a: {  	vm1 =	vlt.s32 v10, v11;
	vm2 =	vge.s32 v13, v9;
	vm3 =	vlt.s32 v13, v9  }
0x21b: {  	v54 =	vadd.s32 $0x1, v12;
	vm3 =	vmand vm3, vm1;
	vm1 =	vmand vm1, vm2  }
0x21c: {  	v10 =	vsel vm3, v54, v10;
	v11 =	vsel vm1, v12, v11  }
0x21d: {  	v12 =	vadd.s32 v11, v10  }
0x21e: {  	v55 =	vand.u32 $0x1, v12  }
0x21f: {  	v56 =	vshrl.u32 v12, $0x1F;
	vm1 =	vlt.s32 v12, $0x1;
	vm2 =	veq.s32 v55, $0x1  }
0x220: {  	v12 =	vadd.s32 v56, v12;
	vm1 =	vmand vm1, vm2  }
0x221: {  	v12 =	vshra.s32 v12, $0x1;
	v57 =	vsel vm1, $0xFFFFFFFF, v6  }
0x222: {  	v12 =	vadd.s32 v57, v12  }
0x223: {  	vm1 =	vlt.s32 v12, $0x1877  }
0x224: {  	v13 =	vnsel vm1, $0x1877, v12;
	_ =	sdelay $0x4  }
0x225: {  	v13 =	vld.idx.msk [tilespmem:v13+s16+$0x0], $0xffff;
	_ =	sdelay $0x4  }
0x226: {  	vm1 =	vlt.s32 v10, v11;
	vm2 =	vge.s32 v13, v9;
	vm3 =	vlt.s32 v13, v9  }
0x227: {  	v58 =	vadd.s32 $0x1, v12;
	vm3 =	vmand vm3, vm1;
	vm1 =	vmand vm1, vm2  }
0x228: {  	v10 =	vsel vm3, v58, v10;
	v11 =	vsel vm1, v12, v11  }
0x229: {  	v12 =	vadd.s32 v11, v10  }
0x22a: {  	v59 =	vand.u32 $0x1, v12  }
0x22b: {  	v60 =	vshrl.u32 v12, $0x1F;
	vm1 =	vlt.s32 v12, $0x1;
	vm2 =	veq.s32 v59, $0x1  }
0x22c: {  	v12 =	vadd.s32 v60, v12;
	vm1 =	vmand vm1, vm2  }
0x22d: {  	v12 =	vshra.s32 v12, $0x1;
	v61 =	vsel vm1, $0xFFFFFFFF, v6  }
0x22e: {  	v12 =	vadd.s32 v61, v12  }
0x22f: {  	vm1 =	vlt.s32 v12, $0x1877  }
0x230: {  	v13 =	vnsel vm1, $0x1877, v12;
	_ =	sdelay $0x4  }
0x231: {  	v13 =	vld.idx.msk [tilespmem:v13+s16+$0x0], $0xffff;
	_ =	sdelay $0x4  }
0x232: {  	vm1 =	vlt.s32 v10, v11;
	vm2 =	vge.s32 v13, v9;
	vm3 =	vlt.s32 v13, v9  }
0x233: {  	v62 =	vadd.s32 $0x1, v12;
	vm3 =	vmand vm3, vm1;
	vm1 =	vmand vm1, vm2  }
0x234: {  	v10 =	vsel vm3, v62, v10;
	v11 =	vsel vm1, v12, v11  }
0x235: {  	v12 =	vadd.s32 v11, v10  }
0x236: {  	v63 =	vand.u32 $0x1, v12  }
0x237: {  	v16 =	vshrl.u32 v12, $0x1F;
	vm1 =	vlt.s32 v12, $0x1;
	vm2 =	veq.s32 v63, $0x1  }
0x238: {  	v12 =	vadd.s32 v16, v12;
	vm1 =	vmand vm1, vm2  }
0x239: {  	v12 =	vshra.s32 v12, $0x1;
	v17 =	vsel vm1, $0xFFFFFFFF, v6  }
0x23a: {  	v12 =	vadd.s32 v17, v12  }
0x23b: {  	vm1 =	vlt.s32 v12, $0x1877  }
0x23c: {  	v13 =	vnsel vm1, $0x1877, v12;
	_ =	sdelay $0x4  }
0x23d: {  	v13 =	vld.idx.msk [tilespmem:v13+s16+$0x0], $0xffff;
	_ =	sdelay $0x4  }
0x23e: {  	vm1 =	vlt.s32 v10, v11;
	vm2 =	vge.s32 v13, v9;
	vm3 =	vlt.s32 v13, v9  }
0x23f: {  	v18 =	vadd.s32 $0x1, v12;
	vm3 =	vmand vm3, vm1;
	vm1 =	vmand vm1, vm2  }
0x240: {  	v10 =	vsel vm3, v18, v10;
	v11 =	vsel vm1, v12, v11  }
0x241: {  	v12 =	vadd.s32 v11, v10  }
0x242: {  	v19 =	vand.u32 $0x1, v12  }
0x243: {  	v20 =	vshrl.u32 v12, $0x1F;
	vm1 =	vlt.s32 v12, $0x1;
	vm2 =	veq.s32 v19, $0x1  }
0x244: {  	v12 =	vadd.s32 v20, v12;
	vm1 =	vmand vm1, vm2  }
0x245: {  	v12 =	vshra.s32 v12, $0x1;
	v21 =	vsel vm1, $0xFFFFFFFF, v6  }
0x246: {  	v12 =	vadd.s32 v21, v12  }
0x247: {  	vm1 =	vlt.s32 v12, $0x1877  }
0x248: {  	v13 =	vnsel vm1, $0x1877, v12;
	_ =	sdelay $0x4  }
0x249: {  	v13 =	vld.idx.msk [tilespmem:v13+s16+$0x0], $0xffff;
	_ =	sdelay $0x4  }
0x24a: {  	vm1 =	vlt.s32 v10, v11;
	vm2 =	vge.s32 v13, v9;
	vm3 =	vlt.s32 v13, v9  }
0x24b: {  	v22 =	vadd.s32 $0x1, v12;
	vm3 =	vmand vm3, vm1;
	vm1 =	vmand vm1, vm2  }
0x24c: {  	v10 =	vsel vm3, v22, v10;
	v11 =	vsel vm1, v12, v11  }
0x24d: {  	v12 =	vadd.s32 v11, v10  }
0x24e: {  	v23 =	vand.u32 $0x1, v12  }
0x24f: {  	v24 =	vshrl.u32 v12, $0x1F;
	vm1 =	vlt.s32 v12, $0x1;
	vm2 =	veq.s32 v23, $0x1  }
0x250: {  	v12 =	vadd.s32 v24, v12;
	vm1 =	vmand vm1, vm2  }
0x251: {  	v12 =	vshra.s32 v12, $0x1;
	v25 =	vsel vm1, $0xFFFFFFFF, v6  }
0x252: {  	v12 =	vadd.s32 v25, v12  }
0x253: {  	vm1 =	vlt.s32 v12, $0x1877  }
0x254: {  	v13 =	vnsel vm1, $0x1877, v12;
	_ =	sdelay $0x4  }
0x255: {  	v13 =	vld.idx.msk [tilespmem:v13+s16+$0x0], $0xffff;
	_ =	sdelay $0x4  }
0x256: {  	vm1 =	vlt.s32 v10, v11;
	vm2 =	vge.s32 v13, v9;
	vm3 =	vlt.s32 v13, v9  }
0x257: {  	v26 =	vadd.s32 $0x1, v12;
	vm3 =	vmand vm3, vm1;
	vm1 =	vmand vm1, vm2  }
0x258: {  	v10 =	vsel vm3, v26, v10;
	v11 =	vsel vm1, v12, v11  }
0x259: {  	v12 =	vadd.s32 v11, v10  }
0x25a: {  	v27 =	vand.u32 $0x1, v12  }
0x25b: {  	v28 =	vshrl.u32 v12, $0x1F;
	vm1 =	vlt.s32 v12, $0x1;
	vm2 =	veq.s32 v27, $0x1  }
0x25c: {  	v12 =	vadd.s32 v28, v12;
	vm1 =	vmand vm1, vm2  }
0x25d: {  	v12 =	vshra.s32 v12, $0x1;
	v29 =	vsel vm1, $0xFFFFFFFF, v6  }
0x25e: {  	v12 =	vadd.s32 v29, v12  }
0x25f: {  	vm1 =	vlt.s32 v12, $0x1877  }
0x260: {  	v13 =	vnsel vm1, $0x1877, v12;
	_ =	sdelay $0x4  }
0x261: {  	v13 =	vld.idx.msk [tilespmem:v13+s16+$0x0], $0xffff;
	_ =	sdelay $0x4  }
0x262: {  	vm1 =	vlt.s32 v10, v11;
	vm2 =	vge.s32 v13, v9;
	vm3 =	vlt.s32 v13, v9  }
0x263: {  	v30 =	vadd.s32 $0x1, v12;
	vm3 =	vmand vm3, vm1;
	vm1 =	vmand vm1, vm2  }
0x264: {  	v10 =	vsel vm3, v30, v10;
	v11 =	vsel vm1, v12, v11  }
0x265: {  	v12 =	vadd.s32 v11, v10  }
0x266: {  	v31 =	vand.u32 $0x1, v12  }
0x267: {  	v32 =	vshrl.u32 v12, $0x1F;
	vm1 =	vlt.s32 v12, $0x1;
	vm2 =	veq.s32 v31, $0x1  }
0x268: {  	v12 =	vadd.s32 v32, v12;
	vm1 =	vmand vm1, vm2  }
0x269: {  	v12 =	vshra.s32 v12, $0x1;
	v33 =	vsel vm1, $0xFFFFFFFF, v6  }
0x26a: {  	v12 =	vadd.s32 v33, v12  }
0x26b: {  	vm1 =	vlt.s32 v12, $0x1877  }
0x26c: {  	v13 =	vnsel vm1, $0x1877, v12;
	_ =	sdelay $0x4  }
0x26d: {  	v13 =	vld.idx.msk [tilespmem:v13+s16+$0x0], $0xffff;
	_ =	sdelay $0x4  }
0x26e: {  	vm1 =	vlt.s32 v10, v11;
	vm2 =	vge.s32 v13, v9;
	vm3 =	vlt.s32 v13, v9  }
0x26f: {  	v34 =	vadd.s32 $0x1, v12;
	vm3 =	vmand vm3, vm1;
	vm1 =	vmand vm1, vm2  }
0x270: {  	v10 =	vsel vm3, v34, v10;
	v11 =	vsel vm1, v12, v11  }
0x271: {  	v12 =	vadd.s32 v11, v10  }
0x272: {  	v35 =	vand.u32 $0x1, v12  }
0x273: {  	v36 =	vshrl.u32 v12, $0x1F;
	vm1 =	vlt.s32 v12, $0x1;
	vm2 =	veq.s32 v35, $0x1  }
0x274: {  	v12 =	vadd.s32 v36, v12;
	vm1 =	vmand vm1, vm2  }
0x275: {  	v12 =	vshra.s32 v12, $0x1;
	v37 =	vsel vm1, $0xFFFFFFFF, v6  }
0x276: {  	v12 =	vadd.s32 v37, v12  }
0x277: {  	vm1 =	vlt.s32 v12, $0x1877  }
0x278: {  	v13 =	vnsel vm1, $0x1877, v12;
	_ =	sdelay $0x4  }
0x279: {  	v13 =	vld.idx.msk [tilespmem:v13+s16+$0x0], $0xffff;
	_ =	sdelay $0x4  }
0x27a: {  	vm1 =	vlt.s32 v10, v11;
	vm2 =	vge.s32 v13, v9;
	vm3 =	vlt.s32 v13, v9  }
0x27b: {  	v38 =	vadd.s32 $0x1, v12;
	vm3 =	vmand vm3, vm1;
	vm1 =	vmand vm1, vm2  }
0x27c: {  	v10 =	vsel vm3, v38, v10;
	v11 =	vsel vm1, v12, v11  }
0x27d: {  	v12 =	vadd.s32 v11, v10  }
0x27e: {  	v39 =	vand.u32 $0x1, v12  }
0x27f: {  	v40 =	vshrl.u32 v12, $0x1F;
	vm1 =	vlt.s32 v12, $0x1;
	vm2 =	veq.s32 v39, $0x1  }
0x280: {  	v12 =	vadd.s32 v40, v12;
	vm1 =	vmand vm1, vm2  }
0x281: {  	v12 =	vshra.s32 v12, $0x1;
	v41 =	vsel vm1, $0xFFFFFFFF, v6  }
0x282: {  	v12 =	vadd.s32 v41, v12  }
0x283: {  	vm1 =	vlt.s32 v12, $0x1877  }
0x284: {  	v13 =	vnsel vm1, $0x1877, v12;
	_ =	sdelay $0x4  }
0x285: {  	v13 =	vld.idx.msk [tilespmem:v13+s16+$0x0], $0xffff;
	_ =	sdelay $0x4  }
0x286: {  	vm1 =	vlt.s32 v10, v11;
	vm2 =	vge.s32 v13, v9;
	vm3 =	vlt.s32 v13, v9  }
0x287: {  	v42 =	vadd.s32 $0x1, v12;
	vm3 =	vmand vm3, vm1;
	vm1 =	vmand vm1, vm2  }
0x288: {  	v10 =	vsel vm3, v42, v10;
	v11 =	vsel vm1, v12, v11  }
0x289: {  	v12 =	vadd.s32 v11, v10  }
0x28a: {  	v43 =	vand.u32 $0x1, v12  }
0x28b: {  	v44 =	vshrl.u32 v12, $0x1F;
	vm1 =	vlt.s32 v12, $0x1;
	vm2 =	veq.s32 v43, $0x1  }
0x28c: {  	v12 =	vadd.s32 v44, v12;
	vm1 =	vmand vm1, vm2  }
0x28d: {  	v12 =	vshra.s32 v12, $0x1;
	v45 =	vsel vm1, $0xFFFFFFFF, v6  }
0x28e: {  	v12 =	vadd.s32 v45, v12  }
0x28f: {  	vm1 =	vlt.s32 v12, $0x1877  }
0x290: {  	v13 =	vnsel vm1, $0x1877, v12;
	_ =	sdelay $0x4  }
0x291: {  	v13 =	vld.idx.msk [tilespmem:v13+s16+$0x0], $0xffff;
	_ =	sdelay $0x4  }
0x292: {  	vm1 =	vlt.s32 v10, v11;
	vm2 =	vge.s32 v13, v9;
	vm3 =	vlt.s32 v13, v9  }
0x293: {  	v46 =	vadd.s32 $0x1, v12;
	vm3 =	vmand vm3, vm1;
	vm1 =	vmand vm1, vm2  }
0x294: {  	v10 =	vsel vm3, v46, v10;
	v11 =	vsel vm1, v12, v11  }
0x295: {  	v12 =	vadd.s32 v11, v10  }
0x296: {  	v47 =	vand.u32 $0x1, v12  }
0x297: {  	v48 =	vshrl.u32 v12, $0x1F;
	vm1 =	vlt.s32 v12, $0x1;
	vm2 =	veq.s32 v47, $0x1  }
0x298: {  	v12 =	vadd.s32 v48, v12;
	vm1 =	vmand vm1, vm2  }
0x299: {  	v12 =	vshra.s32 v12, $0x1;
	v49 =	vsel vm1, $0xFFFFFFFF, v6  }
0x29a: {  	v12 =	vadd.s32 v49, v12  }
0x29b: {  	vm1 =	vlt.s32 v12, $0x1877  }
0x29c: {  	v13 =	vnsel vm1, $0x1877, v12;
	_ =	sdelay $0x4  }
0x29d: {  	v13 =	vld.idx.msk [tilespmem:v13+s16+$0x0], $0xffff;
	_ =	sdelay $0x4  }
0x29e: {  	vm1 =	vlt.s32 v10, v11;
	vm2 =	vge.s32 v13, v9;
	vm3 =	vlt.s32 v13, v9  }
0x29f: {  	v50 =	vadd.s32 $0x1, v12;
	vm3 =	vmand vm3, vm1;
	vm1 =	vmand vm1, vm2  }
0x2a0: {  	v10 =	vsel vm3, v50, v10;
	v11 =	vsel vm1, v12, v11  }
0x2a1: {  	v12 =	vadd.s32 v11, v10  }
0x2a2: {  	v51 =	vand.u32 $0x1, v12  }
0x2a3: {  	v52 =	vshrl.u32 v12, $0x1F;
	vm1 =	vlt.s32 v12, $0x1;
	vm2 =	veq.s32 v51, $0x1  }
0x2a4: {  	v12 =	vadd.s32 v52, v12;
	vm1 =	vmand vm1, vm2  }
0x2a5: {  	v12 =	vshra.s32 v12, $0x1;
	v53 =	vsel vm1, $0xFFFFFFFF, v6  }
0x2a6: {  	v12 =	vadd.s32 v53, v12  }
0x2a7: {  	vm1 =	vlt.s32 v12, $0x1877  }
0x2a8: {  	v13 =	vnsel vm1, $0x1877, v12;
	_ =	sdelay $0x4  }
0x2a9: {  	v13 =	vld.idx.msk [tilespmem:v13+s16+$0x0], $0xffff;
	_ =	sdelay $0x4  }
0x2aa: {  	vm1 =	vlt.s32 v10, v11;
	vm2 =	vlt.s32 v13, v9  }
0x2ab: {  	v11 =	vadd.s32 $0x1, v12;
	vm1 =	vmand vm2, vm1  }
0x2ac: {  	v10 =	vsel vm1, v11, v10  }
0x2ad: {  	v10 =	vsub.s32 v10, v0  }
0x2ae: {  	s14 =	simm.s32 $0x2500;
	[tilespmem:$0x2530] =	vst v10  }
0x2af: {  	[spmem:s11] =	stream.linear.scatter [tilespmem:s14], [sflag:$0x6], $0x40, $0x38;
	[tilespmem:$0xE2C0] =	vst v63  }
0x2b0: {  	_ =	swait.ge [sflag:s19], $0x40  }
0x2b1: {  	[sflag:s19] =	ssyncset.done $0x0  }
0x2b2: {  	[sflag:s19] =	ssyncadd.s32 $0xFFFFFFC0  }
0x2b3: {  	_ =	swait.ge [sflag:s20], $0xC40  }
0x2b4: {  	[sflag:s20] =	ssyncset.done $0x0  }
0x2b5: {  	[sflag:s20] =	ssyncadd.s32 $0xFFFFF3C0  }
0x2b6: {  	_ =	swait.ge [sflag:s21], $0x1000  }
0x2b7: {  	[sflag:s21] =	ssyncset.done $0x0  }
0x2b8: {  	[sflag:s21] =	ssyncadd.s32 $0xFFFFF000  }
0x2b9: {  	[bflag:$0x0] =	sbarrier.arrive $0xFFFF  }
0x2ba: {  	s22 =	simm.s32 $0x2580;
	s18 =	rddreg [dreg:$0x4]  }
0x2bb: {  	[tilespmem:s22], [sflag:$0x6] =	stream.linear.gather [spmem:s18], $0x400, $0x38;
	[tilespmem:$0xE2C0] =	vst v63  }
0x2bc: {  	_ =	swait.ge [sflag:s19], $0x400  }
0x2bd: {  	[sflag:s19] =	ssyncset.done $0x0  }
0x2be: {  	[sflag:s19] =	ssyncadd.s32 $0xFFFFFC00  }
0x2bf: {  	v10 =	vld [tilespmem:$0x2580]  }
0x2c0: {  	v11 =	vld [tilespmem:$0x25C0]  }
0x2c1: {  	v54 =	vld [tilespmem:$0x2600]  }
0x2c2: {  	v55 =	vld [tilespmem:$0x2640]  }
0x2c3: {  	v56 =	vld [tilespmem:$0x2680]  }
0x2c4: {  	v15 =	vld [tilespmem:$0x26C0]  }
0x2c5: {  	v16 =	vld [tilespmem:$0x2700]  }
0x2c6: {  	v17 =	vld [tilespmem:$0x2740]  }
0x2c7: {  	v18 =	vld [tilespmem:$0x2780]  }
0x2c8: {  	v19 =	vld [tilespmem:$0x27C0]  }
0x2c9: {  	v20 =	vld [tilespmem:$0x2800]  }
0x2ca: {  	v21 =	vld [tilespmem:$0x2840]  }
0x2cb: {  	v22 =	vld [tilespmem:$0x2880]  }
0x2cc: {  	v23 =	vld [tilespmem:$0x28C0]  }
0x2cd: {  	v24 =	vld [tilespmem:$0x2900]  }
0x2ce: {  	v25 =	vld [tilespmem:$0x2940]  }
0x2cf: {  	v26 =	vld [tilespmem:$0x2590]  }
0x2d0: {  	v27 =	vld [tilespmem:$0x25D0]  }
0x2d1: {  	v28 =	vld [tilespmem:$0x2610]  }
0x2d2: {  	v29 =	vld [tilespmem:$0x2650]  }
0x2d3: {  	v30 =	vld [tilespmem:$0x2690]  }
0x2d4: {  	v31 =	vld [tilespmem:$0x26D0]  }
0x2d5: {  	v32 =	vld [tilespmem:$0x2710]  }
0x2d6: {  	v33 =	vld [tilespmem:$0x2750]  }
0x2d7: {  	v34 =	vld [tilespmem:$0x2790]  }
0x2d8: {  	v35 =	vld [tilespmem:$0x27D0]  }
0x2d9: {  	v36 =	vld [tilespmem:$0x2810]  }
0x2da: {  	v37 =	vld [tilespmem:$0x2850]  }
0x2db: {  	v38 =	vld [tilespmem:$0x2890]  }
0x2dc: {  	v39 =	vld [tilespmem:$0x28D0]  }
0x2dd: {  	v40 =	vld [tilespmem:$0x2910]  }
0x2de: {  	v41 =	vld [tilespmem:$0x2950]  }
0x2df: {  	v42 =	vld [tilespmem:$0x25A0]  }
0x2e0: {  	v43 =	vld [tilespmem:$0x25E0]  }
0x2e1: {  	v44 =	vld [tilespmem:$0x2620]  }
0x2e2: {  	v45 =	vld [tilespmem:$0x2660]  }
0x2e3: {  	v46 =	vld [tilespmem:$0x26A0]  }
0x2e4: {  	v47 =	vld [tilespmem:$0x26E0]  }
0x2e5: {  	v48 =	vld [tilespmem:$0x2720]  }
0x2e6: {  	v57 =	vld [tilespmem:$0x27A0]  }
0x2e7: {  	v13 =	vld [tilespmem:$0x27E0];
	v10 =	vadd.s32 v10, v11  }
0x2e8: {  	v14 =	vld [tilespmem:$0x2820];
	v10 =	vadd.s32 v54, v10  }
0x2e9: {  	v58 =	vld [tilespmem:$0x25B0];
	v10 =	vadd.s32 v55, v10  }
0x2ea: {  	v59 =	vld [tilespmem:$0x25F0];
	v10 =	vadd.s32 v56, v10  }
0x2eb: {  	v60 =	vld [tilespmem:$0x2630];
	v10 =	vadd.s32 v15, v10  }
0x2ec: {  	v61 =	vld [tilespmem:$0x2670];
	v10 =	vadd.s32 v16, v10  }
0x2ed: {  	v63 =	vld [tilespmem:$0x26B0];
	v10 =	vadd.s32 v17, v10  }
0x2ee: {  	v50 =	vld [tilespmem:$0x26F0];
	v10 =	vadd.s32 v18, v10  }
0x2ef: {  	v51 =	vld [tilespmem:$0x2730];
	v10 =	vadd.s32 v19, v10  }
0x2f0: {  	v52 =	vld [tilespmem:$0x2770];
	v10 =	vadd.s32 v20, v10  }
0x2f1: {  	v53 =	vld [tilespmem:$0x27B0];
	v10 =	vadd.s32 v21, v10  }
0x2f2: {  	v11 =	vld [tilespmem:$0x2760];
	v10 =	vadd.s32 v22, v10  }
0x2f3: {  	v62 =	vadd.s32 v26, v27;
	v49 =	vadd.s32 v42, v43;
	v54 =	vld [tilespmem:$0x27F0];
	v10 =	vadd.s32 v23, v10  }
0x2f4: {  	v55 =	vld [tilespmem:$0x2830];
	v20 =	vadd.s32 v58, v59;
	v10 =	vadd.s32 v24, v10;
	v24 =	vadd.s32 v28, v62  }
0x2f5: {  	v56 =	vld [tilespmem:$0x2870];
	v10 =	vadd.s32 v25, v10;
	v24 =	vadd.s32 v29, v24;
	v25 =	vadd.s32 v44, v49  }
0x2f6: {  	v15 =	vld [tilespmem:$0x2860];
	v20 =	vadd.s32 v60, v20;
	v24 =	vadd.s32 v30, v24;
	v25 =	vadd.s32 v45, v25  }
0x2f7: {  	v16 =	vld [tilespmem:$0x28A0];
	v20 =	vadd.s32 v61, v20;
	v24 =	vadd.s32 v31, v24;
	v25 =	vadd.s32 v46, v25  }
0x2f8: {  	v17 =	vld [tilespmem:$0x28E0];
	v20 =	vadd.s32 v63, v20;
	v24 =	vadd.s32 v32, v24;
	v25 =	vadd.s32 v47, v25  }
0x2f9: {  	v18 =	vld [tilespmem:$0x2920];
	v20 =	vadd.s32 v50, v20;
	v24 =	vadd.s32 v33, v24;
	v25 =	vadd.s32 v48, v25  }
0x2fa: {  	v19 =	vld [tilespmem:$0x2960];
	v20 =	vadd.s32 v51, v20;
	v24 =	vadd.s32 v34, v24;
	v11 =	vadd.s32 v11, v25  }
0x2fb: {  	v58 =	vld [tilespmem:$0x28B0];
	v24 =	vadd.s32 v35, v24;
	v11 =	vadd.s32 v57, v11;
	v57 =	vadd.s32 v52, v20  }
0x2fc: {  	v60 =	vld [tilespmem:$0x28F0];
	v59 =	vadd.s32 v36, v24;
	v11 =	vadd.s32 v13, v11;
	v12 =	vadd.s32 v53, v57  }
0x2fd: {  	v61 =	vld [tilespmem:$0x2930];
	v22 =	vadd.s32 v37, v59;
	v11 =	vadd.s32 v14, v11;
	v12 =	vadd.s32 v54, v12  }
0x2fe: {  	v62 =	vld [tilespmem:$0x2970];
	v22 =	vadd.s32 v38, v22;
	v11 =	vadd.s32 v15, v11;
	v12 =	vadd.s32 v55, v12  }
0x2ff: {  	v22 =	vadd.s32 v39, v22;
	v11 =	vadd.s32 v16, v11;
	v12 =	vadd.s32 v56, v12  }
.Ltmp2:
0x300: {  	v63 =	vadd.s32 v40, v22;
	v11 =	vadd.s32 v17, v11;
	v12 =	vadd.s32 v58, v12;
	(pc) =	sbr.rel .LBB2_2-.Ltmp2, $4  }
0x301: {  	[tilespmem:$0x2980] =	vst v10;
	v10 =	vadd.s32 v41, v63;
	v11 =	vadd.s32 v18, v11;
	v12 =	vadd.s32 v60, v12  }
0x302: {  	[tilespmem:$0x2990] =	vst v10;
	v10 =	vadd.s32 v19, v11;
	v11 =	vadd.s32 v61, v12  }
0x303: {  	s31 =	simm.s32 $0x0;
	s2 =	simm.s32 $0x60;
	[tilespmem:$0x29A0] =	vst v10;
	v10 =	vadd.s32 v62, v11  }
0x304: {  	s13 =	smov.u32 s3;
	s14 =	smov.u32 s0;
	s18 =	simm.s32 $0x0;
	[tilespmem:$0x29B0] =	vst v10  }
.LBB2_4:
0x305: {  	_ =	sdelay $0x3  }
0x306: {  	v10 =	vld.idx.msk [tilespmem:v10+s23+$0x0], $0xffff;
	_ =	sdelay $0x3  }
0x307: {  	v11 =	vor.u32 s22, v5  }
0x308: {  	v10 =	vsub.s32 v11, v10  }
0x309: {  	vm1 =	vgt.s32 v10, $0x0  }
0x30a: {  	v10 =	vnsel vm1, $0x0, v10  }
0x30b: {  	v10 =	vmin.u32 v10, $0xFFF  }
0x30c: {  	[tilespmem:$0x2A00] =	vst v10  }
0x30d: {  	v10 =	vld [tilespmem:s2+$0xFFFFFFB0];
	_ =	sdelay $0x7  }
0x30e: {  	v10 =	vld.idx.msk [tilespmem:v10+s23+$0x0], $0xffff;
	_ =	sdelay $0x2  }
0x30f: {  	s5 =	sadd.s32 $0x10, s22  }
0x310: {  	v11 =	vor.u32 s5, v5  }
0x311: {  	v10 =	vsub.s32 v11, v10  }
0x312: {  	vm1 =	vgt.s32 v10, $0x0  }
0x313: {  	v10 =	vnsel vm1, $0x0, v10  }
0x314: {  	v10 =	vmin.u32 v10, $0xFFF  }
0x315: {  	[tilespmem:$0x2A10] =	vst v10  }
0x316: {  	v10 =	vld [tilespmem:s2+$0xFFFFFFC0];
	_ =	sdelay $0x7  }
0x317: {  	v10 =	vld.idx.msk [tilespmem:v10+s23+$0x0], $0xffff;
	_ =	sdelay $0x2  }
0x318: {  	s9 =	sadd.s32 $0x20, s22  }
0x319: {  	v11 =	vor.u32 s9, v5  }
0x31a: {  	v10 =	vsub.s32 v11, v10  }
0x31b: {  	vm1 =	vgt.s32 v10, $0x0  }
0x31c: {  	v10 =	vnsel vm1, $0x0, v10  }
0x31d: {  	v10 =	vmin.u32 v10, $0xFFF  }
0x31e: {  	[tilespmem:$0x2A20] =	vst v10  }
0x31f: {  	v10 =	vld [tilespmem:s2+$0xFFFFFFD0];
	_ =	sdelay $0x7  }
0x320: {  	v10 =	vld.idx.msk [tilespmem:v10+s23+$0x0], $0xffff;
	_ =	sdelay $0x2  }
0x321: {  	s7 =	sadd.s32 $0x30, s22  }
0x322: {  	v11 =	vor.u32 s7, v5  }
0x323: {  	v10 =	vsub.s32 v11, v10  }
0x324: {  	vm1 =	vgt.s32 v10, $0x0  }
0x325: {  	v10 =	vnsel vm1, $0x0, v10  }
0x326: {  	v10 =	vmin.u32 v10, $0xFFF  }
0x327: {  	[tilespmem:$0x2A30] =	vst v10  }
0x328: {  	v10 =	vld [tilespmem:s2+$0xFFFFFFE0];
	_ =	sdelay $0x7  }
0x329: {  	v10 =	vld.idx.msk [tilespmem:v10+s23+$0x0], $0xffff;
	_ =	sdelay $0x2  }
0x32a: {  	s8 =	sadd.s32 $0x40, s22  }
0x32b: {  	v11 =	vor.u32 s8, v5  }
0x32c: {  	v10 =	vsub.s32 v11, v10  }
0x32d: {  	vm1 =	vgt.s32 v10, $0x0  }
0x32e: {  	v10 =	vnsel vm1, $0x0, v10  }
0x32f: {  	v10 =	vmin.u32 v10, $0xFFF  }
0x330: {  	[tilespmem:$0x2A40] =	vst v10  }
0x331: {  	v10 =	vld [tilespmem:s2+$0xFFFFFFF0];
	_ =	sdelay $0x7  }
0x332: {  	v10 =	vld.idx.msk [tilespmem:v10+s23+$0x0], $0xffff;
	_ =	sdelay $0x2  }
0x333: {  	s9 =	sadd.s32 $0x50, s22  }
0x334: {  	v11 =	vor.u32 s9, v5  }
0x335: {  	v10 =	vsub.s32 v11, v10  }
0x336: {  	vm1 =	vgt.s32 v10, $0x0  }
0x337: {  	v10 =	vnsel vm1, $0x0, v10  }
0x338: {  	v10 =	vmin.u32 v10, $0xFFF  }
0x339: {  	[tilespmem:$0x2A50] =	vst v10  }
0x33a: {  	v10 =	vld [tilespmem:s2+$0x0];
	_ =	sdelay $0x7  }
0x33b: {  	v10 =	vld.idx.msk [tilespmem:v10+s23+$0x0], $0xffff;
	_ =	sdelay $0x2  }
0x33c: {  	s22 =	sadd.s32 $0x60, s22  }
0x33d: {  	v11 =	vor.u32 s22, v5  }
0x33e: {  	v10 =	vsub.s32 v11, v10  }
0x33f: {  	vm1 =	vgt.s32 v10, $0x0  }
0x340: {  	v10 =	vnsel vm1, $0x0, v10  }
0x341: {  	v10 =	vmin.u32 v10, $0xFFF  }
0x342: {  	[tilespmem:$0x2A60] =	vst v10  }
0x343: {  	[tilespmem:s28], [sflag:$0x2] =	stream.indirect.gather [hbm4b:s1+s25], $0x80, s26, s25, $0xb8;
	[tilespmem:$0xE2C0] =	vst v63  }
0x344: {  	_ =	swait.ge [sflag:s29], $0x3800  }
0x345: {  	[sflag:s29] =	ssyncset.done $0x0  }
0x346: {  	[sflag:s29] =	ssyncadd.s32 $0xFFFFC800  }
0x347: {  	[hbm4b:s14+s4] =	stream.linear.scatter [tilespmem:s28], [sflag:$0x6], $0x3800, $0x38;
	[tilespmem:$0xE2C0] =	vst v63  }
0x348: {  	_ =	swait.ge [sflag:s19], $0x3800  }
0x349: {  	[sflag:s19] =	ssyncset.done $0x0  }
0x34a: {  	[sflag:s19] =	ssyncadd.s32 $0xFFFFC800  }
.LBB2_5:
0x34b: {  	s5 =	simm.s32 $0x1;
	s18 =	sadd.s32 $0x70, s18  }
0x34c: {  	s5 =	simm.s32 @!p0 $0x0;
	p0 =	seq.s32 s18, $0xC40  }
.Ltmp3:
0x34d: {  	_ = 	snop;
	(pc) =	sbr.rel @p0 .LBB2_6-.Ltmp3, $3  }
0x34e: {  	_ =	sdelay $0x1  }
0x34f: {  	s13 =	sadd.s32 $0x3800, s13  }
0x350: {  	s2 =	sadd.s32 $0x70, s2;
	s14 =	sadd.s32 $0x700, s14;
	s31 =	sadd.s32 s5, s31  }
.LBB2_2:
0x351: {  	v10 =	vld [tilespmem:s2+$0xFFFFFFA0];
	_ =	sdelay $0x4  }
0x352: {  	v11 =	vxor.u32 $0x80000000, v10  }
0x353: {  	(xrf0) =	vmin.scan.msk.u32 $0xffff, v11;
	_ =	sdelay $0x5  }
0x354: {  	v11, _, _ =	vpop (xrf0)  }
0x355: {  	(v2sf) =	vpush v11, $0xF;
	_ =	sdelay $0xe  }
0x356: {  	s7 =	spop (v2sf)  }
0x357: {  	s5 =	sxor.u32 $0x80000000, s7  }
0x358: {  	v11 =	vmov s5;
	_ =	sdelay $0x3  }
0x359: {  	v12 =	vld [tilespmem:s2+$0x0]  }
0x35a: {  	v11 =	vld.idx.msk [tilespmem:v11+s23+$0x0], $0xffff;
	_ =	sdelay $0x3  }
0x35b: {  	v12 =	vxor.u32 $0x80000000, v12  }
0x35c: {  	(xrf0) =	vmax.scan.msk.u32 $0xffff, v12;
	v11 =	vxor.u32 $0x80000000, v11  }
0x35d: {  	(xrf0) =	vmax.scan.msk.u32 $0xffff, v11;
	_ =	sdelay $0x4  }
0x35e: {  	v11, _, _ =	vpop (xrf0)  }
0x35f: {  	(v2sf) =	vpush v11, $0xF;
	v11, _, _ =	vpop (xrf0)  }
0x360: {  	(v2sf) =	vpush v11, $0xF;
	_ =	sdelay $0xd  }
0x361: {  	s8 =	spop (v2sf)  }
0x362: {  	s22 =	sadd.s32 s18, s10;
	s5 =	spop (v2sf)  }
0x363: {  	s9 =	ssub.s32 s22, s5  }
0x364: {  	s9 =	sadd.s32 $0x80000070, s9  }
0x365: {  	p0 =	seq.s32 s7, s8;
	p1 =	slt.s32 s9, $0x1001  }
0x366: {  	p0 =	por !p0, !p1  }
0x367: {  	p0 =	por !p0, !p0  }
.Ltmp4:
0x368: {  	_ = 	snop;
	(pc) =	sbr.rel @!p0 .LBB2_4-.Ltmp4, $1  }
0x369: {  	_ =	sdelay $0x3  }
0x36a: {  	s5 =	sshll.u32 s5, $0x9  }
.Ltmp5:
0x36b: {  	s5 =	ssub.s32 $0x0, s5;
	(pc) =	sbr.rel .LBB2_5-.Ltmp5, $4  }
0x36c: {  	s5 =	sshra.s32 s5, $0x2  }
0x36d: {  	s5 =	sadd.s32 s5, s13  }
0x36e: {  	s7 =	sor.u32 $0x1C03, s6;
	s5 =	sshrl.u32 s5, $0x3  }
0x36f: {  	[hbm:s14], [sflag:s7] =	dma.local [spmem:s5], $0x700  }
.LBB2_6:
0x370: {  	p0 =	sgt.s32 s31, $0x0  }
.Ltmp6:
0x371: {  	_ = 	snop;
	(pc) =	sbr.rel @!p0 .LBB2_10-.Ltmp6, $2  }
0x372: {  	_ =	sdelay $0x2  }
0x373: {  	s2 =	simm.s32 $0x0  }
0x374: {  	s2 =	sadd.s32 $0x1, s2  }
0x375: {  	p0 =	slt.s32 s2, s31  }
.Ltmp7:
0x376: {  	_ = 	snop;
	(pc) =	sbr.rel @!p0 .LBB2_9-.Ltmp7, $3  }
0x377: {  	_ =	sdelay $0x1  }
0x378: {  	_ =	swait.ge [sflag:s24], $0x700  }
0x379: {  	[sflag:s24] =	ssyncset.done $0x0  }
.LBB2_8:
0x37a: {  	s2 =	sadd.s32 $0x1, s2  }
0x37b: {  	[sflag:s24] =	ssyncadd.s32 $0xFFFFF900;
	p0 =	slt.s32 s2, s31  }
.Ltmp8:
0x37c: {  	(pc) =	sbr.rel @p0 .LBB2_8-.Ltmp8, $3  }
0x37d: {  	_ =	sdelay $0x1  }
0x37e: {  	_ =	swait.ge [sflag:s24], $0x700  }
0x37f: {  	[sflag:s24] =	ssyncset.done $0x0  }
.Ltmp9:
0x380: {  	_ = 	snop;
	(pc) =	sbr.rel .LBB2_9-.Ltmp9, $1  }
0x381: {  	_ =	sdelay $0x3  }
.LBB2_11:
0x382: {  	_ =	sfence.sel $0x180000  }
0x383: {  	[bflag:$0x0] =	sbarrier.arrive $0xFFFF  }
0x384: {  	_ =	strace $0x90000047  }
0x385: {  	s0 =	stileid.u32;
	[bflag:$0x2] =	sbarrier.arrive $0xFFFF  }
0x386: {  	p0 =	sne.s32 s0, $0x0;
	s0 =	rddreg [dreg:$0x5]  }
0x387: {  	s0 =	sadd.s32 @!p0 $0x100000, s0  }
0x388: {  	[sflag:s0] =	ssyncadd.tile.s32 @!p0 $0x1;
	_ =	shalt  }
.Lfunc_end2:
_tile_overlayer_lowered:
.L_overlay_start_2:
0x389: {  	(tag) =	ssettag $0x2  }
0x38a: {  	s0 =	rddreg [dreg:$0x0];
	s2 =	stileid.u32  }
0x38b: {  	s1 =	rddreg [dreg:$0x1];
	p0 =	sne.s32 s2, $0x0  }
0x38c: {  	s3 =	rddreg [dreg:$0x2];
	[bflag:$0x3] =	sbarrier.arrive $0xFFFF;
	s2 =	simm.s32 @!p0 $0x1C06  }
0x38d: {  	[timem:s3], [sflag:s2] =	dma.local @!p0 [hbm:s0], s1  }
0x38e: {  	s0 =	simm.s32 @!p0 $0x6  }
0x38f: {  	_ =	swait.ge @!p0 [sflag:s0], s1  }
0x390: {  	s1 =	ssub.s32 @!p0 $0x0, s1;
	[sflag:s0] =	ssyncset.done @!p0 $0x0  }
0x391: {  	[sflag:s0] =	ssyncadd.s32 @!p0 s1  }
0x392: {  	[bflag:$0x3] =	sbarrier.arrive $0xFFFF  }
0x393: {  	_ =	shalt  }

</sc_bundles>
